<compile_context>
chip_gen: v7x
topology: tpu7x:2x2x1
jax: 0.10.2.dev20260603
libtpu: 0.0.44.dev20260713+nightly
codegen_flags: <defaults>
</compile_context>

<pallas_src>
import functools
import jax
import jax.numpy as jnp
from jax import lax
from jax.experimental import pallas as pl
from jax.experimental.pallas import tpu as pltpu
from jax.experimental.pallas import tpu_sc as plsc

_V = 1000000
_D = 32
_L = 16


def _iota():
    return lax.iota(jnp.int32, _L)


def _make_transpose():
    info = plsc.get_sparse_core_info()
    NC, NS = info.num_cores, info.num_subcores
    NW = NC * NS
    SB = 512
    J = _V // SB
    ROWS = _V * _D // 128
    RB = SB * _D // 128
    mesh = plsc.VectorSubcoreMesh(core_axis_name="c", subcore_axis_name="s")

    @functools.partial(
        pl.kernel,
        mesh=mesh,
        out_type=jax.ShapeDtypeStruct((ROWS, 128), jnp.float32),
        compiler_params=pltpu.CompilerParams(needs_layout_passes=False),
        scratch_types=[
            pltpu.VMEM((_D, SB), jnp.float32),
            pltpu.VMEM((_D, SB), jnp.float32),
            pltpu.VMEM((RB, 128), jnp.float32),
            pltpu.VMEM((RB, 128), jnp.float32),
            pltpu.SemaphoreType.DMA,
            pltpu.SemaphoreType.DMA,
            pltpu.SemaphoreType.DMA,
            pltpu.SemaphoreType.DMA,
        ],
    )
    def k(wt_hbm, tail_hbm, wrow_hbm, a0, a1, t0, t1, g0, g1, o0, o1):
        wid = lax.axis_index("s") * NC + lax.axis_index("c")
        start = wid * 61 + jnp.minimum(wid, 1)
        abufs, tbufs, gsems, osems = (a0, a1), (t0, t1), (g0, g1), (o0, o1)
        iot = _iota()
        rows_bg = [4 * bg + (iot >> 2) for bg in range(8)]
        colk = iot & 3

        def transpose_block(abuf, tbuf):
            @plsc.parallel_loop(0, RB, unroll=8)
            def _(a):
                av = colk + 4 * a
                for bg in range(8):
                    v = plsc.load_gather(abuf, [rows_bg[bg], av])
                    tbuf[a, pl.ds(bg * _L, _L)] = v

        @pl.loop(0, 31)
        def grp(i):
            js = []
            for b in range(2):
                j = jnp.minimum(start + 2 * i + b, J - 1)
                js.append(j)

                @pl.when(i > 0)
                def _():
                    pltpu.make_async_copy(
                        tbufs[b], wrow_hbm.at[pl.ds(j * RB, RB), :],
                        osems[b]).wait()
                pltpu.async_copy(wt_hbm.at[:, pl.ds(j * SB, SB)],
                                 abufs[b], gsems[b])
            for b in range(2):
                pltpu.make_async_copy(
                    wt_hbm.at[:, pl.ds(js[b] * SB, SB)], abufs[b],
                    gsems[b]).wait()
                transpose_block(abufs[b], tbufs[b])
                pltpu.async_copy(tbufs[b],
                                 wrow_hbm.at[pl.ds(js[b] * RB, RB), :],
                                 osems[b])

        for b in range(2):
            pltpu.make_async_copy(
                tbufs[b], wrow_hbm.at[pl.ds(0, RB), :], osems[b]).wait()

        @pl.when(wid == NW - 1)
        def _tail():
            pltpu.sync_copy(tail_hbm, t0.at[pl.ds(0, 16), :])
            pltpu.sync_copy(t0.at[pl.ds(0, 16), :],
                            wrow_hbm.at[pl.ds(J * RB, 16), :])

    return k


def _make_gather(C, B):
    info = plsc.get_sparse_core_info()
    NC, NS = info.num_cores, info.num_subcores
    NW = NC * NS
    BW = B // NW
    CH = 128
    NB = BW // CH
    mesh = plsc.VectorSubcoreMesh(core_axis_name="c", subcore_axis_name="s")

    @functools.partial(
        pl.kernel,
        mesh=mesh,
        out_type=jax.ShapeDtypeStruct((C, _D, B), jnp.float32),
        compiler_params=pltpu.CompilerParams(needs_layout_passes=False),
        scratch_types=[
            pltpu.VMEM((BW,), jnp.int32),
            pltpu.VMEM((BW,), jnp.int32),
            pltpu.VMEM((CH, 128), jnp.float32),
            pltpu.VMEM((CH, 128), jnp.float32),
            pltpu.VMEM((CH, 128), jnp.float32),
            pltpu.VMEM((CH, 128), jnp.float32),
            pltpu.VMEM((_D, CH), jnp.float32),
            pltpu.VMEM((_D, CH), jnp.float32),
            pltpu.VMEM((_D, CH), jnp.float32),
            pltpu.VMEM((_D, CH), jnp.float32),
            pltpu.SemaphoreType.DMA,
            pltpu.SemaphoreType.DMA,
            pltpu.SemaphoreType.DMA,
            pltpu.SemaphoreType.DMA,
            pltpu.SemaphoreType.DMA,
            pltpu.SemaphoreType.DMA,
            pltpu.SemaphoreType.DMA,
            pltpu.SemaphoreType.DMA,
        ],
    )
    def k(xt_hbm, wrow_hbm, out_hbm, ibuf, pbuf,
          gb0, gb1, gb2, gb3, t0, t1, t2, t3,
          g0, g1, g2, g3, o0, o1, o2, o3):
        wid = lax.axis_index("s") * NC + lax.axis_index("c")
        base = wid * BW
        gbufs, tbufs = (gb0, gb1, gb2, gb3), (t0, t1, t2, t3)
        gsems, osems = (g0, g1, g2, g3), (o0, o1, o2, o3)
        iot = _iota()

        def extract_chunk(b, gbuf, tbuf):
            @plsc.parallel_loop(0, CH // _L, unroll=4)
            def _(bg):
                rvec = ibuf[pl.ds(b * CH + bg * _L, _L)]
                cbase = rvec & 3
                rows = iot + bg * _L
                for d in range(_D):
                    v = plsc.load_gather(gbuf, [rows, cbase + 4 * d])
                    tbuf[d, pl.ds(bg * _L, _L)] = v

        @pl.loop(0, C)
        def col(c):
            for b in range(NB):
                @pl.when(c > 0)
                def _():
                    pltpu.make_async_copy(
                        tbufs[b],
                        out_hbm.at[c, :, pl.ds(base + b * CH, CH)],
                        osems[b]).wait()
            pltpu.sync_copy(xt_hbm.at[c, pl.ds(base, BW)], ibuf)

            @plsc.parallel_loop(0, BW // _L, unroll=2)
            def _(g):
                pbuf[pl.ds(g * _L, _L)] = ibuf[pl.ds(g * _L, _L)] >> 2

            for b in range(NB):
                pltpu.async_copy(
                    wrow_hbm.at[pbuf.at[pl.ds(b * CH, CH)]], gbufs[b],
                    gsems[b])
            for b in range(NB):
                pltpu.make_async_copy(
                    wrow_hbm.at[pbuf.at[pl.ds(b * CH, CH)]], gbufs[b],
                    gsems[b]).wait()
                extract_chunk(b, gbufs[b], tbufs[b])
                pltpu.async_copy(
                    tbufs[b], out_hbm.at[c, :, pl.ds(base + b * CH, CH)],
                    osems[b])

        for b in range(NB):
            pltpu.make_async_copy(
                tbufs[b], out_hbm.at[C - 1, :, pl.ds(base + b * CH, CH)],
                osems[b]).wait()

    return k


def kernel(x, weight):
    B, C = x.shape
    xt = x.T.astype(jnp.int32)
    wt = weight.T
    tail = weight[(_V // 128) * 128:].reshape(16, 4, _D)
    tail = jnp.transpose(tail, (0, 2, 1)).reshape(16, 128)
    wrow = _make_transpose()(wt, tail)
    out5 = _make_gather(C, B)(xt, wrow)
    return jnp.transpose(out5, (2, 0, 1))

# --- scband reference (transcript-rebuilt; emitter-appended) ---
"""Pipeline reference for scband-embedding-11751030521998 (READ-ONLY COPY).

The authoritative reference and input builder live on the scoring server;
editing this copy changes nothing except your own understanding.
"""

import jax, jax.numpy as jnp
import numpy as np
import math

NUM_EMBEDDINGS = 1000000
EMBEDDING_DIM = 32

def setup_inputs(seed: int = 0) -> dict:
    key = jax.random.key(seed)
    k_idx, k_w = jax.random.split(key)
    x = jax.random.randint(k_idx, (16384, 26), 0, NUM_EMBEDDINGS, dtype=jnp.int64 if jax.config.jax_enable_x64 else jnp.int32)
    sigma = math.sqrt(2.0 / (NUM_EMBEDDINGS + EMBEDDING_DIM))
    weight = jax.random.truncated_normal(k_w, -3.0, 3.0, (NUM_EMBEDDINGS, EMBEDDING_DIM), dtype=jnp.float32) * sigma
    return {"x": x, "weight": weight}

def reference(x, weight):
    # weight[x] -> gather along axis 0
    return jnp.take(weight, x, axis=0)

if __name__ == "__main__":
    import jax
    _d = setup_inputs()
    print(jax.jit(kernel)(*tuple(_d.values())))

</pallas_src>

<mosaic_0001>
#map = affine_map<(d0, d1) -> (0, 0)>
module attributes {stable_mosaic.version = 14 : i64} {
  func.func @k(%arg0: i32, %arg1: i32, %arg2: memref<32x1000000xf32, #tpu.memory_space<hbm>>, %arg3: memref<16x128xf32, #tpu.memory_space<hbm>>, %arg4: memref<250000x128xf32, #tpu.memory_space<hbm>>, %arg5: memref<32x512xf32, #tpu.memory_space<vmem>>, %arg6: memref<32x512xf32, #tpu.memory_space<vmem>>, %arg7: memref<128x128xf32, #tpu.memory_space<vmem>>, %arg8: memref<128x128xf32, #tpu.memory_space<vmem>>, %arg9: memref<!tpu.dma_semaphore, #tpu.memory_space<semaphore_mem>>, %arg10: memref<!tpu.dma_semaphore, #tpu.memory_space<semaphore_mem>>, %arg11: memref<!tpu.dma_semaphore, #tpu.memory_space<semaphore_mem>>, %arg12: memref<!tpu.dma_semaphore, #tpu.memory_space<semaphore_mem>>) attributes {dimension_semantics = [#tpu.dimension_semantics<core_parallel>, #tpu.dimension_semantics<subcore_parallel>], iteration_bounds = array<i64: 2, 16>, scalar_prefetch = 0 : i64, scratch_operands = 8 : i64, tpu.core_type = #tpu.core_type<sc_vector_subcore>, window_params = [{transform_indices = #map}, {transform_indices = #map}, {transform_indices = #map}]} {
    %mul3A = arith.constant 2 : i32
    %mul3A_0 = arith.muli %arg1, %mul3A : i32
    %add3A = arith.addi %mul3A_0, %arg0 : i32
    %mul3A_1 = arith.constant 61 : i32
    %mul3A_2 = arith.muli %add3A, %mul3A_1 : i32
    %min3A = arith.constant 1 : i32
    %min3A_3 = arith.minsi %add3A, %min3A : i32
    %add3A_4 = arith.addi %mul3A_2, %min3A_3 : i32
    %iota3A = tpu.iota {dimensions = array<i32: 0>} : vector<16xi32>
    %shift_right_arithmetic3A = arith.constant 2 : i32
    %shift_right_arithmetic3A_5 = vector.broadcast %shift_right_arithmetic3A : i32 to vector<16xi32>
    %shift_right_arithmetic3A_6 = arith.shrsi %iota3A, %shift_right_arithmetic3A_5 : vector<16xi32>
    %add3A_7 = arith.constant 0 : i32
    %add3A_8 = vector.broadcast %add3A_7 : i32 to vector<16xi32>
    %add3A_9 = arith.addi %add3A_8, %shift_right_arithmetic3A_6 : vector<16xi32>
    %shift_right_arithmetic3A_10 = arith.constant 2 : i32
    %shift_right_arithmetic3A_11 = vector.broadcast %shift_right_arithmetic3A_10 : i32 to vector<16xi32>
    %shift_right_arithmetic3A_12 = arith.shrsi %iota3A, %shift_right_arithmetic3A_11 : vector<16xi32>
    %add3A_13 = arith.constant 4 : i32
    %add3A_14 = vector.broadcast %add3A_13 : i32 to vector<16xi32>
    %add3A_15 = arith.addi %add3A_14, %shift_right_arithmetic3A_12 : vector<16xi32>
    %shift_right_arithmetic3A_16 = arith.constant 2 : i32
    %shift_right_arithmetic3A_17 = vector.broadcast %shift_right_arithmetic3A_16 : i32 to vector<16xi32>
    %shift_right_arithmetic3A_18 = arith.shrsi %iota3A, %shift_right_arithmetic3A_17 : vector<16xi32>
    %add3A_19 = arith.constant 8 : i32
    %add3A_20 = vector.broadcast %add3A_19 : i32 to vector<16xi32>
    %add3A_21 = arith.addi %add3A_20, %shift_right_arithmetic3A_18 : vector<16xi32>
    %shift_right_arithmetic3A_22 = arith.constant 2 : i32
    %shift_right_arithmetic3A_23 = vector.broadcast %shift_right_arithmetic3A_22 : i32 to vector<16xi32>
    %shift_right_arithmetic3A_24 = arith.shrsi %iota3A, %shift_right_arithmetic3A_23 : vector<16xi32>
    %add3A_25 = arith.constant 12 : i32
    %add3A_26 = vector.broadcast %add3A_25 : i32 to vector<16xi32>
    %add3A_27 = arith.addi %add3A_26, %shift_right_arithmetic3A_24 : vector<16xi32>
    %shift_right_arithmetic3A_28 = arith.constant 2 : i32
    %shift_right_arithmetic3A_29 = vector.broadcast %shift_right_arithmetic3A_28 : i32 to vector<16xi32>
    %shift_right_arithmetic3A_30 = arith.shrsi %iota3A, %shift_right_arithmetic3A_29 : vector<16xi32>
    %add3A_31 = arith.constant 16 : i32
    %add3A_32 = vector.broadcast %add3A_31 : i32 to vector<16xi32>
    %add3A_33 = arith.addi %add3A_32, %shift_right_arithmetic3A_30 : vector<16xi32>
    %shift_right_arithmetic3A_34 = arith.constant 2 : i32
    %shift_right_arithmetic3A_35 = vector.broadcast %shift_right_arithmetic3A_34 : i32 to vector<16xi32>
    %shift_right_arithmetic3A_36 = arith.shrsi %iota3A, %shift_right_arithmetic3A_35 : vector<16xi32>
    %add3A_37 = arith.constant 20 : i32
    %add3A_38 = vector.broadcast %add3A_37 : i32 to vector<16xi32>
    %add3A_39 = arith.addi %add3A_38, %shift_right_arithmetic3A_36 : vector<16xi32>
    %shift_right_arithmetic3A_40 = arith.constant 2 : i32
    %shift_right_arithmetic3A_41 = vector.broadcast %shift_right_arithmetic3A_40 : i32 to vector<16xi32>
    %shift_right_arithmetic3A_42 = arith.shrsi %iota3A, %shift_right_arithmetic3A_41 : vector<16xi32>
    %add3A_43 = arith.constant 24 : i32
    %add3A_44 = vector.broadcast %add3A_43 : i32 to vector<16xi32>
    %add3A_45 = arith.addi %add3A_44, %shift_right_arithmetic3A_42 : vector<16xi32>
    %shift_right_arithmetic3A_46 = arith.constant 2 : i32
    %shift_right_arithmetic3A_47 = vector.broadcast %shift_right_arithmetic3A_46 : i32 to vector<16xi32>
    %shift_right_arithmetic3A_48 = arith.shrsi %iota3A, %shift_right_arithmetic3A_47 : vector<16xi32>
    %add3A_49 = arith.constant 28 : i32
    %add3A_50 = vector.broadcast %add3A_49 : i32 to vector<16xi32>
    %add3A_51 = arith.addi %add3A_50, %shift_right_arithmetic3A_48 : vector<16xi32>
    %and3A = arith.constant 3 : i32
    %and3A_52 = vector.broadcast %and3A : i32 to vector<16xi32>
    %and3A_53 = arith.andi %iota3A, %and3A_52 : vector<16xi32>
    %scan3A = arith.constant 0 : i32
    %scan3A_54 = arith.constant 31 : i32
    %scan3A_55 = arith.addi %scan3A, %scan3A_54 : i32
    %scan3A_56 = arith.constant 1 : i32
    scf.for %scan3A_71 = %scan3A to %scan3A_55 step %scan3A_56  : i32 {
      %mul3A_72 = arith.constant 1 : i32
      %mul3A_73 = arith.muli %scan3A_71, %mul3A_72 : i32
      %add3A_74 = arith.constant 0 : i32
      %add3A_75 = arith.addi %add3A_74, %mul3A_73 : i32
      %mul3A_76 = arith.constant 2 : i32
      %mul3A_77 = arith.muli %mul3A_76, %add3A_75 : i32
      %add3A_78 = arith.addi %add3A_4, %mul3A_77 : i32
      %add3A_79 = arith.constant 0 : i32
      %add3A_80 = arith.addi %add3A_78, %add3A_79 : i32
      %min3A_81 = arith.constant 1952 : i32
      %min3A_82 = arith.minsi %add3A_80, %min3A_81 : i32
      %gt3A = arith.constant 0 : i32
      %gt3A_83 = arith.cmpi sgt, %add3A_75, %gt3A : i32
      %convert_element_type3A_84 = arith.extui %gt3A_83 : i1 to i32
      %cond3A_85 = arith.constant 0 : i32
      %cond3A_86 = arith.cmpi ne, %convert_element_type3A_84, %cond3A_85 : i32
      scf.if %cond3A_86 {
        %mul3A_139 = arith.constant 128 : i32
        %mul3A_140 = arith.muli %min3A_82, %mul3A_139 : i32
        %dma_wait3A_141 = arith.constant 0 : i32
        %dma_wait3A_142 = tpu.memref_slice %arg4[%mul3A_140, %dma_wait3A_141] : memref<250000x128xf32, #tpu.memory_space<hbm>> -> memref<128x128xf32, #tpu.memory_space<hbm>>
        %dma_wait3A_143 = arith.constant 0 : i32
        %dma_wait3A_144 = tpu.memref_slice %arg4[%mul3A_140, %dma_wait3A_143] : memref<250000x128xf32, #tpu.memory_space<hbm>> -> memref<128x128xf32, #tpu.memory_space<hbm>>
        tpu.wait_dma2 semaphore(%arg11 : memref<!tpu.dma_semaphore, #tpu.memory_space<semaphore_mem>>) src(%arg7 : memref<128x128xf32, #tpu.memory_space<vmem>>) dst(%dma_wait3A_144 : memref<128x128xf32, #tpu.memory_space<hbm>>)
      } else {
      }
      %mul3A_87 = arith.constant 512 : i32
      %mul3A_88 = arith.muli %min3A_82, %mul3A_87 : i32
      %dma_start3A = arith.constant 0 : i32
      %dma_start3A_89 = tpu.memref_slice %arg2[%dma_start3A, %mul3A_88] : memref<32x1000000xf32, #tpu.memory_space<hbm>> -> memref<32x512xf32, #tpu.memory_space<hbm>>
      %dma_start3A_90 = arith.constant 0 : i32
      %dma_start3A_91 = tpu.memref_slice %arg2[%dma_start3A_90, %mul3A_88] : memref<32x1000000xf32, #tpu.memory_space<hbm>> -> memref<32x512xf32, #tpu.memory_space<hbm>>
      tpu.enqueue_dma source(%dma_start3A_91 : memref<32x512xf32, #tpu.memory_space<hbm>>) target(%arg5 : memref<32x512xf32, #tpu.memory_space<vmem>>) target_semaphore(%arg9 : memref<!tpu.dma_semaphore, #tpu.memory_space<semaphore_mem>>)
      %mul3A_92 = arith.constant 2 : i32
      %mul3A_93 = arith.muli %mul3A_92, %add3A_75 : i32
      %add3A_94 = arith.addi %add3A_4, %mul3A_93 : i32
      %add3A_95 = arith.constant 1 : i32
      %add3A_96 = arith.addi %add3A_94, %add3A_95 : i32
      %min3A_97 = arith.constant 1952 : i32
      %min3A_98 = arith.minsi %add3A_96, %min3A_97 : i32
      %gt3A_99 = arith.constant 0 : i32
      %gt3A_100 = arith.cmpi sgt, %add3A_75, %gt3A_99 : i32
      %convert_element_type3A_101 = arith.extui %gt3A_100 : i1 to i32
      %cond3A_102 = arith.constant 0 : i32
      %cond3A_103 = arith.cmpi ne, %convert_element_type3A_101, %cond3A_102 : i32
      scf.if %cond3A_103 {
        %mul3A_139 = arith.constant 128 : i32
        %mul3A_140 = arith.muli %min3A_98, %mul3A_139 : i32
        %dma_wait3A_141 = arith.constant 0 : i32
        %dma_wait3A_142 = tpu.memref_slice %arg4[%mul3A_140, %dma_wait3A_141] : memref<250000x128xf32, #tpu.memory_space<hbm>> -> memref<128x128xf32, #tpu.memory_space<hbm>>
        %dma_wait3A_143 = arith.constant 0 : i32
        %dma_wait3A_144 = tpu.memref_slice %arg4[%mul3A_140, %dma_wait3A_143] : memref<250000x128xf32, #tpu.memory_space<hbm>> -> memref<128x128xf32, #tpu.memory_space<hbm>>
        tpu.wait_dma2 semaphore(%arg12 : memref<!tpu.dma_semaphore, #tpu.memory_space<semaphore_mem>>) src(%arg8 : memref<128x128xf32, #tpu.memory_space<vmem>>) dst(%dma_wait3A_144 : memref<128x128xf32, #tpu.memory_space<hbm>>)
      } else {
      }
      %mul3A_104 = arith.constant 512 : i32
      %mul3A_105 = arith.muli %min3A_98, %mul3A_104 : i32
      %dma_start3A_106 = arith.constant 0 : i32
      %dma_start3A_107 = tpu.memref_slice %arg2[%dma_start3A_106, %mul3A_105] : memref<32x1000000xf32, #tpu.memory_space<hbm>> -> memref<32x512xf32, #tpu.memory_space<hbm>>
      %dma_start3A_108 = arith.constant 0 : i32
      %dma_start3A_109 = tpu.memref_slice %arg2[%dma_start3A_108, %mul3A_105] : memref<32x1000000xf32, #tpu.memory_space<hbm>> -> memref<32x512xf32, #tpu.memory_space<hbm>>
      tpu.enqueue_dma source(%dma_start3A_109 : memref<32x512xf32, #tpu.memory_space<hbm>>) target(%arg6 : memref<32x512xf32, #tpu.memory_space<vmem>>) target_semaphore(%arg10 : memref<!tpu.dma_semaphore, #tpu.memory_space<semaphore_mem>>)
      %mul3A_110 = arith.constant 512 : i32
      %mul3A_111 = arith.muli %min3A_82, %mul3A_110 : i32
      %dma_wait3A_112 = arith.constant 0 : i32
      %dma_wait3A_113 = tpu.memref_slice %arg2[%dma_wait3A_112, %mul3A_111] : memref<32x1000000xf32, #tpu.memory_space<hbm>> -> memref<32x512xf32, #tpu.memory_space<hbm>>
      %dma_wait3A_114 = arith.constant 0 : i32
      %dma_wait3A_115 = tpu.memref_slice %arg2[%dma_wait3A_114, %mul3A_111] : memref<32x1000000xf32, #tpu.memory_space<hbm>> -> memref<32x512xf32, #tpu.memory_space<hbm>>
      tpu.wait_dma2 semaphore(%arg9 : memref<!tpu.dma_semaphore, #tpu.memory_space<semaphore_mem>>) src(%dma_wait3A_115 : memref<32x512xf32, #tpu.memory_space<hbm>>) dst(%arg5 : memref<32x512xf32, #tpu.memory_space<vmem>>)
      %parallel_loop3A = arith.constant 0 : i32
      %parallel_loop3A_116 = arith.constant 128 : i32
      %parallel_loop3A_117 = arith.constant 1 : i32
      scf.for %parallel_loop3A_139 = %parallel_loop3A to %parallel_loop3A_116 step %parallel_loop3A_117  : i32 {
        %parallel_loop3A_140 = arith.constant 4 : i32
        %parallel_loop3A_141 = arith.muli %parallel_loop3A_140, %parallel_loop3A_139 : i32
        %parallel_loop3A_142 = vector.broadcast %parallel_loop3A_141 : i32 to vector<16xi32>
        %parallel_loop3A_143 = arith.addi %and3A_53, %parallel_loop3A_142 : vector<16xi32>
        %parallel_loop3A_144 = tpu.vector_load_idx %arg5[%add3A_9, %parallel_loop3A_143] : memref<32x512xf32, #tpu.memory_space<vmem>>[vector<16xi32>, vector<16xi32>], vector<16xf32>,
        %parallel_loop3A_145 = arith.index_cast %parallel_loop3A_139 : i32 to index
        %parallel_loop3A_146 = arith.constant 0 : index
        %parallel_loop3A_147 = tpu.vector_load %arg7[%parallel_loop3A_145, %parallel_loop3A_146] {strides = array<i32>} : memref<128x128xf32, #tpu.memory_space<vmem>>, vector<16xf32>,
        tpu.vector_store %arg7[%parallel_loop3A_145, %parallel_loop3A_146], %parallel_loop3A_144 {strides = array<i32>} : memref<128x128xf32, #tpu.memory_space<vmem>>, vector<16xf32>,
        %parallel_loop3A_148 = tpu.vector_load_idx %arg5[%add3A_15, %parallel_loop3A_143] : memref<32x512xf32, #tpu.memory_space<vmem>>[vector<16xi32>, vector<16xi32>], vector<16xf32>,
        %parallel_loop3A_149 = arith.index_cast %parallel_loop3A_139 : i32 to index
        %parallel_loop3A_150 = arith.constant 16 : index
        %parallel_loop3A_151 = tpu.vector_load %arg7[%parallel_loop3A_149, %parallel_loop3A_150] {strides = array<i32>} : memref<128x128xf32, #tpu.memory_space<vmem>>, vector<16xf32>,
        tpu.vector_store %arg7[%parallel_loop3A_149, %parallel_loop3A_150], %parallel_loop3A_148 {strides = array<i32>} : memref<128x128xf32, #tpu.memory_space<vmem>>, vector<16xf32>,
        %parallel_loop3A_152 = tpu.vector_load_idx %arg5[%add3A_21, %parallel_loop3A_143] : memref<32x512xf32, #tpu.memory_space<vmem>>[vector<16xi32>, vector<16xi32>], vector<16xf32>,
        %parallel_loop3A_153 = arith.index_cast %parallel_loop3A_139 : i32 to index
        %parallel_loop3A_154 = arith.constant 32 : index
        %parallel_loop3A_155 = tpu.vector_load %arg7[%parallel_loop3A_153, %parallel_loop3A_154] {strides = array<i32>} : memref<128x128xf32, #tpu.memory_space<vmem>>, vector<16xf32>,
        tpu.vector_store %arg7[%parallel_loop3A_153, %parallel_loop3A_154], %parallel_loop3A_152 {strides = array<i32>} : memref<128x128xf32, #tpu.memory_space<vmem>>, vector<16xf32>,
        %parallel_loop3A_156 = tpu.vector_load_idx %arg5[%add3A_27, %parallel_loop3A_143] : memref<32x512xf32, #tpu.memory_space<vmem>>[vector<16xi32>, vector<16xi32>], vector<16xf32>,
        %parallel_loop3A_157 = arith.index_cast %parallel_loop3A_139 : i32 to index
        %parallel_loop3A_158 = arith.constant 48 : index
        %parallel_loop3A_159 = tpu.vector_load %arg7[%parallel_loop3A_157, %parallel_loop3A_158] {strides = array<i32>} : memref<128x128xf32, #tpu.memory_space<vmem>>, vector<16xf32>,
        tpu.vector_store %arg7[%parallel_loop3A_157, %parallel_loop3A_158], %parallel_loop3A_156 {strides = array<i32>} : memref<128x128xf32, #tpu.memory_space<vmem>>, vector<16xf32>,
        %parallel_loop3A_160 = tpu.vector_load_idx %arg5[%add3A_33, %parallel_loop3A_143] : memref<32x512xf32, #tpu.memory_space<vmem>>[vector<16xi32>, vector<16xi32>], vector<16xf32>,
        %parallel_loop3A_161 = arith.index_cast %parallel_loop3A_139 : i32 to index
        %parallel_loop3A_162 = arith.constant 64 : index
        %parallel_loop3A_163 = tpu.vector_load %arg7[%parallel_loop3A_161, %parallel_loop3A_162] {strides = array<i32>} : memref<128x128xf32, #tpu.memory_space<vmem>>, vector<16xf32>,
        tpu.vector_store %arg7[%parallel_loop3A_161, %parallel_loop3A_162], %parallel_loop3A_160 {strides = array<i32>} : memref<128x128xf32, #tpu.memory_space<vmem>>, vector<16xf32>,
        %parallel_loop3A_164 = tpu.vector_load_idx %arg5[%add3A_39, %parallel_loop3A_143] : memref<32x512xf32, #tpu.memory_space<vmem>>[vector<16xi32>, vector<16xi32>], vector<16xf32>,
        %parallel_loop3A_165 = arith.index_cast %parallel_loop3A_139 : i32 to index
        %parallel_loop3A_166 = arith.constant 80 : index
        %parallel_loop3A_167 = tpu.vector_load %arg7[%parallel_loop3A_165, %parallel_loop3A_166] {strides = array<i32>} : memref<128x128xf32, #tpu.memory_space<vmem>>, vector<16xf32>,
        tpu.vector_store %arg7[%parallel_loop3A_165, %parallel_loop3A_166], %parallel_loop3A_164 {strides = array<i32>} : memref<128x128xf32, #tpu.memory_space<vmem>>, vector<16xf32>,
        %parallel_loop3A_168 = tpu.vector_load_idx %arg5[%add3A_45, %parallel_loop3A_143] : memref<32x512xf32, #tpu.memory_space<vmem>>[vector<16xi32>, vector<16xi32>], vector<16xf32>,
        %parallel_loop3A_169 = arith.index_cast %parallel_loop3A_139 : i32 to index
        %parallel_loop3A_170 = arith.constant 96 : index
        %parallel_loop3A_171 = tpu.vector_load %arg7[%parallel_loop3A_169, %parallel_loop3A_170] {strides = array<i32>} : memref<128x128xf32, #tpu.memory_space<vmem>>, vector<16xf32>,
        tpu.vector_store %arg7[%parallel_loop3A_169, %parallel_loop3A_170], %parallel_loop3A_168 {strides = array<i32>} : memref<128x128xf32, #tpu.memory_space<vmem>>, vector<16xf32>,
        %parallel_loop3A_172 = tpu.vector_load_idx %arg5[%add3A_51, %parallel_loop3A_143] : memref<32x512xf32, #tpu.memory_space<vmem>>[vector<16xi32>, vector<16xi32>], vector<16xf32>,
        %parallel_loop3A_173 = arith.index_cast %parallel_loop3A_139 : i32 to index
        %parallel_loop3A_174 = arith.constant 112 : index
        %parallel_loop3A_175 = tpu.vector_load %arg7[%parallel_loop3A_173, %parallel_loop3A_174] {strides = array<i32>} : memref<128x128xf32, #tpu.memory_space<vmem>>, vector<16xf32>,
        tpu.vector_store %arg7[%parallel_loop3A_173, %parallel_loop3A_174], %parallel_loop3A_172 {strides = array<i32>} : memref<128x128xf32, #tpu.memory_space<vmem>>, vector<16xf32>,
      } {sc.loop_unroll_factor = 8 : i64, sc.parallel_access}
      %mul3A_118 = arith.constant 128 : i32
      %mul3A_119 = arith.muli %min3A_82, %mul3A_118 : i32
      %dma_start3A_120 = arith.constant 0 : i32
      %dma_start3A_121 = tpu.memref_slice %arg4[%mul3A_119, %dma_start3A_120] : memref<250000x128xf32, #tpu.memory_space<hbm>> -> memref<128x128xf32, #tpu.memory_space<hbm>>
      %dma_start3A_122 = arith.constant 0 : i32
      %dma_start3A_123 = tpu.memref_slice %arg4[%mul3A_119, %dma_start3A_122] : memref<250000x128xf32, #tpu.memory_space<hbm>> -> memref<128x128xf32, #tpu.memory_space<hbm>>
      tpu.enqueue_dma source(%arg7 : memref<128x128xf32, #tpu.memory_space<vmem>>) target(%dma_start3A_123 : memref<128x128xf32, #tpu.memory_space<hbm>>) target_semaphore(%arg11 : memref<!tpu.dma_semaphore, #tpu.memory_space<semaphore_mem>>)
      %mul3A_124 = arith.constant 512 : i32
      %mul3A_125 = arith.muli %min3A_98, %mul3A_124 : i32
      %dma_wait3A_126 = arith.constant 0 : i32
      %dma_wait3A_127 = tpu.memref_slice %arg2[%dma_wait3A_126, %mul3A_125] : memref<32x1000000xf32, #tpu.memory_space<hbm>> -> memref<32x512xf32, #tpu.memory_space<hbm>>
      %dma_wait3A_128 = arith.constant 0 : i32
      %dma_wait3A_129 = tpu.memref_slice %arg2[%dma_wait3A_128, %mul3A_125] : memref<32x1000000xf32, #tpu.memory_space<hbm>> -> memref<32x512xf32, #tpu.memory_space<hbm>>
      tpu.wait_dma2 semaphore(%arg10 : memref<!tpu.dma_semaphore, #tpu.memory_space<semaphore_mem>>) src(%dma_wait3A_129 : memref<32x512xf32, #tpu.memory_space<hbm>>) dst(%arg6 : memref<32x512xf32, #tpu.memory_space<vmem>>)
      %parallel_loop3A_130 = arith.constant 0 : i32
      %parallel_loop3A_131 = arith.constant 128 : i32
      %parallel_loop3A_132 = arith.constant 1 : i32
      scf.for %parallel_loop3A_139 = %parallel_loop3A_130 to %parallel_loop3A_131 step %parallel_loop3A_132  : i32 {
        %parallel_loop3A_140 = arith.constant 4 : i32
        %parallel_loop3A_141 = arith.muli %parallel_loop3A_140, %parallel_loop3A_139 : i32
        %parallel_loop3A_142 = vector.broadcast %parallel_loop3A_141 : i32 to vector<16xi32>
        %parallel_loop3A_143 = arith.addi %and3A_53, %parallel_loop3A_142 : vector<16xi32>
        %parallel_loop3A_144 = tpu.vector_load_idx %arg6[%add3A_9, %parallel_loop3A_143] : memref<32x512xf32, #tpu.memory_space<vmem>>[vector<16xi32>, vector<16xi32>], vector<16xf32>,
        %parallel_loop3A_145 = arith.index_cast %parallel_loop3A_139 : i32 to index
        %parallel_loop3A_146 = arith.constant 0 : index
        %parallel_loop3A_147 = tpu.vector_load %arg8[%parallel_loop3A_145, %parallel_loop3A_146] {strides = array<i32>} : memref<128x128xf32, #tpu.memory_space<vmem>>, vector<16xf32>,
        tpu.vector_store %arg8[%parallel_loop3A_145, %parallel_loop3A_146], %parallel_loop3A_144 {strides = array<i32>} : memref<128x128xf32, #tpu.memory_space<vmem>>, vector<16xf32>,
        %parallel_loop3A_148 = tpu.vector_load_idx %arg6[%add3A_15, %parallel_loop3A_143] : memref<32x512xf32, #tpu.memory_space<vmem>>[vector<16xi32>, vector<16xi32>], vector<16xf32>,
        %parallel_loop3A_149 = arith.index_cast %parallel_loop3A_139 : i32 to index
        %parallel_loop3A_150 = arith.constant 16 : index
        %parallel_loop3A_151 = tpu.vector_load %arg8[%parallel_loop3A_149, %parallel_loop3A_150] {strides = array<i32>} : memref<128x128xf32, #tpu.memory_space<vmem>>, vector<16xf32>,
        tpu.vector_store %arg8[%parallel_loop3A_149, %parallel_loop3A_150], %parallel_loop3A_148 {strides = array<i32>} : memref<128x128xf32, #tpu.memory_space<vmem>>, vector<16xf32>,
        %parallel_loop3A_152 = tpu.vector_load_idx %arg6[%add3A_21, %parallel_loop3A_143] : memref<32x512xf32, #tpu.memory_space<vmem>>[vector<16xi32>, vector<16xi32>], vector<16xf32>,
        %parallel_loop3A_153 = arith.index_cast %parallel_loop3A_139 : i32 to index
        %parallel_loop3A_154 = arith.constant 32 : index
        %parallel_loop3A_155 = tpu.vector_load %arg8[%parallel_loop3A_153, %parallel_loop3A_154] {strides = array<i32>} : memref<128x128xf32, #tpu.memory_space<vmem>>, vector<16xf32>,
        tpu.vector_store %arg8[%parallel_loop3A_153, %parallel_loop3A_154], %parallel_loop3A_152 {strides = array<i32>} : memref<128x128xf32, #tpu.memory_space<vmem>>, vector<16xf32>,
        %parallel_loop3A_156 = tpu.vector_load_idx %arg6[%add3A_27, %parallel_loop3A_143] : memref<32x512xf32, #tpu.memory_space<vmem>>[vector<16xi32>, vector<16xi32>], vector<16xf32>,
        %parallel_loop3A_157 = arith.index_cast %parallel_loop3A_139 : i32 to index
        %parallel_loop3A_158 = arith.constant 48 : index
        %parallel_loop3A_159 = tpu.vector_load %arg8[%parallel_loop3A_157, %parallel_loop3A_158] {strides = array<i32>} : memref<128x128xf32, #tpu.memory_space<vmem>>, vector<16xf32>,
        tpu.vector_store %arg8[%parallel_loop3A_157, %parallel_loop3A_158], %parallel_loop3A_156 {strides = array<i32>} : memref<128x128xf32, #tpu.memory_space<vmem>>, vector<16xf32>,
        %parallel_loop3A_160 = tpu.vector_load_idx %arg6[%add3A_33, %parallel_loop3A_143] : memref<32x512xf32, #tpu.memory_space<vmem>>[vector<16xi32>, vector<16xi32>], vector<16xf32>,
        %parallel_loop3A_161 = arith.index_cast %parallel_loop3A_139 : i32 to index
        %parallel_loop3A_162 = arith.constant 64 : index
        %parallel_loop3A_163 = tpu.vector_load %arg8[%parallel_loop3A_161, %parallel_loop3A_162] {strides = array<i32>} : memref<128x128xf32, #tpu.memory_space<vmem>>, vector<16xf32>,
        tpu.vector_store %arg8[%parallel_loop3A_161, %parallel_loop3A_162], %parallel_loop3A_160 {strides = array<i32>} : memref<128x128xf32, #tpu.memory_space<vmem>>, vector<16xf32>,
        %parallel_loop3A_164 = tpu.vector_load_idx %arg6[%add3A_39, %parallel_loop3A_143] : memref<32x512xf32, #tpu.memory_space<vmem>>[vector<16xi32>, vector<16xi32>], vector<16xf32>,
        %parallel_loop3A_165 = arith.index_cast %parallel_loop3A_139 : i32 to index
        %parallel_loop3A_166 = arith.constant 80 : index
        %parallel_loop3A_167 = tpu.vector_load %arg8[%parallel_loop3A_165, %parallel_loop3A_166] {strides = array<i32>} : memref<128x128xf32, #tpu.memory_space<vmem>>, vector<16xf32>,
        tpu.vector_store %arg8[%parallel_loop3A_165, %parallel_loop3A_166], %parallel_loop3A_164 {strides = array<i32>} : memref<128x128xf32, #tpu.memory_space<vmem>>, vector<16xf32>,
        %parallel_loop3A_168 = tpu.vector_load_idx %arg6[%add3A_45, %parallel_loop3A_143] : memref<32x512xf32, #tpu.memory_space<vmem>>[vector<16xi32>, vector<16xi32>], vector<16xf32>,
        %parallel_loop3A_169 = arith.index_cast %parallel_loop3A_139 : i32 to index
        %parallel_loop3A_170 = arith.constant 96 : index
        %parallel_loop3A_171 = tpu.vector_load %arg8[%parallel_loop3A_169, %parallel_loop3A_170] {strides = array<i32>} : memref<128x128xf32, #tpu.memory_space<vmem>>, vector<16xf32>,
        tpu.vector_store %arg8[%parallel_loop3A_169, %parallel_loop3A_170], %parallel_loop3A_168 {strides = array<i32>} : memref<128x128xf32, #tpu.memory_space<vmem>>, vector<16xf32>,
        %parallel_loop3A_172 = tpu.vector_load_idx %arg6[%add3A_51, %parallel_loop3A_143] : memref<32x512xf32, #tpu.memory_space<vmem>>[vector<16xi32>, vector<16xi32>], vector<16xf32>,
        %parallel_loop3A_173 = arith.index_cast %parallel_loop3A_139 : i32 to index
        %parallel_loop3A_174 = arith.constant 112 : index
        %parallel_loop3A_175 = tpu.vector_load %arg8[%parallel_loop3A_173, %parallel_loop3A_174] {strides = array<i32>} : memref<128x128xf32, #tpu.memory_space<vmem>>, vector<16xf32>,
        tpu.vector_store %arg8[%parallel_loop3A_173, %parallel_loop3A_174], %parallel_loop3A_172 {strides = array<i32>} : memref<128x128xf32, #tpu.memory_space<vmem>>, vector<16xf32>,
      } {sc.loop_unroll_factor = 8 : i64, sc.parallel_access}
      %mul3A_133 = arith.constant 128 : i32
      %mul3A_134 = arith.muli %min3A_98, %mul3A_133 : i32
      %dma_start3A_135 = arith.constant 0 : i32
      %dma_start3A_136 = tpu.memref_slice %arg4[%mul3A_134, %dma_start3A_135] : memref<250000x128xf32, #tpu.memory_space<hbm>> -> memref<128x128xf32, #tpu.memory_space<hbm>>
      %dma_start3A_137 = arith.constant 0 : i32
      %dma_start3A_138 = tpu.memref_slice %arg4[%mul3A_134, %dma_start3A_137] : memref<250000x128xf32, #tpu.memory_space<hbm>> -> memref<128x128xf32, #tpu.memory_space<hbm>>
      tpu.enqueue_dma source(%arg8 : memref<128x128xf32, #tpu.memory_space<vmem>>) target(%dma_start3A_138 : memref<128x128xf32, #tpu.memory_space<hbm>>) target_semaphore(%arg12 : memref<!tpu.dma_semaphore, #tpu.memory_space<semaphore_mem>>)
    }
    %scan3A_57 = arith.constant 31 : i32
    %dma_wait3A = arith.constant 0 : i32
    %dma_wait3A_58 = arith.constant 0 : i32
    %dma_wait3A_59 = tpu.memref_slice %arg4[%dma_wait3A, %dma_wait3A_58] : memref<250000x128xf32, #tpu.memory_space<hbm>> -> memref<128x128xf32, #tpu.memory_space<hbm>>
    %dma_wait3A_60 = arith.constant 0 : i32
    %dma_wait3A_61 = arith.constant 0 : i32
    %dma_wait3A_62 = tpu.memref_slice %arg4[%dma_wait3A_60, %dma_wait3A_61] : memref<250000x128xf32, #tpu.memory_space<hbm>> -> memref<128x128xf32, #tpu.memory_space<hbm>>
    tpu.wait_dma2 semaphore(%arg11 : memref<!tpu.dma_semaphore, #tpu.memory_space<semaphore_mem>>) src(%arg7 : memref<128x128xf32, #tpu.memory_space<vmem>>) dst(%dma_wait3A_62 : memref<128x128xf32, #tpu.memory_space<hbm>>)
    %dma_wait3A_63 = arith.constant 0 : i32
    %dma_wait3A_64 = arith.constant 0 : i32
    %dma_wait3A_65 = tpu.memref_slice %arg4[%dma_wait3A_63, %dma_wait3A_64] : memref<250000x128xf32, #tpu.memory_space<hbm>> -> memref<128x128xf32, #tpu.memory_space<hbm>>
    %dma_wait3A_66 = arith.constant 0 : i32
    %dma_wait3A_67 = arith.constant 0 : i32
    %dma_wait3A_68 = tpu.memref_slice %arg4[%dma_wait3A_66, %dma_wait3A_67] : memref<250000x128xf32, #tpu.memory_space<hbm>> -> memref<128x128xf32, #tpu.memory_space<hbm>>
    tpu.wait_dma2 semaphore(%arg12 : memref<!tpu.dma_semaphore, #tpu.memory_space<semaphore_mem>>) src(%arg8 : memref<128x128xf32, #tpu.memory_space<vmem>>) dst(%dma_wait3A_68 : memref<128x128xf32, #tpu.memory_space<hbm>>)
    %eq3A = arith.constant 31 : i32
    %eq3A_69 = arith.cmpi eq, %add3A, %eq3A : i32
    %convert_element_type3A = arith.extui %eq3A_69 : i1 to i32
    %cond3A = arith.constant 0 : i32
    %cond3A_70 = arith.cmpi ne, %convert_element_type3A, %cond3A : i32
    scf.if %cond3A_70 {
      "tpu.region"() ({
        %run_scoped3A = tpu.sem_alloc : memref<!tpu.dma_semaphore, #tpu.memory_space<semaphore_mem>>
        %dma_start3A = arith.constant 0 : i32
        %dma_start3A_71 = arith.constant 0 : i32
        %dma_start3A_72 = tpu.memref_slice %arg7[%dma_start3A, %dma_start3A_71] : memref<128x128xf32, #tpu.memory_space<vmem>> -> memref<16x128xf32, #tpu.memory_space<vmem>>
        %dma_start3A_73 = arith.constant 0 : i32
        %dma_start3A_74 = arith.constant 0 : i32
        %dma_start3A_75 = tpu.memref_slice %arg7[%dma_start3A_73, %dma_start3A_74] : memref<128x128xf32, #tpu.memory_space<vmem>> -> memref<16x128xf32, #tpu.memory_space<vmem>>
        tpu.enqueue_dma source(%arg3 : memref<16x128xf32, #tpu.memory_space<hbm>>) target(%dma_start3A_75 : memref<16x128xf32, #tpu.memory_space<vmem>>) target_semaphore(%run_scoped3A : memref<!tpu.dma_semaphore, #tpu.memory_space<semaphore_mem>>)
        %dma_wait3A_76 = arith.constant 0 : i32
        %dma_wait3A_77 = arith.constant 0 : i32
        %dma_wait3A_78 = tpu.memref_slice %arg7[%dma_wait3A_76, %dma_wait3A_77] : memref<128x128xf32, #tpu.memory_space<vmem>> -> memref<16x128xf32, #tpu.memory_space<vmem>>
        %dma_wait3A_79 = arith.constant 0 : i32
        %dma_wait3A_80 = arith.constant 0 : i32
        %dma_wait3A_81 = tpu.memref_slice %arg7[%dma_wait3A_79, %dma_wait3A_80] : memref<128x128xf32, #tpu.memory_space<vmem>> -> memref<16x128xf32, #tpu.memory_space<vmem>>
        tpu.wait_dma2 semaphore(%run_scoped3A : memref<!tpu.dma_semaphore, #tpu.memory_space<semaphore_mem>>) src(%arg3 : memref<16x128xf32, #tpu.memory_space<hbm>>) dst(%dma_wait3A_81 : memref<16x128xf32, #tpu.memory_space<vmem>>)
        tpu.yield
      }) : () -> ()
      "tpu.region"() ({
        %run_scoped3A = tpu.sem_alloc : memref<!tpu.dma_semaphore, #tpu.memory_space<semaphore_mem>>
        %dma_start3A = arith.constant 0 : i32
        %dma_start3A_71 = arith.constant 0 : i32
        %dma_start3A_72 = tpu.memref_slice %arg7[%dma_start3A, %dma_start3A_71] : memref<128x128xf32, #tpu.memory_space<vmem>> -> memref<16x128xf32, #tpu.memory_space<vmem>>
        %dma_start3A_73 = arith.constant 249984 : i32
        %dma_start3A_74 = arith.constant 0 : i32
        %dma_start3A_75 = tpu.memref_slice %arg4[%dma_start3A_73, %dma_start3A_74] : memref<250000x128xf32, #tpu.memory_space<hbm>> -> memref<16x128xf32, #tpu.memory_space<hbm>>
        %dma_start3A_76 = arith.constant 249984 : i32
        %dma_start3A_77 = arith.constant 0 : i32
        %dma_start3A_78 = tpu.memref_slice %arg4[%dma_start3A_76, %dma_start3A_77] : memref<250000x128xf32, #tpu.memory_space<hbm>> -> memref<16x128xf32, #tpu.memory_space<hbm>>
        %dma_start3A_79 = arith.constant 0 : i32
        %dma_start3A_80 = arith.constant 0 : i32
        %dma_start3A_81 = tpu.memref_slice %arg7[%dma_start3A_79, %dma_start3A_80] : memref<128x128xf32, #tpu.memory_space<vmem>> -> memref<16x128xf32, #tpu.memory_space<vmem>>
        tpu.enqueue_dma source(%dma_start3A_81 : memref<16x128xf32, #tpu.memory_space<vmem>>) target(%dma_start3A_78 : memref<16x128xf32, #tpu.memory_space<hbm>>) target_semaphore(%run_scoped3A : memref<!tpu.dma_semaphore, #tpu.memory_space<semaphore_mem>>)
        %dma_wait3A_82 = arith.constant 0 : i32
        %dma_wait3A_83 = arith.constant 0 : i32
        %dma_wait3A_84 = tpu.memref_slice %arg7[%dma_wait3A_82, %dma_wait3A_83] : memref<128x128xf32, #tpu.memory_space<vmem>> -> memref<16x128xf32, #tpu.memory_space<vmem>>
        %dma_wait3A_85 = arith.constant 249984 : i32
        %dma_wait3A_86 = arith.constant 0 : i32
        %dma_wait3A_87 = tpu.memref_slice %arg4[%dma_wait3A_85, %dma_wait3A_86] : memref<250000x128xf32, #tpu.memory_space<hbm>> -> memref<16x128xf32, #tpu.memory_space<hbm>>
        %dma_wait3A_88 = arith.constant 249984 : i32
        %dma_wait3A_89 = arith.constant 0 : i32
        %dma_wait3A_90 = tpu.memref_slice %arg4[%dma_wait3A_88, %dma_wait3A_89] : memref<250000x128xf32, #tpu.memory_space<hbm>> -> memref<16x128xf32, #tpu.memory_space<hbm>>
        %dma_wait3A_91 = arith.constant 0 : i32
        %dma_wait3A_92 = arith.constant 0 : i32
        %dma_wait3A_93 = tpu.memref_slice %arg7[%dma_wait3A_91, %dma_wait3A_92] : memref<128x128xf32, #tpu.memory_space<vmem>> -> memref<16x128xf32, #tpu.memory_space<vmem>>
        tpu.wait_dma2 semaphore(%run_scoped3A : memref<!tpu.dma_semaphore, #tpu.memory_space<semaphore_mem>>) src(%dma_wait3A_93 : memref<16x128xf32, #tpu.memory_space<vmem>>) dst(%dma_wait3A_90 : memref<16x128xf32, #tpu.memory_space<hbm>>)
        tpu.yield
      }) : () -> ()
    } else {
    }
    return
  }
}

#map = affine_map<(d0, d1) -> (0, 0)>
#map1 = affine_map<(d0, d1) -> (0, 0, 0)>
module attributes {stable_mosaic.version = 14 : i64} {
  func.func @k(%arg0: i32, %arg1: i32, %arg2: memref<26x16384xi32, #tpu.memory_space<hbm>>, %arg3: memref<250000x128xf32, #tpu.memory_space<hbm>>, %arg4: memref<26x32x16384xf32, #tpu.memory_space<hbm>>, %arg5: memref<512xi32, #tpu.memory_space<vmem>>, %arg6: memref<512xi32, #tpu.memory_space<vmem>>, %arg7: memref<128x128xf32, #tpu.memory_space<vmem>>, %arg8: memref<128x128xf32, #tpu.memory_space<vmem>>, %arg9: memref<128x128xf32, #tpu.memory_space<vmem>>, %arg10: memref<128x128xf32, #tpu.memory_space<vmem>>, %arg11: memref<32x128xf32, #tpu.memory_space<vmem>>, %arg12: memref<32x128xf32, #tpu.memory_space<vmem>>, %arg13: memref<32x128xf32, #tpu.memory_space<vmem>>, %arg14: memref<32x128xf32, #tpu.memory_space<vmem>>, %arg15: memref<!tpu.dma_semaphore, #tpu.memory_space<semaphore_mem>>, %arg16: memref<!tpu.dma_semaphore, #tpu.memory_space<semaphore_mem>>, %arg17: memref<!tpu.dma_semaphore, #tpu.memory_space<semaphore_mem>>, %arg18: memref<!tpu.dma_semaphore, #tpu.memory_space<semaphore_mem>>, %arg19: memref<!tpu.dma_semaphore, #tpu.memory_space<semaphore_mem>>, %arg20: memref<!tpu.dma_semaphore, #tpu.memory_space<semaphore_mem>>, %arg21: memref<!tpu.dma_semaphore, #tpu.memory_space<semaphore_mem>>, %arg22: memref<!tpu.dma_semaphore, #tpu.memory_space<semaphore_mem>>) attributes {dimension_semantics = [#tpu.dimension_semantics<core_parallel>, #tpu.dimension_semantics<subcore_parallel>], iteration_bounds = array<i64: 2, 16>, scalar_prefetch = 0 : i64, scratch_operands = 18 : i64, tpu.core_type = #tpu.core_type<sc_vector_subcore>, window_params = [{transform_indices = #map}, {transform_indices = #map}, {transform_indices = #map1}]} {
    %mul3A = arith.constant 2 : i32
    %mul3A_0 = arith.muli %arg1, %mul3A : i32
    %add3A = arith.addi %mul3A_0, %arg0 : i32
    %mul3A_1 = arith.constant 512 : i32
    %mul3A_2 = arith.muli %add3A, %mul3A_1 : i32
    %iota3A = tpu.iota {dimensions = array<i32: 0>} : vector<16xi32>
    %scan3A = arith.constant 0 : i32
    %scan3A_3 = arith.constant 26 : i32
    %scan3A_4 = arith.addi %scan3A, %scan3A_3 : i32
    %scan3A_5 = arith.constant 1 : i32
    scf.for %scan3A_42 = %scan3A to %scan3A_4 step %scan3A_5  : i32 {
      %mul3A_43 = arith.constant 1 : i32
      %mul3A_44 = arith.muli %scan3A_42, %mul3A_43 : i32
      %add3A_45 = arith.constant 0 : i32
      %add3A_46 = arith.addi %add3A_45, %mul3A_44 : i32
      %gt3A = arith.constant 0 : i32
      %gt3A_47 = arith.cmpi sgt, %add3A_46, %gt3A : i32
      %convert_element_type3A = arith.extui %gt3A_47 : i1 to i32
      %cond3A = arith.constant 0 : i32
      %cond3A_48 = arith.cmpi ne, %convert_element_type3A, %cond3A : i32
      scf.if %cond3A_48 {
        %add3A_149 = arith.constant 0 : i32
        %add3A_150 = arith.addi %mul3A_2, %add3A_149 : i32
        %dma_wait3A_151 = arith.constant 0 : i32
        %dma_wait3A_152 = tpu.memref_slice %arg4[%add3A_46, %dma_wait3A_151, %add3A_150] : memref<26x32x16384xf32, #tpu.memory_space<hbm>> -> memref<1x32x128xf32, #tpu.memory_space<hbm>>
        %dma_wait3A_153 = tpu.memref_squeeze %dma_wait3A_152 : memref<1x32x128xf32, #tpu.memory_space<hbm>> -> memref<32x128xf32, #tpu.memory_space<hbm>>
        %dma_wait3A_154 = arith.constant 0 : i32
        %dma_wait3A_155 = tpu.memref_slice %arg4[%add3A_46, %dma_wait3A_154, %add3A_150] : memref<26x32x16384xf32, #tpu.memory_space<hbm>> -> memref<1x32x128xf32, #tpu.memory_space<hbm>>
        %dma_wait3A_156 = tpu.memref_squeeze %dma_wait3A_155 : memref<1x32x128xf32, #tpu.memory_space<hbm>> -> memref<32x128xf32, #tpu.memory_space<hbm>>
        tpu.wait_dma2 semaphore(%arg19 : memref<!tpu.dma_semaphore, #tpu.memory_space<semaphore_mem>>) src(%arg11 : memref<32x128xf32, #tpu.memory_space<vmem>>) dst(%dma_wait3A_156 : memref<32x128xf32, #tpu.memory_space<hbm>>)
      } else {
      }
      %gt3A_49 = arith.constant 0 : i32
      %gt3A_50 = arith.cmpi sgt, %add3A_46, %gt3A_49 : i32
      %convert_element_type3A_51 = arith.extui %gt3A_50 : i1 to i32
      %cond3A_52 = arith.constant 0 : i32
      %cond3A_53 = arith.cmpi ne, %convert_element_type3A_51, %cond3A_52 : i32
      scf.if %cond3A_53 {
        %add3A_149 = arith.constant 128 : i32
        %add3A_150 = arith.addi %mul3A_2, %add3A_149 : i32
        %dma_wait3A_151 = arith.constant 0 : i32
        %dma_wait3A_152 = tpu.memref_slice %arg4[%add3A_46, %dma_wait3A_151, %add3A_150] : memref<26x32x16384xf32, #tpu.memory_space<hbm>> -> memref<1x32x128xf32, #tpu.memory_space<hbm>>
        %dma_wait3A_153 = tpu.memref_squeeze %dma_wait3A_152 : memref<1x32x128xf32, #tpu.memory_space<hbm>> -> memref<32x128xf32, #tpu.memory_space<hbm>>
        %dma_wait3A_154 = arith.constant 0 : i32
        %dma_wait3A_155 = tpu.memref_slice %arg4[%add3A_46, %dma_wait3A_154, %add3A_150] : memref<26x32x16384xf32, #tpu.memory_space<hbm>> -> memref<1x32x128xf32, #tpu.memory_space<hbm>>
        %dma_wait3A_156 = tpu.memref_squeeze %dma_wait3A_155 : memref<1x32x128xf32, #tpu.memory_space<hbm>> -> memref<32x128xf32, #tpu.memory_space<hbm>>
        tpu.wait_dma2 semaphore(%arg20 : memref<!tpu.dma_semaphore, #tpu.memory_space<semaphore_mem>>) src(%arg12 : memref<32x128xf32, #tpu.memory_space<vmem>>) dst(%dma_wait3A_156 : memref<32x128xf32, #tpu.memory_space<hbm>>)
      } else {
      }
      %gt3A_54 = arith.constant 0 : i32
      %gt3A_55 = arith.cmpi sgt, %add3A_46, %gt3A_54 : i32
      %convert_element_type3A_56 = arith.extui %gt3A_55 : i1 to i32
      %cond3A_57 = arith.constant 0 : i32
      %cond3A_58 = arith.cmpi ne, %convert_element_type3A_56, %cond3A_57 : i32
      scf.if %cond3A_58 {
        %add3A_149 = arith.constant 256 : i32
        %add3A_150 = arith.addi %mul3A_2, %add3A_149 : i32
        %dma_wait3A_151 = arith.constant 0 : i32
        %dma_wait3A_152 = tpu.memref_slice %arg4[%add3A_46, %dma_wait3A_151, %add3A_150] : memref<26x32x16384xf32, #tpu.memory_space<hbm>> -> memref<1x32x128xf32, #tpu.memory_space<hbm>>
        %dma_wait3A_153 = tpu.memref_squeeze %dma_wait3A_152 : memref<1x32x128xf32, #tpu.memory_space<hbm>> -> memref<32x128xf32, #tpu.memory_space<hbm>>
        %dma_wait3A_154 = arith.constant 0 : i32
        %dma_wait3A_155 = tpu.memref_slice %arg4[%add3A_46, %dma_wait3A_154, %add3A_150] : memref<26x32x16384xf32, #tpu.memory_space<hbm>> -> memref<1x32x128xf32, #tpu.memory_space<hbm>>
        %dma_wait3A_156 = tpu.memref_squeeze %dma_wait3A_155 : memref<1x32x128xf32, #tpu.memory_space<hbm>> -> memref<32x128xf32, #tpu.memory_space<hbm>>
        tpu.wait_dma2 semaphore(%arg21 : memref<!tpu.dma_semaphore, #tpu.memory_space<semaphore_mem>>) src(%arg13 : memref<32x128xf32, #tpu.memory_space<vmem>>) dst(%dma_wait3A_156 : memref<32x128xf32, #tpu.memory_space<hbm>>)
      } else {
      }
      %gt3A_59 = arith.constant 0 : i32
      %gt3A_60 = arith.cmpi sgt, %add3A_46, %gt3A_59 : i32
      %convert_element_type3A_61 = arith.extui %gt3A_60 : i1 to i32
      %cond3A_62 = arith.constant 0 : i32
      %cond3A_63 = arith.cmpi ne, %convert_element_type3A_61, %cond3A_62 : i32
      scf.if %cond3A_63 {
        %add3A_149 = arith.constant 384 : i32
        %add3A_150 = arith.addi %mul3A_2, %add3A_149 : i32
        %dma_wait3A_151 = arith.constant 0 : i32
        %dma_wait3A_152 = tpu.memref_slice %arg4[%add3A_46, %dma_wait3A_151, %add3A_150] : memref<26x32x16384xf32, #tpu.memory_space<hbm>> -> memref<1x32x128xf32, #tpu.memory_space<hbm>>
        %dma_wait3A_153 = tpu.memref_squeeze %dma_wait3A_152 : memref<1x32x128xf32, #tpu.memory_space<hbm>> -> memref<32x128xf32, #tpu.memory_space<hbm>>
        %dma_wait3A_154 = arith.constant 0 : i32
        %dma_wait3A_155 = tpu.memref_slice %arg4[%add3A_46, %dma_wait3A_154, %add3A_150] : memref<26x32x16384xf32, #tpu.memory_space<hbm>> -> memref<1x32x128xf32, #tpu.memory_space<hbm>>
        %dma_wait3A_156 = tpu.memref_squeeze %dma_wait3A_155 : memref<1x32x128xf32, #tpu.memory_space<hbm>> -> memref<32x128xf32, #tpu.memory_space<hbm>>
        tpu.wait_dma2 semaphore(%arg22 : memref<!tpu.dma_semaphore, #tpu.memory_space<semaphore_mem>>) src(%arg14 : memref<32x128xf32, #tpu.memory_space<vmem>>) dst(%dma_wait3A_156 : memref<32x128xf32, #tpu.memory_space<hbm>>)
      } else {
      }
      "tpu.region"() ({
        %run_scoped3A = tpu.sem_alloc : memref<!tpu.dma_semaphore, #tpu.memory_space<semaphore_mem>>
        %dma_start3A_149 = tpu.memref_slice %arg2[%add3A_46, %mul3A_2] : memref<26x16384xi32, #tpu.memory_space<hbm>> -> memref<1x512xi32, #tpu.memory_space<hbm>>
        %dma_start3A_150 = tpu.memref_squeeze %dma_start3A_149 : memref<1x512xi32, #tpu.memory_space<hbm>> -> memref<512xi32, #tpu.memory_space<hbm>>
        %dma_start3A_151 = tpu.memref_slice %arg2[%add3A_46, %mul3A_2] : memref<26x16384xi32, #tpu.memory_space<hbm>> -> memref<1x512xi32, #tpu.memory_space<hbm>>
        %dma_start3A_152 = tpu.memref_squeeze %dma_start3A_151 : memref<1x512xi32, #tpu.memory_space<hbm>> -> memref<512xi32, #tpu.memory_space<hbm>>
        tpu.enqueue_dma source(%dma_start3A_152 : memref<512xi32, #tpu.memory_space<hbm>>) target(%arg5 : memref<512xi32, #tpu.memory_space<vmem>>) target_semaphore(%run_scoped3A : memref<!tpu.dma_semaphore, #tpu.memory_space<semaphore_mem>>)
        %dma_wait3A_153 = tpu.memref_slice %arg2[%add3A_46, %mul3A_2] : memref<26x16384xi32, #tpu.memory_space<hbm>> -> memref<1x512xi32, #tpu.memory_space<hbm>>
        %dma_wait3A_154 = tpu.memref_squeeze %dma_wait3A_153 : memref<1x512xi32, #tpu.memory_space<hbm>> -> memref<512xi32, #tpu.memory_space<hbm>>
        %dma_wait3A_155 = tpu.memref_slice %arg2[%add3A_46, %mul3A_2] : memref<26x16384xi32, #tpu.memory_space<hbm>> -> memref<1x512xi32, #tpu.memory_space<hbm>>
        %dma_wait3A_156 = tpu.memref_squeeze %dma_wait3A_155 : memref<1x512xi32, #tpu.memory_space<hbm>> -> memref<512xi32, #tpu.memory_space<hbm>>
        tpu.wait_dma2 semaphore(%run_scoped3A : memref<!tpu.dma_semaphore, #tpu.memory_space<semaphore_mem>>) src(%dma_wait3A_156 : memref<512xi32, #tpu.memory_space<hbm>>) dst(%arg5 : memref<512xi32, #tpu.memory_space<vmem>>)
        tpu.yield
      }) : () -> ()
      %parallel_loop3A = arith.constant 0 : i32
      %parallel_loop3A_64 = arith.constant 32 : i32
      %parallel_loop3A_65 = arith.constant 1 : i32
      scf.for %parallel_loop3A_149 = %parallel_loop3A to %parallel_loop3A_64 step %parallel_loop3A_65  : i32 {
        %parallel_loop3A_150 = arith.constant 16 : i32
        %parallel_loop3A_151 = arith.muli %parallel_loop3A_149, %parallel_loop3A_150 : i32
        %parallel_loop3A_152 = arith.index_cast %parallel_loop3A_151 : i32 to index
        %parallel_loop3A_153 = tpu.vector_load %arg5[%parallel_loop3A_152] {strides = array<i32>} : memref<512xi32, #tpu.memory_space<vmem>>, vector<16xi32>,
        %parallel_loop3A_154 = arith.constant 2 : i32
        %parallel_loop3A_155 = vector.broadcast %parallel_loop3A_154 : i32 to vector<16xi32>
        %parallel_loop3A_156 = arith.shrsi %parallel_loop3A_153, %parallel_loop3A_155 : vector<16xi32>
        %parallel_loop3A_157 = arith.constant 16 : i32
        %parallel_loop3A_158 = arith.muli %parallel_loop3A_149, %parallel_loop3A_157 : i32
        %parallel_loop3A_159 = arith.index_cast %parallel_loop3A_158 : i32 to index
        %parallel_loop3A_160 = tpu.vector_load %arg6[%parallel_loop3A_159] {strides = array<i32>} : memref<512xi32, #tpu.memory_space<vmem>>, vector<16xi32>,
        tpu.vector_store %arg6[%parallel_loop3A_159], %parallel_loop3A_156 {strides = array<i32>} : memref<512xi32, #tpu.memory_space<vmem>>, vector<16xi32>,
      } {sc.loop_unroll_factor = 2 : i64, sc.parallel_access}
      %dma_start3A = arith.constant 0 : i32
      %dma_start3A_66 = tpu.memref_slice %arg6[%dma_start3A] : memref<512xi32, #tpu.memory_space<vmem>> -> memref<128xi32, #tpu.memory_space<vmem>>
      %dma_start3A_67 = arith.constant 0 : i32
      %dma_start3A_68 = arith.constant 0 : i32
      %dma_start3A_69 = tpu.memref_slice %arg3[%dma_start3A_67, %dma_start3A_68] : memref<250000x128xf32, #tpu.memory_space<hbm>> -> memref<250000x128xf32, #tpu.memory_space<hbm>>
      tpu.enqueue_indirect_dma source(%dma_start3A_69 : memref<250000x128xf32, #tpu.memory_space<hbm>>) target(%arg7 : memref<128x128xf32, #tpu.memory_space<vmem>>) offsets(%dma_start3A_66 : memref<128xi32, #tpu.memory_space<vmem>>) semaphore(%arg15 : memref<!tpu.dma_semaphore, #tpu.memory_space<semaphore_mem>>)
      %dma_start3A_70 = arith.constant 128 : i32
      %dma_start3A_71 = tpu.memref_slice %arg6[%dma_start3A_70] : memref<512xi32, #tpu.memory_space<vmem>> -> memref<128xi32, #tpu.memory_space<vmem>>
      %dma_start3A_72 = arith.constant 0 : i32
      %dma_start3A_73 = arith.constant 0 : i32
      %dma_start3A_74 = tpu.memref_slice %arg3[%dma_start3A_72, %dma_start3A_73] : memref<250000x128xf32, #tpu.memory_space<hbm>> -> memref<250000x128xf32, #tpu.memory_space<hbm>>
      tpu.enqueue_indirect_dma source(%dma_start3A_74 : memref<250000x128xf32, #tpu.memory_space<hbm>>) target(%arg8 : memref<128x128xf32, #tpu.memory_space<vmem>>) offsets(%dma_start3A_71 : memref<128xi32, #tpu.memory_space<vmem>>) semaphore(%arg16 : memref<!tpu.dma_semaphore, #tpu.memory_space<semaphore_mem>>)
      %dma_start3A_75 = arith.constant 256 : i32
      %dma_start3A_76 = tpu.memref_slice %arg6[%dma_start3A_75] : memref<512xi32, #tpu.memory_space<vmem>> -> memref<128xi32, #tpu.memory_space<vmem>>
      %dma_start3A_77 = arith.constant 0 : i32
      %dma_start3A_78 = arith.constant 0 : i32
      %dma_start3A_79 = tpu.memref_slice %arg3[%dma_start3A_77, %dma_start3A_78] : memref<250000x128xf32, #tpu.memory_space<hbm>> -> memref<250000x128xf32, #tpu.memory_space<hbm>>
      tpu.enqueue_indirect_dma source(%dma_start3A_79 : memref<250000x128xf32, #tpu.memory_space<hbm>>) target(%arg9 : memref<128x128xf32, #tpu.memory_space<vmem>>) offsets(%dma_start3A_76 : memref<128xi32, #tpu.memory_space<vmem>>) semaphore(%arg17 : memref<!tpu.dma_semaphore, #tpu.memory_space<semaphore_mem>>)
      %dma_start3A_80 = arith.constant 384 : i32
      %dma_start3A_81 = tpu.memref_slice %arg6[%dma_start3A_80] : memref<512xi32, #tpu.memory_space<vmem>> -> memref<128xi32, #tpu.memory_space<vmem>>
      %dma_start3A_82 = arith.constant 0 : i32
      %dma_start3A_83 = arith.constant 0 : i32
      %dma_start3A_84 = tpu.memref_slice %arg3[%dma_start3A_82, %dma_start3A_83] : memref<250000x128xf32, #tpu.memory_space<hbm>> -> memref<250000x128xf32, #tpu.memory_space<hbm>>
      tpu.enqueue_indirect_dma source(%dma_start3A_84 : memref<250000x128xf32, #tpu.memory_space<hbm>>) target(%arg10 : memref<128x128xf32, #tpu.memory_space<vmem>>) offsets(%dma_start3A_81 : memref<128xi32, #tpu.memory_space<vmem>>) semaphore(%arg18 : memref<!tpu.dma_semaphore, #tpu.memory_space<semaphore_mem>>)
      %dma_wait3A_85 = arith.constant 0 : i32
      %dma_wait3A_86 = tpu.memref_slice %arg6[%dma_wait3A_85] : memref<512xi32, #tpu.memory_space<vmem>> -> memref<128xi32, #tpu.memory_space<vmem>>
      %dma_wait3A_87 = arith.constant 0 : i32
      %dma_wait3A_88 = arith.constant 0 : i32
      %dma_wait3A_89 = tpu.memref_slice %arg3[%dma_wait3A_87, %dma_wait3A_88] : memref<250000x128xf32, #tpu.memory_space<hbm>> -> memref<250000x128xf32, #tpu.memory_space<hbm>>
      tpu.wait_indirect_dma semaphore(%arg15 : memref<!tpu.dma_semaphore, #tpu.memory_space<semaphore_mem>>) src(%dma_wait3A_89 : memref<250000x128xf32, #tpu.memory_space<hbm>>) dst(%arg7 : memref<128x128xf32, #tpu.memory_space<vmem>>)
      %parallel_loop3A_90 = arith.constant 0 : i32
      %parallel_loop3A_91 = arith.constant 8 : i32
      %parallel_loop3A_92 = arith.constant 1 : i32
      scf.for %parallel_loop3A_149 = %parallel_loop3A_90 to %parallel_loop3A_91 step %parallel_loop3A_92  : i32 {
        %parallel_loop3A_150 = arith.constant 16 : i32
        %parallel_loop3A_151 = arith.muli %parallel_loop3A_149, %parallel_loop3A_150 : i32
        %parallel_loop3A_152 = arith.constant 0 : i32
        %parallel_loop3A_153 = arith.addi %parallel_loop3A_152, %parallel_loop3A_151 : i32
        %parallel_loop3A_154 = arith.index_cast %parallel_loop3A_153 : i32 to index
        %parallel_loop3A_155 = tpu.vector_load %arg5[%parallel_loop3A_154] {strides = array<i32>} : memref<512xi32, #tpu.memory_space<vmem>>, vector<16xi32>,
        %parallel_loop3A_156 = arith.constant 3 : i32
        %parallel_loop3A_157 = vector.broadcast %parallel_loop3A_156 : i32 to vector<16xi32>
        %parallel_loop3A_158 = arith.andi %parallel_loop3A_155, %parallel_loop3A_157 : vector<16xi32>
        %parallel_loop3A_159 = arith.constant 16 : i32
        %parallel_loop3A_160 = arith.muli %parallel_loop3A_149, %parallel_loop3A_159 : i32
        %parallel_loop3A_161 = vector.broadcast %parallel_loop3A_160 : i32 to vector<16xi32>
        %parallel_loop3A_162 = arith.addi %iota3A, %parallel_loop3A_161 : vector<16xi32>
        %parallel_loop3A_163 = arith.constant 0 : i32
        %parallel_loop3A_164 = vector.broadcast %parallel_loop3A_163 : i32 to vector<16xi32>
        %parallel_loop3A_165 = arith.addi %parallel_loop3A_158, %parallel_loop3A_164 : vector<16xi32>
        %parallel_loop3A_166 = tpu.vector_load_idx %arg7[%parallel_loop3A_162, %parallel_loop3A_165] : memref<128x128xf32, #tpu.memory_space<vmem>>[vector<16xi32>, vector<16xi32>], vector<16xf32>,
        %parallel_loop3A_167 = arith.constant 16 : i32
        %parallel_loop3A_168 = arith.muli %parallel_loop3A_149, %parallel_loop3A_167 : i32
        %parallel_loop3A_169 = arith.constant 0 : i32
        %parallel_loop3A_170 = arith.index_cast %parallel_loop3A_169 : i32 to index
        %parallel_loop3A_171 = arith.index_cast %parallel_loop3A_168 : i32 to index
        %parallel_loop3A_172 = tpu.vector_load %arg11[%parallel_loop3A_170, %parallel_loop3A_171] {strides = array<i32>} : memref<32x128xf32, #tpu.memory_space<vmem>>, vector<16xf32>,
        tpu.vector_store %arg11[%parallel_loop3A_170, %parallel_loop3A_171], %parallel_loop3A_166 {strides = array<i32>} : memref<32x128xf32, #tpu.memory_space<vmem>>, vector<16xf32>,
        %parallel_loop3A_173 = arith.constant 4 : i32
        %parallel_loop3A_174 = vector.broadcast %parallel_loop3A_173 : i32 to vector<16xi32>
        %parallel_loop3A_175 = arith.addi %parallel_loop3A_158, %parallel_loop3A_174 : vector<16xi32>
        %parallel_loop3A_176 = tpu.vector_load_idx %arg7[%parallel_loop3A_162, %parallel_loop3A_175] : memref<128x128xf32, #tpu.memory_space<vmem>>[vector<16xi32>, vector<16xi32>], vector<16xf32>,
        %parallel_loop3A_177 = arith.constant 16 : i32
        %parallel_loop3A_178 = arith.muli %parallel_loop3A_149, %parallel_loop3A_177 : i32
        %parallel_loop3A_179 = arith.constant 1 : i32
        %parallel_loop3A_180 = arith.index_cast %parallel_loop3A_179 : i32 to index
        %parallel_loop3A_181 = arith.index_cast %parallel_loop3A_178 : i32 to index
        %parallel_loop3A_182 = tpu.vector_load %arg11[%parallel_loop3A_180, %parallel_loop3A_181] {strides = array<i32>} : memref<32x128xf32, #tpu.memory_space<vmem>>, vector<16xf32>,
        tpu.vector_store %arg11[%parallel_loop3A_180, %parallel_loop3A_181], %parallel_loop3A_176 {strides = array<i32>} : memref<32x128xf32, #tpu.memory_space<vmem>>, vector<16xf32>,
        %parallel_loop3A_183 = arith.constant 8 : i32
        %parallel_loop3A_184 = vector.broadcast %parallel_loop3A_183 : i32 to vector<16xi32>
        %parallel_loop3A_185 = arith.addi %parallel_loop3A_158, %parallel_loop3A_184 : vector<16xi32>
        %parallel_loop3A_186 = tpu.vector_load_idx %arg7[%parallel_loop3A_162, %parallel_loop3A_185] : memref<128x128xf32, #tpu.memory_space<vmem>>[vector<16xi32>, vector<16xi32>], vector<16xf32>,
        %parallel_loop3A_187 = arith.constant 16 : i32
        %parallel_loop3A_188 = arith.muli %parallel_loop3A_149, %parallel_loop3A_187 : i32
        %parallel_loop3A_189 = arith.constant 2 : i32
        %parallel_loop3A_190 = arith.index_cast %parallel_loop3A_189 : i32 to index
        %parallel_loop3A_191 = arith.index_cast %parallel_loop3A_188 : i32 to index
        %parallel_loop3A_192 = tpu.vector_load %arg11[%parallel_loop3A_190, %parallel_loop3A_191] {strides = array<i32>} : memref<32x128xf32, #tpu.memory_space<vmem>>, vector<16xf32>,
        tpu.vector_store %arg11[%parallel_loop3A_190, %parallel_loop3A_191], %parallel_loop3A_186 {strides = array<i32>} : memref<32x128xf32, #tpu.memory_space<vmem>>, vector<16xf32>,
        %parallel_loop3A_193 = arith.constant 12 : i32
        %parallel_loop3A_194 = vector.broadcast %parallel_loop3A_193 : i32 to vector<16xi32>
        %parallel_loop3A_195 = arith.addi %parallel_loop3A_158, %parallel_loop3A_194 : vector<16xi32>
        %parallel_loop3A_196 = tpu.vector_load_idx %arg7[%parallel_loop3A_162, %parallel_loop3A_195] : memref<128x128xf32, #tpu.memory_space<vmem>>[vector<16xi32>, vector<16xi32>], vector<16xf32>,
        %parallel_loop3A_197 = arith.constant 16 : i32
        %parallel_loop3A_198 = arith.muli %parallel_loop3A_149, %parallel_loop3A_197 : i32
        %parallel_loop3A_199 = arith.constant 3 : i32
        %parallel_loop3A_200 = arith.index_cast %parallel_loop3A_199 : i32 to index
        %parallel_loop3A_201 = arith.index_cast %parallel_loop3A_198 : i32 to index
        %parallel_loop3A_202 = tpu.vector_load %arg11[%parallel_loop3A_200, %parallel_loop3A_201] {strides = array<i32>} : memref<32x128xf32, #tpu.memory_space<vmem>>, vector<16xf32>,
        tpu.vector_store %arg11[%parallel_loop3A_200, %parallel_loop3A_201], %parallel_loop3A_196 {strides = array<i32>} : memref<32x128xf32, #tpu.memory_space<vmem>>, vector<16xf32>,
        %parallel_loop3A_203 = arith.constant 16 : i32
        %parallel_loop3A_204 = vector.broadcast %parallel_loop3A_203 : i32 to vector<16xi32>
        %parallel_loop3A_205 = arith.addi %parallel_loop3A_158, %parallel_loop3A_204 : vector<16xi32>
        %parallel_loop3A_206 = tpu.vector_load_idx %arg7[%parallel_loop3A_162, %parallel_loop3A_205] : memref<128x128xf32, #tpu.memory_space<vmem>>[vector<16xi32>, vector<16xi32>], vector<16xf32>,
        %parallel_loop3A_207 = arith.constant 16 : i32
        %parallel_loop3A_208 = arith.muli %parallel_loop3A_149, %parallel_loop3A_207 : i32
        %parallel_loop3A_209 = arith.constant 4 : i32
        %parallel_loop3A_210 = arith.index_cast %parallel_loop3A_209 : i32 to index
        %parallel_loop3A_211 = arith.index_cast %parallel_loop3A_208 : i32 to index
        %parallel_loop3A_212 = tpu.vector_load %arg11[%parallel_loop3A_210, %parallel_loop3A_211] {strides = array<i32>} : memref<32x128xf32, #tpu.memory_space<vmem>>, vector<16xf32>,
        tpu.vector_store %arg11[%parallel_loop3A_210, %parallel_loop3A_211], %parallel_loop3A_206 {strides = array<i32>} : memref<32x128xf32, #tpu.memory_space<vmem>>, vector<16xf32>,
        %parallel_loop3A_213 = arith.constant 20 : i32
        %parallel_loop3A_214 = vector.broadcast %parallel_loop3A_213 : i32 to vector<16xi32>
        %parallel_loop3A_215 = arith.addi %parallel_loop3A_158, %parallel_loop3A_214 : vector<16xi32>
        %parallel_loop3A_216 = tpu.vector_load_idx %arg7[%parallel_loop3A_162, %parallel_loop3A_215] : memref<128x128xf32, #tpu.memory_space<vmem>>[vector<16xi32>, vector<16xi32>], vector<16xf32>,
        %parallel_loop3A_217 = arith.constant 16 : i32
        %parallel_loop3A_218 = arith.muli %parallel_loop3A_149, %parallel_loop3A_217 : i32
        %parallel_loop3A_219 = arith.constant 5 : i32
        %parallel_loop3A_220 = arith.index_cast %parallel_loop3A_219 : i32 to index
        %parallel_loop3A_221 = arith.index_cast %parallel_loop3A_218 : i32 to index
        %parallel_loop3A_222 = tpu.vector_load %arg11[%parallel_loop3A_220, %parallel_loop3A_221] {strides = array<i32>} : memref<32x128xf32, #tpu.memory_space<vmem>>, vector<16xf32>,
        tpu.vector_store %arg11[%parallel_loop3A_220, %parallel_loop3A_221], %parallel_loop3A_216 {strides = array<i32>} : memref<32x128xf32, #tpu.memory_space<vmem>>, vector<16xf32>,
        %parallel_loop3A_223 = arith.constant 24 : i32
        %parallel_loop3A_224 = vector.broadcast %parallel_loop3A_223 : i32 to vector<16xi32>
        %parallel_loop3A_225 = arith.addi %parallel_loop3A_158, %parallel_loop3A_224 : vector<16xi32>
        %parallel_loop3A_226 = tpu.vector_load_idx %arg7[%parallel_loop3A_162, %parallel_loop3A_225] : memref<128x128xf32, #tpu.memory_space<vmem>>[vector<16xi32>, vector<16xi32>], vector<16xf32>,
        %parallel_loop3A_227 = arith.constant 16 : i32
        %parallel_loop3A_228 = arith.muli %parallel_loop3A_149, %parallel_loop3A_227 : i32
        %parallel_loop3A_229 = arith.constant 6 : i32
        %parallel_loop3A_230 = arith.index_cast %parallel_loop3A_229 : i32 to index
        %parallel_loop3A_231 = arith.index_cast %parallel_loop3A_228 : i32 to index
        %parallel_loop3A_232 = tpu.vector_load %arg11[%parallel_loop3A_230, %parallel_loop3A_231] {strides = array<i32>} : memref<32x128xf32, #tpu.memory_space<vmem>>, vector<16xf32>,
        tpu.vector_store %arg11[%parallel_loop3A_230, %parallel_loop3A_231], %parallel_loop3A_226 {strides = array<i32>} : memref<32x128xf32, #tpu.memory_space<vmem>>, vector<16xf32>,
        %parallel_loop3A_233 = arith.constant 28 : i32
        %parallel_loop3A_234 = vector.broadcast %parallel_loop3A_233 : i32 to vector<16xi32>
        %parallel_loop3A_235 = arith.addi %parallel_loop3A_158, %parallel_loop3A_234 : vector<16xi32>
        %parallel_loop3A_236 = tpu.vector_load_idx %arg7[%parallel_loop3A_162, %parallel_loop3A_235] : memref<128x128xf32, #tpu.memory_space<vmem>>[vector<16xi32>, vector<16xi32>], vector<16xf32>,
        %parallel_loop3A_237 = arith.constant 16 : i32
        %parallel_loop3A_238 = arith.muli %parallel_loop3A_149, %parallel_loop3A_237 : i32
        %parallel_loop3A_239 = arith.constant 7 : i32
        %parallel_loop3A_240 = arith.index_cast %parallel_loop3A_239 : i32 to index
        %parallel_loop3A_241 = arith.index_cast %parallel_loop3A_238 : i32 to index
        %parallel_loop3A_242 = tpu.vector_load %arg11[%parallel_loop3A_240, %parallel_loop3A_241] {strides = array<i32>} : memref<32x128xf32, #tpu.memory_space<vmem>>, vector<16xf32>,
        tpu.vector_store %arg11[%parallel_loop3A_240, %parallel_loop3A_241], %parallel_loop3A_236 {strides = array<i32>} : memref<32x128xf32, #tpu.memory_space<vmem>>, vector<16xf32>,
        %parallel_loop3A_243 = arith.constant 32 : i32
        %parallel_loop3A_244 = vector.broadcast %parallel_loop3A_243 : i32 to vector<16xi32>
        %parallel_loop3A_245 = arith.addi %parallel_loop3A_158, %parallel_loop3A_244 : vector<16xi32>
        %parallel_loop3A_246 = tpu.vector_load_idx %arg7[%parallel_loop3A_162, %parallel_loop3A_245] : memref<128x128xf32, #tpu.memory_space<vmem>>[vector<16xi32>, vector<16xi32>], vector<16xf32>,
        %parallel_loop3A_247 = arith.constant 16 : i32
        %parallel_loop3A_248 = arith.muli %parallel_loop3A_149, %parallel_loop3A_247 : i32
        %parallel_loop3A_249 = arith.constant 8 : i32
        %parallel_loop3A_250 = arith.index_cast %parallel_loop3A_249 : i32 to index
        %parallel_loop3A_251 = arith.index_cast %parallel_loop3A_248 : i32 to index
        %parallel_loop3A_252 = tpu.vector_load %arg11[%parallel_loop3A_250, %parallel_loop3A_251] {strides = array<i32>} : memref<32x128xf32, #tpu.memory_space<vmem>>, vector<16xf32>,
        tpu.vector_store %arg11[%parallel_loop3A_250, %parallel_loop3A_251], %parallel_loop3A_246 {strides = array<i32>} : memref<32x128xf32, #tpu.memory_space<vmem>>, vector<16xf32>,
        %parallel_loop3A_253 = arith.constant 36 : i32
        %parallel_loop3A_254 = vector.broadcast %parallel_loop3A_253 : i32 to vector<16xi32>
        %parallel_loop3A_255 = arith.addi %parallel_loop3A_158, %parallel_loop3A_254 : vector<16xi32>
        %parallel_loop3A_256 = tpu.vector_load_idx %arg7[%parallel_loop3A_162, %parallel_loop3A_255] : memref<128x128xf32, #tpu.memory_space<vmem>>[vector<16xi32>, vector<16xi32>], vector<16xf32>,
        %parallel_loop3A_257 = arith.constant 16 : i32
        %parallel_loop3A_258 = arith.muli %parallel_loop3A_149, %parallel_loop3A_257 : i32
        %parallel_loop3A_259 = arith.constant 9 : i32
        %parallel_loop3A_260 = arith.index_cast %parallel_loop3A_259 : i32 to index
        %parallel_loop3A_261 = arith.index_cast %parallel_loop3A_258 : i32 to index
        %parallel_loop3A_262 = tpu.vector_load %arg11[%parallel_loop3A_260, %parallel_loop3A_261] {strides = array<i32>} : memref<32x128xf32, #tpu.memory_space<vmem>>, vector<16xf32>,
        tpu.vector_store %arg11[%parallel_loop3A_260, %parallel_loop3A_261], %parallel_loop3A_256 {strides = array<i32>} : memref<32x128xf32, #tpu.memory_space<vmem>>, vector<16xf32>,
        %parallel_loop3A_263 = arith.constant 40 : i32
        %parallel_loop3A_264 = vector.broadcast %parallel_loop3A_263 : i32 to vector<16xi32>
        %parallel_loop3A_265 = arith.addi %parallel_loop3A_158, %parallel_loop3A_264 : vector<16xi32>
        %parallel_loop3A_266 = tpu.vector_load_idx %arg7[%parallel_loop3A_162, %parallel_loop3A_265] : memref<128x128xf32, #tpu.memory_space<vmem>>[vector<16xi32>, vector<16xi32>], vector<16xf32>,
        %parallel_loop3A_267 = arith.constant 16 : i32
        %parallel_loop3A_268 = arith.muli %parallel_loop3A_149, %parallel_loop3A_267 : i32
        %parallel_loop3A_269 = arith.constant 10 : i32
        %parallel_loop3A_270 = arith.index_cast %parallel_loop3A_269 : i32 to index
        %parallel_loop3A_271 = arith.index_cast %parallel_loop3A_268 : i32 to index
        %parallel_loop3A_272 = tpu.vector_load %arg11[%parallel_loop3A_270, %parallel_loop3A_271] {strides = array<i32>} : memref<32x128xf32, #tpu.memory_space<vmem>>, vector<16xf32>,
        tpu.vector_store %arg11[%parallel_loop3A_270, %parallel_loop3A_271], %parallel_loop3A_266 {strides = array<i32>} : memref<32x128xf32, #tpu.memory_space<vmem>>, vector<16xf32>,
        %parallel_loop3A_273 = arith.constant 44 : i32
        %parallel_loop3A_274 = vector.broadcast %parallel_loop3A_273 : i32 to vector<16xi32>
        %parallel_loop3A_275 = arith.addi %parallel_loop3A_158, %parallel_loop3A_274 : vector<16xi32>
        %parallel_loop3A_276 = tpu.vector_load_idx %arg7[%parallel_loop3A_162, %parallel_loop3A_275] : memref<128x128xf32, #tpu.memory_space<vmem>>[vector<16xi32>, vector<16xi32>], vector<16xf32>,
        %parallel_loop3A_277 = arith.constant 16 : i32
        %parallel_loop3A_278 = arith.muli %parallel_loop3A_149, %parallel_loop3A_277 : i32
        %parallel_loop3A_279 = arith.constant 11 : i32
        %parallel_loop3A_280 = arith.index_cast %parallel_loop3A_279 : i32 to index
        %parallel_loop3A_281 = arith.index_cast %parallel_loop3A_278 : i32 to index
        %parallel_loop3A_282 = tpu.vector_load %arg11[%parallel_loop3A_280, %parallel_loop3A_281] {strides = array<i32>} : memref<32x128xf32, #tpu.memory_space<vmem>>, vector<16xf32>,
        tpu.vector_store %arg11[%parallel_loop3A_280, %parallel_loop3A_281], %parallel_loop3A_276 {strides = array<i32>} : memref<32x128xf32, #tpu.memory_space<vmem>>, vector<16xf32>,
        %parallel_loop3A_283 = arith.constant 48 : i32
        %parallel_loop3A_284 = vector.broadcast %parallel_loop3A_283 : i32 to vector<16xi32>
        %parallel_loop3A_285 = arith.addi %parallel_loop3A_158, %parallel_loop3A_284 : vector<16xi32>
        %parallel_loop3A_286 = tpu.vector_load_idx %arg7[%parallel_loop3A_162, %parallel_loop3A_285] : memref<128x128xf32, #tpu.memory_space<vmem>>[vector<16xi32>, vector<16xi32>], vector<16xf32>,
        %parallel_loop3A_287 = arith.constant 16 : i32
        %parallel_loop3A_288 = arith.muli %parallel_loop3A_149, %parallel_loop3A_287 : i32
        %parallel_loop3A_289 = arith.constant 12 : i32
        %parallel_loop3A_290 = arith.index_cast %parallel_loop3A_289 : i32 to index
        %parallel_loop3A_291 = arith.index_cast %parallel_loop3A_288 : i32 to index
        %parallel_loop3A_292 = tpu.vector_load %arg11[%parallel_loop3A_290, %parallel_loop3A_291] {strides = array<i32>} : memref<32x128xf32, #tpu.memory_space<vmem>>, vector<16xf32>,
        tpu.vector_store %arg11[%parallel_loop3A_290, %parallel_loop3A_291], %parallel_loop3A_286 {strides = array<i32>} : memref<32x128xf32, #tpu.memory_space<vmem>>, vector<16xf32>,
        %parallel_loop3A_293 = arith.constant 52 : i32
        %parallel_loop3A_294 = vector.broadcast %parallel_loop3A_293 : i32 to vector<16xi32>
        %parallel_loop3A_295 = arith.addi %parallel_loop3A_158, %parallel_loop3A_294 : vector<16xi32>
        %parallel_loop3A_296 = tpu.vector_load_idx %arg7[%parallel_loop3A_162, %parallel_loop3A_295] : memref<128x128xf32, #tpu.memory_space<vmem>>[vector<16xi32>, vector<16xi32>], vector<16xf32>,
        %parallel_loop3A_297 = arith.constant 16 : i32
        %parallel_loop3A_298 = arith.muli %parallel_loop3A_149, %parallel_loop3A_297 : i32
        %parallel_loop3A_299 = arith.constant 13 : i32
        %parallel_loop3A_300 = arith.index_cast %parallel_loop3A_299 : i32 to index
        %parallel_loop3A_301 = arith.index_cast %parallel_loop3A_298 : i32 to index
        %parallel_loop3A_302 = tpu.vector_load %arg11[%parallel_loop3A_300, %parallel_loop3A_301] {strides = array<i32>} : memref<32x128xf32, #tpu.memory_space<vmem>>, vector<16xf32>,
        tpu.vector_store %arg11[%parallel_loop3A_300, %parallel_loop3A_301], %parallel_loop3A_296 {strides = array<i32>} : memref<32x128xf32, #tpu.memory_space<vmem>>, vector<16xf32>,
        %parallel_loop3A_303 = arith.constant 56 : i32
        %parallel_loop3A_304 = vector.broadcast %parallel_loop3A_303 : i32 to vector<16xi32>
        %parallel_loop3A_305 = arith.addi %parallel_loop3A_158, %parallel_loop3A_304 : vector<16xi32>
        %parallel_loop3A_306 = tpu.vector_load_idx %arg7[%parallel_loop3A_162, %parallel_loop3A_305] : memref<128x128xf32, #tpu.memory_space<vmem>>[vector<16xi32>, vector<16xi32>], vector<16xf32>,
        %parallel_loop3A_307 = arith.constant 16 : i32
        %parallel_loop3A_308 = arith.muli %parallel_loop3A_149, %parallel_loop3A_307 : i32
        %parallel_loop3A_309 = arith.constant 14 : i32
        %parallel_loop3A_310 = arith.index_cast %parallel_loop3A_309 : i32 to index
        %parallel_loop3A_311 = arith.index_cast %parallel_loop3A_308 : i32 to index
        %parallel_loop3A_312 = tpu.vector_load %arg11[%parallel_loop3A_310, %parallel_loop3A_311] {strides = array<i32>} : memref<32x128xf32, #tpu.memory_space<vmem>>, vector<16xf32>,
        tpu.vector_store %arg11[%parallel_loop3A_310, %parallel_loop3A_311], %parallel_loop3A_306 {strides = array<i32>} : memref<32x128xf32, #tpu.memory_space<vmem>>, vector<16xf32>,
        %parallel_loop3A_313 = arith.constant 60 : i32
        %parallel_loop3A_314 = vector.broadcast %parallel_loop3A_313 : i32 to vector<16xi32>
        %parallel_loop3A_315 = arith.addi %parallel_loop3A_158, %parallel_loop3A_314 : vector<16xi32>
        %parallel_loop3A_316 = tpu.vector_load_idx %arg7[%parallel_loop3A_162, %parallel_loop3A_315] : memref<128x128xf32, #tpu.memory_space<vmem>>[vector<16xi32>, vector<16xi32>], vector<16xf32>,
        %parallel_loop3A_317 = arith.constant 16 : i32
        %parallel_loop3A_318 = arith.muli %parallel_loop3A_149, %parallel_loop3A_317 : i32
        %parallel_loop3A_319 = arith.constant 15 : i32
        %parallel_loop3A_320 = arith.index_cast %parallel_loop3A_319 : i32 to index
        %parallel_loop3A_321 = arith.index_cast %parallel_loop3A_318 : i32 to index
        %parallel_loop3A_322 = tpu.vector_load %arg11[%parallel_loop3A_320, %parallel_loop3A_321] {strides = array<i32>} : memref<32x128xf32, #tpu.memory_space<vmem>>, vector<16xf32>,
        tpu.vector_store %arg11[%parallel_loop3A_320, %parallel_loop3A_321], %parallel_loop3A_316 {strides = array<i32>} : memref<32x128xf32, #tpu.memory_space<vmem>>, vector<16xf32>,
        %parallel_loop3A_323 = arith.constant 64 : i32
        %parallel_loop3A_324 = vector.broadcast %parallel_loop3A_323 : i32 to vector<16xi32>
        %parallel_loop3A_325 = arith.addi %parallel_loop3A_158, %parallel_loop3A_324 : vector<16xi32>
        %parallel_loop3A_326 = tpu.vector_load_idx %arg7[%parallel_loop3A_162, %parallel_loop3A_325] : memref<128x128xf32, #tpu.memory_space<vmem>>[vector<16xi32>, vector<16xi32>], vector<16xf32>,
        %parallel_loop3A_327 = arith.constant 16 : i32
        %parallel_loop3A_328 = arith.muli %parallel_loop3A_149, %parallel_loop3A_327 : i32
        %parallel_loop3A_329 = arith.constant 16 : i32
        %parallel_loop3A_330 = arith.index_cast %parallel_loop3A_329 : i32 to index
        %parallel_loop3A_331 = arith.index_cast %parallel_loop3A_328 : i32 to index
        %parallel_loop3A_332 = tpu.vector_load %arg11[%parallel_loop3A_330, %parallel_loop3A_331] {strides = array<i32>} : memref<32x128xf32, #tpu.memory_space<vmem>>, vector<16xf32>,
        tpu.vector_store %arg11[%parallel_loop3A_330, %parallel_loop3A_331], %parallel_loop3A_326 {strides = array<i32>} : memref<32x128xf32, #tpu.memory_space<vmem>>, vector<16xf32>,
        %parallel_loop3A_333 = arith.constant 68 : i32
        %parallel_loop3A_334 = vector.broadcast %parallel_loop3A_333 : i32 to vector<16xi32>
        %parallel_loop3A_335 = arith.addi %parallel_loop3A_158, %parallel_loop3A_334 : vector<16xi32>
        %parallel_loop3A_336 = tpu.vector_load_idx %arg7[%parallel_loop3A_162, %parallel_loop3A_335] : memref<128x128xf32, #tpu.memory_space<vmem>>[vector<16xi32>, vector<16xi32>], vector<16xf32>,
        %parallel_loop3A_337 = arith.constant 16 : i32
        %parallel_loop3A_338 = arith.muli %parallel_loop3A_149, %parallel_loop3A_337 : i32
        %parallel_loop3A_339 = arith.constant 17 : i32
        %parallel_loop3A_340 = arith.index_cast %parallel_loop3A_339 : i32 to index
        %parallel_loop3A_341 = arith.index_cast %parallel_loop3A_338 : i32 to index
        %parallel_loop3A_342 = tpu.vector_load %arg11[%parallel_loop3A_340, %parallel_loop3A_341] {strides = array<i32>} : memref<32x128xf32, #tpu.memory_space<vmem>>, vector<16xf32>,
        tpu.vector_store %arg11[%parallel_loop3A_340, %parallel_loop3A_341], %parallel_loop3A_336 {strides = array<i32>} : memref<32x128xf32, #tpu.memory_space<vmem>>, vector<16xf32>,
        %parallel_loop3A_343 = arith.constant 72 : i32
        %parallel_loop3A_344 = vector.broadcast %parallel_loop3A_343 : i32 to vector<16xi32>
        %parallel_loop3A_345 = arith.addi %parallel_loop3A_158, %parallel_loop3A_344 : vector<16xi32>
        %parallel_loop3A_346 = tpu.vector_load_idx %arg7[%parallel_loop3A_162, %parallel_loop3A_345] : memref<128x128xf32, #tpu.memory_space<vmem>>[vector<16xi32>, vector<16xi32>], vector<16xf32>,
        %parallel_loop3A_347 = arith.constant 16 : i32
        %parallel_loop3A_348 = arith.muli %parallel_loop3A_149, %parallel_loop3A_347 : i32
        %parallel_loop3A_349 = arith.constant 18 : i32
        %parallel_loop3A_350 = arith.index_cast %parallel_loop3A_349 : i32 to index
        %parallel_loop3A_351 = arith.index_cast %parallel_loop3A_348 : i32 to index
        %parallel_loop3A_352 = tpu.vector_load %arg11[%parallel_loop3A_350, %parallel_loop3A_351] {strides = array<i32>} : memref<32x128xf32, #tpu.memory_space<vmem>>, vector<16xf32>,
        tpu.vector_store %arg11[%parallel_loop3A_350, %parallel_loop3A_351], %parallel_loop3A_346 {strides = array<i32>} : memref<32x128xf32, #tpu.memory_space<vmem>>, vector<16xf32>,
        %parallel_loop3A_353 = arith.constant 76 : i32
        %parallel_loop3A_354 = vector.broadcast %parallel_loop3A_353 : i32 to vector<16xi32>
        %parallel_loop3A_355 = arith.addi %parallel_loop3A_158, %parallel_loop3A_354 : vector<16xi32>
        %parallel_loop3A_356 = tpu.vector_load_idx %arg7[%parallel_loop3A_162, %parallel_loop3A_355] : memref<128x128xf32, #tpu.memory_space<vmem>>[vector<16xi32>, vector<16xi32>], vector<16xf32>,
        %parallel_loop3A_357 = arith.constant 16 : i32
        %parallel_loop3A_358 = arith.muli %parallel_loop3A_149, %parallel_loop3A_357 : i32
        %parallel_loop3A_359 = arith.constant 19 : i32
        %parallel_loop3A_360 = arith.index_cast %parallel_loop3A_359 : i32 to index
        %parallel_loop3A_361 = arith.index_cast %parallel_loop3A_358 : i32 to index
        %parallel_loop3A_362 = tpu.vector_load %arg11[%parallel_loop3A_360, %parallel_loop3A_361] {strides = array<i32>} : memref<32x128xf32, #tpu.memory_space<vmem>>, vector<16xf32>,
        tpu.vector_store %arg11[%parallel_loop3A_360, %parallel_loop3A_361], %parallel_loop3A_356 {strides = array<i32>} : memref<32x128xf32, #tpu.memory_space<vmem>>, vector<16xf32>,
        %parallel_loop3A_363 = arith.constant 80 : i32
        %parallel_loop3A_364 = vector.broadcast %parallel_loop3A_363 : i32 to vector<16xi32>
        %parallel_loop3A_365 = arith.addi %parallel_loop3A_158, %parallel_loop3A_364 : vector<16xi32>
        %parallel_loop3A_366 = tpu.vector_load_idx %arg7[%parallel_loop3A_162, %parallel_loop3A_365] : memref<128x128xf32, #tpu.memory_space<vmem>>[vector<16xi32>, vector<16xi32>], vector<16xf32>,
        %parallel_loop3A_367 = arith.constant 16 : i32
        %parallel_loop3A_368 = arith.muli %parallel_loop3A_149, %parallel_loop3A_367 : i32
        %parallel_loop3A_369 = arith.constant 20 : i32
        %parallel_loop3A_370 = arith.index_cast %parallel_loop3A_369 : i32 to index
        %parallel_loop3A_371 = arith.index_cast %parallel_loop3A_368 : i32 to index
        %parallel_loop3A_372 = tpu.vector_load %arg11[%parallel_loop3A_370, %parallel_loop3A_371] {strides = array<i32>} : memref<32x128xf32, #tpu.memory_space<vmem>>, vector<16xf32>,
        tpu.vector_store %arg11[%parallel_loop3A_370, %parallel_loop3A_371], %parallel_loop3A_366 {strides = array<i32>} : memref<32x128xf32, #tpu.memory_space<vmem>>, vector<16xf32>,
        %parallel_loop3A_373 = arith.constant 84 : i32
        %parallel_loop3A_374 = vector.broadcast %parallel_loop3A_373 : i32 to vector<16xi32>
        %parallel_loop3A_375 = arith.addi %parallel_loop3A_158, %parallel_loop3A_374 : vector<16xi32>
        %parallel_loop3A_376 = tpu.vector_load_idx %arg7[%parallel_loop3A_162, %parallel_loop3A_375] : memref<128x128xf32, #tpu.memory_space<vmem>>[vector<16xi32>, vector<16xi32>], vector<16xf32>,
        %parallel_loop3A_377 = arith.constant 16 : i32
        %parallel_loop3A_378 = arith.muli %parallel_loop3A_149, %parallel_loop3A_377 : i32
        %parallel_loop3A_379 = arith.constant 21 : i32
        %parallel_loop3A_380 = arith.index_cast %parallel_loop3A_379 : i32 to index
        %parallel_loop3A_381 = arith.index_cast %parallel_loop3A_378 : i32 to index
        %parallel_loop3A_382 = tpu.vector_load %arg11[%parallel_loop3A_380, %parallel_loop3A_381] {strides = array<i32>} : memref<32x128xf32, #tpu.memory_space<vmem>>, vector<16xf32>,
        tpu.vector_store %arg11[%parallel_loop3A_380, %parallel_loop3A_381], %parallel_loop3A_376 {strides = array<i32>} : memref<32x128xf32, #tpu.memory_space<vmem>>, vector<16xf32>,
        %parallel_loop3A_383 = arith.constant 88 : i32
        %parallel_loop3A_384 = vector.broadcast %parallel_loop3A_383 : i32 to vector<16xi32>
        %parallel_loop3A_385 = arith.addi %parallel_loop3A_158, %parallel_loop3A_384 : vector<16xi32>
        %parallel_loop3A_386 = tpu.vector_load_idx %arg7[%parallel_loop3A_162, %parallel_loop3A_385] : memref<128x128xf32, #tpu.memory_space<vmem>>[vector<16xi32>, vector<16xi32>], vector<16xf32>,
        %parallel_loop3A_387 = arith.constant 16 : i32
        %parallel_loop3A_388 = arith.muli %parallel_loop3A_149, %parallel_loop3A_387 : i32
        %parallel_loop3A_389 = arith.constant 22 : i32
        %parallel_loop3A_390 = arith.index_cast %parallel_loop3A_389 : i32 to index
        %parallel_loop3A_391 = arith.index_cast %parallel_loop3A_388 : i32 to index
        %parallel_loop3A_392 = tpu.vector_load %arg11[%parallel_loop3A_390, %parallel_loop3A_391] {strides = array<i32>} : memref<32x128xf32, #tpu.memory_space<vmem>>, vector<16xf32>,
        tpu.vector_store %arg11[%parallel_loop3A_390, %parallel_loop3A_391], %parallel_loop3A_386 {strides = array<i32>} : memref<32x128xf32, #tpu.memory_space<vmem>>, vector<16xf32>,
        %parallel_loop3A_393 = arith.constant 92 : i32
        %parallel_loop3A_394 = vector.broadcast %parallel_loop3A_393 : i32 to vector<16xi32>
        %parallel_loop3A_395 = arith.addi %parallel_loop3A_158, %parallel_loop3A_394 : vector<16xi32>
        %parallel_loop3A_396 = tpu.vector_load_idx %arg7[%parallel_loop3A_162, %parallel_loop3A_395] : memref<128x128xf32, #tpu.memory_space<vmem>>[vector<16xi32>, vector<16xi32>], vector<16xf32>,
        %parallel_loop3A_397 = arith.constant 16 : i32
        %parallel_loop3A_398 = arith.muli %parallel_loop3A_149, %parallel_loop3A_397 : i32
        %parallel_loop3A_399 = arith.constant 23 : i32
        %parallel_loop3A_400 = arith.index_cast %parallel_loop3A_399 : i32 to index
        %parallel_loop3A_401 = arith.index_cast %parallel_loop3A_398 : i32 to index
        %parallel_loop3A_402 = tpu.vector_load %arg11[%parallel_loop3A_400, %parallel_loop3A_401] {strides = array<i32>} : memref<32x128xf32, #tpu.memory_space<vmem>>, vector<16xf32>,
        tpu.vector_store %arg11[%parallel_loop3A_400, %parallel_loop3A_401], %parallel_loop3A_396 {strides = array<i32>} : memref<32x128xf32, #tpu.memory_space<vmem>>, vector<16xf32>,
        %parallel_loop3A_403 = arith.constant 96 : i32
        %parallel_loop3A_404 = vector.broadcast %parallel_loop3A_403 : i32 to vector<16xi32>
        %parallel_loop3A_405 = arith.addi %parallel_loop3A_158, %parallel_loop3A_404 : vector<16xi32>
        %parallel_loop3A_406 = tpu.vector_load_idx %arg7[%parallel_loop3A_162, %parallel_loop3A_405] : memref<128x128xf32, #tpu.memory_space<vmem>>[vector<16xi32>, vector<16xi32>], vector<16xf32>,
        %parallel_loop3A_407 = arith.constant 16 : i32
        %parallel_loop3A_408 = arith.muli %parallel_loop3A_149, %parallel_loop3A_407 : i32
        %parallel_loop3A_409 = arith.constant 24 : i32
        %parallel_loop3A_410 = arith.index_cast %parallel_loop3A_409 : i32 to index
        %parallel_loop3A_411 = arith.index_cast %parallel_loop3A_408 : i32 to index
        %parallel_loop3A_412 = tpu.vector_load %arg11[%parallel_loop3A_410, %parallel_loop3A_411] {strides = array<i32>} : memref<32x128xf32, #tpu.memory_space<vmem>>, vector<16xf32>,
        tpu.vector_store %arg11[%parallel_loop3A_410, %parallel_loop3A_411], %parallel_loop3A_406 {strides = array<i32>} : memref<32x128xf32, #tpu.memory_space<vmem>>, vector<16xf32>,
        %parallel_loop3A_413 = arith.constant 100 : i32
        %parallel_loop3A_414 = vector.broadcast %parallel_loop3A_413 : i32 to vector<16xi32>
        %parallel_loop3A_415 = arith.addi %parallel_loop3A_158, %parallel_loop3A_414 : vector<16xi32>
        %parallel_loop3A_416 = tpu.vector_load_idx %arg7[%parallel_loop3A_162, %parallel_loop3A_415] : memref<128x128xf32, #tpu.memory_space<vmem>>[vector<16xi32>, vector<16xi32>], vector<16xf32>,
        %parallel_loop3A_417 = arith.constant 16 : i32
        %parallel_loop3A_418 = arith.muli %parallel_loop3A_149, %parallel_loop3A_417 : i32
        %parallel_loop3A_419 = arith.constant 25 : i32
        %parallel_loop3A_420 = arith.index_cast %parallel_loop3A_419 : i32 to index
        %parallel_loop3A_421 = arith.index_cast %parallel_loop3A_418 : i32 to index
        %parallel_loop3A_422 = tpu.vector_load %arg11[%parallel_loop3A_420, %parallel_loop3A_421] {strides = array<i32>} : memref<32x128xf32, #tpu.memory_space<vmem>>, vector<16xf32>,
        tpu.vector_store %arg11[%parallel_loop3A_420, %parallel_loop3A_421], %parallel_loop3A_416 {strides = array<i32>} : memref<32x128xf32, #tpu.memory_space<vmem>>, vector<16xf32>,
        %parallel_loop3A_423 = arith.constant 104 : i32
        %parallel_loop3A_424 = vector.broadcast %parallel_loop3A_423 : i32 to vector<16xi32>
        %parallel_loop3A_425 = arith.addi %parallel_loop3A_158, %parallel_loop3A_424 : vector<16xi32>
        %parallel_loop3A_426 = tpu.vector_load_idx %arg7[%parallel_loop3A_162, %parallel_loop3A_425] : memref<128x128xf32, #tpu.memory_space<vmem>>[vector<16xi32>, vector<16xi32>], vector<16xf32>,
        %parallel_loop3A_427 = arith.constant 16 : i32
        %parallel_loop3A_428 = arith.muli %parallel_loop3A_149, %parallel_loop3A_427 : i32
        %parallel_loop3A_429 = arith.constant 26 : i32
        %parallel_loop3A_430 = arith.index_cast %parallel_loop3A_429 : i32 to index
        %parallel_loop3A_431 = arith.index_cast %parallel_loop3A_428 : i32 to index
        %parallel_loop3A_432 = tpu.vector_load %arg11[%parallel_loop3A_430, %parallel_loop3A_431] {strides = array<i32>} : memref<32x128xf32, #tpu.memory_space<vmem>>, vector<16xf32>,
        tpu.vector_store %arg11[%parallel_loop3A_430, %parallel_loop3A_431], %parallel_loop3A_426 {strides = array<i32>} : memref<32x128xf32, #tpu.memory_space<vmem>>, vector<16xf32>,
        %parallel_loop3A_433 = arith.constant 108 : i32
        %parallel_loop3A_434 = vector.broadcast %parallel_loop3A_433 : i32 to vector<16xi32>
        %parallel_loop3A_435 = arith.addi %parallel_loop3A_158, %parallel_loop3A_434 : vector<16xi32>
        %parallel_loop3A_436 = tpu.vector_load_idx %arg7[%parallel_loop3A_162, %parallel_loop3A_435] : memref<128x128xf32, #tpu.memory_space<vmem>>[vector<16xi32>, vector<16xi32>], vector<16xf32>,
        %parallel_loop3A_437 = arith.constant 16 : i32
        %parallel_loop3A_438 = arith.muli %parallel_loop3A_149, %parallel_loop3A_437 : i32
        %parallel_loop3A_439 = arith.constant 27 : i32
        %parallel_loop3A_440 = arith.index_cast %parallel_loop3A_439 : i32 to index
        %parallel_loop3A_441 = arith.index_cast %parallel_loop3A_438 : i32 to index
        %parallel_loop3A_442 = tpu.vector_load %arg11[%parallel_loop3A_440, %parallel_loop3A_441] {strides = array<i32>} : memref<32x128xf32, #tpu.memory_space<vmem>>, vector<16xf32>,
        tpu.vector_store %arg11[%parallel_loop3A_440, %parallel_loop3A_441], %parallel_loop3A_436 {strides = array<i32>} : memref<32x128xf32, #tpu.memory_space<vmem>>, vector<16xf32>,
        %parallel_loop3A_443 = arith.constant 112 : i32
        %parallel_loop3A_444 = vector.broadcast %parallel_loop3A_443 : i32 to vector<16xi32>
        %parallel_loop3A_445 = arith.addi %parallel_loop3A_158, %parallel_loop3A_444 : vector<16xi32>
        %parallel_loop3A_446 = tpu.vector_load_idx %arg7[%parallel_loop3A_162, %parallel_loop3A_445] : memref<128x128xf32, #tpu.memory_space<vmem>>[vector<16xi32>, vector<16xi32>], vector<16xf32>,
        %parallel_loop3A_447 = arith.constant 16 : i32
        %parallel_loop3A_448 = arith.muli %parallel_loop3A_149, %parallel_loop3A_447 : i32
        %parallel_loop3A_449 = arith.constant 28 : i32
        %parallel_loop3A_450 = arith.index_cast %parallel_loop3A_449 : i32 to index
        %parallel_loop3A_451 = arith.index_cast %parallel_loop3A_448 : i32 to index
        %parallel_loop3A_452 = tpu.vector_load %arg11[%parallel_loop3A_450, %parallel_loop3A_451] {strides = array<i32>} : memref<32x128xf32, #tpu.memory_space<vmem>>, vector<16xf32>,
        tpu.vector_store %arg11[%parallel_loop3A_450, %parallel_loop3A_451], %parallel_loop3A_446 {strides = array<i32>} : memref<32x128xf32, #tpu.memory_space<vmem>>, vector<16xf32>,
        %parallel_loop3A_453 = arith.constant 116 : i32
        %parallel_loop3A_454 = vector.broadcast %parallel_loop3A_453 : i32 to vector<16xi32>
        %parallel_loop3A_455 = arith.addi %parallel_loop3A_158, %parallel_loop3A_454 : vector<16xi32>
        %parallel_loop3A_456 = tpu.vector_load_idx %arg7[%parallel_loop3A_162, %parallel_loop3A_455] : memref<128x128xf32, #tpu.memory_space<vmem>>[vector<16xi32>, vector<16xi32>], vector<16xf32>,
        %parallel_loop3A_457 = arith.constant 16 : i32
        %parallel_loop3A_458 = arith.muli %parallel_loop3A_149, %parallel_loop3A_457 : i32
        %parallel_loop3A_459 = arith.constant 29 : i32
        %parallel_loop3A_460 = arith.index_cast %parallel_loop3A_459 : i32 to index
        %parallel_loop3A_461 = arith.index_cast %parallel_loop3A_458 : i32 to index
        %parallel_loop3A_462 = tpu.vector_load %arg11[%parallel_loop3A_460, %parallel_loop3A_461] {strides = array<i32>} : memref<32x128xf32, #tpu.memory_space<vmem>>, vector<16xf32>,
        tpu.vector_store %arg11[%parallel_loop3A_460, %parallel_loop3A_461], %parallel_loop3A_456 {strides = array<i32>} : memref<32x128xf32, #tpu.memory_space<vmem>>, vector<16xf32>,
        %parallel_loop3A_463 = arith.constant 120 : i32
        %parallel_loop3A_464 = vector.broadcast %parallel_loop3A_463 : i32 to vector<16xi32>
        %parallel_loop3A_465 = arith.addi %parallel_loop3A_158, %parallel_loop3A_464 : vector<16xi32>
        %parallel_loop3A_466 = tpu.vector_load_idx %arg7[%parallel_loop3A_162, %parallel_loop3A_465] : memref<128x128xf32, #tpu.memory_space<vmem>>[vector<16xi32>, vector<16xi32>], vector<16xf32>,
        %parallel_loop3A_467 = arith.constant 16 : i32
        %parallel_loop3A_468 = arith.muli %parallel_loop3A_149, %parallel_loop3A_467 : i32
        %parallel_loop3A_469 = arith.constant 30 : i32
        %parallel_loop3A_470 = arith.index_cast %parallel_loop3A_469 : i32 to index
        %parallel_loop3A_471 = arith.index_cast %parallel_loop3A_468 : i32 to index
        %parallel_loop3A_472 = tpu.vector_load %arg11[%parallel_loop3A_470, %parallel_loop3A_471] {strides = array<i32>} : memref<32x128xf32, #tpu.memory_space<vmem>>, vector<16xf32>,
        tpu.vector_store %arg11[%parallel_loop3A_470, %parallel_loop3A_471], %parallel_loop3A_466 {strides = array<i32>} : memref<32x128xf32, #tpu.memory_space<vmem>>, vector<16xf32>,
        %parallel_loop3A_473 = arith.constant 124 : i32
        %parallel_loop3A_474 = vector.broadcast %parallel_loop3A_473 : i32 to vector<16xi32>
        %parallel_loop3A_475 = arith.addi %parallel_loop3A_158, %parallel_loop3A_474 : vector<16xi32>
        %parallel_loop3A_476 = tpu.vector_load_idx %arg7[%parallel_loop3A_162, %parallel_loop3A_475] : memref<128x128xf32, #tpu.memory_space<vmem>>[vector<16xi32>, vector<16xi32>], vector<16xf32>,
        %parallel_loop3A_477 = arith.constant 16 : i32
        %parallel_loop3A_478 = arith.muli %parallel_loop3A_149, %parallel_loop3A_477 : i32
        %parallel_loop3A_479 = arith.constant 31 : i32
        %parallel_loop3A_480 = arith.index_cast %parallel_loop3A_479 : i32 to index
        %parallel_loop3A_481 = arith.index_cast %parallel_loop3A_478 : i32 to index
        %parallel_loop3A_482 = tpu.vector_load %arg11[%parallel_loop3A_480, %parallel_loop3A_481] {strides = array<i32>} : memref<32x128xf32, #tpu.memory_space<vmem>>, vector<16xf32>,
        tpu.vector_store %arg11[%parallel_loop3A_480, %parallel_loop3A_481], %parallel_loop3A_476 {strides = array<i32>} : memref<32x128xf32, #tpu.memory_space<vmem>>, vector<16xf32>,
      } {sc.loop_unroll_factor = 4 : i64, sc.parallel_access}
      %add3A_93 = arith.constant 0 : i32
      %add3A_94 = arith.addi %mul3A_2, %add3A_93 : i32
      %dma_start3A_95 = arith.constant 0 : i32
      %dma_start3A_96 = tpu.memref_slice %arg4[%add3A_46, %dma_start3A_95, %add3A_94] : memref<26x32x16384xf32, #tpu.memory_space<hbm>> -> memref<1x32x128xf32, #tpu.memory_space<hbm>>
      %dma_start3A_97 = tpu.memref_squeeze %dma_start3A_96 : memref<1x32x128xf32, #tpu.memory_space<hbm>> -> memref<32x128xf32, #tpu.memory_space<hbm>>
      %dma_start3A_98 = arith.constant 0 : i32
      %dma_start3A_99 = tpu.memref_slice %arg4[%add3A_46, %dma_start3A_98, %add3A_94] : memref<26x32x16384xf32, #tpu.memory_space<hbm>> -> memref<1x32x128xf32, #tpu.memory_space<hbm>>
      %dma_start3A_100 = tpu.memref_squeeze %dma_start3A_99 : memref<1x32x128xf32, #tpu.memory_space<hbm>> -> memref<32x128xf32, #tpu.memory_space<hbm>>
      tpu.enqueue_dma source(%arg11 : memref<32x128xf32, #tpu.memory_space<vmem>>) target(%dma_start3A_100 : memref<32x128xf32, #tpu.memory_space<hbm>>) target_semaphore(%arg19 : memref<!tpu.dma_semaphore, #tpu.memory_space<semaphore_mem>>)
      %dma_wait3A_101 = arith.constant 128 : i32
      %dma_wait3A_102 = tpu.memref_slice %arg6[%dma_wait3A_101] : memref<512xi32, #tpu.memory_space<vmem>> -> memref<128xi32, #tpu.memory_space<vmem>>
      %dma_wait3A_103 = arith.constant 0 : i32
      %dma_wait3A_104 = arith.constant 0 : i32
      %dma_wait3A_105 = tpu.memref_slice %arg3[%dma_wait3A_103, %dma_wait3A_104] : memref<250000x128xf32, #tpu.memory_space<hbm>> -> memref<250000x128xf32, #tpu.memory_space<hbm>>
      tpu.wait_indirect_dma semaphore(%arg16 : memref<!tpu.dma_semaphore, #tpu.memory_space<semaphore_mem>>) src(%dma_wait3A_105 : memref<250000x128xf32, #tpu.memory_space<hbm>>) dst(%arg8 : memref<128x128xf32, #tpu.memory_space<vmem>>)
      %parallel_loop3A_106 = arith.constant 0 : i32
      %parallel_loop3A_107 = arith.constant 8 : i32
      %parallel_loop3A_108 = arith.constant 1 : i32
      scf.for %parallel_loop3A_149 = %parallel_loop3A_106 to %parallel_loop3A_107 step %parallel_loop3A_108  : i32 {
        %parallel_loop3A_150 = arith.constant 16 : i32
        %parallel_loop3A_151 = arith.muli %parallel_loop3A_149, %parallel_loop3A_150 : i32
        %parallel_loop3A_152 = arith.constant 128 : i32
        %parallel_loop3A_153 = arith.addi %parallel_loop3A_152, %parallel_loop3A_151 : i32
        %parallel_loop3A_154 = arith.index_cast %parallel_loop3A_153 : i32 to index
        %parallel_loop3A_155 = tpu.vector_load %arg5[%parallel_loop3A_154] {strides = array<i32>} : memref<512xi32, #tpu.memory_space<vmem>>, vector<16xi32>,
        %parallel_loop3A_156 = arith.constant 3 : i32
        %parallel_loop3A_157 = vector.broadcast %parallel_loop3A_156 : i32 to vector<16xi32>
        %parallel_loop3A_158 = arith.andi %parallel_loop3A_155, %parallel_loop3A_157 : vector<16xi32>
        %parallel_loop3A_159 = arith.constant 16 : i32
        %parallel_loop3A_160 = arith.muli %parallel_loop3A_149, %parallel_loop3A_159 : i32
        %parallel_loop3A_161 = vector.broadcast %parallel_loop3A_160 : i32 to vector<16xi32>
        %parallel_loop3A_162 = arith.addi %iota3A, %parallel_loop3A_161 : vector<16xi32>
        %parallel_loop3A_163 = arith.constant 0 : i32
        %parallel_loop3A_164 = vector.broadcast %parallel_loop3A_163 : i32 to vector<16xi32>
        %parallel_loop3A_165 = arith.addi %parallel_loop3A_158, %parallel_loop3A_164 : vector<16xi32>
        %parallel_loop3A_166 = tpu.vector_load_idx %arg8[%parallel_loop3A_162, %parallel_loop3A_165] : memref<128x128xf32, #tpu.memory_space<vmem>>[vector<16xi32>, vector<16xi32>], vector<16xf32>,
        %parallel_loop3A_167 = arith.constant 16 : i32
        %parallel_loop3A_168 = arith.muli %parallel_loop3A_149, %parallel_loop3A_167 : i32
        %parallel_loop3A_169 = arith.constant 0 : i32
        %parallel_loop3A_170 = arith.index_cast %parallel_loop3A_169 : i32 to index
        %parallel_loop3A_171 = arith.index_cast %parallel_loop3A_168 : i32 to index
        %parallel_loop3A_172 = tpu.vector_load %arg12[%parallel_loop3A_170, %parallel_loop3A_171] {strides = array<i32>} : memref<32x128xf32, #tpu.memory_space<vmem>>, vector<16xf32>,
        tpu.vector_store %arg12[%parallel_loop3A_170, %parallel_loop3A_171], %parallel_loop3A_166 {strides = array<i32>} : memref<32x128xf32, #tpu.memory_space<vmem>>, vector<16xf32>,
        %parallel_loop3A_173 = arith.constant 4 : i32
        %parallel_loop3A_174 = vector.broadcast %parallel_loop3A_173 : i32 to vector<16xi32>
        %parallel_loop3A_175 = arith.addi %parallel_loop3A_158, %parallel_loop3A_174 : vector<16xi32>
        %parallel_loop3A_176 = tpu.vector_load_idx %arg8[%parallel_loop3A_162, %parallel_loop3A_175] : memref<128x128xf32, #tpu.memory_space<vmem>>[vector<16xi32>, vector<16xi32>], vector<16xf32>,
        %parallel_loop3A_177 = arith.constant 16 : i32
        %parallel_loop3A_178 = arith.muli %parallel_loop3A_149, %parallel_loop3A_177 : i32
        %parallel_loop3A_179 = arith.constant 1 : i32
        %parallel_loop3A_180 = arith.index_cast %parallel_loop3A_179 : i32 to index
        %parallel_loop3A_181 = arith.index_cast %parallel_loop3A_178 : i32 to index
        %parallel_loop3A_182 = tpu.vector_load %arg12[%parallel_loop3A_180, %parallel_loop3A_181] {strides = array<i32>} : memref<32x128xf32, #tpu.memory_space<vmem>>, vector<16xf32>,
        tpu.vector_store %arg12[%parallel_loop3A_180, %parallel_loop3A_181], %parallel_loop3A_176 {strides = array<i32>} : memref<32x128xf32, #tpu.memory_space<vmem>>, vector<16xf32>,
        %parallel_loop3A_183 = arith.constant 8 : i32
        %parallel_loop3A_184 = vector.broadcast %parallel_loop3A_183 : i32 to vector<16xi32>
        %parallel_loop3A_185 = arith.addi %parallel_loop3A_158, %parallel_loop3A_184 : vector<16xi32>
        %parallel_loop3A_186 = tpu.vector_load_idx %arg8[%parallel_loop3A_162, %parallel_loop3A_185] : memref<128x128xf32, #tpu.memory_space<vmem>>[vector<16xi32>, vector<16xi32>], vector<16xf32>,
        %parallel_loop3A_187 = arith.constant 16 : i32
        %parallel_loop3A_188 = arith.muli %parallel_loop3A_149, %parallel_loop3A_187 : i32
        %parallel_loop3A_189 = arith.constant 2 : i32
        %parallel_loop3A_190 = arith.index_cast %parallel_loop3A_189 : i32 to index
        %parallel_loop3A_191 = arith.index_cast %parallel_loop3A_188 : i32 to index
        %parallel_loop3A_192 = tpu.vector_load %arg12[%parallel_loop3A_190, %parallel_loop3A_191] {strides = array<i32>} : memref<32x128xf32, #tpu.memory_space<vmem>>, vector<16xf32>,
        tpu.vector_store %arg12[%parallel_loop3A_190, %parallel_loop3A_191], %parallel_loop3A_186 {strides = array<i32>} : memref<32x128xf32, #tpu.memory_space<vmem>>, vector<16xf32>,
        %parallel_loop3A_193 = arith.constant 12 : i32
        %parallel_loop3A_194 = vector.broadcast %parallel_loop3A_193 : i32 to vector<16xi32>
        %parallel_loop3A_195 = arith.addi %parallel_loop3A_158, %parallel_loop3A_194 : vector<16xi32>
        %parallel_loop3A_196 = tpu.vector_load_idx %arg8[%parallel_loop3A_162, %parallel_loop3A_195] : memref<128x128xf32, #tpu.memory_space<vmem>>[vector<16xi32>, vector<16xi32>], vector<16xf32>,
        %parallel_loop3A_197 = arith.constant 16 : i32
        %parallel_loop3A_198 = arith.muli %parallel_loop3A_149, %parallel_loop3A_197 : i32
        %parallel_loop3A_199 = arith.constant 3 : i32
        %parallel_loop3A_200 = arith.index_cast %parallel_loop3A_199 : i32 to index
        %parallel_loop3A_201 = arith.index_cast %parallel_loop3A_198 : i32 to index
        %parallel_loop3A_202 = tpu.vector_load %arg12[%parallel_loop3A_200, %parallel_loop3A_201] {strides = array<i32>} : memref<32x128xf32, #tpu.memory_space<vmem>>, vector<16xf32>,
        tpu.vector_store %arg12[%parallel_loop3A_200, %parallel_loop3A_201], %parallel_loop3A_196 {strides = array<i32>} : memref<32x128xf32, #tpu.memory_space<vmem>>, vector<16xf32>,
        %parallel_loop3A_203 = arith.constant 16 : i32
        %parallel_loop3A_204 = vector.broadcast %parallel_loop3A_203 : i32 to vector<16xi32>
        %parallel_loop3A_205 = arith.addi %parallel_loop3A_158, %parallel_loop3A_204 : vector<16xi32>
        %parallel_loop3A_206 = tpu.vector_load_idx %arg8[%parallel_loop3A_162, %parallel_loop3A_205] : memref<128x128xf32, #tpu.memory_space<vmem>>[vector<16xi32>, vector<16xi32>], vector<16xf32>,
        %parallel_loop3A_207 = arith.constant 16 : i32
        %parallel_loop3A_208 = arith.muli %parallel_loop3A_149, %parallel_loop3A_207 : i32
        %parallel_loop3A_209 = arith.constant 4 : i32
        %parallel_loop3A_210 = arith.index_cast %parallel_loop3A_209 : i32 to index
        %parallel_loop3A_211 = arith.index_cast %parallel_loop3A_208 : i32 to index
        %parallel_loop3A_212 = tpu.vector_load %arg12[%parallel_loop3A_210, %parallel_loop3A_211] {strides = array<i32>} : memref<32x128xf32, #tpu.memory_space<vmem>>, vector<16xf32>,
        tpu.vector_store %arg12[%parallel_loop3A_210, %parallel_loop3A_211], %parallel_loop3A_206 {strides = array<i32>} : memref<32x128xf32, #tpu.memory_space<vmem>>, vector<16xf32>,
        %parallel_loop3A_213 = arith.constant 20 : i32
        %parallel_loop3A_214 = vector.broadcast %parallel_loop3A_213 : i32 to vector<16xi32>
        %parallel_loop3A_215 = arith.addi %parallel_loop3A_158, %parallel_loop3A_214 : vector<16xi32>
        %parallel_loop3A_216 = tpu.vector_load_idx %arg8[%parallel_loop3A_162, %parallel_loop3A_215] : memref<128x128xf32, #tpu.memory_space<vmem>>[vector<16xi32>, vector<16xi32>], vector<16xf32>,
        %parallel_loop3A_217 = arith.constant 16 : i32
        %parallel_loop3A_218 = arith.muli %parallel_loop3A_149, %parallel_loop3A_217 : i32
        %parallel_loop3A_219 = arith.constant 5 : i32
        %parallel_loop3A_220 = arith.index_cast %parallel_loop3A_219 : i32 to index
        %parallel_loop3A_221 = arith.index_cast %parallel_loop3A_218 : i32 to index
        %parallel_loop3A_222 = tpu.vector_load %arg12[%parallel_loop3A_220, %parallel_loop3A_221] {strides = array<i32>} : memref<32x128xf32, #tpu.memory_space<vmem>>, vector<16xf32>,
        tpu.vector_store %arg12[%parallel_loop3A_220, %parallel_loop3A_221], %parallel_loop3A_216 {strides = array<i32>} : memref<32x128xf32, #tpu.memory_space<vmem>>, vector<16xf32>,
        %parallel_loop3A_223 = arith.constant 24 : i32
        %parallel_loop3A_224 = vector.broadcast %parallel_loop3A_223 : i32 to vector<16xi32>
        %parallel_loop3A_225 = arith.addi %parallel_loop3A_158, %parallel_loop3A_224 : vector<16xi32>
        %parallel_loop3A_226 = tpu.vector_load_idx %arg8[%parallel_loop3A_162, %parallel_loop3A_225] : memref<128x128xf32, #tpu.memory_space<vmem>>[vector<16xi32>, vector<16xi32>], vector<16xf32>,
        %parallel_loop3A_227 = arith.constant 16 : i32
        %parallel_loop3A_228 = arith.muli %parallel_loop3A_149, %parallel_loop3A_227 : i32
        %parallel_loop3A_229 = arith.constant 6 : i32
        %parallel_loop3A_230 = arith.index_cast %parallel_loop3A_229 : i32 to index
        %parallel_loop3A_231 = arith.index_cast %parallel_loop3A_228 : i32 to index
        %parallel_loop3A_232 = tpu.vector_load %arg12[%parallel_loop3A_230, %parallel_loop3A_231] {strides = array<i32>} : memref<32x128xf32, #tpu.memory_space<vmem>>, vector<16xf32>,
        tpu.vector_store %arg12[%parallel_loop3A_230, %parallel_loop3A_231], %parallel_loop3A_226 {strides = array<i32>} : memref<32x128xf32, #tpu.memory_space<vmem>>, vector<16xf32>,
        %parallel_loop3A_233 = arith.constant 28 : i32
        %parallel_loop3A_234 = vector.broadcast %parallel_loop3A_233 : i32 to vector<16xi32>
        %parallel_loop3A_235 = arith.addi %parallel_loop3A_158, %parallel_loop3A_234 : vector<16xi32>
        %parallel_loop3A_236 = tpu.vector_load_idx %arg8[%parallel_loop3A_162, %parallel_loop3A_235] : memref<128x128xf32, #tpu.memory_space<vmem>>[vector<16xi32>, vector<16xi32>], vector<16xf32>,
        %parallel_loop3A_237 = arith.constant 16 : i32
        %parallel_loop3A_238 = arith.muli %parallel_loop3A_149, %parallel_loop3A_237 : i32
        %parallel_loop3A_239 = arith.constant 7 : i32
        %parallel_loop3A_240 = arith.index_cast %parallel_loop3A_239 : i32 to index
        %parallel_loop3A_241 = arith.index_cast %parallel_loop3A_238 : i32 to index
        %parallel_loop3A_242 = tpu.vector_load %arg12[%parallel_loop3A_240, %parallel_loop3A_241] {strides = array<i32>} : memref<32x128xf32, #tpu.memory_space<vmem>>, vector<16xf32>,
        tpu.vector_store %arg12[%parallel_loop3A_240, %parallel_loop3A_241], %parallel_loop3A_236 {strides = array<i32>} : memref<32x128xf32, #tpu.memory_space<vmem>>, vector<16xf32>,
        %parallel_loop3A_243 = arith.constant 32 : i32
        %parallel_loop3A_244 = vector.broadcast %parallel_loop3A_243 : i32 to vector<16xi32>
        %parallel_loop3A_245 = arith.addi %parallel_loop3A_158, %parallel_loop3A_244 : vector<16xi32>
        %parallel_loop3A_246 = tpu.vector_load_idx %arg8[%parallel_loop3A_162, %parallel_loop3A_245] : memref<128x128xf32, #tpu.memory_space<vmem>>[vector<16xi32>, vector<16xi32>], vector<16xf32>,
        %parallel_loop3A_247 = arith.constant 16 : i32
        %parallel_loop3A_248 = arith.muli %parallel_loop3A_149, %parallel_loop3A_247 : i32
        %parallel_loop3A_249 = arith.constant 8 : i32
        %parallel_loop3A_250 = arith.index_cast %parallel_loop3A_249 : i32 to index
        %parallel_loop3A_251 = arith.index_cast %parallel_loop3A_248 : i32 to index
        %parallel_loop3A_252 = tpu.vector_load %arg12[%parallel_loop3A_250, %parallel_loop3A_251] {strides = array<i32>} : memref<32x128xf32, #tpu.memory_space<vmem>>, vector<16xf32>,
        tpu.vector_store %arg12[%parallel_loop3A_250, %parallel_loop3A_251], %parallel_loop3A_246 {strides = array<i32>} : memref<32x128xf32, #tpu.memory_space<vmem>>, vector<16xf32>,
        %parallel_loop3A_253 = arith.constant 36 : i32
        %parallel_loop3A_254 = vector.broadcast %parallel_loop3A_253 : i32 to vector<16xi32>
        %parallel_loop3A_255 = arith.addi %parallel_loop3A_158, %parallel_loop3A_254 : vector<16xi32>
        %parallel_loop3A_256 = tpu.vector_load_idx %arg8[%parallel_loop3A_162, %parallel_loop3A_255] : memref<128x128xf32, #tpu.memory_space<vmem>>[vector<16xi32>, vector<16xi32>], vector<16xf32>,
        %parallel_loop3A_257 = arith.constant 16 : i32
        %parallel_loop3A_258 = arith.muli %parallel_loop3A_149, %parallel_loop3A_257 : i32
        %parallel_loop3A_259 = arith.constant 9 : i32
        %parallel_loop3A_260 = arith.index_cast %parallel_loop3A_259 : i32 to index
        %parallel_loop3A_261 = arith.index_cast %parallel_loop3A_258 : i32 to index
        %parallel_loop3A_262 = tpu.vector_load %arg12[%parallel_loop3A_260, %parallel_loop3A_261] {strides = array<i32>} : memref<32x128xf32, #tpu.memory_space<vmem>>, vector<16xf32>,
        tpu.vector_store %arg12[%parallel_loop3A_260, %parallel_loop3A_261], %parallel_loop3A_256 {strides = array<i32>} : memref<32x128xf32, #tpu.memory_space<vmem>>, vector<16xf32>,
        %parallel_loop3A_263 = arith.constant 40 : i32
        %parallel_loop3A_264 = vector.broadcast %parallel_loop3A_263 : i32 to vector<16xi32>
        %parallel_loop3A_265 = arith.addi %parallel_loop3A_158, %parallel_loop3A_264 : vector<16xi32>
        %parallel_loop3A_266 = tpu.vector_load_idx %arg8[%parallel_loop3A_162, %parallel_loop3A_265] : memref<128x128xf32, #tpu.memory_space<vmem>>[vector<16xi32>, vector<16xi32>], vector<16xf32>,
        %parallel_loop3A_267 = arith.constant 16 : i32
        %parallel_loop3A_268 = arith.muli %parallel_loop3A_149, %parallel_loop3A_267 : i32
        %parallel_loop3A_269 = arith.constant 10 : i32
        %parallel_loop3A_270 = arith.index_cast %parallel_loop3A_269 : i32 to index
        %parallel_loop3A_271 = arith.index_cast %parallel_loop3A_268 : i32 to index
        %parallel_loop3A_272 = tpu.vector_load %arg12[%parallel_loop3A_270, %parallel_loop3A_271] {strides = array<i32>} : memref<32x128xf32, #tpu.memory_space<vmem>>, vector<16xf32>,
        tpu.vector_store %arg12[%parallel_loop3A_270, %parallel_loop3A_271], %parallel_loop3A_266 {strides = array<i32>} : memref<32x128xf32, #tpu.memory_space<vmem>>, vector<16xf32>,
        %parallel_loop3A_273 = arith.constant 44 : i32
        %parallel_loop3A_274 = vector.broadcast %parallel_loop3A_273 : i32 to vector<16xi32>
        %parallel_loop3A_275 = arith.addi %parallel_loop3A_158, %parallel_loop3A_274 : vector<16xi32>
        %parallel_loop3A_276 = tpu.vector_load_idx %arg8[%parallel_loop3A_162, %parallel_loop3A_275] : memref<128x128xf32, #tpu.memory_space<vmem>>[vector<16xi32>, vector<16xi32>], vector<16xf32>,
        %parallel_loop3A_277 = arith.constant 16 : i32
        %parallel_loop3A_278 = arith.muli %parallel_loop3A_149, %parallel_loop3A_277 : i32
        %parallel_loop3A_279 = arith.constant 11 : i32
        %parallel_loop3A_280 = arith.index_cast %parallel_loop3A_279 : i32 to index
        %parallel_loop3A_281 = arith.index_cast %parallel_loop3A_278 : i32 to index
        %parallel_loop3A_282 = tpu.vector_load %arg12[%parallel_loop3A_280, %parallel_loop3A_281] {strides = array<i32>} : memref<32x128xf32, #tpu.memory_space<vmem>>, vector<16xf32>,
        tpu.vector_store %arg12[%parallel_loop3A_280, %parallel_loop3A_281], %parallel_loop3A_276 {strides = array<i32>} : memref<32x128xf32, #tpu.memory_space<vmem>>, vector<16xf32>,
        %parallel_loop3A_283 = arith.constant 48 : i32
        %parallel_loop3A_284 = vector.broadcast %parallel_loop3A_283 : i32 to vector<16xi32>
        %parallel_loop3A_285 = arith.addi %parallel_loop3A_158, %parallel_loop3A_284 : vector<16xi32>
        %parallel_loop3A_286 = tpu.vector_load_idx %arg8[%parallel_loop3A_162, %parallel_loop3A_285] : memref<128x128xf32, #tpu.memory_space<vmem>>[vector<16xi32>, vector<16xi32>], vector<16xf32>,
        %parallel_loop3A_287 = arith.constant 16 : i32
        %parallel_loop3A_288 = arith.muli %parallel_loop3A_149, %parallel_loop3A_287 : i32
        %parallel_loop3A_289 = arith.constant 12 : i32
        %parallel_loop3A_290 = arith.index_cast %parallel_loop3A_289 : i32 to index
        %parallel_loop3A_291 = arith.index_cast %parallel_loop3A_288 : i32 to index
        %parallel_loop3A_292 = tpu.vector_load %arg12[%parallel_loop3A_290, %parallel_loop3A_291] {strides = array<i32>} : memref<32x128xf32, #tpu.memory_space<vmem>>, vector<16xf32>,
        tpu.vector_store %arg12[%parallel_loop3A_290, %parallel_loop3A_291], %parallel_loop3A_286 {strides = array<i32>} : memref<32x128xf32, #tpu.memory_space<vmem>>, vector<16xf32>,
        %parallel_loop3A_293 = arith.constant 52 : i32
        %parallel_loop3A_294 = vector.broadcast %parallel_loop3A_293 : i32 to vector<16xi32>
        %parallel_loop3A_295 = arith.addi %parallel_loop3A_158, %parallel_loop3A_294 : vector<16xi32>
        %parallel_loop3A_296 = tpu.vector_load_idx %arg8[%parallel_loop3A_162, %parallel_loop3A_295] : memref<128x128xf32, #tpu.memory_space<vmem>>[vector<16xi32>, vector<16xi32>], vector<16xf32>,
        %parallel_loop3A_297 = arith.constant 16 : i32
        %parallel_loop3A_298 = arith.muli %parallel_loop3A_149, %parallel_loop3A_297 : i32
        %parallel_loop3A_299 = arith.constant 13 : i32
        %parallel_loop3A_300 = arith.index_cast %parallel_loop3A_299 : i32 to index
        %parallel_loop3A_301 = arith.index_cast %parallel_loop3A_298 : i32 to index
        %parallel_loop3A_302 = tpu.vector_load %arg12[%parallel_loop3A_300, %parallel_loop3A_301] {strides = array<i32>} : memref<32x128xf32, #tpu.memory_space<vmem>>, vector<16xf32>,
        tpu.vector_store %arg12[%parallel_loop3A_300, %parallel_loop3A_301], %parallel_loop3A_296 {strides = array<i32>} : memref<32x128xf32, #tpu.memory_space<vmem>>, vector<16xf32>,
        %parallel_loop3A_303 = arith.constant 56 : i32
        %parallel_loop3A_304 = vector.broadcast %parallel_loop3A_303 : i32 to vector<16xi32>
        %parallel_loop3A_305 = arith.addi %parallel_loop3A_158, %parallel_loop3A_304 : vector<16xi32>
        %parallel_loop3A_306 = tpu.vector_load_idx %arg8[%parallel_loop3A_162, %parallel_loop3A_305] : memref<128x128xf32, #tpu.memory_space<vmem>>[vector<16xi32>, vector<16xi32>], vector<16xf32>,
        %parallel_loop3A_307 = arith.constant 16 : i32
        %parallel_loop3A_308 = arith.muli %parallel_loop3A_149, %parallel_loop3A_307 : i32
        %parallel_loop3A_309 = arith.constant 14 : i32
        %parallel_loop3A_310 = arith.index_cast %parallel_loop3A_309 : i32 to index
        %parallel_loop3A_311 = arith.index_cast %parallel_loop3A_308 : i32 to index
        %parallel_loop3A_312 = tpu.vector_load %arg12[%parallel_loop3A_310, %parallel_loop3A_311] {strides = array<i32>} : memref<32x128xf32, #tpu.memory_space<vmem>>, vector<16xf32>,
        tpu.vector_store %arg12[%parallel_loop3A_310, %parallel_loop3A_311], %parallel_loop3A_306 {strides = array<i32>} : memref<32x128xf32, #tpu.memory_space<vmem>>, vector<16xf32>,
        %parallel_loop3A_313 = arith.constant 60 : i32
        %parallel_loop3A_314 = vector.broadcast %parallel_loop3A_313 : i32 to vector<16xi32>
        %parallel_loop3A_315 = arith.addi %parallel_loop3A_158, %parallel_loop3A_314 : vector<16xi32>
        %parallel_loop3A_316 = tpu.vector_load_idx %arg8[%parallel_loop3A_162, %parallel_loop3A_315] : memref<128x128xf32, #tpu.memory_space<vmem>>[vector<16xi32>, vector<16xi32>], vector<16xf32>,
        %parallel_loop3A_317 = arith.constant 16 : i32
        %parallel_loop3A_318 = arith.muli %parallel_loop3A_149, %parallel_loop3A_317 : i32
        %parallel_loop3A_319 = arith.constant 15 : i32
        %parallel_loop3A_320 = arith.index_cast %parallel_loop3A_319 : i32 to index
        %parallel_loop3A_321 = arith.index_cast %parallel_loop3A_318 : i32 to index
        %parallel_loop3A_322 = tpu.vector_load %arg12[%parallel_loop3A_320, %parallel_loop3A_321] {strides = array<i32>} : memref<32x128xf32, #tpu.memory_space<vmem>>, vector<16xf32>,
        tpu.vector_store %arg12[%parallel_loop3A_320, %parallel_loop3A_321], %parallel_loop3A_316 {strides = array<i32>} : memref<32x128xf32, #tpu.memory_space<vmem>>, vector<16xf32>,
        %parallel_loop3A_323 = arith.constant 64 : i32
        %parallel_loop3A_324 = vector.broadcast %parallel_loop3A_323 : i32 to vector<16xi32>
        %parallel_loop3A_325 = arith.addi %parallel_loop3A_158, %parallel_loop3A_324 : vector<16xi32>
        %parallel_loop3A_326 = tpu.vector_load_idx %arg8[%parallel_loop3A_162, %parallel_loop3A_325] : memref<128x128xf32, #tpu.memory_space<vmem>>[vector<16xi32>, vector<16xi32>], vector<16xf32>,
        %parallel_loop3A_327 = arith.constant 16 : i32
        %parallel_loop3A_328 = arith.muli %parallel_loop3A_149, %parallel_loop3A_327 : i32
        %parallel_loop3A_329 = arith.constant 16 : i32
        %parallel_loop3A_330 = arith.index_cast %parallel_loop3A_329 : i32 to index
        %parallel_loop3A_331 = arith.index_cast %parallel_loop3A_328 : i32 to index
        %parallel_loop3A_332 = tpu.vector_load %arg12[%parallel_loop3A_330, %parallel_loop3A_331] {strides = array<i32>} : memref<32x128xf32, #tpu.memory_space<vmem>>, vector<16xf32>,
        tpu.vector_store %arg12[%parallel_loop3A_330, %parallel_loop3A_331], %parallel_loop3A_326 {strides = array<i32>} : memref<32x128xf32, #tpu.memory_space<vmem>>, vector<16xf32>,
        %parallel_loop3A_333 = arith.constant 68 : i32
        %parallel_loop3A_334 = vector.broadcast %parallel_loop3A_333 : i32 to vector<16xi32>
        %parallel_loop3A_335 = arith.addi %parallel_loop3A_158, %parallel_loop3A_334 : vector<16xi32>
        %parallel_loop3A_336 = tpu.vector_load_idx %arg8[%parallel_loop3A_162, %parallel_loop3A_335] : memref<128x128xf32, #tpu.memory_space<vmem>>[vector<16xi32>, vector<16xi32>], vector<16xf32>,
        %parallel_loop3A_337 = arith.constant 16 : i32
        %parallel_loop3A_338 = arith.muli %parallel_loop3A_149, %parallel_loop3A_337 : i32
        %parallel_loop3A_339 = arith.constant 17 : i32
        %parallel_loop3A_340 = arith.index_cast %parallel_loop3A_339 : i32 to index
        %parallel_loop3A_341 = arith.index_cast %parallel_loop3A_338 : i32 to index
        %parallel_loop3A_342 = tpu.vector_load %arg12[%parallel_loop3A_340, %parallel_loop3A_341] {strides = array<i32>} : memref<32x128xf32, #tpu.memory_space<vmem>>, vector<16xf32>,
        tpu.vector_store %arg12[%parallel_loop3A_340, %parallel_loop3A_341], %parallel_loop3A_336 {strides = array<i32>} : memref<32x128xf32, #tpu.memory_space<vmem>>, vector<16xf32>,
        %parallel_loop3A_343 = arith.constant 72 : i32
        %parallel_loop3A_344 = vector.broadcast %parallel_loop3A_343 : i32 to vector<16xi32>
        %parallel_loop3A_345 = arith.addi %parallel_loop3A_158, %parallel_loop3A_344 : vector<16xi32>
        %parallel_loop3A_346 = tpu.vector_load_idx %arg8[%parallel_loop3A_162, %parallel_loop3A_345] : memref<128x128xf32, #tpu.memory_space<vmem>>[vector<16xi32>, vector<16xi32>], vector<16xf32>,
        %parallel_loop3A_347 = arith.constant 16 : i32
        %parallel_loop3A_348 = arith.muli %parallel_loop3A_149, %parallel_loop3A_347 : i32
        %parallel_loop3A_349 = arith.constant 18 : i32
        %parallel_loop3A_350 = arith.index_cast %parallel_loop3A_349 : i32 to index
        %parallel_loop3A_351 = arith.index_cast %parallel_loop3A_348 : i32 to index
        %parallel_loop3A_352 = tpu.vector_load %arg12[%parallel_loop3A_350, %parallel_loop3A_351] {strides = array<i32>} : memref<32x128xf32, #tpu.memory_space<vmem>>, vector<16xf32>,
        tpu.vector_store %arg12[%parallel_loop3A_350, %parallel_loop3A_351], %parallel_loop3A_346 {strides = array<i32>} : memref<32x128xf32, #tpu.memory_space<vmem>>, vector<16xf32>,
        %parallel_loop3A_353 = arith.constant 76 : i32
        %parallel_loop3A_354 = vector.broadcast %parallel_loop3A_353 : i32 to vector<16xi32>
        %parallel_loop3A_355 = arith.addi %parallel_loop3A_158, %parallel_loop3A_354 : vector<16xi32>
        %parallel_loop3A_356 = tpu.vector_load_idx %arg8[%parallel_loop3A_162, %parallel_loop3A_355] : memref<128x128xf32, #tpu.memory_space<vmem>>[vector<16xi32>, vector<16xi32>], vector<16xf32>,
        %parallel_loop3A_357 = arith.constant 16 : i32
        %parallel_loop3A_358 = arith.muli %parallel_loop3A_149, %parallel_loop3A_357 : i32
        %parallel_loop3A_359 = arith.constant 19 : i32
        %parallel_loop3A_360 = arith.index_cast %parallel_loop3A_359 : i32 to index
        %parallel_loop3A_361 = arith.index_cast %parallel_loop3A_358 : i32 to index
        %parallel_loop3A_362 = tpu.vector_load %arg12[%parallel_loop3A_360, %parallel_loop3A_361] {strides = array<i32>} : memref<32x128xf32, #tpu.memory_space<vmem>>, vector<16xf32>,
        tpu.vector_store %arg12[%parallel_loop3A_360, %parallel_loop3A_361], %parallel_loop3A_356 {strides = array<i32>} : memref<32x128xf32, #tpu.memory_space<vmem>>, vector<16xf32>,
        %parallel_loop3A_363 = arith.constant 80 : i32
        %parallel_loop3A_364 = vector.broadcast %parallel_loop3A_363 : i32 to vector<16xi32>
        %parallel_loop3A_365 = arith.addi %parallel_loop3A_158, %parallel_loop3A_364 : vector<16xi32>
        %parallel_loop3A_366 = tpu.vector_load_idx %arg8[%parallel_loop3A_162, %parallel_loop3A_365] : memref<128x128xf32, #tpu.memory_space<vmem>>[vector<16xi32>, vector<16xi32>], vector<16xf32>,
        %parallel_loop3A_367 = arith.constant 16 : i32
        %parallel_loop3A_368 = arith.muli %parallel_loop3A_149, %parallel_loop3A_367 : i32
        %parallel_loop3A_369 = arith.constant 20 : i32
        %parallel_loop3A_370 = arith.index_cast %parallel_loop3A_369 : i32 to index
        %parallel_loop3A_371 = arith.index_cast %parallel_loop3A_368 : i32 to index
        %parallel_loop3A_372 = tpu.vector_load %arg12[%parallel_loop3A_370, %parallel_loop3A_371] {strides = array<i32>} : memref<32x128xf32, #tpu.memory_space<vmem>>, vector<16xf32>,
        tpu.vector_store %arg12[%parallel_loop3A_370, %parallel_loop3A_371], %parallel_loop3A_366 {strides = array<i32>} : memref<32x128xf32, #tpu.memory_space<vmem>>, vector<16xf32>,
        %parallel_loop3A_373 = arith.constant 84 : i32
        %parallel_loop3A_374 = vector.broadcast %parallel_loop3A_373 : i32 to vector<16xi32>
        %parallel_loop3A_375 = arith.addi %parallel_loop3A_158, %parallel_loop3A_374 : vector<16xi32>
        %parallel_loop3A_376 = tpu.vector_load_idx %arg8[%parallel_loop3A_162, %parallel_loop3A_375] : memref<128x128xf32, #tpu.memory_space<vmem>>[vector<16xi32>, vector<16xi32>], vector<16xf32>,
        %parallel_loop3A_377 = arith.constant 16 : i32
        %parallel_loop3A_378 = arith.muli %parallel_loop3A_149, %parallel_loop3A_377 : i32
        %parallel_loop3A_379 = arith.constant 21 : i32
        %parallel_loop3A_380 = arith.index_cast %parallel_loop3A_379 : i32 to index
        %parallel_loop3A_381 = arith.index_cast %parallel_loop3A_378 : i32 to index
        %parallel_loop3A_382 = tpu.vector_load %arg12[%parallel_loop3A_380, %parallel_loop3A_381] {strides = array<i32>} : memref<32x128xf32, #tpu.memory_space<vmem>>, vector<16xf32>,
        tpu.vector_store %arg12[%parallel_loop3A_380, %parallel_loop3A_381], %parallel_loop3A_376 {strides = array<i32>} : memref<32x128xf32, #tpu.memory_space<vmem>>, vector<16xf32>,
        %parallel_loop3A_383 = arith.constant 88 : i32
        %parallel_loop3A_384 = vector.broadcast %parallel_loop3A_383 : i32 to vector<16xi32>
        %parallel_loop3A_385 = arith.addi %parallel_loop3A_158, %parallel_loop3A_384 : vector<16xi32>
        %parallel_loop3A_386 = tpu.vector_load_idx %arg8[%parallel_loop3A_162, %parallel_loop3A_385] : memref<128x128xf32, #tpu.memory_space<vmem>>[vector<16xi32>, vector<16xi32>], vector<16xf32>,
        %parallel_loop3A_387 = arith.constant 16 : i32
        %parallel_loop3A_388 = arith.muli %parallel_loop3A_149, %parallel_loop3A_387 : i32
        %parallel_loop3A_389 = arith.constant 22 : i32
        %parallel_loop3A_390 = arith.index_cast %parallel_loop3A_389 : i32 to index
        %parallel_loop3A_391 = arith.index_cast %parallel_loop3A_388 : i32 to index
        %parallel_loop3A_392 = tpu.vector_load %arg12[%parallel_loop3A_390, %parallel_loop3A_391] {strides = array<i32>} : memref<32x128xf32, #tpu.memory_space<vmem>>, vector<16xf32>,
        tpu.vector_store %arg12[%parallel_loop3A_390, %parallel_loop3A_391], %parallel_loop3A_386 {strides = array<i32>} : memref<32x128xf32, #tpu.memory_space<vmem>>, vector<16xf32>,
        %parallel_loop3A_393 = arith.constant 92 : i32
        %parallel_loop3A_394 = vector.broadcast %parallel_loop3A_393 : i32 to vector<16xi32>
        %parallel_loop3A_395 = arith.addi %parallel_loop3A_158, %parallel_loop3A_394 : vector<16xi32>
        %parallel_loop3A_396 = tpu.vector_load_idx %arg8[%parallel_loop3A_162, %parallel_loop3A_395] : memref<128x128xf32, #tpu.memory_space<vmem>>[vector<16xi32>, vector<16xi32>], vector<16xf32>,
        %parallel_loop3A_397 = arith.constant 16 : i32
        %parallel_loop3A_398 = arith.muli %parallel_loop3A_149, %parallel_loop3A_397 : i32
        %parallel_loop3A_399 = arith.constant 23 : i32
        %parallel_loop3A_400 = arith.index_cast %parallel_loop3A_399 : i32 to index
        %parallel_loop3A_401 = arith.index_cast %parallel_loop3A_398 : i32 to index
        %parallel_loop3A_402 = tpu.vector_load %arg12[%parallel_loop3A_400, %parallel_loop3A_401] {strides = array<i32>} : memref<32x128xf32, #tpu.memory_space<vmem>>, vector<16xf32>,
        tpu.vector_store %arg12[%parallel_loop3A_400, %parallel_loop3A_401], %parallel_loop3A_396 {strides = array<i32>} : memref<32x128xf32, #tpu.memory_space<vmem>>, vector<16xf32>,
        %parallel_loop3A_403 = arith.constant 96 : i32
        %parallel_loop3A_404 = vector.broadcast %parallel_loop3A_403 : i32 to vector<16xi32>
        %parallel_loop3A_405 = arith.addi %parallel_loop3A_158, %parallel_loop3A_404 : vector<16xi32>
        %parallel_loop3A_406 = tpu.vector_load_idx %arg8[%parallel_loop3A_162, %parallel_loop3A_405] : memref<128x128xf32, #tpu.memory_space<vmem>>[vector<16xi32>, vector<16xi32>], vector<16xf32>,
        %parallel_loop3A_407 = arith.constant 16 : i32
        %parallel_loop3A_408 = arith.muli %parallel_loop3A_149, %parallel_loop3A_407 : i32
        %parallel_loop3A_409 = arith.constant 24 : i32
        %parallel_loop3A_410 = arith.index_cast %parallel_loop3A_409 : i32 to index
        %parallel_loop3A_411 = arith.index_cast %parallel_loop3A_408 : i32 to index
        %parallel_loop3A_412 = tpu.vector_load %arg12[%parallel_loop3A_410, %parallel_loop3A_411] {strides = array<i32>} : memref<32x128xf32, #tpu.memory_space<vmem>>, vector<16xf32>,
        tpu.vector_store %arg12[%parallel_loop3A_410, %parallel_loop3A_411], %parallel_loop3A_406 {strides = array<i32>} : memref<32x128xf32, #tpu.memory_space<vmem>>, vector<16xf32>,
        %parallel_loop3A_413 = arith.constant 100 : i32
        %parallel_loop3A_414 = vector.broadcast %parallel_loop3A_413 : i32 to vector<16xi32>
        %parallel_loop3A_415 = arith.addi %parallel_loop3A_158, %parallel_loop3A_414 : vector<16xi32>
        %parallel_loop3A_416 = tpu.vector_load_idx %arg8[%parallel_loop3A_162, %parallel_loop3A_415] : memref<128x128xf32, #tpu.memory_space<vmem>>[vector<16xi32>, vector<16xi32>], vector<16xf32>,
        %parallel_loop3A_417 = arith.constant 16 : i32
        %parallel_loop3A_418 = arith.muli %parallel_loop3A_149, %parallel_loop3A_417 : i32
        %parallel_loop3A_419 = arith.constant 25 : i32
        %parallel_loop3A_420 = arith.index_cast %parallel_loop3A_419 : i32 to index
        %parallel_loop3A_421 = arith.index_cast %parallel_loop3A_418 : i32 to index
        %parallel_loop3A_422 = tpu.vector_load %arg12[%parallel_loop3A_420, %parallel_loop3A_421] {strides = array<i32>} : memref<32x128xf32, #tpu.memory_space<vmem>>, vector<16xf32>,
        tpu.vector_store %arg12[%parallel_loop3A_420, %parallel_loop3A_421], %parallel_loop3A_416 {strides = array<i32>} : memref<32x128xf32, #tpu.memory_space<vmem>>, vector<16xf32>,
        %parallel_loop3A_423 = arith.constant 104 : i32
        %parallel_loop3A_424 = vector.broadcast %parallel_loop3A_423 : i32 to vector<16xi32>
        %parallel_loop3A_425 = arith.addi %parallel_loop3A_158, %parallel_loop3A_424 : vector<16xi32>
        %parallel_loop3A_426 = tpu.vector_load_idx %arg8[%parallel_loop3A_162, %parallel_loop3A_425] : memref<128x128xf32, #tpu.memory_space<vmem>>[vector<16xi32>, vector<16xi32>], vector<16xf32>,
        %parallel_loop3A_427 = arith.constant 16 : i32
        %parallel_loop3A_428 = arith.muli %parallel_loop3A_149, %parallel_loop3A_427 : i32
        %parallel_loop3A_429 = arith.constant 26 : i32
        %parallel_loop3A_430 = arith.index_cast %parallel_loop3A_429 : i32 to index
        %parallel_loop3A_431 = arith.index_cast %parallel_loop3A_428 : i32 to index
        %parallel_loop3A_432 = tpu.vector_load %arg12[%parallel_loop3A_430, %parallel_loop3A_431] {strides = array<i32>} : memref<32x128xf32, #tpu.memory_space<vmem>>, vector<16xf32>,
        tpu.vector_store %arg12[%parallel_loop3A_430, %parallel_loop3A_431], %parallel_loop3A_426 {strides = array<i32>} : memref<32x128xf32, #tpu.memory_space<vmem>>, vector<16xf32>,
        %parallel_loop3A_433 = arith.constant 108 : i32
        %parallel_loop3A_434 = vector.broadcast %parallel_loop3A_433 : i32 to vector<16xi32>
        %parallel_loop3A_435 = arith.addi %parallel_loop3A_158, %parallel_loop3A_434 : vector<16xi32>
        %parallel_loop3A_436 = tpu.vector_load_idx %arg8[%parallel_loop3A_162, %parallel_loop3A_435] : memref<128x128xf32, #tpu.memory_space<vmem>>[vector<16xi32>, vector<16xi32>], vector<16xf32>,
        %parallel_loop3A_437 = arith.constant 16 : i32
        %parallel_loop3A_438 = arith.muli %parallel_loop3A_149, %parallel_loop3A_437 : i32
        %parallel_loop3A_439 = arith.constant 27 : i32
        %parallel_loop3A_440 = arith.index_cast %parallel_loop3A_439 : i32 to index
        %parallel_loop3A_441 = arith.index_cast %parallel_loop3A_438 : i32 to index
        %parallel_loop3A_442 = tpu.vector_load %arg12[%parallel_loop3A_440, %parallel_loop3A_441] {strides = array<i32>} : memref<32x128xf32, #tpu.memory_space<vmem>>, vector<16xf32>,
        tpu.vector_store %arg12[%parallel_loop3A_440, %parallel_loop3A_441], %parallel_loop3A_436 {strides = array<i32>} : memref<32x128xf32, #tpu.memory_space<vmem>>, vector<16xf32>,
        %parallel_loop3A_443 = arith.constant 112 : i32
        %parallel_loop3A_444 = vector.broadcast %parallel_loop3A_443 : i32 to vector<16xi32>
        %parallel_loop3A_445 = arith.addi %parallel_loop3A_158, %parallel_loop3A_444 : vector<16xi32>
        %parallel_loop3A_446 = tpu.vector_load_idx %arg8[%parallel_loop3A_162, %parallel_loop3A_445] : memref<128x128xf32, #tpu.memory_space<vmem>>[vector<16xi32>, vector<16xi32>], vector<16xf32>,
        %parallel_loop3A_447 = arith.constant 16 : i32
        %parallel_loop3A_448 = arith.muli %parallel_loop3A_149, %parallel_loop3A_447 : i32
        %parallel_loop3A_449 = arith.constant 28 : i32
        %parallel_loop3A_450 = arith.index_cast %parallel_loop3A_449 : i32 to index
        %parallel_loop3A_451 = arith.index_cast %parallel_loop3A_448 : i32 to index
        %parallel_loop3A_452 = tpu.vector_load %arg12[%parallel_loop3A_450, %parallel_loop3A_451] {strides = array<i32>} : memref<32x128xf32, #tpu.memory_space<vmem>>, vector<16xf32>,
        tpu.vector_store %arg12[%parallel_loop3A_450, %parallel_loop3A_451], %parallel_loop3A_446 {strides = array<i32>} : memref<32x128xf32, #tpu.memory_space<vmem>>, vector<16xf32>,
        %parallel_loop3A_453 = arith.constant 116 : i32
        %parallel_loop3A_454 = vector.broadcast %parallel_loop3A_453 : i32 to vector<16xi32>
        %parallel_loop3A_455 = arith.addi %parallel_loop3A_158, %parallel_loop3A_454 : vector<16xi32>
        %parallel_loop3A_456 = tpu.vector_load_idx %arg8[%parallel_loop3A_162, %parallel_loop3A_455] : memref<128x128xf32, #tpu.memory_space<vmem>>[vector<16xi32>, vector<16xi32>], vector<16xf32>,
        %parallel_loop3A_457 = arith.constant 16 : i32
        %parallel_loop3A_458 = arith.muli %parallel_loop3A_149, %parallel_loop3A_457 : i32
        %parallel_loop3A_459 = arith.constant 29 : i32
        %parallel_loop3A_460 = arith.index_cast %parallel_loop3A_459 : i32 to index
        %parallel_loop3A_461 = arith.index_cast %parallel_loop3A_458 : i32 to index
        %parallel_loop3A_462 = tpu.vector_load %arg12[%parallel_loop3A_460, %parallel_loop3A_461] {strides = array<i32>} : memref<32x128xf32, #tpu.memory_space<vmem>>, vector<16xf32>,
        tpu.vector_store %arg12[%parallel_loop3A_460, %parallel_loop3A_461], %parallel_loop3A_456 {strides = array<i32>} : memref<32x128xf32, #tpu.memory_space<vmem>>, vector<16xf32>,
        %parallel_loop3A_463 = arith.constant 120 : i32
        %parallel_loop3A_464 = vector.broadcast %parallel_loop3A_463 : i32 to vector<16xi32>
        %parallel_loop3A_465 = arith.addi %parallel_loop3A_158, %parallel_loop3A_464 : vector<16xi32>
        %parallel_loop3A_466 = tpu.vector_load_idx %arg8[%parallel_loop3A_162, %parallel_loop3A_465] : memref<128x128xf32, #tpu.memory_space<vmem>>[vector<16xi32>, vector<16xi32>], vector<16xf32>,
        %parallel_loop3A_467 = arith.constant 16 : i32
        %parallel_loop3A_468 = arith.muli %parallel_loop3A_149, %parallel_loop3A_467 : i32
        %parallel_loop3A_469 = arith.constant 30 : i32
        %parallel_loop3A_470 = arith.index_cast %parallel_loop3A_469 : i32 to index
        %parallel_loop3A_471 = arith.index_cast %parallel_loop3A_468 : i32 to index
        %parallel_loop3A_472 = tpu.vector_load %arg12[%parallel_loop3A_470, %parallel_loop3A_471] {strides = array<i32>} : memref<32x128xf32, #tpu.memory_space<vmem>>, vector<16xf32>,
        tpu.vector_store %arg12[%parallel_loop3A_470, %parallel_loop3A_471], %parallel_loop3A_466 {strides = array<i32>} : memref<32x128xf32, #tpu.memory_space<vmem>>, vector<16xf32>,
        %parallel_loop3A_473 = arith.constant 124 : i32
        %parallel_loop3A_474 = vector.broadcast %parallel_loop3A_473 : i32 to vector<16xi32>
        %parallel_loop3A_475 = arith.addi %parallel_loop3A_158, %parallel_loop3A_474 : vector<16xi32>
        %parallel_loop3A_476 = tpu.vector_load_idx %arg8[%parallel_loop3A_162, %parallel_loop3A_475] : memref<128x128xf32, #tpu.memory_space<vmem>>[vector<16xi32>, vector<16xi32>], vector<16xf32>,
        %parallel_loop3A_477 = arith.constant 16 : i32
        %parallel_loop3A_478 = arith.muli %parallel_loop3A_149, %parallel_loop3A_477 : i32
        %parallel_loop3A_479 = arith.constant 31 : i32
        %parallel_loop3A_480 = arith.index_cast %parallel_loop3A_479 : i32 to index
        %parallel_loop3A_481 = arith.index_cast %parallel_loop3A_478 : i32 to index
        %parallel_loop3A_482 = tpu.vector_load %arg12[%parallel_loop3A_480, %parallel_loop3A_481] {strides = array<i32>} : memref<32x128xf32, #tpu.memory_space<vmem>>, vector<16xf32>,
        tpu.vector_store %arg12[%parallel_loop3A_480, %parallel_loop3A_481], %parallel_loop3A_476 {strides = array<i32>} : memref<32x128xf32, #tpu.memory_space<vmem>>, vector<16xf32>,
      } {sc.loop_unroll_factor = 4 : i64, sc.parallel_access}
      %add3A_109 = arith.constant 128 : i32
      %add3A_110 = arith.addi %mul3A_2, %add3A_109 : i32
      %dma_start3A_111 = arith.constant 0 : i32
      %dma_start3A_112 = tpu.memref_slice %arg4[%add3A_46, %dma_start3A_111, %add3A_110] : memref<26x32x16384xf32, #tpu.memory_space<hbm>> -> memref<1x32x128xf32, #tpu.memory_space<hbm>>
      %dma_start3A_113 = tpu.memref_squeeze %dma_start3A_112 : memref<1x32x128xf32, #tpu.memory_space<hbm>> -> memref<32x128xf32, #tpu.memory_space<hbm>>
      %dma_start3A_114 = arith.constant 0 : i32
      %dma_start3A_115 = tpu.memref_slice %arg4[%add3A_46, %dma_start3A_114, %add3A_110] : memref<26x32x16384xf32, #tpu.memory_space<hbm>> -> memref<1x32x128xf32, #tpu.memory_space<hbm>>
      %dma_start3A_116 = tpu.memref_squeeze %dma_start3A_115 : memref<1x32x128xf32, #tpu.memory_space<hbm>> -> memref<32x128xf32, #tpu.memory_space<hbm>>
      tpu.enqueue_dma source(%arg12 : memref<32x128xf32, #tpu.memory_space<vmem>>) target(%dma_start3A_116 : memref<32x128xf32, #tpu.memory_space<hbm>>) target_semaphore(%arg20 : memref<!tpu.dma_semaphore, #tpu.memory_space<semaphore_mem>>)
      %dma_wait3A_117 = arith.constant 256 : i32
      %dma_wait3A_118 = tpu.memref_slice %arg6[%dma_wait3A_117] : memref<512xi32, #tpu.memory_space<vmem>> -> memref<128xi32, #tpu.memory_space<vmem>>
      %dma_wait3A_119 = arith.constant 0 : i32
      %dma_wait3A_120 = arith.constant 0 : i32
      %dma_wait3A_121 = tpu.memref_slice %arg3[%dma_wait3A_119, %dma_wait3A_120] : memref<250000x128xf32, #tpu.memory_space<hbm>> -> memref<250000x128xf32, #tpu.memory_space<hbm>>
      tpu.wait_indirect_dma semaphore(%arg17 : memref<!tpu.dma_semaphore, #tpu.memory_space<semaphore_mem>>) src(%dma_wait3A_121 : memref<250000x128xf32, #tpu.memory_space<hbm>>) dst(%arg9 : memref<128x128xf32, #tpu.memory_space<vmem>>)
      %parallel_loop3A_122 = arith.constant 0 : i32
      %parallel_loop3A_123 = arith.constant 8 : i32
      %parallel_loop3A_124 = arith.constant 1 : i32
      scf.for %parallel_loop3A_149 = %parallel_loop3A_122 to %parallel_loop3A_123 step %parallel_loop3A_124  : i32 {
        %parallel_loop3A_150 = arith.constant 16 : i32
        %parallel_loop3A_151 = arith.muli %parallel_loop3A_149, %parallel_loop3A_150 : i32
        %parallel_loop3A_152 = arith.constant 256 : i32
        %parallel_loop3A_153 = arith.addi %parallel_loop3A_152, %parallel_loop3A_151 : i32
        %parallel_loop3A_154 = arith.index_cast %parallel_loop3A_153 : i32 to index
        %parallel_loop3A_155 = tpu.vector_load %arg5[%parallel_loop3A_154] {strides = array<i32>} : memref<512xi32, #tpu.memory_space<vmem>>, vector<16xi32>,
        %parallel_loop3A_156 = arith.constant 3 : i32
        %parallel_loop3A_157 = vector.broadcast %parallel_loop3A_156 : i32 to vector<16xi32>
        %parallel_loop3A_158 = arith.andi %parallel_loop3A_155, %parallel_loop3A_157 : vector<16xi32>
        %parallel_loop3A_159 = arith.constant 16 : i32
        %parallel_loop3A_160 = arith.muli %parallel_loop3A_149, %parallel_loop3A_159 : i32
        %parallel_loop3A_161 = vector.broadcast %parallel_loop3A_160 : i32 to vector<16xi32>
        %parallel_loop3A_162 = arith.addi %iota3A, %parallel_loop3A_161 : vector<16xi32>
        %parallel_loop3A_163 = arith.constant 0 : i32
        %parallel_loop3A_164 = vector.broadcast %parallel_loop3A_163 : i32 to vector<16xi32>
        %parallel_loop3A_165 = arith.addi %parallel_loop3A_158, %parallel_loop3A_164 : vector<16xi32>
        %parallel_loop3A_166 = tpu.vector_load_idx %arg9[%parallel_loop3A_162, %parallel_loop3A_165] : memref<128x128xf32, #tpu.memory_space<vmem>>[vector<16xi32>, vector<16xi32>], vector<16xf32>,
        %parallel_loop3A_167 = arith.constant 16 : i32
        %parallel_loop3A_168 = arith.muli %parallel_loop3A_149, %parallel_loop3A_167 : i32
        %parallel_loop3A_169 = arith.constant 0 : i32
        %parallel_loop3A_170 = arith.index_cast %parallel_loop3A_169 : i32 to index
        %parallel_loop3A_171 = arith.index_cast %parallel_loop3A_168 : i32 to index
        %parallel_loop3A_172 = tpu.vector_load %arg13[%parallel_loop3A_170, %parallel_loop3A_171] {strides = array<i32>} : memref<32x128xf32, #tpu.memory_space<vmem>>, vector<16xf32>,
        tpu.vector_store %arg13[%parallel_loop3A_170, %parallel_loop3A_171], %parallel_loop3A_166 {strides = array<i32>} : memref<32x128xf32, #tpu.memory_space<vmem>>, vector<16xf32>,
        %parallel_loop3A_173 = arith.constant 4 : i32
        %parallel_loop3A_174 = vector.broadcast %parallel_loop3A_173 : i32 to vector<16xi32>
        %parallel_loop3A_175 = arith.addi %parallel_loop3A_158, %parallel_loop3A_174 : vector<16xi32>
        %parallel_loop3A_176 = tpu.vector_load_idx %arg9[%parallel_loop3A_162, %parallel_loop3A_175] : memref<128x128xf32, #tpu.memory_space<vmem>>[vector<16xi32>, vector<16xi32>], vector<16xf32>,
        %parallel_loop3A_177 = arith.constant 16 : i32
        %parallel_loop3A_178 = arith.muli %parallel_loop3A_149, %parallel_loop3A_177 : i32
        %parallel_loop3A_179 = arith.constant 1 : i32
        %parallel_loop3A_180 = arith.index_cast %parallel_loop3A_179 : i32 to index
        %parallel_loop3A_181 = arith.index_cast %parallel_loop3A_178 : i32 to index
        %parallel_loop3A_182 = tpu.vector_load %arg13[%parallel_loop3A_180, %parallel_loop3A_181] {strides = array<i32>} : memref<32x128xf32, #tpu.memory_space<vmem>>, vector<16xf32>,
        tpu.vector_store %arg13[%parallel_loop3A_180, %parallel_loop3A_181], %parallel_loop3A_176 {strides = array<i32>} : memref<32x128xf32, #tpu.memory_space<vmem>>, vector<16xf32>,
        %parallel_loop3A_183 = arith.constant 8 : i32
        %parallel_loop3A_184 = vector.broadcast %parallel_loop3A_183 : i32 to vector<16xi32>
        %parallel_loop3A_185 = arith.addi %parallel_loop3A_158, %parallel_loop3A_184 : vector<16xi32>
        %parallel_loop3A_186 = tpu.vector_load_idx %arg9[%parallel_loop3A_162, %parallel_loop3A_185] : memref<128x128xf32, #tpu.memory_space<vmem>>[vector<16xi32>, vector<16xi32>], vector<16xf32>,
        %parallel_loop3A_187 = arith.constant 16 : i32
        %parallel_loop3A_188 = arith.muli %parallel_loop3A_149, %parallel_loop3A_187 : i32
        %parallel_loop3A_189 = arith.constant 2 : i32
        %parallel_loop3A_190 = arith.index_cast %parallel_loop3A_189 : i32 to index
        %parallel_loop3A_191 = arith.index_cast %parallel_loop3A_188 : i32 to index
        %parallel_loop3A_192 = tpu.vector_load %arg13[%parallel_loop3A_190, %parallel_loop3A_191] {strides = array<i32>} : memref<32x128xf32, #tpu.memory_space<vmem>>, vector<16xf32>,
        tpu.vector_store %arg13[%parallel_loop3A_190, %parallel_loop3A_191], %parallel_loop3A_186 {strides = array<i32>} : memref<32x128xf32, #tpu.memory_space<vmem>>, vector<16xf32>,
        %parallel_loop3A_193 = arith.constant 12 : i32
        %parallel_loop3A_194 = vector.broadcast %parallel_loop3A_193 : i32 to vector<16xi32>
        %parallel_loop3A_195 = arith.addi %parallel_loop3A_158, %parallel_loop3A_194 : vector<16xi32>
        %parallel_loop3A_196 = tpu.vector_load_idx %arg9[%parallel_loop3A_162, %parallel_loop3A_195] : memref<128x128xf32, #tpu.memory_space<vmem>>[vector<16xi32>, vector<16xi32>], vector<16xf32>,
        %parallel_loop3A_197 = arith.constant 16 : i32
        %parallel_loop3A_198 = arith.muli %parallel_loop3A_149, %parallel_loop3A_197 : i32
        %parallel_loop3A_199 = arith.constant 3 : i32
        %parallel_loop3A_200 = arith.index_cast %parallel_loop3A_199 : i32 to index
        %parallel_loop3A_201 = arith.index_cast %parallel_loop3A_198 : i32 to index
        %parallel_loop3A_202 = tpu.vector_load %arg13[%parallel_loop3A_200, %parallel_loop3A_201] {strides = array<i32>} : memref<32x128xf32, #tpu.memory_space<vmem>>, vector<16xf32>,
        tpu.vector_store %arg13[%parallel_loop3A_200, %parallel_loop3A_201], %parallel_loop3A_196 {strides = array<i32>} : memref<32x128xf32, #tpu.memory_space<vmem>>, vector<16xf32>,
        %parallel_loop3A_203 = arith.constant 16 : i32
        %parallel_loop3A_204 = vector.broadcast %parallel_loop3A_203 : i32 to vector<16xi32>
        %parallel_loop3A_205 = arith.addi %parallel_loop3A_158, %parallel_loop3A_204 : vector<16xi32>
        %parallel_loop3A_206 = tpu.vector_load_idx %arg9[%parallel_loop3A_162, %parallel_loop3A_205] : memref<128x128xf32, #tpu.memory_space<vmem>>[vector<16xi32>, vector<16xi32>], vector<16xf32>,
        %parallel_loop3A_207 = arith.constant 16 : i32
        %parallel_loop3A_208 = arith.muli %parallel_loop3A_149, %parallel_loop3A_207 : i32
        %parallel_loop3A_209 = arith.constant 4 : i32
        %parallel_loop3A_210 = arith.index_cast %parallel_loop3A_209 : i32 to index
        %parallel_loop3A_211 = arith.index_cast %parallel_loop3A_208 : i32 to index
        %parallel_loop3A_212 = tpu.vector_load %arg13[%parallel_loop3A_210, %parallel_loop3A_211] {strides = array<i32>} : memref<32x128xf32, #tpu.memory_space<vmem>>, vector<16xf32>,
        tpu.vector_store %arg13[%parallel_loop3A_210, %parallel_loop3A_211], %parallel_loop3A_206 {strides = array<i32>} : memref<32x128xf32, #tpu.memory_space<vmem>>, vector<16xf32>,
        %parallel_loop3A_213 = arith.constant 20 : i32
        %parallel_loop3A_214 = vector.broadcast %parallel_loop3A_213 : i32 to vector<16xi32>
        %parallel_loop3A_215 = arith.addi %parallel_loop3A_158, %parallel_loop3A_214 : vector<16xi32>
        %parallel_loop3A_216 = tpu.vector_load_idx %arg9[%parallel_loop3A_162, %parallel_loop3A_215] : memref<128x128xf32, #tpu.memory_space<vmem>>[vector<16xi32>, vector<16xi32>], vector<16xf32>,
        %parallel_loop3A_217 = arith.constant 16 : i32
        %parallel_loop3A_218 = arith.muli %parallel_loop3A_149, %parallel_loop3A_217 : i32
        %parallel_loop3A_219 = arith.constant 5 : i32
        %parallel_loop3A_220 = arith.index_cast %parallel_loop3A_219 : i32 to index
        %parallel_loop3A_221 = arith.index_cast %parallel_loop3A_218 : i32 to index
        %parallel_loop3A_222 = tpu.vector_load %arg13[%parallel_loop3A_220, %parallel_loop3A_221] {strides = array<i32>} : memref<32x128xf32, #tpu.memory_space<vmem>>, vector<16xf32>,
        tpu.vector_store %arg13[%parallel_loop3A_220, %parallel_loop3A_221], %parallel_loop3A_216 {strides = array<i32>} : memref<32x128xf32, #tpu.memory_space<vmem>>, vector<16xf32>,
        %parallel_loop3A_223 = arith.constant 24 : i32
        %parallel_loop3A_224 = vector.broadcast %parallel_loop3A_223 : i32 to vector<16xi32>
        %parallel_loop3A_225 = arith.addi %parallel_loop3A_158, %parallel_loop3A_224 : vector<16xi32>
        %parallel_loop3A_226 = tpu.vector_load_idx %arg9[%parallel_loop3A_162, %parallel_loop3A_225] : memref<128x128xf32, #tpu.memory_space<vmem>>[vector<16xi32>, vector<16xi32>], vector<16xf32>,
        %parallel_loop3A_227 = arith.constant 16 : i32
        %parallel_loop3A_228 = arith.muli %parallel_loop3A_149, %parallel_loop3A_227 : i32
        %parallel_loop3A_229 = arith.constant 6 : i32
        %parallel_loop3A_230 = arith.index_cast %parallel_loop3A_229 : i32 to index
        %parallel_loop3A_231 = arith.index_cast %parallel_loop3A_228 : i32 to index
        %parallel_loop3A_232 = tpu.vector_load %arg13[%parallel_loop3A_230, %parallel_loop3A_231] {strides = array<i32>} : memref<32x128xf32, #tpu.memory_space<vmem>>, vector<16xf32>,
        tpu.vector_store %arg13[%parallel_loop3A_230, %parallel_loop3A_231], %parallel_loop3A_226 {strides = array<i32>} : memref<32x128xf32, #tpu.memory_space<vmem>>, vector<16xf32>,
        %parallel_loop3A_233 = arith.constant 28 : i32
        %parallel_loop3A_234 = vector.broadcast %parallel_loop3A_233 : i32 to vector<16xi32>
        %parallel_loop3A_235 = arith.addi %parallel_loop3A_158, %parallel_loop3A_234 : vector<16xi32>
        %parallel_loop3A_236 = tpu.vector_load_idx %arg9[%parallel_loop3A_162, %parallel_loop3A_235] : memref<128x128xf32, #tpu.memory_space<vmem>>[vector<16xi32>, vector<16xi32>], vector<16xf32>,
        %parallel_loop3A_237 = arith.constant 16 : i32
        %parallel_loop3A_238 = arith.muli %parallel_loop3A_149, %parallel_loop3A_237 : i32
        %parallel_loop3A_239 = arith.constant 7 : i32
        %parallel_loop3A_240 = arith.index_cast %parallel_loop3A_239 : i32 to index
        %parallel_loop3A_241 = arith.index_cast %parallel_loop3A_238 : i32 to index
        %parallel_loop3A_242 = tpu.vector_load %arg13[%parallel_loop3A_240, %parallel_loop3A_241] {strides = array<i32>} : memref<32x128xf32, #tpu.memory_space<vmem>>, vector<16xf32>,
        tpu.vector_store %arg13[%parallel_loop3A_240, %parallel_loop3A_241], %parallel_loop3A_236 {strides = array<i32>} : memref<32x128xf32, #tpu.memory_space<vmem>>, vector<16xf32>,
        %parallel_loop3A_243 = arith.constant 32 : i32
        %parallel_loop3A_244 = vector.broadcast %parallel_loop3A_243 : i32 to vector<16xi32>
        %parallel_loop3A_245 = arith.addi %parallel_loop3A_158, %parallel_loop3A_244 : vector<16xi32>
        %parallel_loop3A_246 = tpu.vector_load_idx %arg9[%parallel_loop3A_162, %parallel_loop3A_245] : memref<128x128xf32, #tpu.memory_space<vmem>>[vector<16xi32>, vector<16xi32>], vector<16xf32>,
        %parallel_loop3A_247 = arith.constant 16 : i32
        %parallel_loop3A_248 = arith.muli %parallel_loop3A_149, %parallel_loop3A_247 : i32
        %parallel_loop3A_249 = arith.constant 8 : i32
        %parallel_loop3A_250 = arith.index_cast %parallel_loop3A_249 : i32 to index
        %parallel_loop3A_251 = arith.index_cast %parallel_loop3A_248 : i32 to index
        %parallel_loop3A_252 = tpu.vector_load %arg13[%parallel_loop3A_250, %parallel_loop3A_251] {strides = array<i32>} : memref<32x128xf32, #tpu.memory_space<vmem>>, vector<16xf32>,
        tpu.vector_store %arg13[%parallel_loop3A_250, %parallel_loop3A_251], %parallel_loop3A_246 {strides = array<i32>} : memref<32x128xf32, #tpu.memory_space<vmem>>, vector<16xf32>,
        %parallel_loop3A_253 = arith.constant 36 : i32
        %parallel_loop3A_254 = vector.broadcast %parallel_loop3A_253 : i32 to vector<16xi32>
        %parallel_loop3A_255 = arith.addi %parallel_loop3A_158, %parallel_loop3A_254 : vector<16xi32>
        %parallel_loop3A_256 = tpu.vector_load_idx %arg9[%parallel_loop3A_162, %parallel_loop3A_255] : memref<128x128xf32, #tpu.memory_space<vmem>>[vector<16xi32>, vector<16xi32>], vector<16xf32>,
        %parallel_loop3A_257 = arith.constant 16 : i32
        %parallel_loop3A_258 = arith.muli %parallel_loop3A_149, %parallel_loop3A_257 : i32
        %parallel_loop3A_259 = arith.constant 9 : i32
        %parallel_loop3A_260 = arith.index_cast %parallel_loop3A_259 : i32 to index
        %parallel_loop3A_261 = arith.index_cast %parallel_loop3A_258 : i32 to index
        %parallel_loop3A_262 = tpu.vector_load %arg13[%parallel_loop3A_260, %parallel_loop3A_261] {strides = array<i32>} : memref<32x128xf32, #tpu.memory_space<vmem>>, vector<16xf32>,
        tpu.vector_store %arg13[%parallel_loop3A_260, %parallel_loop3A_261], %parallel_loop3A_256 {strides = array<i32>} : memref<32x128xf32, #tpu.memory_space<vmem>>, vector<16xf32>,
        %parallel_loop3A_263 = arith.constant 40 : i32
        %parallel_loop3A_264 = vector.broadcast %parallel_loop3A_263 : i32 to vector<16xi32>
        %parallel_loop3A_265 = arith.addi %parallel_loop3A_158, %parallel_loop3A_264 : vector<16xi32>
        %parallel_loop3A_266 = tpu.vector_load_idx %arg9[%parallel_loop3A_162, %parallel_loop3A_265] : memref<128x128xf32, #tpu.memory_space<vmem>>[vector<16xi32>, vector<16xi32>], vector<16xf32>,
        %parallel_loop3A_267 = arith.constant 16 : i32
        %parallel_loop3A_268 = arith.muli %parallel_loop3A_149, %parallel_loop3A_267 : i32
        %parallel_loop3A_269 = arith.constant 10 : i32
        %parallel_loop3A_270 = arith.index_cast %parallel_loop3A_269 : i32 to index
        %parallel_loop3A_271 = arith.index_cast %parallel_loop3A_268 : i32 to index
        %parallel_loop3A_272 = tpu.vector_load %arg13[%parallel_loop3A_270, %parallel_loop3A_271] {strides = array<i32>} : memref<32x128xf32, #tpu.memory_space<vmem>>, vector<16xf32>,
        tpu.vector_store %arg13[%parallel_loop3A_270, %parallel_loop3A_271], %parallel_loop3A_266 {strides = array<i32>} : memref<32x128xf32, #tpu.memory_space<vmem>>, vector<16xf32>,
        %parallel_loop3A_273 = arith.constant 44 : i32
        %parallel_loop3A_274 = vector.broadcast %parallel_loop3A_273 : i32 to vector<16xi32>
        %parallel_loop3A_275 = arith.addi %parallel_loop3A_158, %parallel_loop3A_274 : vector<16xi32>
        %parallel_loop3A_276 = tpu.vector_load_idx %arg9[%parallel_loop3A_162, %parallel_loop3A_275] : memref<128x128xf32, #tpu.memory_space<vmem>>[vector<16xi32>, vector<16xi32>], vector<16xf32>,
        %parallel_loop3A_277 = arith.constant 16 : i32
        %parallel_loop3A_278 = arith.muli %parallel_loop3A_149, %parallel_loop3A_277 : i32
        %parallel_loop3A_279 = arith.constant 11 : i32
        %parallel_loop3A_280 = arith.index_cast %parallel_loop3A_279 : i32 to index
        %parallel_loop3A_281 = arith.index_cast %parallel_loop3A_278 : i32 to index
        %parallel_loop3A_282 = tpu.vector_load %arg13[%parallel_loop3A_280, %parallel_loop3A_281] {strides = array<i32>} : memref<32x128xf32, #tpu.memory_space<vmem>>, vector<16xf32>,
        tpu.vector_store %arg13[%parallel_loop3A_280, %parallel_loop3A_281], %parallel_loop3A_276 {strides = array<i32>} : memref<32x128xf32, #tpu.memory_space<vmem>>, vector<16xf32>,
        %parallel_loop3A_283 = arith.constant 48 : i32
        %parallel_loop3A_284 = vector.broadcast %parallel_loop3A_283 : i32 to vector<16xi32>
        %parallel_loop3A_285 = arith.addi %parallel_loop3A_158, %parallel_loop3A_284 : vector<16xi32>
        %parallel_loop3A_286 = tpu.vector_load_idx %arg9[%parallel_loop3A_162, %parallel_loop3A_285] : memref<128x128xf32, #tpu.memory_space<vmem>>[vector<16xi32>, vector<16xi32>], vector<16xf32>,
        %parallel_loop3A_287 = arith.constant 16 : i32
        %parallel_loop3A_288 = arith.muli %parallel_loop3A_149, %parallel_loop3A_287 : i32
        %parallel_loop3A_289 = arith.constant 12 : i32
        %parallel_loop3A_290 = arith.index_cast %parallel_loop3A_289 : i32 to index
        %parallel_loop3A_291 = arith.index_cast %parallel_loop3A_288 : i32 to index
        %parallel_loop3A_292 = tpu.vector_load %arg13[%parallel_loop3A_290, %parallel_loop3A_291] {strides = array<i32>} : memref<32x128xf32, #tpu.memory_space<vmem>>, vector<16xf32>,
        tpu.vector_store %arg13[%parallel_loop3A_290, %parallel_loop3A_291], %parallel_loop3A_286 {strides = array<i32>} : memref<32x128xf32, #tpu.memory_space<vmem>>, vector<16xf32>,
        %parallel_loop3A_293 = arith.constant 52 : i32
        %parallel_loop3A_294 = vector.broadcast %parallel_loop3A_293 : i32 to vector<16xi32>
        %parallel_loop3A_295 = arith.addi %parallel_loop3A_158, %parallel_loop3A_294 : vector<16xi32>
        %parallel_loop3A_296 = tpu.vector_load_idx %arg9[%parallel_loop3A_162, %parallel_loop3A_295] : memref<128x128xf32, #tpu.memory_space<vmem>>[vector<16xi32>, vector<16xi32>], vector<16xf32>,
        %parallel_loop3A_297 = arith.constant 16 : i32
        %parallel_loop3A_298 = arith.muli %parallel_loop3A_149, %parallel_loop3A_297 : i32
        %parallel_loop3A_299 = arith.constant 13 : i32
        %parallel_loop3A_300 = arith.index_cast %parallel_loop3A_299 : i32 to index
        %parallel_loop3A_301 = arith.index_cast %parallel_loop3A_298 : i32 to index
        %parallel_loop3A_302 = tpu.vector_load %arg13[%parallel_loop3A_300, %parallel_loop3A_301] {strides = array<i32>} : memref<32x128xf32, #tpu.memory_space<vmem>>, vector<16xf32>,
        tpu.vector_store %arg13[%parallel_loop3A_300, %parallel_loop3A_301], %parallel_loop3A_296 {strides = array<i32>} : memref<32x128xf32, #tpu.memory_space<vmem>>, vector<16xf32>,
        %parallel_loop3A_303 = arith.constant 56 : i32
        %parallel_loop3A_304 = vector.broadcast %parallel_loop3A_303 : i32 to vector<16xi32>
        %parallel_loop3A_305 = arith.addi %parallel_loop3A_158, %parallel_loop3A_304 : vector<16xi32>
        %parallel_loop3A_306 = tpu.vector_load_idx %arg9[%parallel_loop3A_162, %parallel_loop3A_305] : memref<128x128xf32, #tpu.memory_space<vmem>>[vector<16xi32>, vector<16xi32>], vector<16xf32>,
        %parallel_loop3A_307 = arith.constant 16 : i32
        %parallel_loop3A_308 = arith.muli %parallel_loop3A_149, %parallel_loop3A_307 : i32
        %parallel_loop3A_309 = arith.constant 14 : i32
        %parallel_loop3A_310 = arith.index_cast %parallel_loop3A_309 : i32 to index
        %parallel_loop3A_311 = arith.index_cast %parallel_loop3A_308 : i32 to index
        %parallel_loop3A_312 = tpu.vector_load %arg13[%parallel_loop3A_310, %parallel_loop3A_311] {strides = array<i32>} : memref<32x128xf32, #tpu.memory_space<vmem>>, vector<16xf32>,
        tpu.vector_store %arg13[%parallel_loop3A_310, %parallel_loop3A_311], %parallel_loop3A_306 {strides = array<i32>} : memref<32x128xf32, #tpu.memory_space<vmem>>, vector<16xf32>,
        %parallel_loop3A_313 = arith.constant 60 : i32
        %parallel_loop3A_314 = vector.broadcast %parallel_loop3A_313 : i32 to vector<16xi32>
        %parallel_loop3A_315 = arith.addi %parallel_loop3A_158, %parallel_loop3A_314 : vector<16xi32>
        %parallel_loop3A_316 = tpu.vector_load_idx %arg9[%parallel_loop3A_162, %parallel_loop3A_315] : memref<128x128xf32, #tpu.memory_space<vmem>>[vector<16xi32>, vector<16xi32>], vector<16xf32>,
        %parallel_loop3A_317 = arith.constant 16 : i32
        %parallel_loop3A_318 = arith.muli %parallel_loop3A_149, %parallel_loop3A_317 : i32
        %parallel_loop3A_319 = arith.constant 15 : i32
        %parallel_loop3A_320 = arith.index_cast %parallel_loop3A_319 : i32 to index
        %parallel_loop3A_321 = arith.index_cast %parallel_loop3A_318 : i32 to index
        %parallel_loop3A_322 = tpu.vector_load %arg13[%parallel_loop3A_320, %parallel_loop3A_321] {strides = array<i32>} : memref<32x128xf32, #tpu.memory_space<vmem>>, vector<16xf32>,
        tpu.vector_store %arg13[%parallel_loop3A_320, %parallel_loop3A_321], %parallel_loop3A_316 {strides = array<i32>} : memref<32x128xf32, #tpu.memory_space<vmem>>, vector<16xf32>,
        %parallel_loop3A_323 = arith.constant 64 : i32
        %parallel_loop3A_324 = vector.broadcast %parallel_loop3A_323 : i32 to vector<16xi32>
        %parallel_loop3A_325 = arith.addi %parallel_loop3A_158, %parallel_loop3A_324 : vector<16xi32>
        %parallel_loop3A_326 = tpu.vector_load_idx %arg9[%parallel_loop3A_162, %parallel_loop3A_325] : memref<128x128xf32, #tpu.memory_space<vmem>>[vector<16xi32>, vector<16xi32>], vector<16xf32>,
        %parallel_loop3A_327 = arith.constant 16 : i32
        %parallel_loop3A_328 = arith.muli %parallel_loop3A_149, %parallel_loop3A_327 : i32
        %parallel_loop3A_329 = arith.constant 16 : i32
        %parallel_loop3A_330 = arith.index_cast %parallel_loop3A_329 : i32 to index
        %parallel_loop3A_331 = arith.index_cast %parallel_loop3A_328 : i32 to index
        %parallel_loop3A_332 = tpu.vector_load %arg13[%parallel_loop3A_330, %parallel_loop3A_331] {strides = array<i32>} : memref<32x128xf32, #tpu.memory_space<vmem>>, vector<16xf32>,
        tpu.vector_store %arg13[%parallel_loop3A_330, %parallel_loop3A_331], %parallel_loop3A_326 {strides = array<i32>} : memref<32x128xf32, #tpu.memory_space<vmem>>, vector<16xf32>,
        %parallel_loop3A_333 = arith.constant 68 : i32
        %parallel_loop3A_334 = vector.broadcast %parallel_loop3A_333 : i32 to vector<16xi32>
        %parallel_loop3A_335 = arith.addi %parallel_loop3A_158, %parallel_loop3A_334 : vector<16xi32>
        %parallel_loop3A_336 = tpu.vector_load_idx %arg9[%parallel_loop3A_162, %parallel_loop3A_335] : memref<128x128xf32, #tpu.memory_space<vmem>>[vector<16xi32>, vector<16xi32>], vector<16xf32>,
        %parallel_loop3A_337 = arith.constant 16 : i32
        %parallel_loop3A_338 = arith.muli %parallel_loop3A_149, %parallel_loop3A_337 : i32
        %parallel_loop3A_339 = arith.constant 17 : i32
        %parallel_loop3A_340 = arith.index_cast %parallel_loop3A_339 : i32 to index
        %parallel_loop3A_341 = arith.index_cast %parallel_loop3A_338 : i32 to index
        %parallel_loop3A_342 = tpu.vector_load %arg13[%parallel_loop3A_340, %parallel_loop3A_341] {strides = array<i32>} : memref<32x128xf32, #tpu.memory_space<vmem>>, vector<16xf32>,
        tpu.vector_store %arg13[%parallel_loop3A_340, %parallel_loop3A_341], %parallel_loop3A_336 {strides = array<i32>} : memref<32x128xf32, #tpu.memory_space<vmem>>, vector<16xf32>,
        %parallel_loop3A_343 = arith.constant 72 : i32
        %parallel_loop3A_344 = vector.broadcast %parallel_loop3A_343 : i32 to vector<16xi32>
        %parallel_loop3A_345 = arith.addi %parallel_loop3A_158, %parallel_loop3A_344 : vector<16xi32>
        %parallel_loop3A_346 = tpu.vector_load_idx %arg9[%parallel_loop3A_162, %parallel_loop3A_345] : memref<128x128xf32, #tpu.memory_space<vmem>>[vector<16xi32>, vector<16xi32>], vector<16xf32>,
        %parallel_loop3A_347 = arith.constant 16 : i32
        %parallel_loop3A_348 = arith.muli %parallel_loop3A_149, %parallel_loop3A_347 : i32
        %parallel_loop3A_349 = arith.constant 18 : i32
        %parallel_loop3A_350 = arith.index_cast %parallel_loop3A_349 : i32 to index
        %parallel_loop3A_351 = arith.index_cast %parallel_loop3A_348 : i32 to index
        %parallel_loop3A_352 = tpu.vector_load %arg13[%parallel_loop3A_350, %parallel_loop3A_351] {strides = array<i32>} : memref<32x128xf32, #tpu.memory_space<vmem>>, vector<16xf32>,
        tpu.vector_store %arg13[%parallel_loop3A_350, %parallel_loop3A_351], %parallel_loop3A_346 {strides = array<i32>} : memref<32x128xf32, #tpu.memory_space<vmem>>, vector<16xf32>,
        %parallel_loop3A_353 = arith.constant 76 : i32
        %parallel_loop3A_354 = vector.broadcast %parallel_loop3A_353 : i32 to vector<16xi32>
        %parallel_loop3A_355 = arith.addi %parallel_loop3A_158, %parallel_loop3A_354 : vector<16xi32>
        %parallel_loop3A_356 = tpu.vector_load_idx %arg9[%parallel_loop3A_162, %parallel_loop3A_355] : memref<128x128xf32, #tpu.memory_space<vmem>>[vector<16xi32>, vector<16xi32>], vector<16xf32>,
        %parallel_loop3A_357 = arith.constant 16 : i32
        %parallel_loop3A_358 = arith.muli %parallel_loop3A_149, %parallel_loop3A_357 : i32
        %parallel_loop3A_359 = arith.constant 19 : i32
        %parallel_loop3A_360 = arith.index_cast %parallel_loop3A_359 : i32 to index
        %parallel_loop3A_361 = arith.index_cast %parallel_loop3A_358 : i32 to index
        %parallel_loop3A_362 = tpu.vector_load %arg13[%parallel_loop3A_360, %parallel_loop3A_361] {strides = array<i32>} : memref<32x128xf32, #tpu.memory_space<vmem>>, vector<16xf32>,
        tpu.vector_store %arg13[%parallel_loop3A_360, %parallel_loop3A_361], %parallel_loop3A_356 {strides = array<i32>} : memref<32x128xf32, #tpu.memory_space<vmem>>, vector<16xf32>,
        %parallel_loop3A_363 = arith.constant 80 : i32
        %parallel_loop3A_364 = vector.broadcast %parallel_loop3A_363 : i32 to vector<16xi32>
        %parallel_loop3A_365 = arith.addi %parallel_loop3A_158, %parallel_loop3A_364 : vector<16xi32>
        %parallel_loop3A_366 = tpu.vector_load_idx %arg9[%parallel_loop3A_162, %parallel_loop3A_365] : memref<128x128xf32, #tpu.memory_space<vmem>>[vector<16xi32>, vector<16xi32>], vector<16xf32>,
        %parallel_loop3A_367 = arith.constant 16 : i32
        %parallel_loop3A_368 = arith.muli %parallel_loop3A_149, %parallel_loop3A_367 : i32
        %parallel_loop3A_369 = arith.constant 20 : i32
        %parallel_loop3A_370 = arith.index_cast %parallel_loop3A_369 : i32 to index
        %parallel_loop3A_371 = arith.index_cast %parallel_loop3A_368 : i32 to index
        %parallel_loop3A_372 = tpu.vector_load %arg13[%parallel_loop3A_370, %parallel_loop3A_371] {strides = array<i32>} : memref<32x128xf32, #tpu.memory_space<vmem>>, vector<16xf32>,
        tpu.vector_store %arg13[%parallel_loop3A_370, %parallel_loop3A_371], %parallel_loop3A_366 {strides = array<i32>} : memref<32x128xf32, #tpu.memory_space<vmem>>, vector<16xf32>,
        %parallel_loop3A_373 = arith.constant 84 : i32
        %parallel_loop3A_374 = vector.broadcast %parallel_loop3A_373 : i32 to vector<16xi32>
        %parallel_loop3A_375 = arith.addi %parallel_loop3A_158, %parallel_loop3A_374 : vector<16xi32>
        %parallel_loop3A_376 = tpu.vector_load_idx %arg9[%parallel_loop3A_162, %parallel_loop3A_375] : memref<128x128xf32, #tpu.memory_space<vmem>>[vector<16xi32>, vector<16xi32>], vector<16xf32>,
        %parallel_loop3A_377 = arith.constant 16 : i32
        %parallel_loop3A_378 = arith.muli %parallel_loop3A_149, %parallel_loop3A_377 : i32
        %parallel_loop3A_379 = arith.constant 21 : i32
        %parallel_loop3A_380 = arith.index_cast %parallel_loop3A_379 : i32 to index
        %parallel_loop3A_381 = arith.index_cast %parallel_loop3A_378 : i32 to index
        %parallel_loop3A_382 = tpu.vector_load %arg13[%parallel_loop3A_380, %parallel_loop3A_381] {strides = array<i32>} : memref<32x128xf32, #tpu.memory_space<vmem>>, vector<16xf32>,
        tpu.vector_store %arg13[%parallel_loop3A_380, %parallel_loop3A_381], %parallel_loop3A_376 {strides = array<i32>} : memref<32x128xf32, #tpu.memory_space<vmem>>, vector<16xf32>,
        %parallel_loop3A_383 = arith.constant 88 : i32
        %parallel_loop3A_384 = vector.broadcast %parallel_loop3A_383 : i32 to vector<16xi32>
        %parallel_loop3A_385 = arith.addi %parallel_loop3A_158, %parallel_loop3A_384 : vector<16xi32>
        %parallel_loop3A_386 = tpu.vector_load_idx %arg9[%parallel_loop3A_162, %parallel_loop3A_385] : memref<128x128xf32, #tpu.memory_space<vmem>>[vector<16xi32>, vector<16xi32>], vector<16xf32>,
        %parallel_loop3A_387 = arith.constant 16 : i32
        %parallel_loop3A_388 = arith.muli %parallel_loop3A_149, %parallel_loop3A_387 : i32
        %parallel_loop3A_389 = arith.constant 22 : i32
        %parallel_loop3A_390 = arith.index_cast %parallel_loop3A_389 : i32 to index
        %parallel_loop3A_391 = arith.index_cast %parallel_loop3A_388 : i32 to index
        %parallel_loop3A_392 = tpu.vector_load %arg13[%parallel_loop3A_390, %parallel_loop3A_391] {strides = array<i32>} : memref<32x128xf32, #tpu.memory_space<vmem>>, vector<16xf32>,
        tpu.vector_store %arg13[%parallel_loop3A_390, %parallel_loop3A_391], %parallel_loop3A_386 {strides = array<i32>} : memref<32x128xf32, #tpu.memory_space<vmem>>, vector<16xf32>,
        %parallel_loop3A_393 = arith.constant 92 : i32
        %parallel_loop3A_394 = vector.broadcast %parallel_loop3A_393 : i32 to vector<16xi32>
        %parallel_loop3A_395 = arith.addi %parallel_loop3A_158, %parallel_loop3A_394 : vector<16xi32>
        %parallel_loop3A_396 = tpu.vector_load_idx %arg9[%parallel_loop3A_162, %parallel_loop3A_395] : memref<128x128xf32, #tpu.memory_space<vmem>>[vector<16xi32>, vector<16xi32>], vector<16xf32>,
        %parallel_loop3A_397 = arith.constant 16 : i32
        %parallel_loop3A_398 = arith.muli %parallel_loop3A_149, %parallel_loop3A_397 : i32
        %parallel_loop3A_399 = arith.constant 23 : i32
        %parallel_loop3A_400 = arith.index_cast %parallel_loop3A_399 : i32 to index
        %parallel_loop3A_401 = arith.index_cast %parallel_loop3A_398 : i32 to index
        %parallel_loop3A_402 = tpu.vector_load %arg13[%parallel_loop3A_400, %parallel_loop3A_401] {strides = array<i32>} : memref<32x128xf32, #tpu.memory_space<vmem>>, vector<16xf32>,
        tpu.vector_store %arg13[%parallel_loop3A_400, %parallel_loop3A_401], %parallel_loop3A_396 {strides = array<i32>} : memref<32x128xf32, #tpu.memory_space<vmem>>, vector<16xf32>,
        %parallel_loop3A_403 = arith.constant 96 : i32
        %parallel_loop3A_404 = vector.broadcast %parallel_loop3A_403 : i32 to vector<16xi32>
        %parallel_loop3A_405 = arith.addi %parallel_loop3A_158, %parallel_loop3A_404 : vector<16xi32>
        %parallel_loop3A_406 = tpu.vector_load_idx %arg9[%parallel_loop3A_162, %parallel_loop3A_405] : memref<128x128xf32, #tpu.memory_space<vmem>>[vector<16xi32>, vector<16xi32>], vector<16xf32>,
        %parallel_loop3A_407 = arith.constant 16 : i32
        %parallel_loop3A_408 = arith.muli %parallel_loop3A_149, %parallel_loop3A_407 : i32
        %parallel_loop3A_409 = arith.constant 24 : i32
        %parallel_loop3A_410 = arith.index_cast %parallel_loop3A_409 : i32 to index
        %parallel_loop3A_411 = arith.index_cast %parallel_loop3A_408 : i32 to index
        %parallel_loop3A_412 = tpu.vector_load %arg13[%parallel_loop3A_410, %parallel_loop3A_411] {strides = array<i32>} : memref<32x128xf32, #tpu.memory_space<vmem>>, vector<16xf32>,
        tpu.vector_store %arg13[%parallel_loop3A_410, %parallel_loop3A_411], %parallel_loop3A_406 {strides = array<i32>} : memref<32x128xf32, #tpu.memory_space<vmem>>, vector<16xf32>,
        %parallel_loop3A_413 = arith.constant 100 : i32
        %parallel_loop3A_414 = vector.broadcast %parallel_loop3A_413 : i32 to vector<16xi32>
        %parallel_loop3A_415 = arith.addi %parallel_loop3A_158, %parallel_loop3A_414 : vector<16xi32>
        %parallel_loop3A_416 = tpu.vector_load_idx %arg9[%parallel_loop3A_162, %parallel_loop3A_415] : memref<128x128xf32, #tpu.memory_space<vmem>>[vector<16xi32>, vector<16xi32>], vector<16xf32>,
        %parallel_loop3A_417 = arith.constant 16 : i32
        %parallel_loop3A_418 = arith.muli %parallel_loop3A_149, %parallel_loop3A_417 : i32
        %parallel_loop3A_419 = arith.constant 25 : i32
        %parallel_loop3A_420 = arith.index_cast %parallel_loop3A_419 : i32 to index
        %parallel_loop3A_421 = arith.index_cast %parallel_loop3A_418 : i32 to index
        %parallel_loop3A_422 = tpu.vector_load %arg13[%parallel_loop3A_420, %parallel_loop3A_421] {strides = array<i32>} : memref<32x128xf32, #tpu.memory_space<vmem>>, vector<16xf32>,
        tpu.vector_store %arg13[%parallel_loop3A_420, %parallel_loop3A_421], %parallel_loop3A_416 {strides = array<i32>} : memref<32x128xf32, #tpu.memory_space<vmem>>, vector<16xf32>,
        %parallel_loop3A_423 = arith.constant 104 : i32
        %parallel_loop3A_424 = vector.broadcast %parallel_loop3A_423 : i32 to vector<16xi32>
        %parallel_loop3A_425 = arith.addi %parallel_loop3A_158, %parallel_loop3A_424 : vector<16xi32>
        %parallel_loop3A_426 = tpu.vector_load_idx %arg9[%parallel_loop3A_162, %parallel_loop3A_425] : memref<128x128xf32, #tpu.memory_space<vmem>>[vector<16xi32>, vector<16xi32>], vector<16xf32>,
        %parallel_loop3A_427 = arith.constant 16 : i32
        %parallel_loop3A_428 = arith.muli %parallel_loop3A_149, %parallel_loop3A_427 : i32
        %parallel_loop3A_429 = arith.constant 26 : i32
        %parallel_loop3A_430 = arith.index_cast %parallel_loop3A_429 : i32 to index
        %parallel_loop3A_431 = arith.index_cast %parallel_loop3A_428 : i32 to index
        %parallel_loop3A_432 = tpu.vector_load %arg13[%parallel_loop3A_430, %parallel_loop3A_431] {strides = array<i32>} : memref<32x128xf32, #tpu.memory_space<vmem>>, vector<16xf32>,
        tpu.vector_store %arg13[%parallel_loop3A_430, %parallel_loop3A_431], %parallel_loop3A_426 {strides = array<i32>} : memref<32x128xf32, #tpu.memory_space<vmem>>, vector<16xf32>,
        %parallel_loop3A_433 = arith.constant 108 : i32
        %parallel_loop3A_434 = vector.broadcast %parallel_loop3A_433 : i32 to vector<16xi32>
        %parallel_loop3A_435 = arith.addi %parallel_loop3A_158, %parallel_loop3A_434 : vector<16xi32>
        %parallel_loop3A_436 = tpu.vector_load_idx %arg9[%parallel_loop3A_162, %parallel_loop3A_435] : memref<128x128xf32, #tpu.memory_space<vmem>>[vector<16xi32>, vector<16xi32>], vector<16xf32>,
        %parallel_loop3A_437 = arith.constant 16 : i32
        %parallel_loop3A_438 = arith.muli %parallel_loop3A_149, %parallel_loop3A_437 : i32
        %parallel_loop3A_439 = arith.constant 27 : i32
        %parallel_loop3A_440 = arith.index_cast %parallel_loop3A_439 : i32 to index
        %parallel_loop3A_441 = arith.index_cast %parallel_loop3A_438 : i32 to index
        %parallel_loop3A_442 = tpu.vector_load %arg13[%parallel_loop3A_440, %parallel_loop3A_441] {strides = array<i32>} : memref<32x128xf32, #tpu.memory_space<vmem>>, vector<16xf32>,
        tpu.vector_store %arg13[%parallel_loop3A_440, %parallel_loop3A_441], %parallel_loop3A_436 {strides = array<i32>} : memref<32x128xf32, #tpu.memory_space<vmem>>, vector<16xf32>,
        %parallel_loop3A_443 = arith.constant 112 : i32
        %parallel_loop3A_444 = vector.broadcast %parallel_loop3A_443 : i32 to vector<16xi32>
        %parallel_loop3A_445 = arith.addi %parallel_loop3A_158, %parallel_loop3A_444 : vector<16xi32>
        %parallel_loop3A_446 = tpu.vector_load_idx %arg9[%parallel_loop3A_162, %parallel_loop3A_445] : memref<128x128xf32, #tpu.memory_space<vmem>>[vector<16xi32>, vector<16xi32>], vector<16xf32>,
        %parallel_loop3A_447 = arith.constant 16 : i32
        %parallel_loop3A_448 = arith.muli %parallel_loop3A_149, %parallel_loop3A_447 : i32
        %parallel_loop3A_449 = arith.constant 28 : i32
        %parallel_loop3A_450 = arith.index_cast %parallel_loop3A_449 : i32 to index
        %parallel_loop3A_451 = arith.index_cast %parallel_loop3A_448 : i32 to index
        %parallel_loop3A_452 = tpu.vector_load %arg13[%parallel_loop3A_450, %parallel_loop3A_451] {strides = array<i32>} : memref<32x128xf32, #tpu.memory_space<vmem>>, vector<16xf32>,
        tpu.vector_store %arg13[%parallel_loop3A_450, %parallel_loop3A_451], %parallel_loop3A_446 {strides = array<i32>} : memref<32x128xf32, #tpu.memory_space<vmem>>, vector<16xf32>,
        %parallel_loop3A_453 = arith.constant 116 : i32
        %parallel_loop3A_454 = vector.broadcast %parallel_loop3A_453 : i32 to vector<16xi32>
        %parallel_loop3A_455 = arith.addi %parallel_loop3A_158, %parallel_loop3A_454 : vector<16xi32>
        %parallel_loop3A_456 = tpu.vector_load_idx %arg9[%parallel_loop3A_162, %parallel_loop3A_455] : memref<128x128xf32, #tpu.memory_space<vmem>>[vector<16xi32>, vector<16xi32>], vector<16xf32>,
        %parallel_loop3A_457 = arith.constant 16 : i32
        %parallel_loop3A_458 = arith.muli %parallel_loop3A_149, %parallel_loop3A_457 : i32
        %parallel_loop3A_459 = arith.constant 29 : i32
        %parallel_loop3A_460 = arith.index_cast %parallel_loop3A_459 : i32 to index
        %parallel_loop3A_461 = arith.index_cast %parallel_loop3A_458 : i32 to index
        %parallel_loop3A_462 = tpu.vector_load %arg13[%parallel_loop3A_460, %parallel_loop3A_461] {strides = array<i32>} : memref<32x128xf32, #tpu.memory_space<vmem>>, vector<16xf32>,
        tpu.vector_store %arg13[%parallel_loop3A_460, %parallel_loop3A_461], %parallel_loop3A_456 {strides = array<i32>} : memref<32x128xf32, #tpu.memory_space<vmem>>, vector<16xf32>,
        %parallel_loop3A_463 = arith.constant 120 : i32
        %parallel_loop3A_464 = vector.broadcast %parallel_loop3A_463 : i32 to vector<16xi32>
        %parallel_loop3A_465 = arith.addi %parallel_loop3A_158, %parallel_loop3A_464 : vector<16xi32>
        %parallel_loop3A_466 = tpu.vector_load_idx %arg9[%parallel_loop3A_162, %parallel_loop3A_465] : memref<128x128xf32, #tpu.memory_space<vmem>>[vector<16xi32>, vector<16xi32>], vector<16xf32>,
        %parallel_loop3A_467 = arith.constant 16 : i32
        %parallel_loop3A_468 = arith.muli %parallel_loop3A_149, %parallel_loop3A_467 : i32
        %parallel_loop3A_469 = arith.constant 30 : i32
        %parallel_loop3A_470 = arith.index_cast %parallel_loop3A_469 : i32 to index
        %parallel_loop3A_471 = arith.index_cast %parallel_loop3A_468 : i32 to index
        %parallel_loop3A_472 = tpu.vector_load %arg13[%parallel_loop3A_470, %parallel_loop3A_471] {strides = array<i32>} : memref<32x128xf32, #tpu.memory_space<vmem>>, vector<16xf32>,
        tpu.vector_store %arg13[%parallel_loop3A_470, %parallel_loop3A_471], %parallel_loop3A_466 {strides = array<i32>} : memref<32x128xf32, #tpu.memory_space<vmem>>, vector<16xf32>,
        %parallel_loop3A_473 = arith.constant 124 : i32
        %parallel_loop3A_474 = vector.broadcast %parallel_loop3A_473 : i32 to vector<16xi32>
        %parallel_loop3A_475 = arith.addi %parallel_loop3A_158, %parallel_loop3A_474 : vector<16xi32>
        %parallel_loop3A_476 = tpu.vector_load_idx %arg9[%parallel_loop3A_162, %parallel_loop3A_475] : memref<128x128xf32, #tpu.memory_space<vmem>>[vector<16xi32>, vector<16xi32>], vector<16xf32>,
        %parallel_loop3A_477 = arith.constant 16 : i32
        %parallel_loop3A_478 = arith.muli %parallel_loop3A_149, %parallel_loop3A_477 : i32
        %parallel_loop3A_479 = arith.constant 31 : i32
        %parallel_loop3A_480 = arith.index_cast %parallel_loop3A_479 : i32 to index
        %parallel_loop3A_481 = arith.index_cast %parallel_loop3A_478 : i32 to index
        %parallel_loop3A_482 = tpu.vector_load %arg13[%parallel_loop3A_480, %parallel_loop3A_481] {strides = array<i32>} : memref<32x128xf32, #tpu.memory_space<vmem>>, vector<16xf32>,
        tpu.vector_store %arg13[%parallel_loop3A_480, %parallel_loop3A_481], %parallel_loop3A_476 {strides = array<i32>} : memref<32x128xf32, #tpu.memory_space<vmem>>, vector<16xf32>,
      } {sc.loop_unroll_factor = 4 : i64, sc.parallel_access}
      %add3A_125 = arith.constant 256 : i32
      %add3A_126 = arith.addi %mul3A_2, %add3A_125 : i32
      %dma_start3A_127 = arith.constant 0 : i32
      %dma_start3A_128 = tpu.memref_slice %arg4[%add3A_46, %dma_start3A_127, %add3A_126] : memref<26x32x16384xf32, #tpu.memory_space<hbm>> -> memref<1x32x128xf32, #tpu.memory_space<hbm>>
      %dma_start3A_129 = tpu.memref_squeeze %dma_start3A_128 : memref<1x32x128xf32, #tpu.memory_space<hbm>> -> memref<32x128xf32, #tpu.memory_space<hbm>>
      %dma_start3A_130 = arith.constant 0 : i32
      %dma_start3A_131 = tpu.memref_slice %arg4[%add3A_46, %dma_start3A_130, %add3A_126] : memref<26x32x16384xf32, #tpu.memory_space<hbm>> -> memref<1x32x128xf32, #tpu.memory_space<hbm>>
      %dma_start3A_132 = tpu.memref_squeeze %dma_start3A_131 : memref<1x32x128xf32, #tpu.memory_space<hbm>> -> memref<32x128xf32, #tpu.memory_space<hbm>>
      tpu.enqueue_dma source(%arg13 : memref<32x128xf32, #tpu.memory_space<vmem>>) target(%dma_start3A_132 : memref<32x128xf32, #tpu.memory_space<hbm>>) target_semaphore(%arg21 : memref<!tpu.dma_semaphore, #tpu.memory_space<semaphore_mem>>)
      %dma_wait3A_133 = arith.constant 384 : i32
      %dma_wait3A_134 = tpu.memref_slice %arg6[%dma_wait3A_133] : memref<512xi32, #tpu.memory_space<vmem>> -> memref<128xi32, #tpu.memory_space<vmem>>
      %dma_wait3A_135 = arith.constant 0 : i32
      %dma_wait3A_136 = arith.constant 0 : i32
      %dma_wait3A_137 = tpu.memref_slice %arg3[%dma_wait3A_135, %dma_wait3A_136] : memref<250000x128xf32, #tpu.memory_space<hbm>> -> memref<250000x128xf32, #tpu.memory_space<hbm>>
      tpu.wait_indirect_dma semaphore(%arg18 : memref<!tpu.dma_semaphore, #tpu.memory_space<semaphore_mem>>) src(%dma_wait3A_137 : memref<250000x128xf32, #tpu.memory_space<hbm>>) dst(%arg10 : memref<128x128xf32, #tpu.memory_space<vmem>>)
      %parallel_loop3A_138 = arith.constant 0 : i32
      %parallel_loop3A_139 = arith.constant 8 : i32
      %parallel_loop3A_140 = arith.constant 1 : i32
      scf.for %parallel_loop3A_149 = %parallel_loop3A_138 to %parallel_loop3A_139 step %parallel_loop3A_140  : i32 {
        %parallel_loop3A_150 = arith.constant 16 : i32
        %parallel_loop3A_151 = arith.muli %parallel_loop3A_149, %parallel_loop3A_150 : i32
        %parallel_loop3A_152 = arith.constant 384 : i32
        %parallel_loop3A_153 = arith.addi %parallel_loop3A_152, %parallel_loop3A_151 : i32
        %parallel_loop3A_154 = arith.index_cast %parallel_loop3A_153 : i32 to index
        %parallel_loop3A_155 = tpu.vector_load %arg5[%parallel_loop3A_154] {strides = array<i32>} : memref<512xi32, #tpu.memory_space<vmem>>, vector<16xi32>,
        %parallel_loop3A_156 = arith.constant 3 : i32
        %parallel_loop3A_157 = vector.broadcast %parallel_loop3A_156 : i32 to vector<16xi32>
        %parallel_loop3A_158 = arith.andi %parallel_loop3A_155, %parallel_loop3A_157 : vector<16xi32>
        %parallel_loop3A_159 = arith.constant 16 : i32
        %parallel_loop3A_160 = arith.muli %parallel_loop3A_149, %parallel_loop3A_159 : i32
        %parallel_loop3A_161 = vector.broadcast %parallel_loop3A_160 : i32 to vector<16xi32>
        %parallel_loop3A_162 = arith.addi %iota3A, %parallel_loop3A_161 : vector<16xi32>
        %parallel_loop3A_163 = arith.constant 0 : i32
        %parallel_loop3A_164 = vector.broadcast %parallel_loop3A_163 : i32 to vector<16xi32>
        %parallel_loop3A_165 = arith.addi %parallel_loop3A_158, %parallel_loop3A_164 : vector<16xi32>
        %parallel_loop3A_166 = tpu.vector_load_idx %arg10[%parallel_loop3A_162, %parallel_loop3A_165] : memref<128x128xf32, #tpu.memory_space<vmem>>[vector<16xi32>, vector<16xi32>], vector<16xf32>,
        %parallel_loop3A_167 = arith.constant 16 : i32
        %parallel_loop3A_168 = arith.muli %parallel_loop3A_149, %parallel_loop3A_167 : i32
        %parallel_loop3A_169 = arith.constant 0 : i32
        %parallel_loop3A_170 = arith.index_cast %parallel_loop3A_169 : i32 to index
        %parallel_loop3A_171 = arith.index_cast %parallel_loop3A_168 : i32 to index
        %parallel_loop3A_172 = tpu.vector_load %arg14[%parallel_loop3A_170, %parallel_loop3A_171] {strides = array<i32>} : memref<32x128xf32, #tpu.memory_space<vmem>>, vector<16xf32>,
        tpu.vector_store %arg14[%parallel_loop3A_170, %parallel_loop3A_171], %parallel_loop3A_166 {strides = array<i32>} : memref<32x128xf32, #tpu.memory_space<vmem>>, vector<16xf32>,
        %parallel_loop3A_173 = arith.constant 4 : i32
        %parallel_loop3A_174 = vector.broadcast %parallel_loop3A_173 : i32 to vector<16xi32>
        %parallel_loop3A_175 = arith.addi %parallel_loop3A_158, %parallel_loop3A_174 : vector<16xi32>
        %parallel_loop3A_176 = tpu.vector_load_idx %arg10[%parallel_loop3A_162, %parallel_loop3A_175] : memref<128x128xf32, #tpu.memory_space<vmem>>[vector<16xi32>, vector<16xi32>], vector<16xf32>,
        %parallel_loop3A_177 = arith.constant 16 : i32
        %parallel_loop3A_178 = arith.muli %parallel_loop3A_149, %parallel_loop3A_177 : i32
        %parallel_loop3A_179 = arith.constant 1 : i32
        %parallel_loop3A_180 = arith.index_cast %parallel_loop3A_179 : i32 to index
        %parallel_loop3A_181 = arith.index_cast %parallel_loop3A_178 : i32 to index
        %parallel_loop3A_182 = tpu.vector_load %arg14[%parallel_loop3A_180, %parallel_loop3A_181] {strides = array<i32>} : memref<32x128xf32, #tpu.memory_space<vmem>>, vector<16xf32>,
        tpu.vector_store %arg14[%parallel_loop3A_180, %parallel_loop3A_181], %parallel_loop3A_176 {strides = array<i32>} : memref<32x128xf32, #tpu.memory_space<vmem>>, vector<16xf32>,
        %parallel_loop3A_183 = arith.constant 8 : i32
        %parallel_loop3A_184 = vector.broadcast %parallel_loop3A_183 : i32 to vector<16xi32>
        %parallel_loop3A_185 = arith.addi %parallel_loop3A_158, %parallel_loop3A_184 : vector<16xi32>
        %parallel_loop3A_186 = tpu.vector_load_idx %arg10[%parallel_loop3A_162, %parallel_loop3A_185] : memref<128x128xf32, #tpu.memory_space<vmem>>[vector<16xi32>, vector<16xi32>], vector<16xf32>,
        %parallel_loop3A_187 = arith.constant 16 : i32
        %parallel_loop3A_188 = arith.muli %parallel_loop3A_149, %parallel_loop3A_187 : i32
        %parallel_loop3A_189 = arith.constant 2 : i32
        %parallel_loop3A_190 = arith.index_cast %parallel_loop3A_189 : i32 to index
        %parallel_loop3A_191 = arith.index_cast %parallel_loop3A_188 : i32 to index
        %parallel_loop3A_192 = tpu.vector_load %arg14[%parallel_loop3A_190, %parallel_loop3A_191] {strides = array<i32>} : memref<32x128xf32, #tpu.memory_space<vmem>>, vector<16xf32>,
        tpu.vector_store %arg14[%parallel_loop3A_190, %parallel_loop3A_191], %parallel_loop3A_186 {strides = array<i32>} : memref<32x128xf32, #tpu.memory_space<vmem>>, vector<16xf32>,
        %parallel_loop3A_193 = arith.constant 12 : i32
        %parallel_loop3A_194 = vector.broadcast %parallel_loop3A_193 : i32 to vector<16xi32>
        %parallel_loop3A_195 = arith.addi %parallel_loop3A_158, %parallel_loop3A_194 : vector<16xi32>
        %parallel_loop3A_196 = tpu.vector_load_idx %arg10[%parallel_loop3A_162, %parallel_loop3A_195] : memref<128x128xf32, #tpu.memory_space<vmem>>[vector<16xi32>, vector<16xi32>], vector<16xf32>,
        %parallel_loop3A_197 = arith.constant 16 : i32
        %parallel_loop3A_198 = arith.muli %parallel_loop3A_149, %parallel_loop3A_197 : i32
        %parallel_loop3A_199 = arith.constant 3 : i32
        %parallel_loop3A_200 = arith.index_cast %parallel_loop3A_199 : i32 to index
        %parallel_loop3A_201 = arith.index_cast %parallel_loop3A_198 : i32 to index
        %parallel_loop3A_202 = tpu.vector_load %arg14[%parallel_loop3A_200, %parallel_loop3A_201] {strides = array<i32>} : memref<32x128xf32, #tpu.memory_space<vmem>>, vector<16xf32>,
        tpu.vector_store %arg14[%parallel_loop3A_200, %parallel_loop3A_201], %parallel_loop3A_196 {strides = array<i32>} : memref<32x128xf32, #tpu.memory_space<vmem>>, vector<16xf32>,
        %parallel_loop3A_203 = arith.constant 16 : i32
        %parallel_loop3A_204 = vector.broadcast %parallel_loop3A_203 : i32 to vector<16xi32>
        %parallel_loop3A_205 = arith.addi %parallel_loop3A_158, %parallel_loop3A_204 : vector<16xi32>
        %parallel_loop3A_206 = tpu.vector_load_idx %arg10[%parallel_loop3A_162, %parallel_loop3A_205] : memref<128x128xf32, #tpu.memory_space<vmem>>[vector<16xi32>, vector<16xi32>], vector<16xf32>,
        %parallel_loop3A_207 = arith.constant 16 : i32
        %parallel_loop3A_208 = arith.muli %parallel_loop3A_149, %parallel_loop3A_207 : i32
        %parallel_loop3A_209 = arith.constant 4 : i32
        %parallel_loop3A_210 = arith.index_cast %parallel_loop3A_209 : i32 to index
        %parallel_loop3A_211 = arith.index_cast %parallel_loop3A_208 : i32 to index
        %parallel_loop3A_212 = tpu.vector_load %arg14[%parallel_loop3A_210, %parallel_loop3A_211] {strides = array<i32>} : memref<32x128xf32, #tpu.memory_space<vmem>>, vector<16xf32>,
        tpu.vector_store %arg14[%parallel_loop3A_210, %parallel_loop3A_211], %parallel_loop3A_206 {strides = array<i32>} : memref<32x128xf32, #tpu.memory_space<vmem>>, vector<16xf32>,
        %parallel_loop3A_213 = arith.constant 20 : i32
        %parallel_loop3A_214 = vector.broadcast %parallel_loop3A_213 : i32 to vector<16xi32>
        %parallel_loop3A_215 = arith.addi %parallel_loop3A_158, %parallel_loop3A_214 : vector<16xi32>
        %parallel_loop3A_216 = tpu.vector_load_idx %arg10[%parallel_loop3A_162, %parallel_loop3A_215] : memref<128x128xf32, #tpu.memory_space<vmem>>[vector<16xi32>, vector<16xi32>], vector<16xf32>,
        %parallel_loop3A_217 = arith.constant 16 : i32
        %parallel_loop3A_218 = arith.muli %parallel_loop3A_149, %parallel_loop3A_217 : i32
        %parallel_loop3A_219 = arith.constant 5 : i32
        %parallel_loop3A_220 = arith.index_cast %parallel_loop3A_219 : i32 to index
        %parallel_loop3A_221 = arith.index_cast %parallel_loop3A_218 : i32 to index
        %parallel_loop3A_222 = tpu.vector_load %arg14[%parallel_loop3A_220, %parallel_loop3A_221] {strides = array<i32>} : memref<32x128xf32, #tpu.memory_space<vmem>>, vector<16xf32>,
        tpu.vector_store %arg14[%parallel_loop3A_220, %parallel_loop3A_221], %parallel_loop3A_216 {strides = array<i32>} : memref<32x128xf32, #tpu.memory_space<vmem>>, vector<16xf32>,
        %parallel_loop3A_223 = arith.constant 24 : i32
        %parallel_loop3A_224 = vector.broadcast %parallel_loop3A_223 : i32 to vector<16xi32>
        %parallel_loop3A_225 = arith.addi %parallel_loop3A_158, %parallel_loop3A_224 : vector<16xi32>
        %parallel_loop3A_226 = tpu.vector_load_idx %arg10[%parallel_loop3A_162, %parallel_loop3A_225] : memref<128x128xf32, #tpu.memory_space<vmem>>[vector<16xi32>, vector<16xi32>], vector<16xf32>,
        %parallel_loop3A_227 = arith.constant 16 : i32
        %parallel_loop3A_228 = arith.muli %parallel_loop3A_149, %parallel_loop3A_227 : i32
        %parallel_loop3A_229 = arith.constant 6 : i32
        %parallel_loop3A_230 = arith.index_cast %parallel_loop3A_229 : i32 to index
        %parallel_loop3A_231 = arith.index_cast %parallel_loop3A_228 : i32 to index
        %parallel_loop3A_232 = tpu.vector_load %arg14[%parallel_loop3A_230, %parallel_loop3A_231] {strides = array<i32>} : memref<32x128xf32, #tpu.memory_space<vmem>>, vector<16xf32>,
        tpu.vector_store %arg14[%parallel_loop3A_230, %parallel_loop3A_231], %parallel_loop3A_226 {strides = array<i32>} : memref<32x128xf32, #tpu.memory_space<vmem>>, vector<16xf32>,
        %parallel_loop3A_233 = arith.constant 28 : i32
        %parallel_loop3A_234 = vector.broadcast %parallel_loop3A_233 : i32 to vector<16xi32>
        %parallel_loop3A_235 = arith.addi %parallel_loop3A_158, %parallel_loop3A_234 : vector<16xi32>
        %parallel_loop3A_236 = tpu.vector_load_idx %arg10[%parallel_loop3A_162, %parallel_loop3A_235] : memref<128x128xf32, #tpu.memory_space<vmem>>[vector<16xi32>, vector<16xi32>], vector<16xf32>,
        %parallel_loop3A_237 = arith.constant 16 : i32
        %parallel_loop3A_238 = arith.muli %parallel_loop3A_149, %parallel_loop3A_237 : i32
        %parallel_loop3A_239 = arith.constant 7 : i32
        %parallel_loop3A_240 = arith.index_cast %parallel_loop3A_239 : i32 to index
        %parallel_loop3A_241 = arith.index_cast %parallel_loop3A_238 : i32 to index
        %parallel_loop3A_242 = tpu.vector_load %arg14[%parallel_loop3A_240, %parallel_loop3A_241] {strides = array<i32>} : memref<32x128xf32, #tpu.memory_space<vmem>>, vector<16xf32>,
        tpu.vector_store %arg14[%parallel_loop3A_240, %parallel_loop3A_241], %parallel_loop3A_236 {strides = array<i32>} : memref<32x128xf32, #tpu.memory_space<vmem>>, vector<16xf32>,
        %parallel_loop3A_243 = arith.constant 32 : i32
        %parallel_loop3A_244 = vector.broadcast %parallel_loop3A_243 : i32 to vector<16xi32>
        %parallel_loop3A_245 = arith.addi %parallel_loop3A_158, %parallel_loop3A_244 : vector<16xi32>
        %parallel_loop3A_246 = tpu.vector_load_idx %arg10[%parallel_loop3A_162, %parallel_loop3A_245] : memref<128x128xf32, #tpu.memory_space<vmem>>[vector<16xi32>, vector<16xi32>], vector<16xf32>,
        %parallel_loop3A_247 = arith.constant 16 : i32
        %parallel_loop3A_248 = arith.muli %parallel_loop3A_149, %parallel_loop3A_247 : i32
        %parallel_loop3A_249 = arith.constant 8 : i32
        %parallel_loop3A_250 = arith.index_cast %parallel_loop3A_249 : i32 to index
        %parallel_loop3A_251 = arith.index_cast %parallel_loop3A_248 : i32 to index
        %parallel_loop3A_252 = tpu.vector_load %arg14[%parallel_loop3A_250, %parallel_loop3A_251] {strides = array<i32>} : memref<32x128xf32, #tpu.memory_space<vmem>>, vector<16xf32>,
        tpu.vector_store %arg14[%parallel_loop3A_250, %parallel_loop3A_251], %parallel_loop3A_246 {strides = array<i32>} : memref<32x128xf32, #tpu.memory_space<vmem>>, vector<16xf32>,
        %parallel_loop3A_253 = arith.constant 36 : i32
        %parallel_loop3A_254 = vector.broadcast %parallel_loop3A_253 : i32 to vector<16xi32>
        %parallel_loop3A_255 = arith.addi %parallel_loop3A_158, %parallel_loop3A_254 : vector<16xi32>
        %parallel_loop3A_256 = tpu.vector_load_idx %arg10[%parallel_loop3A_162, %parallel_loop3A_255] : memref<128x128xf32, #tpu.memory_space<vmem>>[vector<16xi32>, vector<16xi32>], vector<16xf32>,
        %parallel_loop3A_257 = arith.constant 16 : i32
        %parallel_loop3A_258 = arith.muli %parallel_loop3A_149, %parallel_loop3A_257 : i32
        %parallel_loop3A_259 = arith.constant 9 : i32
        %parallel_loop3A_260 = arith.index_cast %parallel_loop3A_259 : i32 to index
        %parallel_loop3A_261 = arith.index_cast %parallel_loop3A_258 : i32 to index
        %parallel_loop3A_262 = tpu.vector_load %arg14[%parallel_loop3A_260, %parallel_loop3A_261] {strides = array<i32>} : memref<32x128xf32, #tpu.memory_space<vmem>>, vector<16xf32>,
        tpu.vector_store %arg14[%parallel_loop3A_260, %parallel_loop3A_261], %parallel_loop3A_256 {strides = array<i32>} : memref<32x128xf32, #tpu.memory_space<vmem>>, vector<16xf32>,
        %parallel_loop3A_263 = arith.constant 40 : i32
        %parallel_loop3A_264 = vector.broadcast %parallel_loop3A_263 : i32 to vector<16xi32>
        %parallel_loop3A_265 = arith.addi %parallel_loop3A_158, %parallel_loop3A_264 : vector<16xi32>
        %parallel_loop3A_266 = tpu.vector_load_idx %arg10[%parallel_loop3A_162, %parallel_loop3A_265] : memref<128x128xf32, #tpu.memory_space<vmem>>[vector<16xi32>, vector<16xi32>], vector<16xf32>,
        %parallel_loop3A_267 = arith.constant 16 : i32
        %parallel_loop3A_268 = arith.muli %parallel_loop3A_149, %parallel_loop3A_267 : i32
        %parallel_loop3A_269 = arith.constant 10 : i32
        %parallel_loop3A_270 = arith.index_cast %parallel_loop3A_269 : i32 to index
        %parallel_loop3A_271 = arith.index_cast %parallel_loop3A_268 : i32 to index
        %parallel_loop3A_272 = tpu.vector_load %arg14[%parallel_loop3A_270, %parallel_loop3A_271] {strides = array<i32>} : memref<32x128xf32, #tpu.memory_space<vmem>>, vector<16xf32>,
        tpu.vector_store %arg14[%parallel_loop3A_270, %parallel_loop3A_271], %parallel_loop3A_266 {strides = array<i32>} : memref<32x128xf32, #tpu.memory_space<vmem>>, vector<16xf32>,
        %parallel_loop3A_273 = arith.constant 44 : i32
        %parallel_loop3A_274 = vector.broadcast %parallel_loop3A_273 : i32 to vector<16xi32>
        %parallel_loop3A_275 = arith.addi %parallel_loop3A_158, %parallel_loop3A_274 : vector<16xi32>
        %parallel_loop3A_276 = tpu.vector_load_idx %arg10[%parallel_loop3A_162, %parallel_loop3A_275] : memref<128x128xf32, #tpu.memory_space<vmem>>[vector<16xi32>, vector<16xi32>], vector<16xf32>,
        %parallel_loop3A_277 = arith.constant 16 : i32
        %parallel_loop3A_278 = arith.muli %parallel_loop3A_149, %parallel_loop3A_277 : i32
        %parallel_loop3A_279 = arith.constant 11 : i32
        %parallel_loop3A_280 = arith.index_cast %parallel_loop3A_279 : i32 to index
        %parallel_loop3A_281 = arith.index_cast %parallel_loop3A_278 : i32 to index
        %parallel_loop3A_282 = tpu.vector_load %arg14[%parallel_loop3A_280, %parallel_loop3A_281] {strides = array<i32>} : memref<32x128xf32, #tpu.memory_space<vmem>>, vector<16xf32>,
        tpu.vector_store %arg14[%parallel_loop3A_280, %parallel_loop3A_281], %parallel_loop3A_276 {strides = array<i32>} : memref<32x128xf32, #tpu.memory_space<vmem>>, vector<16xf32>,
        %parallel_loop3A_283 = arith.constant 48 : i32
        %parallel_loop3A_284 = vector.broadcast %parallel_loop3A_283 : i32 to vector<16xi32>
        %parallel_loop3A_285 = arith.addi %parallel_loop3A_158, %parallel_loop3A_284 : vector<16xi32>
        %parallel_loop3A_286 = tpu.vector_load_idx %arg10[%parallel_loop3A_162, %parallel_loop3A_285] : memref<128x128xf32, #tpu.memory_space<vmem>>[vector<16xi32>, vector<16xi32>], vector<16xf32>,
        %parallel_loop3A_287 = arith.constant 16 : i32
        %parallel_loop3A_288 = arith.muli %parallel_loop3A_149, %parallel_loop3A_287 : i32
        %parallel_loop3A_289 = arith.constant 12 : i32
        %parallel_loop3A_290 = arith.index_cast %parallel_loop3A_289 : i32 to index
        %parallel_loop3A_291 = arith.index_cast %parallel_loop3A_288 : i32 to index
        %parallel_loop3A_292 = tpu.vector_load %arg14[%parallel_loop3A_290, %parallel_loop3A_291] {strides = array<i32>} : memref<32x128xf32, #tpu.memory_space<vmem>>, vector<16xf32>,
        tpu.vector_store %arg14[%parallel_loop3A_290, %parallel_loop3A_291], %parallel_loop3A_286 {strides = array<i32>} : memref<32x128xf32, #tpu.memory_space<vmem>>, vector<16xf32>,
        %parallel_loop3A_293 = arith.constant 52 : i32
        %parallel_loop3A_294 = vector.broadcast %parallel_loop3A_293 : i32 to vector<16xi32>
        %parallel_loop3A_295 = arith.addi %parallel_loop3A_158, %parallel_loop3A_294 : vector<16xi32>
        %parallel_loop3A_296 = tpu.vector_load_idx %arg10[%parallel_loop3A_162, %parallel_loop3A_295] : memref<128x128xf32, #tpu.memory_space<vmem>>[vector<16xi32>, vector<16xi32>], vector<16xf32>,
        %parallel_loop3A_297 = arith.constant 16 : i32
        %parallel_loop3A_298 = arith.muli %parallel_loop3A_149, %parallel_loop3A_297 : i32
        %parallel_loop3A_299 = arith.constant 13 : i32
        %parallel_loop3A_300 = arith.index_cast %parallel_loop3A_299 : i32 to index
        %parallel_loop3A_301 = arith.index_cast %parallel_loop3A_298 : i32 to index
        %parallel_loop3A_302 = tpu.vector_load %arg14[%parallel_loop3A_300, %parallel_loop3A_301] {strides = array<i32>} : memref<32x128xf32, #tpu.memory_space<vmem>>, vector<16xf32>,
        tpu.vector_store %arg14[%parallel_loop3A_300, %parallel_loop3A_301], %parallel_loop3A_296 {strides = array<i32>} : memref<32x128xf32, #tpu.memory_space<vmem>>, vector<16xf32>,
        %parallel_loop3A_303 = arith.constant 56 : i32
        %parallel_loop3A_304 = vector.broadcast %parallel_loop3A_303 : i32 to vector<16xi32>
        %parallel_loop3A_305 = arith.addi %parallel_loop3A_158, %parallel_loop3A_304 : vector<16xi32>
        %parallel_loop3A_306 = tpu.vector_load_idx %arg10[%parallel_loop3A_162, %parallel_loop3A_305] : memref<128x128xf32, #tpu.memory_space<vmem>>[vector<16xi32>, vector<16xi32>], vector<16xf32>,
        %parallel_loop3A_307 = arith.constant 16 : i32
        %parallel_loop3A_308 = arith.muli %parallel_loop3A_149, %parallel_loop3A_307 : i32
        %parallel_loop3A_309 = arith.constant 14 : i32
        %parallel_loop3A_310 = arith.index_cast %parallel_loop3A_309 : i32 to index
        %parallel_loop3A_311 = arith.index_cast %parallel_loop3A_308 : i32 to index
        %parallel_loop3A_312 = tpu.vector_load %arg14[%parallel_loop3A_310, %parallel_loop3A_311] {strides = array<i32>} : memref<32x128xf32, #tpu.memory_space<vmem>>, vector<16xf32>,
        tpu.vector_store %arg14[%parallel_loop3A_310, %parallel_loop3A_311], %parallel_loop3A_306 {strides = array<i32>} : memref<32x128xf32, #tpu.memory_space<vmem>>, vector<16xf32>,
        %parallel_loop3A_313 = arith.constant 60 : i32
        %parallel_loop3A_314 = vector.broadcast %parallel_loop3A_313 : i32 to vector<16xi32>
        %parallel_loop3A_315 = arith.addi %parallel_loop3A_158, %parallel_loop3A_314 : vector<16xi32>
        %parallel_loop3A_316 = tpu.vector_load_idx %arg10[%parallel_loop3A_162, %parallel_loop3A_315] : memref<128x128xf32, #tpu.memory_space<vmem>>[vector<16xi32>, vector<16xi32>], vector<16xf32>,
        %parallel_loop3A_317 = arith.constant 16 : i32
        %parallel_loop3A_318 = arith.muli %parallel_loop3A_149, %parallel_loop3A_317 : i32
        %parallel_loop3A_319 = arith.constant 15 : i32
        %parallel_loop3A_320 = arith.index_cast %parallel_loop3A_319 : i32 to index
        %parallel_loop3A_321 = arith.index_cast %parallel_loop3A_318 : i32 to index
        %parallel_loop3A_322 = tpu.vector_load %arg14[%parallel_loop3A_320, %parallel_loop3A_321] {strides = array<i32>} : memref<32x128xf32, #tpu.memory_space<vmem>>, vector<16xf32>,
        tpu.vector_store %arg14[%parallel_loop3A_320, %parallel_loop3A_321], %parallel_loop3A_316 {strides = array<i32>} : memref<32x128xf32, #tpu.memory_space<vmem>>, vector<16xf32>,
        %parallel_loop3A_323 = arith.constant 64 : i32
        %parallel_loop3A_324 = vector.broadcast %parallel_loop3A_323 : i32 to vector<16xi32>
        %parallel_loop3A_325 = arith.addi %parallel_loop3A_158, %parallel_loop3A_324 : vector<16xi32>
        %parallel_loop3A_326 = tpu.vector_load_idx %arg10[%parallel_loop3A_162, %parallel_loop3A_325] : memref<128x128xf32, #tpu.memory_space<vmem>>[vector<16xi32>, vector<16xi32>], vector<16xf32>,
        %parallel_loop3A_327 = arith.constant 16 : i32
        %parallel_loop3A_328 = arith.muli %parallel_loop3A_149, %parallel_loop3A_327 : i32
        %parallel_loop3A_329 = arith.constant 16 : i32
        %parallel_loop3A_330 = arith.index_cast %parallel_loop3A_329 : i32 to index
        %parallel_loop3A_331 = arith.index_cast %parallel_loop3A_328 : i32 to index
        %parallel_loop3A_332 = tpu.vector_load %arg14[%parallel_loop3A_330, %parallel_loop3A_331] {strides = array<i32>} : memref<32x128xf32, #tpu.memory_space<vmem>>, vector<16xf32>,
        tpu.vector_store %arg14[%parallel_loop3A_330, %parallel_loop3A_331], %parallel_loop3A_326 {strides = array<i32>} : memref<32x128xf32, #tpu.memory_space<vmem>>, vector<16xf32>,
        %parallel_loop3A_333 = arith.constant 68 : i32
        %parallel_loop3A_334 = vector.broadcast %parallel_loop3A_333 : i32 to vector<16xi32>
        %parallel_loop3A_335 = arith.addi %parallel_loop3A_158, %parallel_loop3A_334 : vector<16xi32>
        %parallel_loop3A_336 = tpu.vector_load_idx %arg10[%parallel_loop3A_162, %parallel_loop3A_335] : memref<128x128xf32, #tpu.memory_space<vmem>>[vector<16xi32>, vector<16xi32>], vector<16xf32>,
        %parallel_loop3A_337 = arith.constant 16 : i32
        %parallel_loop3A_338 = arith.muli %parallel_loop3A_149, %parallel_loop3A_337 : i32
        %parallel_loop3A_339 = arith.constant 17 : i32
        %parallel_loop3A_340 = arith.index_cast %parallel_loop3A_339 : i32 to index
        %parallel_loop3A_341 = arith.index_cast %parallel_loop3A_338 : i32 to index
        %parallel_loop3A_342 = tpu.vector_load %arg14[%parallel_loop3A_340, %parallel_loop3A_341] {strides = array<i32>} : memref<32x128xf32, #tpu.memory_space<vmem>>, vector<16xf32>,
        tpu.vector_store %arg14[%parallel_loop3A_340, %parallel_loop3A_341], %parallel_loop3A_336 {strides = array<i32>} : memref<32x128xf32, #tpu.memory_space<vmem>>, vector<16xf32>,
        %parallel_loop3A_343 = arith.constant 72 : i32
        %parallel_loop3A_344 = vector.broadcast %parallel_loop3A_343 : i32 to vector<16xi32>
        %parallel_loop3A_345 = arith.addi %parallel_loop3A_158, %parallel_loop3A_344 : vector<16xi32>
        %parallel_loop3A_346 = tpu.vector_load_idx %arg10[%parallel_loop3A_162, %parallel_loop3A_345] : memref<128x128xf32, #tpu.memory_space<vmem>>[vector<16xi32>, vector<16xi32>], vector<16xf32>,
        %parallel_loop3A_347 = arith.constant 16 : i32
        %parallel_loop3A_348 = arith.muli %parallel_loop3A_149, %parallel_loop3A_347 : i32
        %parallel_loop3A_349 = arith.constant 18 : i32
        %parallel_loop3A_350 = arith.index_cast %parallel_loop3A_349 : i32 to index
        %parallel_loop3A_351 = arith.index_cast %parallel_loop3A_348 : i32 to index
        %parallel_loop3A_352 = tpu.vector_load %arg14[%parallel_loop3A_350, %parallel_loop3A_351] {strides = array<i32>} : memref<32x128xf32, #tpu.memory_space<vmem>>, vector<16xf32>,
        tpu.vector_store %arg14[%parallel_loop3A_350, %parallel_loop3A_351], %parallel_loop3A_346 {strides = array<i32>} : memref<32x128xf32, #tpu.memory_space<vmem>>, vector<16xf32>,
        %parallel_loop3A_353 = arith.constant 76 : i32
        %parallel_loop3A_354 = vector.broadcast %parallel_loop3A_353 : i32 to vector<16xi32>
        %parallel_loop3A_355 = arith.addi %parallel_loop3A_158, %parallel_loop3A_354 : vector<16xi32>
        %parallel_loop3A_356 = tpu.vector_load_idx %arg10[%parallel_loop3A_162, %parallel_loop3A_355] : memref<128x128xf32, #tpu.memory_space<vmem>>[vector<16xi32>, vector<16xi32>], vector<16xf32>,
        %parallel_loop3A_357 = arith.constant 16 : i32
        %parallel_loop3A_358 = arith.muli %parallel_loop3A_149, %parallel_loop3A_357 : i32
        %parallel_loop3A_359 = arith.constant 19 : i32
        %parallel_loop3A_360 = arith.index_cast %parallel_loop3A_359 : i32 to index
        %parallel_loop3A_361 = arith.index_cast %parallel_loop3A_358 : i32 to index
        %parallel_loop3A_362 = tpu.vector_load %arg14[%parallel_loop3A_360, %parallel_loop3A_361] {strides = array<i32>} : memref<32x128xf32, #tpu.memory_space<vmem>>, vector<16xf32>,
        tpu.vector_store %arg14[%parallel_loop3A_360, %parallel_loop3A_361], %parallel_loop3A_356 {strides = array<i32>} : memref<32x128xf32, #tpu.memory_space<vmem>>, vector<16xf32>,
        %parallel_loop3A_363 = arith.constant 80 : i32
        %parallel_loop3A_364 = vector.broadcast %parallel_loop3A_363 : i32 to vector<16xi32>
        %parallel_loop3A_365 = arith.addi %parallel_loop3A_158, %parallel_loop3A_364 : vector<16xi32>
        %parallel_loop3A_366 = tpu.vector_load_idx %arg10[%parallel_loop3A_162, %parallel_loop3A_365] : memref<128x128xf32, #tpu.memory_space<vmem>>[vector<16xi32>, vector<16xi32>], vector<16xf32>,
        %parallel_loop3A_367 = arith.constant 16 : i32
        %parallel_loop3A_368 = arith.muli %parallel_loop3A_149, %parallel_loop3A_367 : i32
        %parallel_loop3A_369 = arith.constant 20 : i32
        %parallel_loop3A_370 = arith.index_cast %parallel_loop3A_369 : i32 to index
        %parallel_loop3A_371 = arith.index_cast %parallel_loop3A_368 : i32 to index
        %parallel_loop3A_372 = tpu.vector_load %arg14[%parallel_loop3A_370, %parallel_loop3A_371] {strides = array<i32>} : memref<32x128xf32, #tpu.memory_space<vmem>>, vector<16xf32>,
        tpu.vector_store %arg14[%parallel_loop3A_370, %parallel_loop3A_371], %parallel_loop3A_366 {strides = array<i32>} : memref<32x128xf32, #tpu.memory_space<vmem>>, vector<16xf32>,
        %parallel_loop3A_373 = arith.constant 84 : i32
        %parallel_loop3A_374 = vector.broadcast %parallel_loop3A_373 : i32 to vector<16xi32>
        %parallel_loop3A_375 = arith.addi %parallel_loop3A_158, %parallel_loop3A_374 : vector<16xi32>
        %parallel_loop3A_376 = tpu.vector_load_idx %arg10[%parallel_loop3A_162, %parallel_loop3A_375] : memref<128x128xf32, #tpu.memory_space<vmem>>[vector<16xi32>, vector<16xi32>], vector<16xf32>,
        %parallel_loop3A_377 = arith.constant 16 : i32
        %parallel_loop3A_378 = arith.muli %parallel_loop3A_149, %parallel_loop3A_377 : i32
        %parallel_loop3A_379 = arith.constant 21 : i32
        %parallel_loop3A_380 = arith.index_cast %parallel_loop3A_379 : i32 to index
        %parallel_loop3A_381 = arith.index_cast %parallel_loop3A_378 : i32 to index
        %parallel_loop3A_382 = tpu.vector_load %arg14[%parallel_loop3A_380, %parallel_loop3A_381] {strides = array<i32>} : memref<32x128xf32, #tpu.memory_space<vmem>>, vector<16xf32>,
        tpu.vector_store %arg14[%parallel_loop3A_380, %parallel_loop3A_381], %parallel_loop3A_376 {strides = array<i32>} : memref<32x128xf32, #tpu.memory_space<vmem>>, vector<16xf32>,
        %parallel_loop3A_383 = arith.constant 88 : i32
        %parallel_loop3A_384 = vector.broadcast %parallel_loop3A_383 : i32 to vector<16xi32>
        %parallel_loop3A_385 = arith.addi %parallel_loop3A_158, %parallel_loop3A_384 : vector<16xi32>
        %parallel_loop3A_386 = tpu.vector_load_idx %arg10[%parallel_loop3A_162, %parallel_loop3A_385] : memref<128x128xf32, #tpu.memory_space<vmem>>[vector<16xi32>, vector<16xi32>], vector<16xf32>,
        %parallel_loop3A_387 = arith.constant 16 : i32
        %parallel_loop3A_388 = arith.muli %parallel_loop3A_149, %parallel_loop3A_387 : i32
        %parallel_loop3A_389 = arith.constant 22 : i32
        %parallel_loop3A_390 = arith.index_cast %parallel_loop3A_389 : i32 to index
        %parallel_loop3A_391 = arith.index_cast %parallel_loop3A_388 : i32 to index
        %parallel_loop3A_392 = tpu.vector_load %arg14[%parallel_loop3A_390, %parallel_loop3A_391] {strides = array<i32>} : memref<32x128xf32, #tpu.memory_space<vmem>>, vector<16xf32>,
        tpu.vector_store %arg14[%parallel_loop3A_390, %parallel_loop3A_391], %parallel_loop3A_386 {strides = array<i32>} : memref<32x128xf32, #tpu.memory_space<vmem>>, vector<16xf32>,
        %parallel_loop3A_393 = arith.constant 92 : i32
        %parallel_loop3A_394 = vector.broadcast %parallel_loop3A_393 : i32 to vector<16xi32>
        %parallel_loop3A_395 = arith.addi %parallel_loop3A_158, %parallel_loop3A_394 : vector<16xi32>
        %parallel_loop3A_396 = tpu.vector_load_idx %arg10[%parallel_loop3A_162, %parallel_loop3A_395] : memref<128x128xf32, #tpu.memory_space<vmem>>[vector<16xi32>, vector<16xi32>], vector<16xf32>,
        %parallel_loop3A_397 = arith.constant 16 : i32
        %parallel_loop3A_398 = arith.muli %parallel_loop3A_149, %parallel_loop3A_397 : i32
        %parallel_loop3A_399 = arith.constant 23 : i32
        %parallel_loop3A_400 = arith.index_cast %parallel_loop3A_399 : i32 to index
        %parallel_loop3A_401 = arith.index_cast %parallel_loop3A_398 : i32 to index
        %parallel_loop3A_402 = tpu.vector_load %arg14[%parallel_loop3A_400, %parallel_loop3A_401] {strides = array<i32>} : memref<32x128xf32, #tpu.memory_space<vmem>>, vector<16xf32>,
        tpu.vector_store %arg14[%parallel_loop3A_400, %parallel_loop3A_401], %parallel_loop3A_396 {strides = array<i32>} : memref<32x128xf32, #tpu.memory_space<vmem>>, vector<16xf32>,
        %parallel_loop3A_403 = arith.constant 96 : i32
        %parallel_loop3A_404 = vector.broadcast %parallel_loop3A_403 : i32 to vector<16xi32>
        %parallel_loop3A_405 = arith.addi %parallel_loop3A_158, %parallel_loop3A_404 : vector<16xi32>
        %parallel_loop3A_406 = tpu.vector_load_idx %arg10[%parallel_loop3A_162, %parallel_loop3A_405] : memref<128x128xf32, #tpu.memory_space<vmem>>[vector<16xi32>, vector<16xi32>], vector<16xf32>,
        %parallel_loop3A_407 = arith.constant 16 : i32
        %parallel_loop3A_408 = arith.muli %parallel_loop3A_149, %parallel_loop3A_407 : i32
        %parallel_loop3A_409 = arith.constant 24 : i32
        %parallel_loop3A_410 = arith.index_cast %parallel_loop3A_409 : i32 to index
        %parallel_loop3A_411 = arith.index_cast %parallel_loop3A_408 : i32 to index
        %parallel_loop3A_412 = tpu.vector_load %arg14[%parallel_loop3A_410, %parallel_loop3A_411] {strides = array<i32>} : memref<32x128xf32, #tpu.memory_space<vmem>>, vector<16xf32>,
        tpu.vector_store %arg14[%parallel_loop3A_410, %parallel_loop3A_411], %parallel_loop3A_406 {strides = array<i32>} : memref<32x128xf32, #tpu.memory_space<vmem>>, vector<16xf32>,
        %parallel_loop3A_413 = arith.constant 100 : i32
        %parallel_loop3A_414 = vector.broadcast %parallel_loop3A_413 : i32 to vector<16xi32>
        %parallel_loop3A_415 = arith.addi %parallel_loop3A_158, %parallel_loop3A_414 : vector<16xi32>
        %parallel_loop3A_416 = tpu.vector_load_idx %arg10[%parallel_loop3A_162, %parallel_loop3A_415] : memref<128x128xf32, #tpu.memory_space<vmem>>[vector<16xi32>, vector<16xi32>], vector<16xf32>,
        %parallel_loop3A_417 = arith.constant 16 : i32
        %parallel_loop3A_418 = arith.muli %parallel_loop3A_149, %parallel_loop3A_417 : i32
        %parallel_loop3A_419 = arith.constant 25 : i32
        %parallel_loop3A_420 = arith.index_cast %parallel_loop3A_419 : i32 to index
        %parallel_loop3A_421 = arith.index_cast %parallel_loop3A_418 : i32 to index
        %parallel_loop3A_422 = tpu.vector_load %arg14[%parallel_loop3A_420, %parallel_loop3A_421] {strides = array<i32>} : memref<32x128xf32, #tpu.memory_space<vmem>>, vector<16xf32>,
        tpu.vector_store %arg14[%parallel_loop3A_420, %parallel_loop3A_421], %parallel_loop3A_416 {strides = array<i32>} : memref<32x128xf32, #tpu.memory_space<vmem>>, vector<16xf32>,
        %parallel_loop3A_423 = arith.constant 104 : i32
        %parallel_loop3A_424 = vector.broadcast %parallel_loop3A_423 : i32 to vector<16xi32>
        %parallel_loop3A_425 = arith.addi %parallel_loop3A_158, %parallel_loop3A_424 : vector<16xi32>
        %parallel_loop3A_426 = tpu.vector_load_idx %arg10[%parallel_loop3A_162, %parallel_loop3A_425] : memref<128x128xf32, #tpu.memory_space<vmem>>[vector<16xi32>, vector<16xi32>], vector<16xf32>,
        %parallel_loop3A_427 = arith.constant 16 : i32
        %parallel_loop3A_428 = arith.muli %parallel_loop3A_149, %parallel_loop3A_427 : i32
        %parallel_loop3A_429 = arith.constant 26 : i32
        %parallel_loop3A_430 = arith.index_cast %parallel_loop3A_429 : i32 to index
        %parallel_loop3A_431 = arith.index_cast %parallel_loop3A_428 : i32 to index
        %parallel_loop3A_432 = tpu.vector_load %arg14[%parallel_loop3A_430, %parallel_loop3A_431] {strides = array<i32>} : memref<32x128xf32, #tpu.memory_space<vmem>>, vector<16xf32>,
        tpu.vector_store %arg14[%parallel_loop3A_430, %parallel_loop3A_431], %parallel_loop3A_426 {strides = array<i32>} : memref<32x128xf32, #tpu.memory_space<vmem>>, vector<16xf32>,
        %parallel_loop3A_433 = arith.constant 108 : i32
        %parallel_loop3A_434 = vector.broadcast %parallel_loop3A_433 : i32 to vector<16xi32>
        %parallel_loop3A_435 = arith.addi %parallel_loop3A_158, %parallel_loop3A_434 : vector<16xi32>
        %parallel_loop3A_436 = tpu.vector_load_idx %arg10[%parallel_loop3A_162, %parallel_loop3A_435] : memref<128x128xf32, #tpu.memory_space<vmem>>[vector<16xi32>, vector<16xi32>], vector<16xf32>,
        %parallel_loop3A_437 = arith.constant 16 : i32
        %parallel_loop3A_438 = arith.muli %parallel_loop3A_149, %parallel_loop3A_437 : i32
        %parallel_loop3A_439 = arith.constant 27 : i32
        %parallel_loop3A_440 = arith.index_cast %parallel_loop3A_439 : i32 to index
        %parallel_loop3A_441 = arith.index_cast %parallel_loop3A_438 : i32 to index
        %parallel_loop3A_442 = tpu.vector_load %arg14[%parallel_loop3A_440, %parallel_loop3A_441] {strides = array<i32>} : memref<32x128xf32, #tpu.memory_space<vmem>>, vector<16xf32>,
        tpu.vector_store %arg14[%parallel_loop3A_440, %parallel_loop3A_441], %parallel_loop3A_436 {strides = array<i32>} : memref<32x128xf32, #tpu.memory_space<vmem>>, vector<16xf32>,
        %parallel_loop3A_443 = arith.constant 112 : i32
        %parallel_loop3A_444 = vector.broadcast %parallel_loop3A_443 : i32 to vector<16xi32>
        %parallel_loop3A_445 = arith.addi %parallel_loop3A_158, %parallel_loop3A_444 : vector<16xi32>
        %parallel_loop3A_446 = tpu.vector_load_idx %arg10[%parallel_loop3A_162, %parallel_loop3A_445] : memref<128x128xf32, #tpu.memory_space<vmem>>[vector<16xi32>, vector<16xi32>], vector<16xf32>,
        %parallel_loop3A_447 = arith.constant 16 : i32
        %parallel_loop3A_448 = arith.muli %parallel_loop3A_149, %parallel_loop3A_447 : i32
        %parallel_loop3A_449 = arith.constant 28 : i32
        %parallel_loop3A_450 = arith.index_cast %parallel_loop3A_449 : i32 to index
        %parallel_loop3A_451 = arith.index_cast %parallel_loop3A_448 : i32 to index
        %parallel_loop3A_452 = tpu.vector_load %arg14[%parallel_loop3A_450, %parallel_loop3A_451] {strides = array<i32>} : memref<32x128xf32, #tpu.memory_space<vmem>>, vector<16xf32>,
        tpu.vector_store %arg14[%parallel_loop3A_450, %parallel_loop3A_451], %parallel_loop3A_446 {strides = array<i32>} : memref<32x128xf32, #tpu.memory_space<vmem>>, vector<16xf32>,
        %parallel_loop3A_453 = arith.constant 116 : i32
        %parallel_loop3A_454 = vector.broadcast %parallel_loop3A_453 : i32 to vector<16xi32>
        %parallel_loop3A_455 = arith.addi %parallel_loop3A_158, %parallel_loop3A_454 : vector<16xi32>
        %parallel_loop3A_456 = tpu.vector_load_idx %arg10[%parallel_loop3A_162, %parallel_loop3A_455] : memref<128x128xf32, #tpu.memory_space<vmem>>[vector<16xi32>, vector<16xi32>], vector<16xf32>,
        %parallel_loop3A_457 = arith.constant 16 : i32
        %parallel_loop3A_458 = arith.muli %parallel_loop3A_149, %parallel_loop3A_457 : i32
        %parallel_loop3A_459 = arith.constant 29 : i32
        %parallel_loop3A_460 = arith.index_cast %parallel_loop3A_459 : i32 to index
        %parallel_loop3A_461 = arith.index_cast %parallel_loop3A_458 : i32 to index
        %parallel_loop3A_462 = tpu.vector_load %arg14[%parallel_loop3A_460, %parallel_loop3A_461] {strides = array<i32>} : memref<32x128xf32, #tpu.memory_space<vmem>>, vector<16xf32>,
        tpu.vector_store %arg14[%parallel_loop3A_460, %parallel_loop3A_461], %parallel_loop3A_456 {strides = array<i32>} : memref<32x128xf32, #tpu.memory_space<vmem>>, vector<16xf32>,
        %parallel_loop3A_463 = arith.constant 120 : i32
        %parallel_loop3A_464 = vector.broadcast %parallel_loop3A_463 : i32 to vector<16xi32>
        %parallel_loop3A_465 = arith.addi %parallel_loop3A_158, %parallel_loop3A_464 : vector<16xi32>
        %parallel_loop3A_466 = tpu.vector_load_idx %arg10[%parallel_loop3A_162, %parallel_loop3A_465] : memref<128x128xf32, #tpu.memory_space<vmem>>[vector<16xi32>, vector<16xi32>], vector<16xf32>,
        %parallel_loop3A_467 = arith.constant 16 : i32
        %parallel_loop3A_468 = arith.muli %parallel_loop3A_149, %parallel_loop3A_467 : i32
        %parallel_loop3A_469 = arith.constant 30 : i32
        %parallel_loop3A_470 = arith.index_cast %parallel_loop3A_469 : i32 to index
        %parallel_loop3A_471 = arith.index_cast %parallel_loop3A_468 : i32 to index
        %parallel_loop3A_472 = tpu.vector_load %arg14[%parallel_loop3A_470, %parallel_loop3A_471] {strides = array<i32>} : memref<32x128xf32, #tpu.memory_space<vmem>>, vector<16xf32>,
        tpu.vector_store %arg14[%parallel_loop3A_470, %parallel_loop3A_471], %parallel_loop3A_466 {strides = array<i32>} : memref<32x128xf32, #tpu.memory_space<vmem>>, vector<16xf32>,
        %parallel_loop3A_473 = arith.constant 124 : i32
        %parallel_loop3A_474 = vector.broadcast %parallel_loop3A_473 : i32 to vector<16xi32>
        %parallel_loop3A_475 = arith.addi %parallel_loop3A_158, %parallel_loop3A_474 : vector<16xi32>
        %parallel_loop3A_476 = tpu.vector_load_idx %arg10[%parallel_loop3A_162, %parallel_loop3A_475] : memref<128x128xf32, #tpu.memory_space<vmem>>[vector<16xi32>, vector<16xi32>], vector<16xf32>,
        %parallel_loop3A_477 = arith.constant 16 : i32
        %parallel_loop3A_478 = arith.muli %parallel_loop3A_149, %parallel_loop3A_477 : i32
        %parallel_loop3A_479 = arith.constant 31 : i32
        %parallel_loop3A_480 = arith.index_cast %parallel_loop3A_479 : i32 to index
        %parallel_loop3A_481 = arith.index_cast %parallel_loop3A_478 : i32 to index
        %parallel_loop3A_482 = tpu.vector_load %arg14[%parallel_loop3A_480, %parallel_loop3A_481] {strides = array<i32>} : memref<32x128xf32, #tpu.memory_space<vmem>>, vector<16xf32>,
        tpu.vector_store %arg14[%parallel_loop3A_480, %parallel_loop3A_481], %parallel_loop3A_476 {strides = array<i32>} : memref<32x128xf32, #tpu.memory_space<vmem>>, vector<16xf32>,
      } {sc.loop_unroll_factor = 4 : i64, sc.parallel_access}
      %add3A_141 = arith.constant 384 : i32
      %add3A_142 = arith.addi %mul3A_2, %add3A_141 : i32
      %dma_start3A_143 = arith.constant 0 : i32
      %dma_start3A_144 = tpu.memref_slice %arg4[%add3A_46, %dma_start3A_143, %add3A_142] : memref<26x32x16384xf32, #tpu.memory_space<hbm>> -> memref<1x32x128xf32, #tpu.memory_space<hbm>>
      %dma_start3A_145 = tpu.memref_squeeze %dma_start3A_144 : memref<1x32x128xf32, #tpu.memory_space<hbm>> -> memref<32x128xf32, #tpu.memory_space<hbm>>
      %dma_start3A_146 = arith.constant 0 : i32
      %dma_start3A_147 = tpu.memref_slice %arg4[%add3A_46, %dma_start3A_146, %add3A_142] : memref<26x32x16384xf32, #tpu.memory_space<hbm>> -> memref<1x32x128xf32, #tpu.memory_space<hbm>>
      %dma_start3A_148 = tpu.memref_squeeze %dma_start3A_147 : memref<1x32x128xf32, #tpu.memory_space<hbm>> -> memref<32x128xf32, #tpu.memory_space<hbm>>
      tpu.enqueue_dma source(%arg14 : memref<32x128xf32, #tpu.memory_space<vmem>>) target(%dma_start3A_148 : memref<32x128xf32, #tpu.memory_space<hbm>>) target_semaphore(%arg22 : memref<!tpu.dma_semaphore, #tpu.memory_space<semaphore_mem>>)
    }
    %scan3A_6 = arith.constant 26 : i32
    %add3A_7 = arith.constant 0 : i32
    %add3A_8 = arith.addi %mul3A_2, %add3A_7 : i32
    %dma_wait3A = arith.constant 25 : i32
    %dma_wait3A_9 = arith.constant 0 : i32
    %dma_wait3A_10 = tpu.memref_slice %arg4[%dma_wait3A, %dma_wait3A_9, %add3A_8] : memref<26x32x16384xf32, #tpu.memory_space<hbm>> -> memref<1x32x128xf32, #tpu.memory_space<hbm>>
    %dma_wait3A_11 = tpu.memref_squeeze %dma_wait3A_10 : memref<1x32x128xf32, #tpu.memory_space<hbm>> -> memref<32x128xf32, #tpu.memory_space<hbm>>
    %dma_wait3A_12 = arith.constant 0 : i32
    %dma_wait3A_13 = tpu.memref_slice %arg4[%dma_wait3A, %dma_wait3A_12, %add3A_8] : memref<26x32x16384xf32, #tpu.memory_space<hbm>> -> memref<1x32x128xf32, #tpu.memory_space<hbm>>
    %dma_wait3A_14 = tpu.memref_squeeze %dma_wait3A_13 : memref<1x32x128xf32, #tpu.memory_space<hbm>> -> memref<32x128xf32, #tpu.memory_space<hbm>>
    tpu.wait_dma2 semaphore(%arg19 : memref<!tpu.dma_semaphore, #tpu.memory_space<semaphore_mem>>) src(%arg11 : memref<32x128xf32, #tpu.memory_space<vmem>>) dst(%dma_wait3A_14 : memref<32x128xf32, #tpu.memory_space<hbm>>)
    %add3A_15 = arith.constant 128 : i32
    %add3A_16 = arith.addi %mul3A_2, %add3A_15 : i32
    %dma_wait3A_17 = arith.constant 25 : i32
    %dma_wait3A_18 = arith.constant 0 : i32
    %dma_wait3A_19 = tpu.memref_slice %arg4[%dma_wait3A_17, %dma_wait3A_18, %add3A_16] : memref<26x32x16384xf32, #tpu.memory_space<hbm>> -> memref<1x32x128xf32, #tpu.memory_space<hbm>>
    %dma_wait3A_20 = tpu.memref_squeeze %dma_wait3A_19 : memref<1x32x128xf32, #tpu.memory_space<hbm>> -> memref<32x128xf32, #tpu.memory_space<hbm>>
    %dma_wait3A_21 = arith.constant 0 : i32
    %dma_wait3A_22 = tpu.memref_slice %arg4[%dma_wait3A_17, %dma_wait3A_21, %add3A_16] : memref<26x32x16384xf32, #tpu.memory_space<hbm>> -> memref<1x32x128xf32, #tpu.memory_space<hbm>>
    %dma_wait3A_23 = tpu.memref_squeeze %dma_wait3A_22 : memref<1x32x128xf32, #tpu.memory_space<hbm>> -> memref<32x128xf32, #tpu.memory_space<hbm>>
    tpu.wait_dma2 semaphore(%arg20 : memref<!tpu.dma_semaphore, #tpu.memory_space<semaphore_mem>>) src(%arg12 : memref<32x128xf32, #tpu.memory_space<vmem>>) dst(%dma_wait3A_23 : memref<32x128xf32, #tpu.memory_space<hbm>>)
    %add3A_24 = arith.constant 256 : i32
    %add3A_25 = arith.addi %mul3A_2, %add3A_24 : i32
    %dma_wait3A_26 = arith.constant 25 : i32
    %dma_wait3A_27 = arith.constant 0 : i32
    %dma_wait3A_28 = tpu.memref_slice %arg4[%dma_wait3A_26, %dma_wait3A_27, %add3A_25] : memref<26x32x16384xf32, #tpu.memory_space<hbm>> -> memref<1x32x128xf32, #tpu.memory_space<hbm>>
    %dma_wait3A_29 = tpu.memref_squeeze %dma_wait3A_28 : memref<1x32x128xf32, #tpu.memory_space<hbm>> -> memref<32x128xf32, #tpu.memory_space<hbm>>
    %dma_wait3A_30 = arith.constant 0 : i32
    %dma_wait3A_31 = tpu.memref_slice %arg4[%dma_wait3A_26, %dma_wait3A_30, %add3A_25] : memref<26x32x16384xf32, #tpu.memory_space<hbm>> -> memref<1x32x128xf32, #tpu.memory_space<hbm>>
    %dma_wait3A_32 = tpu.memref_squeeze %dma_wait3A_31 : memref<1x32x128xf32, #tpu.memory_space<hbm>> -> memref<32x128xf32, #tpu.memory_space<hbm>>
    tpu.wait_dma2 semaphore(%arg21 : memref<!tpu.dma_semaphore, #tpu.memory_space<semaphore_mem>>) src(%arg13 : memref<32x128xf32, #tpu.memory_space<vmem>>) dst(%dma_wait3A_32 : memref<32x128xf32, #tpu.memory_space<hbm>>)
    %add3A_33 = arith.constant 384 : i32
    %add3A_34 = arith.addi %mul3A_2, %add3A_33 : i32
    %dma_wait3A_35 = arith.constant 25 : i32
    %dma_wait3A_36 = arith.constant 0 : i32
    %dma_wait3A_37 = tpu.memref_slice %arg4[%dma_wait3A_35, %dma_wait3A_36, %add3A_34] : memref<26x32x16384xf32, #tpu.memory_space<hbm>> -> memref<1x32x128xf32, #tpu.memory_space<hbm>>
    %dma_wait3A_38 = tpu.memref_squeeze %dma_wait3A_37 : memref<1x32x128xf32, #tpu.memory_space<hbm>> -> memref<32x128xf32, #tpu.memory_space<hbm>>
    %dma_wait3A_39 = arith.constant 0 : i32
    %dma_wait3A_40 = tpu.memref_slice %arg4[%dma_wait3A_35, %dma_wait3A_39, %add3A_34] : memref<26x32x16384xf32, #tpu.memory_space<hbm>> -> memref<1x32x128xf32, #tpu.memory_space<hbm>>
    %dma_wait3A_41 = tpu.memref_squeeze %dma_wait3A_40 : memref<1x32x128xf32, #tpu.memory_space<hbm>> -> memref<32x128xf32, #tpu.memory_space<hbm>>
    tpu.wait_dma2 semaphore(%arg22 : memref<!tpu.dma_semaphore, #tpu.memory_space<semaphore_mem>>) src(%arg14 : memref<32x128xf32, #tpu.memory_space<vmem>>) dst(%dma_wait3A_41 : memref<32x128xf32, #tpu.memory_space<hbm>>)
    return
  }
}

</mosaic_0001>

<sc_bundles>
// kernel: kernel.4.cloned.1.call-start
scs
__scs_entry_jumppad:
0x0: {  	(pc) =	sbr.rel $0x88, $3  }
0x1: {  	(tag) =	ssettag $0x0;
	lr =	simm.s32 $0x1  }
0x2: {  	[smem:$0x3F9F] =	sst lr;
	_ =	strace $0xD0000000  }
0x3: {  	_ = 	snop  }
0x4: {  	_ = 	snop  }
0x5: {  	_ = 	snop  }
0x6: {  	_ = 	snop  }
0x7: {  	_ = 	snop  }
__scs_overlays_trampoline_lowered:
0x8: {  	[smem:$0x3FAE] =	sst s0  }
0x9: {  	[smem:$0x3FAF] =	sst s1  }
0xa: {  	[smem:$0x3FB0] =	sst s2  }
0xb: {  	[smem:$0x3FB1] =	sst s3  }
0xc: {  	[smem:$0x3FB2] =	sst s4  }
0xd: {  	[smem:$0x3FB3] =	sst s5  }
0xe: {  	[smem:$0x3FB4] =	sst s6  }
0xf: {  	[smem:$0x3FB5] =	sst s7  }
0x10: {  	[smem:$0x3FB6] =	sst s8  }
0x11: {  	[smem:$0x3FB7] =	sst s9;
	s0 =	simm.s32 @!p0 $0x0  }
0x12: {  	s1 =	sld [smem:$0x3F9D];
	s0 =	simm.s32 @p0 $0x1  }
0x13: {  	[smem:$0x3FB8] =	sst s0;
	s0 =	simm.s32 @!p1 $0x0  }
0x14: {  	s2 =	sld [smem:$0x3F9C];
	s0 =	simm.s32 @p1 $0x1  }
0x15: {  	[smem:$0x3FB9] =	sst s0;
	s0 =	simm.s32 @!p2 $0x0  }
0x16: {  	s3 =	sld [smem:$0x3FDB];
	s0 =	simm.s32 @p2 $0x1  }
0x17: {  	s4 =	simm.s32 $0x1BF5;
	[smem:$0x3FBB] =	sst s0  }
0x18: {  	s0 =	sld [smem:$0x3F9E];
	_ =	swait.ge [sflag:s4], $0x0  }
0x19: {  	s7 =	sld [smem:$0x3F9F]  }
0x1a: {  	s8 =	sadd.s32 $0xFFFFE003, lr  }
0x1b: {  	s9 =	sadd.s32 $0xFFFFFEF7, lr;
	s5 =	simm.s32 $0xFFFFFFFF;
	p2 =	slt.u32 s8, $0xFFFFF086  }
0x1c: {  	p1 =	slt.u32 s9, $0xF7A;
	s5 =	simm.s32 @!p2 $0x0  }
0x1d: {  	s5 =	simm.s32 @p1 $0x1;
	p0 =	seq.s32 s7, s2  }
0x1e: {  	s7 =	smul.u32 @!p0 $0xF7A, s2;
	p2 =	seq.s32 @!p0 s5, $0x0  }
0x1f: {  	s9 =	smul.u32 $0xF7A, s1;
	s8 =	simm.s32 @!p0 $0x1BF5;
	p2 =	por !p2, p0  }
0x20: {  	[sflag:s8] =	ssyncset.s32 @!p0 $0xFFFFF086;
	s6 =	sadd.s32 @!p0 s3, s7;
	s7 =	simm.s32 @!p0 $0x108  }
0x21: {  	s3 =	sadd.s32 s3, s9;
	s6 =	sadd.s32 @!p0 $0x88, s6;
	s7 =	simm.s32 @p2 $0x1082  }
0x22: {  	[simem:s7], [sflag:s8] =	dma.local @!p0 [hbm:s6], $0xF7A  }
0x23: {  	s9 =	sor.u32 $0xD0000000, s2;
	s6 =	simm.s32 $0x108;
	_ =	swait.ge @!p0 [sflag:s8], $0x0  }
0x24: {  	s3 =	sadd.s32 $0x88, s3;
	s6 =	simm.s32 @!p1 $0x1082;
	[sflag:s4] =	ssyncset.s32 $0xFFFFF086  }
0x25: {  	[simem:s6], [sflag:s4] =	dma.local [hbm:s3], $0xF7A  }
0x26: {  	[smem:$0x3F9F] =	sst s1;
	(tag) =	ssettag s2;
	_ =	strace s9  }
0x27: {  	s1 =	sld [smem:$0x3FAF]  }
0x28: {  	s2 =	sld [smem:$0x3FB0]  }
0x29: {  	s4 =	sld [smem:$0x3FB2]  }
0x2a: {  	p0 =	seq.s32 s5, $0x0;
	s5 =	sld [smem:$0x3FB3]  }
0x2b: {  	s6 =	sld [smem:$0x3FB4]  }
0x2c: {  	s7 =	sld [smem:$0x3FB5]  }
0x2d: {  	s3 =	simm.s32 $0x108;
	s8 =	sld [smem:$0x3FB6]  }
0x2e: {  	s3 =	simm.s32 @!p0 $0x1082;
	s9 =	sld [smem:$0x3FB7]  }
0x2f: {  	lr =	sadd.s32 s0, s3;
	s0 =	sld [smem:$0x3FAE]  }
0x30: {  	s3 =	sld [smem:$0x3FB1]  }
0x31: {  	[smem:$0x3FBA] =	sst s10  }
0x32: {  	s10 =	sld [smem:$0x3FB8];
	_ =	sdelay $0x3  }
0x33: {  	p0 =	seq.s32 s10, $0x1;
	s10 =	sld [smem:$0x3FBA];
	_ =	sdelay $0x3  }
0x34: {  	[smem:$0x3FBA] =	sst s10  }
0x35: {  	s10 =	sld [smem:$0x3FB9];
	_ =	sdelay $0x3  }
0x36: {  	p1 =	seq.s32 s10, $0x1;
	s10 =	sld [smem:$0x3FBA];
	_ =	sdelay $0x3  }
0x37: {  	[smem:$0x3FBA] =	sst s10  }
0x38: {  	s10 =	sld [smem:$0x3FBB]  }
0x39: {  	_ = 	snop;
	(pc) =	sbr.ind lr, $3  }
0x3a: {  	_ = 	snop  }
0x3b: {  	_ = 	snop  }
0x3c: {  	p2 =	seq.s32 s10, $0x1;
	s10 =	sld [smem:$0x3FBA]  }
0x3d: {  	_ =	shalt  }
0x3e: {  	_ =	shalt  }
0x3f: {  	_ =	shalt  }
0x40: {  	_ =	shalt  }
0x41: {  	_ =	shalt  }
0x42: {  	_ =	shalt  }
0x43: {  	_ =	shalt  }
0x44: {  	_ =	shalt  }
0x45: {  	_ =	shalt  }
0x46: {  	_ =	shalt  }
0x47: {  	_ =	shalt  }
0x48: {  	_ =	shalt  }
0x49: {  	_ =	shalt  }
0x4a: {  	_ =	shalt  }
0x4b: {  	_ =	shalt  }
0x4c: {  	_ =	shalt  }
0x4d: {  	_ =	shalt  }
0x4e: {  	_ =	shalt  }
0x4f: {  	_ =	shalt  }
0x50: {  	_ =	shalt  }
0x51: {  	_ =	shalt  }
0x52: {  	_ =	shalt  }
0x53: {  	_ =	shalt  }
0x54: {  	_ =	shalt  }
0x55: {  	_ =	shalt  }
0x56: {  	_ =	shalt  }
0x57: {  	_ =	shalt  }
0x58: {  	_ =	shalt  }
0x59: {  	_ =	shalt  }
0x5a: {  	_ =	shalt  }
0x5b: {  	_ =	shalt  }
0x5c: {  	_ =	shalt  }
0x5d: {  	_ =	shalt  }
0x5e: {  	_ =	shalt  }
0x5f: {  	_ =	shalt  }
0x60: {  	_ =	shalt  }
0x61: {  	_ =	shalt  }
0x62: {  	_ =	shalt  }
0x63: {  	_ =	shalt  }
0x64: {  	_ =	shalt  }
0x65: {  	_ =	shalt  }
0x66: {  	_ =	shalt  }
0x67: {  	_ =	shalt  }
0x68: {  	_ =	shalt  }
0x69: {  	_ =	shalt  }
0x6a: {  	_ =	shalt  }
0x6b: {  	_ =	shalt  }
0x6c: {  	_ =	shalt  }
0x6d: {  	_ =	shalt  }
0x6e: {  	_ =	shalt  }
0x6f: {  	_ =	shalt  }
0x70: {  	_ =	shalt  }
0x71: {  	_ =	shalt  }
0x72: {  	_ =	shalt  }
0x73: {  	_ =	shalt  }
0x74: {  	_ =	shalt  }
0x75: {  	_ =	shalt  }
0x76: {  	_ =	shalt  }
0x77: {  	_ =	shalt  }
0x78: {  	_ =	shalt  }
0x79: {  	_ =	shalt  }
0x7a: {  	_ =	shalt  }
0x7b: {  	_ =	shalt  }
0x7c: {  	_ =	shalt  }
0x7d: {  	_ =	shalt  }
0x7e: {  	_ =	shalt  }
0x7f: {  	_ =	shalt  }
0x80: {  	_ =	shalt  }
0x81: {  	_ =	shalt  }
0x82: {  	_ =	shalt  }
0x83: {  	_ =	shalt  }
0x84: {  	_ =	shalt  }
0x85: {  	_ =	shalt  }
0x86: {  	_ =	shalt  }
0x87: {  	_ =	shalt  }
.Lfunc_end0:
.L_simem_size_0:
called_computation_lowered:
.L_overlay_start_0:
0x88: {  	s2 =	sld [smem:$0x3FD9]  }
0x89: {  	s3 =	sld [smem:$0x3FFE];
	_ =	sdelay $0x1  }
0x8a: {  	s1 =	srdreg.scid  }
0x8b: {  	s0 =	sand.u32 $0x1, s1  }
0x8c: {  	s17 =	sshll.u32 s0, $0xA;
	s2 =	sadd.s32 s3, s2  }
0x8d: {  	s2 =	sadd.s32 s2, s17  }
0x8e: {  	[smem:$0x3FC6] =	sst s2  }
0x8f: {  	_ = 	snop  }
0x90: {  	s2 =	sld [smem:$0x3FC8]  }
0x91: {  	s18 =	sld [smem:$0x3FD0];
	(tm) =	ssettm $0x1  }
0x92: {  	s4 =	sld [smem:$0x3FFB];
	_ =	sdelay $0x3  }
0x93: {  	_ =	strace s4  }
0x94: {  	s4 =	sld [smem:$0x3FFC];
	_ =	sdelay $0x3  }
0x95: {  	_ =	strace s4  }
0x96: {  	s4 =	sld [smem:$0x3FFD];
	_ =	sdelay $0x3  }
0x97: {  	_ =	strace s4  }
0x98: {  	_ =	strace $0x8FFFFFFF  }
0x99: {  	s19 =	sld [smem:$0x3FDB];
	_ =	sdelay $0x1  }
0x9a: {  	s5 =	simm.s32 $_scs_section_size  }
0x9b: {  	s6 =	simm.s32 $_size__tile_overlayer_lowered;
	s7 =	simm.s32 $_tile_overlayer_lowered  }
0x9c: {  	s22 =	simm.s32 $0x1BFF;
	s21 =	sshll.u32 s7, $0x1;
	s4 =	sadd.s32 s5, s19  }
0x9d: {  	s8 =	simm.s32 $0x0;
	s20 =	sshll.u32 s6, $0x1;
	s6 =	sadd.s32 s21, s4  }
0x9e: {  	[timem:s8], [sflag:s22] =	dma.local [hbm:s6], s20  }
0x9f: {  	_ =	swait.ge [sflag:s22], s20  }
0xa0: {  	s5 =	ssub.s32 $0x0, s20;
	[sflag:s22] =	ssyncset.done $0x0  }
0xa1: {  	[sflag:s22] =	ssyncadd.s32 s5;
	_ =	sdelay $0x1  }
0xa2: {  	s23 =	simm.s32 $0x1B8B  }
0xa3: {  	_ =	swait.ge [sflag:s23], $0x1  }
0xa4: {  	[sflag:s23] =	ssyncset.done $0x0  }
0xa5: {  	s25 =	simm.s32 $0x1B8E;
	s24 =	sld [smem:$0x3FFE];
	[sflag:s23] =	ssyncadd.s32 $0xFFFFFFFF  }
0xa6: {  	s26 =	simm.s32 $execute0_lowered;
	[smem:$0x3FD2] =	sst s25  }
0xa7: {  	s6 =	sshll.u32 s26, $0x1;
	_ =	strace $0x80000046;
	[dreg:$0x1] =	wrdreg $0xFFFFFFFF  }
0xa8: {  	s28 =	simm.s32 $_size_execute0_lowered;
	s4 =	sadd.s32 s4, s6;
	[dreg:$0x0] =	wrdreg $0x0  }
0xa9: {  	s6 =	sshll.u32 s28, $0x1;
	[dreg:$0x2] =	wrdreg s4  }
0xaa: {  	[dreg:$0x3] =	wrdreg s6  }
0xab: {  	[dreg:$0x4] =	wrdreg $0xC0  }
0xac: {  	_ =	task [dreg:s8], $0x5FFFF  }
0xad: {  	[dreg:$0x1] =	wrdreg $0xFFFFFFFF  }
0xae: {  	[dreg:$0x0] =	wrdreg $0x60  }
0xaf: {  	[dreg:$0x2] =	wrdreg s2  }
0xb0: {  	[dreg:$0x3] =	wrdreg s18  }
0xb1: {  	[dreg:$0x4] =	wrdreg s24  }
0xb2: {  	[dreg:$0x5] =	wrdreg $0x9  }
0xb3: {  	_ =	task.clear_ibuf [dreg:s8], $0x6FFFF;
	_ =	strace $0x90000046  }
0xb4: {  	s29 =	simm.s32 $0x9;
	_ =	strace $0x80000048  }
0xb5: {  	_ =	swait.ge [sflag:s29], $0x1  }
0xb6: {  	[sflag:s29] =	ssyncadd.s32 $0xFFFFFFFF  }
0xb7: {  	_ =	strace $0x90000048  }
0xb8: {  	_ =	sfence  }
0xb9: {  	s30 =	sld [smem:$0x0];
	_ =	sdelay $0x2  }
0xba: {  	s31 =	sshll.u32 s1, $0xD;
	s1 =	sshrl.u32 s1, $0x2  }
0xbb: {  	s3 =	sand.u32 $0x4000, s31;
	s1 =	sadd.s32 s1, s30  }
0xbc: {  	s0 =	sor.u32 s3, s0;
	s1 =	sshll.u32 s1, $0x11  }
0xbd: {  	s0 =	sor.u32 s1, s0  }
0xbe: {  	s0 =	sadd.s32 $0x8F2B, s0  }
0xbf: {  	[sflag:s0] =	ssyncadd.remote.s32 $0x1  }
0xc0: {  	_ =	sfence.sel $0xFFFF  }
0xc1: {  	[dreg:$0x0] =	wrdreg $0xFFFFFFFF;
	(pc) =	sbr.abs _section_cstart, $3  }
0xc2: {  	[dreg:$0x1] =	wrdreg $0xFFFFFFFF  }
0xc3: {  	_ =	task.clear_ibuf [dreg:s8], $0x2FFFF;
	_ =	strace $0x9FFFFFFF  }
0xc4: {  	(tm) =	ssettm $0x7FFFFFFF  }
0xc5: {  	_ =	shalt  }
tec
execute0_lowered:
.L_overlay_start_1:
0x0: {  	(tag) =	ssettag $0x1  }
0x1: {  	s1 =	rddreg [dreg:$0x0]  }
0x2: {  	s2 =	rddreg [dreg:$0x1]  }
0x3: {  	s8 =	rddreg [dreg:$0x2]  }
0x4: {  	s4 =	simm.s32 $0x0;
	s5 =	srdreg.scid;
	s0 =	stileid.u32  }
0x5: {  	s10 =	simm.s32 $0x1;
	s12 =	simm.s32 $0x4000;
	s13 =	simm.s32 $0x8000  }
0x6: {  	s14 =	simm.s32 $0x2;
	s15 =	simm.s32 $0xC000;
	s17 =	simm.s32 $0x4  }
0x7: {  	v0 =	vlaneseq.u32;
	s18 =	simm.s32 $0x0;
	[smem:$0x7FF] =	sst s4;
	s5 =	sand.u32 $0x1, s5  }
0x8: {  	s6 =	sshll.u32 s0, $0x1;
	v1 =	vshrl.u32 v0, $0x2;
	_ =	strace $0x80000047;
	s7 =	ssub.s32 $0x2, s5  }
0x9: {  	s16 =	sor.u32 s5, s6;
	s5 =	sadd.s32 $0x800, s8;
	s6 =	simm.s32 $0x1;
	v1 =	vmul.u32 $0x80, v1  }
0xa: {  	s9 =	smul.u32 $0x3D, s16;
	p0 =	sne.s32 s16, $0x0;
	s31 =	sshrl.u32 s7, $0x1  }
0xb: {  	v2 =	vand.u32 $0x3, v0;
	s8 =	sadd.s32 $0x3D1000, s8;
	s10 =	simm.s32 @!p0 $0x0;
	s11 =	ssub.s32 s7, s31;
	v3 =	vor.u32 $0x200, v1  }
0xc: {  	v4 =	vor.u32 $0x1000, v1;
	v5 =	vor.u32 $0x1200, v1;
	v6 =	vor.u32 $0x2000, v1;
	p0 =	sne.s32 s16, $0x1F;
	s16 =	simm.s32 $0x3;
	s7 =	sadd.s32 s10, s9  }
0xd: {  	v7 =	vor.u32 $0x2200, v1;
	v8 =	vor.u32 $0x3000, v1;
	v9 =	vor.u32 $0x3200, v1;
	s9 =	smax.u32 s11, $0x1;
	s10 =	simm.s32 $0x1000;
	s11 =	simm.s32 $0x7A1400  }
.LBB2_1:
0xe: {  	s19 =	simm.s32 $0x0  }
.LBB2_2:
0xf: {  	s20 =	sshll.u32 s19, $0x1  }
0x10: {  	p1 =	seq.s32 s19, $0x0;
	s22 =	simm.s32 $0x0;
	s30 =	simm.s32 $0x4  }
0x11: {  	s23 =	simm.s32 $0x8;
	s24 =	simm.s32 $0xC;
	s0 =	simm.s32 $0x10;
	v10 =	vmov s22;
	v11 =	vor.u32 s22, v0;
	v12 =	vmov s30  }
0x12: {  	s28 =	simm.s32 $0x1C;
	s21 =	sadd.s32 s20, s7;
	s20 =	simm.s32 @!p1 $0x3;
	v13 =	vor.u32 s23, v2;
	v14 =	vmov s24;
	v15 =	vmov s0  }
0x13: {  	s26 =	simm.s32 $0x18;
	v16 =	vmov s28;
	v21 =	vor.u32 s28, v2;
	_ =	swait.ge @!p1 [sflag:s20], $0x4000;
	s25 =	sshll.u32 s21, $0x9;
	v12 =	vshll.u32 v12, $0x3  }
0x14: {  	s22 =	simm.s32 @!p1 $0x4;
	v18 =	vand.u32 $0x6B, v13;
	v13 =	vshll.u32 v14, $0x3;
	v16 =	vshll.u32 v16, $0x3;
	[sflag:s20] =	ssyncset.done @!p1 $0x0;
	s25 =	sand.u32 $0x1FFFFE00, s25  }
0x15: {  	s3 =	smin.u32 s21, $0x79F;
	v21 =	vand.u32 $0x7F, v21;
	v14 =	vand.u32 $0xC00, v12;
	v12 =	vor.u32 s26, v2;
	[sflag:s20] =	ssyncadd.s32 @!p1 $0xFFFFC000;
	s31 =	sadd.s32 s1, s25  }
0x16: {  	v19 =	vand.u32 $0x7B, v12;
	v12 =	vshll.u32 v15, $0x3;
	v15 =	vor.u32 s0, v0;
	[tilespmem:s4], [sflag:$0x1] =	stream.strided.gather [hbm4b:s31+s10], $0x4000, s11, s10, $0x38;
	[tilespmem:$0x10000] =	vst v63  }
0x17: {  	v10 =	vshll.u32 v10, $0x3;
	s20 =	sadd.s32 $0x1, s3;
	v12 =	vand.u32 $0xC00, v12;
	v15 =	vand.u32 $0x73, v15;
	_ =	swait.ge @!p1 [sflag:s22], $0x4000  }
0x18: {  	v17 =	vand.u32 $0xC00, v13;
	v13 =	vor.u32 s30, v2;
	s29 =	sshll.u32 s20, $0x9;
	v12 =	vor.u32 v12, v15;
	[sflag:s22] =	ssyncset.done @!p1 $0x0  }
0x19: {  	s30 =	sadd.s32 s1, s29;
	v15 =	vand.u32 $0xC00, v16;
	v16 =	vor.u32 s24, v2;
	v22 =	vor.u32 v1, v12;
	[sflag:s22] =	ssyncadd.s32 @!p1 $0xFFFFC000  }
0x1a: {  	v11 =	vand.u32 $0x63, v11;
	v23 =	vand.u32 $0x6F, v16;
	v16 =	vmov s26;
	[tilespmem:s12], [sflag:$0x2] =	stream.strided.gather [hbm4b:s30+s10], $0x4000, s11, s10, $0x38;
	[tilespmem:$0x10000] =	vst v63  }
0x1b: {  	v24 =	vand.u32 $0x67, v13;
	v13 =	vor.u32 v15, v21;
	v25 =	vshll.u32 v16, $0x3;
	_ =	swait.ge [sflag:s6], $0x4000  }
0x1c: {  	v16 =	vor.u32 v14, v24;
	v21 =	vor.u32 v1, v13;
	v14 =	vand.u32 $0xC00, v25;
	[sflag:s6] =	ssyncset.done $0x0  }
0x1d: {  	v10 =	vand.u32 $0xC00, v10;
	v15 =	vor.u32 v14, v19;
	v14 =	vor.u32 v1, v16;
	[sflag:s6] =	ssyncadd.s32 $0xFFFFC000  }
0x1e: {  	v20 =	vmov s23;
	v10 =	vor.u32 v10, v11;
	v19 =	vld.idx.msk [tilespmem:v22+s4+$0x0], $0xffff;
	v22 =	vor.u32 v1, v15  }
0x1f: {  	v20 =	vshll.u32 v20, $0x3;
	v17 =	vor.u32 v17, v23;
	v23 =	vor.u32 v1, v10  }
0x20: {  	v20 =	vand.u32 $0xC00, v20;
	v11 =	vor.u32 v3, v12  }
0x21: {  	v18 =	vor.u32 v20, v18;
	s31 =	simm.s32 $0x14;
	v24 =	vor.u32 v1, v17;
	v21 =	vld.idx.msk [tilespmem:v21+s4+$0x0], $0xffff  }
0x22: {  	v20 =	vmov s31;
	s22 =	simm.s32 $0x8200;
	v25 =	vor.u32 v1, v18;
	v14 =	vld.idx.msk [tilespmem:v14+s4+$0x0], $0xffff  }
0x23: {  	v26 =	vor.u32 s31, v2;
	v20 =	vshll.u32 v20, $0x3;
	[tilespmem:s22+$0x0] =	vst v19;
	v19 =	vld.idx.msk [tilespmem:v22+s4+$0x0], $0xffff;
	v22 =	vor.u32 v3, v13  }
0x24: {  	v26 =	vand.u32 $0x77, v26;
	v20 =	vand.u32 $0xC00, v20;
	v27 =	vor.u32 v3, v16;
	v23 =	vld.idx.msk [tilespmem:v23+s4+$0x0], $0xffff  }
0x25: {  	v20 =	vor.u32 v20, v26;
	v26 =	vor.u32 v3, v15;
	v11 =	vld.idx.msk [tilespmem:v11+s4+$0x0], $0xffff  }
0x26: {  	v28 =	vor.u32 v1, v20;
	v24 =	vld.idx.msk [tilespmem:v24+s4+$0x0], $0xffff  }
0x27: {  	v29 =	vor.u32 v3, v10;
	v25 =	vld.idx.msk [tilespmem:v25+s4+$0x0], $0xffff;
	[tilespmem:s22+$0x180] =	vst v21  }
0x28: {  	[tilespmem:s22+$0xFFFFFE80] =	vst v14;
	v14 =	vor.u32 v3, v17;
	v21 =	vld.idx.msk [tilespmem:v22+s4+$0x0], $0xffff  }
0x29: {  	v22 =	vld.idx.msk [tilespmem:v27+s4+$0x0], $0xffff;
	v27 =	vor.u32 v3, v18;
	[tilespmem:s22+$0x100] =	vst v19  }
0x2a: {  	v19 =	vor.u32 v4, v13;
	[tilespmem:s22+$0x10] =	vst v11;
	v11 =	vld.idx.msk [tilespmem:v26+s4+$0x0], $0xffff  }
0x2b: {  	[tilespmem:s22+$0xFFFFFE00] =	vst v23;
	v23 =	vor.u32 v4, v16;
	v26 =	vld.idx.msk [tilespmem:v28+s4+$0x0], $0xffff  }
0x2c: {  	[tilespmem:s22+$0xFFFFFF80] =	vst v24;
	v24 =	vor.u32 v4, v15;
	v28 =	vld.idx.msk [tilespmem:v29+s4+$0x0], $0xffff  }
0x2d: {  	[tilespmem:s22+$0xFFFFFF00] =	vst v25;
	v25 =	vor.u32 v3, v20;
	v14 =	vld.idx.msk [tilespmem:v14+s4+$0x0], $0xffff  }
0x2e: {  	v29 =	vor.u32 v4, v10;
	v27 =	vld.idx.msk [tilespmem:v27+s4+$0x0], $0xffff;
	[tilespmem:s22+$0x190] =	vst v21  }
0x2f: {  	[tilespmem:s22+$0xFFFFFE90] =	vst v22;
	v21 =	vor.u32 v4, v17;
	v19 =	vld.idx.msk [tilespmem:v19+s4+$0x0], $0xffff  }
0x30: {  	v22 =	vld.idx.msk [tilespmem:v23+s4+$0x0], $0xffff;
	v23 =	vor.u32 v4, v18;
	[tilespmem:s22+$0x110] =	vst v11  }
0x31: {  	v11 =	vor.u32 v4, v12;
	[tilespmem:s22+$0x80] =	vst v26;
	v24 =	vld.idx.msk [tilespmem:v24+s4+$0x0], $0xffff  }
0x32: {  	[tilespmem:s22+$0xFFFFFE10] =	vst v28;
	v26 =	vor.u32 v5, v13;
	v25 =	vld.idx.msk [tilespmem:v25+s4+$0x0], $0xffff  }
0x33: {  	v28 =	vld.idx.msk [tilespmem:v29+s4+$0x0], $0xffff;
	v29 =	vor.u32 v5, v16;
	[tilespmem:s22+$0xFFFFFF90] =	vst v14  }
0x34: {  	[tilespmem:s22+$0xFFFFFF10] =	vst v27;
	v14 =	vld.idx.msk [tilespmem:v21+s4+$0x0], $0xffff;
	v21 =	vor.u32 v5, v15  }
0x35: {  	v27 =	vor.u32 v4, v20;
	v23 =	vld.idx.msk [tilespmem:v23+s4+$0x0], $0xffff;
	[tilespmem:s22+$0x1A0] =	vst v19  }
0x36: {  	[tilespmem:s22+$0xFFFFFEA0] =	vst v22;
	v19 =	vor.u32 v5, v17;
	v11 =	vld.idx.msk [tilespmem:v11+s4+$0x0], $0xffff  }
0x37: {  	v22 =	vor.u32 v5, v10;
	[tilespmem:s22+$0x120] =	vst v24;
	v24 =	vld.idx.msk [tilespmem:v26+s4+$0x0], $0xffff  }
0x38: {  	v26 =	vld.idx.msk [tilespmem:v29+s4+$0x0], $0xffff;
	v29 =	vor.u32 v5, v18;
	[tilespmem:s22+$0x90] =	vst v25  }
0x39: {  	[tilespmem:s22+$0xFFFFFE20] =	vst v28;
	v25 =	vor.u32 v5, v12;
	v21 =	vld.idx.msk [tilespmem:v21+s4+$0x0], $0xffff  }
0x3a: {  	v28 =	vor.u32 v6, v16;
	[tilespmem:s22+$0xFFFFFFA0] =	vst v14;
	v14 =	vld.idx.msk [tilespmem:v27+s4+$0x0], $0xffff  }
0x3b: {  	[tilespmem:s22+$0xFFFFFF20] =	vst v23;
	v19 =	vld.idx.msk [tilespmem:v19+s4+$0x0], $0xffff;
	v23 =	vor.u32 v6, v15  }
0x3c: {  	v22 =	vld.idx.msk [tilespmem:v22+s4+$0x0], $0xffff;
	[tilespmem:s22+$0x20] =	vst v11;
	v11 =	vor.u32 v5, v20  }
0x3d: {  	v27 =	vld.idx.msk [tilespmem:v29+s4+$0x0], $0xffff;
	v29 =	vor.u32 v6, v17;
	[tilespmem:s22+$0x1B0] =	vst v24  }
0x3e: {  	v24 =	vor.u32 v6, v10;
	[tilespmem:s22+$0xFFFFFEB0] =	vst v26;
	v25 =	vld.idx.msk [tilespmem:v25+s4+$0x0], $0xffff  }
0x3f: {  	v26 =	vld.idx.msk [tilespmem:v28+s4+$0x0], $0xffff;
	v28 =	vor.u32 v6, v18;
	[tilespmem:s22+$0x130] =	vst v21  }
0x40: {  	v21 =	vor.u32 v6, v12;
	[tilespmem:s22+$0xA0] =	vst v14;
	v14 =	vld.idx.msk [tilespmem:v23+s4+$0x0], $0xffff  }
0x41: {  	[tilespmem:s22+$0xFFFFFFB0] =	vst v19;
	v11 =	vld.idx.msk [tilespmem:v11+s4+$0x0], $0xffff;
	v19 =	vor.u32 v6, v13  }
0x42: {  	[tilespmem:s22+$0xFFFFFE30] =	vst v22;
	v23 =	vor.u32 v7, v15;
	v22 =	vld.idx.msk [tilespmem:v29+s4+$0x0], $0xffff  }
0x43: {  	v24 =	vld.idx.msk [tilespmem:v24+s4+$0x0], $0xffff;
	[tilespmem:s22+$0xFFFFFF30] =	vst v27;
	v27 =	vor.u32 v6, v20  }
0x44: {  	v29 =	vor.u32 v7, v17;
	[tilespmem:s22+$0x30] =	vst v25;
	v28 =	vld.idx.msk [tilespmem:v28+s4+$0x0], $0xffff  }
0x45: {  	v25 =	vor.u32 v7, v10;
	[tilespmem:s22+$0xFFFFFEC0] =	vst v26;
	v21 =	vld.idx.msk [tilespmem:v21+s4+$0x0], $0xffff  }
0x46: {  	v26 =	vor.u32 v7, v18;
	[tilespmem:s22+$0x140] =	vst v14;
	v31 =	vld.idx.msk [tilespmem:v19+s4+$0x0], $0xffff  }
0x47: {  	v32 =	vor.u32 v7, v12;
	[tilespmem:s22+$0xB0] =	vst v11;
	v33 =	vld.idx.msk [tilespmem:v23+s4+$0x0], $0xffff  }
0x48: {  	v35 =	vor.u32 v7, v13;
	v39 =	vor.u32 v8, v17;
	[tilespmem:s22+$0xFFFFFFC0] =	vst v22;
	v34 =	vld.idx.msk [tilespmem:v27+s4+$0x0], $0xffff  }
0x49: {  	v30 =	vor.u32 v7, v16;
	v36 =	vor.u32 v8, v15;
	[tilespmem:s22+$0xFFFFFE40] =	vst v24;
	v29 =	vld.idx.msk [tilespmem:v29+s4+$0x0], $0xffff  }
0x4a: {  	v38 =	vor.u32 v7, v20;
	v15 =	vor.u32 v9, v15;
	v37 =	vld.idx.msk [tilespmem:v25+s4+$0x0], $0xffff;
	[tilespmem:s22+$0xFFFFFF40] =	vst v28  }
0x4b: {  	v17 =	vor.u32 v9, v17;
	v11 =	vor.u32 v8, v20;
	v26 =	vld.idx.msk [tilespmem:v26+s4+$0x0], $0xffff;
	[tilespmem:s22+$0x40] =	vst v21  }
0x4c: {  	v14 =	vor.u32 v9, v16;
	v19 =	vor.u32 v9, v13;
	v27 =	vld.idx.msk [tilespmem:v32+s4+$0x0], $0xffff;
	[tilespmem:s22+$0x1C0] =	vst v31  }
0x4d: {  	v22 =	vor.u32 v9, v12;
	v23 =	vor.u32 v9, v18;
	[tilespmem:s22+$0x150] =	vst v33;
	v25 =	vld.idx.msk [tilespmem:v35+s4+$0x0], $0xffff  }
0x4e: {  	v24 =	vor.u32 v8, v16;
	v31 =	vor.u32 v8, v18;
	[tilespmem:s22+$0xC0] =	vst v34;
	v28 =	vld.idx.msk [tilespmem:v36+s4+$0x0], $0xffff  }
0x4f: {  	v21 =	vor.u32 v9, v10;
	v32 =	vor.u32 v8, v12;
	[tilespmem:s22+$0xFFFFFFD0] =	vst v29;
	v29 =	vld.idx.msk [tilespmem:v38+s4+$0x0], $0xffff  }
0x50: {  	s23 =	simm.s32 $0x0;
	s25 =	simm.s32 $0x8600;
	s24 =	simm.s32 $0x20;
	v12 =	vor.u32 v8, v13;
	v18 =	vor.u32 v9, v20;
	[tilespmem:s22+$0xFFFFFE50] =	vst v37;
	v13 =	vld.idx.msk [tilespmem:v39+s4+$0x0], $0xffff  }
.LBB2_3:
0x51: {  	v16 =	vmov s24;
	v20 =	vor.u32 s24, v0;
	s28 =	sadd.s32 $0x4, s24;
	s29 =	sadd.s32 $0x8, s24;
	s30 =	sadd.s32 $0xC, s24;
	v10 =	vor.u32 v8, v10;
	v30 =	vld.idx.msk [tilespmem:v30+s4+$0x0], $0xffff  }
0x52: {  	s31 =	sadd.s32 $0x10, s24;
	s26 =	sadd.s32 $0x14, s24;
	s0 =	sadd.s32 $0x18, s24;
	v33 =	vmov s28;
	v34 =	vor.u32 s29, v2;
	v35 =	vmov s30;
	[tilespmem:s22+$0xFFFFFF50] =	vst v26  }
0x53: {  	s3 =	sadd.s32 $0x1C, s24;
	s23 =	sadd.s32 $0x8, s23;
	v26 =	vshll.u32 v33, $0x3;
	v33 =	vand.u32 $0x6B, v34;
	v34 =	vshll.u32 v35, $0x3;
	v31 =	vld.idx.msk [tilespmem:v31+s4+$0x0], $0xffff;
	[tilespmem:s22+$0x50] =	vst v27  }
0x54: {  	p1 =	slt.u32 s23, $0x78;
	v26 =	vand.u32 $0xC00, v26;
	v27 =	vand.u32 $0xC00, v34;
	v34 =	vor.u32 s0, v2;
	v32 =	vld.idx.msk [tilespmem:v32+s4+$0x0], $0xffff;
	[tilespmem:s22+$0x160] =	vst v28  }
0x55: {  	v35 =	vmov s31;
	v28 =	vor.u32 s28, v2;
	v34 =	vand.u32 $0x7B, v34;
	[tilespmem:s22+$0xD0] =	vst v29;
	v29 =	vld.idx.msk [tilespmem:v15+s4+$0x0], $0xffff  }
0x56: {  	v36 =	vmov s3;
	v35 =	vshll.u32 v35, $0x3;
	v15 =	vmov s29;
	v11 =	vld.idx.msk [tilespmem:v11+s4+$0x0], $0xffff;
	[tilespmem:s22+$0x1D0] =	vst v25  }
0x57: {  	v36 =	vshll.u32 v36, $0x3;
	v35 =	vand.u32 $0xC00, v35;
	v25 =	vor.u32 s31, v0;
	[tilespmem:s22+$0xFFFFFED0] =	vst v30;
	v30 =	vld.idx.msk [tilespmem:v12+s4+$0x0], $0xffff  }
0x58: {  	v36 =	vand.u32 $0xC00, v36;
	v12 =	vand.u32 $0x73, v25;
	v25 =	vor.u32 s3, v2;
	v24 =	vld.idx.msk [tilespmem:v24+s4+$0x0], $0xffff  }
0x59: {  	v37 =	vor.u32 s30, v2;
	v12 =	vor.u32 v35, v12;
	v25 =	vand.u32 $0x7F, v25;
	v10 =	vld.idx.msk [tilespmem:v10+s4+$0x0], $0xffff;
	[tilespmem:s22+$0xFFFFFFE0] =	vst v13  }
0x5a: {  	v13 =	vand.u32 $0x6F, v37;
	v35 =	vor.u32 v1, v12;
	v37 =	vmov s0;
	[tilespmem:s22+$0xFFFFFF60] =	vst v31;
	v31 =	vld.idx.msk [tilespmem:v17+s4+$0x0], $0xffff  }
0x5b: {  	v17 =	vand.u32 $0x67, v28;
	v28 =	vshll.u32 v15, $0x3;
	v37 =	vshll.u32 v37, $0x3;
	v23 =	vld.idx.msk [tilespmem:v23+s4+$0x0], $0xffff;
	[tilespmem:s22+$0x60] =	vst v32  }
0x5c: {  	v15 =	vor.u32 v26, v17;
	v17 =	vor.u32 v27, v13;
	v13 =	vor.u32 v36, v25;
	[tilespmem:s22+$0xE0] =	vst v11  }
0x5d: {  	v25 =	vand.u32 $0xC00, v37;
	v11 =	vand.u32 $0xC00, v28;
	v26 =	vor.u32 v1, v13;
	v27 =	vld.idx.msk [tilespmem:v18+s4+$0x0], $0xffff;
	[tilespmem:s22+$0x170] =	vst v29  }
0x5e: {  	v28 =	vshll.u32 v16, $0x3;
	v16 =	vor.u32 v25, v34;
	v18 =	vor.u32 v11, v33;
	v22 =	vld.idx.msk [tilespmem:v22+s4+$0x0], $0xffff;
	[tilespmem:s22+$0x1E0] =	vst v30  }
0x5f: {  	v25 =	vor.u32 v1, v15;
	v11 =	vand.u32 $0x63, v20;
	v20 =	vand.u32 $0xC00, v28;
	v28 =	vld.idx.msk [tilespmem:v35+s4+$0x0], $0xffff;
	[tilespmem:s22+$0xFFFFFE60] =	vst v10  }
0x60: {  	v29 =	vor.u32 v1, v16;
	v10 =	vor.u32 v20, v11;
	v11 =	vmov s26;
	v21 =	vld.idx.msk [tilespmem:v21+s4+$0x0], $0xffff;
	[tilespmem:s22+$0xFFFFFEE0] =	vst v24  }
0x61: {  	v20 =	vor.u32 s26, v2;
	v24 =	vor.u32 v3, v12;
	v11 =	vshll.u32 v11, $0x3;
	[tilespmem:s22+$0xFFFFFFF0] =	vst v31;
	v19 =	vld.idx.msk [tilespmem:v19+s4+$0x0], $0xffff  }
0x62: {  	v30 =	vor.u32 v1, v10;
	v20 =	vand.u32 $0x77, v20;
	v11 =	vand.u32 $0xC00, v11;
	v14 =	vld.idx.msk [tilespmem:v14+s4+$0x0], $0xffff;
	[tilespmem:s22+$0xFFFFFF70] =	vst v23  }
0x63: {  	v23 =	vor.u32 v1, v17;
	v20 =	vor.u32 v11, v20;
	v26 =	vld.idx.msk [tilespmem:v26+s4+$0x0], $0xffff;
	[tilespmem:s22+$0xF0] =	vst v27  }
0x64: {  	v27 =	vor.u32 v1, v18;
	v11 =	vor.u32 v8, v20;
	v25 =	vld.idx.msk [tilespmem:v25+s4+$0x0], $0xffff;
	[tilespmem:s22+$0x70] =	vst v22  }
0x65: {  	[tilespmem:s25+$0x0] =	vst v28;
	v22 =	vld.idx.msk [tilespmem:v29+s4+$0x0], $0xffff;
	v28 =	vor.u32 v3, v13  }
0x66: {  	v29 =	vor.u32 v3, v15;
	v24 =	vld.idx.msk [tilespmem:v24+s4+$0x0], $0xffff;
	[tilespmem:s22+$0xFFFFFE70] =	vst v21  }
0x67: {  	v21 =	vld.idx.msk [tilespmem:v30+s4+$0x0], $0xffff;
	v30 =	vor.u32 v3, v16;
	[tilespmem:s22+$0x1F0] =	vst v19  }
0x68: {  	v19 =	vld.idx.msk [tilespmem:v23+s4+$0x0], $0xffff;
	v23 =	vor.u32 v1, v20;
	[tilespmem:s22+$0xFFFFFEF0] =	vst v14;
	s22 =	smov.u32 s25  }
0x69: {  	v14 =	vor.u32 v3, v10;
	v27 =	vld.idx.msk [tilespmem:v27+s4+$0x0], $0xffff;
	[tilespmem:s25+$0x180] =	vst v26  }
0x6a: {  	[tilespmem:s25+$0xFFFFFE80] =	vst v25;
	v25 =	vor.u32 v3, v17;
	v26 =	vld.idx.msk [tilespmem:v28+s4+$0x0], $0xffff  }
0x6b: {  	v28 =	vld.idx.msk [tilespmem:v29+s4+$0x0], $0xffff;
	v29 =	vor.u32 v3, v18;
	[tilespmem:s25+$0x100] =	vst v22  }
0x6c: {  	[tilespmem:s25+$0x10] =	vst v24;
	v22 =	vld.idx.msk [tilespmem:v30+s4+$0x0], $0xffff;
	v24 =	vor.u32 v4, v13  }
0x6d: {  	[tilespmem:s25+$0xFFFFFE00] =	vst v21;
	v21 =	vor.u32 v4, v15;
	v23 =	vld.idx.msk [tilespmem:v23+s4+$0x0], $0xffff  }
0x6e: {  	v14 =	vld.idx.msk [tilespmem:v14+s4+$0x0], $0xffff;
	[tilespmem:s25+$0xFFFFFF80] =	vst v19;
	v19 =	vor.u32 v4, v16  }
0x6f: {  	[tilespmem:s25+$0xFFFFFF00] =	vst v27;
	v25 =	vld.idx.msk [tilespmem:v25+s4+$0x0], $0xffff;
	v27 =	vor.u32 v3, v20  }
0x70: {  	v30 =	vor.u32 v4, v10;
	v29 =	vld.idx.msk [tilespmem:v29+s4+$0x0], $0xffff;
	[tilespmem:s25+$0x190] =	vst v26  }
0x71: {  	v26 =	vor.u32 v4, v17;
	[tilespmem:s25+$0xFFFFFE90] =	vst v28;
	v24 =	vld.idx.msk [tilespmem:v24+s4+$0x0], $0xffff  }
0x72: {  	v28 =	vor.u32 v4, v18;
	v21 =	vld.idx.msk [tilespmem:v21+s4+$0x0], $0xffff;
	[tilespmem:s25+$0x110] =	vst v22  }
0x73: {  	v22 =	vor.u32 v4, v12;
	[tilespmem:s25+$0x80] =	vst v23;
	v19 =	vld.idx.msk [tilespmem:v19+s4+$0x0], $0xffff  }
0x74: {  	v23 =	vor.u32 v5, v13;
	[tilespmem:s25+$0xFFFFFE10] =	vst v14;
	v14 =	vld.idx.msk [tilespmem:v27+s4+$0x0], $0xffff  }
0x75: {  	v27 =	vld.idx.msk [tilespmem:v30+s4+$0x0], $0xffff;
	v30 =	vor.u32 v5, v15;
	[tilespmem:s25+$0xFFFFFF90] =	vst v25  }
0x76: {  	[tilespmem:s25+$0xFFFFFF10] =	vst v29;
	v25 =	vld.idx.msk [tilespmem:v26+s4+$0x0], $0xffff;
	v26 =	vor.u32 v5, v16  }
0x77: {  	v29 =	vor.u32 v4, v20;
	v28 =	vld.idx.msk [tilespmem:v28+s4+$0x0], $0xffff;
	[tilespmem:s25+$0x1A0] =	vst v24  }
0x78: {  	[tilespmem:s25+$0xFFFFFEA0] =	vst v21;
	v21 =	vor.u32 v5, v17;
	v22 =	vld.idx.msk [tilespmem:v22+s4+$0x0], $0xffff  }
0x79: {  	v24 =	vor.u32 v5, v10;
	[tilespmem:s25+$0x120] =	vst v19;
	v19 =	vld.idx.msk [tilespmem:v23+s4+$0x0], $0xffff  }
0x7a: {  	v23 =	vld.idx.msk [tilespmem:v30+s4+$0x0], $0xffff;
	v30 =	vor.u32 v5, v18;
	[tilespmem:s25+$0x90] =	vst v14  }
0x7b: {  	v14 =	vor.u32 v5, v12;
	[tilespmem:s25+$0xFFFFFE20] =	vst v27;
	v26 =	vld.idx.msk [tilespmem:v26+s4+$0x0], $0xffff  }
0x7c: {  	v27 =	vor.u32 v6, v15;
	[tilespmem:s25+$0xFFFFFFA0] =	vst v25;
	v25 =	vld.idx.msk [tilespmem:v29+s4+$0x0], $0xffff  }
0x7d: {  	[tilespmem:s25+$0xFFFFFF20] =	vst v28;
	v21 =	vld.idx.msk [tilespmem:v21+s4+$0x0], $0xffff;
	v28 =	vor.u32 v6, v16  }
0x7e: {  	v24 =	vld.idx.msk [tilespmem:v24+s4+$0x0], $0xffff;
	[tilespmem:s25+$0x20] =	vst v22;
	v22 =	vor.u32 v5, v20  }
0x7f: {  	v29 =	vld.idx.msk [tilespmem:v30+s4+$0x0], $0xffff;
	v30 =	vor.u32 v6, v17;
	[tilespmem:s25+$0x1B0] =	vst v19  }
0x80: {  	v19 =	vor.u32 v6, v10;
	[tilespmem:s25+$0xFFFFFEB0] =	vst v23;
	v14 =	vld.idx.msk [tilespmem:v14+s4+$0x0], $0xffff  }
0x81: {  	v23 =	vld.idx.msk [tilespmem:v27+s4+$0x0], $0xffff;
	v27 =	vor.u32 v6, v18;
	[tilespmem:s25+$0x130] =	vst v26  }
0x82: {  	v26 =	vor.u32 v6, v12;
	[tilespmem:s25+$0xA0] =	vst v25;
	v25 =	vld.idx.msk [tilespmem:v28+s4+$0x0], $0xffff  }
0x83: {  	[tilespmem:s25+$0xFFFFFFB0] =	vst v21;
	v21 =	vld.idx.msk [tilespmem:v22+s4+$0x0], $0xffff;
	v22 =	vor.u32 v6, v13  }
0x84: {  	v28 =	vor.u32 v7, v16;
	[tilespmem:s25+$0xFFFFFE30] =	vst v24;
	v24 =	vld.idx.msk [tilespmem:v30+s4+$0x0], $0xffff  }
0x85: {  	v19 =	vld.idx.msk [tilespmem:v19+s4+$0x0], $0xffff;
	[tilespmem:s25+$0xFFFFFF30] =	vst v29;
	v29 =	vor.u32 v6, v20  }
0x86: {  	v30 =	vor.u32 v7, v17;
	v27 =	vld.idx.msk [tilespmem:v27+s4+$0x0], $0xffff;
	[tilespmem:s25+$0x30] =	vst v14  }
0x87: {  	v31 =	vor.u32 v7, v10;
	[tilespmem:s25+$0xFFFFFEC0] =	vst v23;
	v23 =	vld.idx.msk [tilespmem:v26+s4+$0x0], $0xffff  }
0x88: {  	v26 =	vor.u32 v7, v18;
	[tilespmem:s25+$0x140] =	vst v25;
	v25 =	vld.idx.msk [tilespmem:v22+s4+$0x0], $0xffff  }
0x89: {  	v32 =	vor.u32 v7, v12;
	[tilespmem:s25+$0xB0] =	vst v21;
	v28 =	vld.idx.msk [tilespmem:v28+s4+$0x0], $0xffff  }
0x8a: {  	[tilespmem:s25+$0xFFFFFFC0] =	vst v24;
	v29 =	vld.idx.msk [tilespmem:v29+s4+$0x0], $0xffff;
	v24 =	vor.u32 v7, v13  }
0x8b: {  	v34 =	vor.u32 v8, v16;
	v14 =	vor.u32 v9, v15;
	[tilespmem:s25+$0xFFFFFE40] =	vst v19;
	v33 =	vld.idx.msk [tilespmem:v30+s4+$0x0], $0xffff  }
0x8c: {  	v36 =	vor.u32 v7, v20;
	v19 =	vor.u32 v9, v13;
	v35 =	vld.idx.msk [tilespmem:v31+s4+$0x0], $0xffff;
	[tilespmem:s25+$0xFFFFFF40] =	vst v27  }
0x8d: {  	v37 =	vor.u32 v8, v17;
	v22 =	vor.u32 v9, v12;
	v26 =	vld.idx.msk [tilespmem:v26+s4+$0x0], $0xffff;
	[tilespmem:s25+$0x40] =	vst v23  }
.Ltmp0:
0x8e: {  	v21 =	vor.u32 v9, v10;
	v30 =	vor.u32 v7, v15;
	v27 =	vld.idx.msk [tilespmem:v32+s4+$0x0], $0xffff;
	[tilespmem:s25+$0x1C0] =	vst v25;
	(pc) =	sbr.rel @p1 .LBB2_3-.Ltmp0, $4  }
0x8f: {  	v17 =	vor.u32 v9, v17;
	v23 =	vor.u32 v9, v18;
	[tilespmem:s25+$0x150] =	vst v28;
	v25 =	vld.idx.msk [tilespmem:v24+s4+$0x0], $0xffff  }
0x90: {  	v31 =	vor.u32 v8, v18;
	v24 =	vor.u32 v8, v15;
	[tilespmem:s25+$0xC0] =	vst v29;
	v28 =	vld.idx.msk [tilespmem:v34+s4+$0x0], $0xffff  }
0x91: {  	v32 =	vor.u32 v8, v12;
	v12 =	vor.u32 v8, v13;
	[tilespmem:s25+$0xFFFFFFD0] =	vst v33;
	v29 =	vld.idx.msk [tilespmem:v36+s4+$0x0], $0xffff  }
0x92: {  	s24 =	sadd.s32 $0x20, s24;
	v18 =	vor.u32 v9, v20;
	v15 =	vor.u32 v9, v16;
	s25 =	sadd.s32 $0x400, s25;
	[tilespmem:s22+$0xFFFFFE50] =	vst v35;
	v13 =	vld.idx.msk [tilespmem:v37+s4+$0x0], $0xffff  }
0x93: {  	_ =	sdelay $0x2  }
0x94: {  	[tilespmem:s22+$0xFFFFFF50] =	vst v26  }
0x95: {  	v16 =	vld.idx.msk [tilespmem:v30+s4+$0x0], $0xffff;
	[tilespmem:s22+$0x50] =	vst v27  }
0x96: {  	v10 =	vor.u32 v8, v10;
	v20 =	vld.idx.msk [tilespmem:v31+s4+$0x0], $0xffff;
	[tilespmem:s22+$0x1D0] =	vst v25  }
0x97: {  	v26 =	vld.idx.msk [tilespmem:v32+s4+$0x0], $0xffff;
	[tilespmem:s22+$0x160] =	vst v28  }
0x98: {  	v12 =	vld.idx.msk [tilespmem:v12+s4+$0x0], $0xffff;
	[tilespmem:s22+$0xD0] =	vst v29  }
0x99: {  	v15 =	vld.idx.msk [tilespmem:v15+s4+$0x0], $0xffff;
	[tilespmem:s22+$0xFFFFFFE0] =	vst v13  }
0x9a: {  	v11 =	vld.idx.msk [tilespmem:v11+s4+$0x0], $0xffff;
	[tilespmem:s22+$0xFFFFFED0] =	vst v16  }
0x9b: {  	v10 =	vld.idx.msk [tilespmem:v10+s4+$0x0], $0xffff;
	[tilespmem:s22+$0xFFFFFF60] =	vst v20  }
0x9c: {  	v16 =	vld.idx.msk [tilespmem:v17+s4+$0x0], $0xffff;
	[tilespmem:s22+$0x60] =	vst v26  }
0x9d: {  	v13 =	vld.idx.msk [tilespmem:v24+s4+$0x0], $0xffff;
	[tilespmem:s22+$0x1E0] =	vst v12  }
0x9e: {  	v17 =	vld.idx.msk [tilespmem:v23+s4+$0x0], $0xffff;
	[tilespmem:s22+$0x170] =	vst v15  }
0x9f: {  	s3 =	simm.s32 $0x4;
	[tilespmem:s22+$0xE0] =	vst v11  }
0xa0: {  	s0 =	simm.s32 $0x0;
	s23 =	simm.s32 $0x8;
	v12 =	vmov s3;
	v15 =	vld.idx.msk [tilespmem:v22+s4+$0x0], $0xffff;
	[tilespmem:s22+$0xFFFFFE60] =	vst v10  }
0xa1: {  	s24 =	simm.s32 $0xC;
	v20 =	vor.u32 s0, v0;
	v23 =	vmov s23;
	v11 =	vld.idx.msk [tilespmem:v18+s4+$0x0], $0xffff;
	v18 =	vmov s0;
	[tilespmem:s22+$0xFFFFFFF0] =	vst v16  }
0xa2: {  	v12 =	vshll.u32 v12, $0x3;
	v10 =	vld.idx.msk [tilespmem:v21+s4+$0x0], $0xffff;
	[tilespmem:s22+$0xFFFFFEE0] =	vst v13;
	v13 =	vor.u32 s23, v2;
	v21 =	vmov s24  }
0xa3: {  	s25 =	simm.s32 $0x18;
	s26 =	simm.s32 $0x10;
	v16 =	vld.idx.msk [tilespmem:v19+s4+$0x0], $0xffff;
	v19 =	vand.u32 $0x6B, v13;
	v13 =	vshll.u32 v21, $0x3;
	[tilespmem:s22+$0xFFFFFF70] =	vst v17;
	v17 =	vand.u32 $0xC00, v12  }
0xa4: {  	v14 =	vld.idx.msk [tilespmem:v14+s4+$0x0], $0xffff;
	v12 =	vor.u32 s25, v2;
	v21 =	vand.u32 $0xC00, v13;
	v13 =	vmov s26  }
0xa5: {  	s29 =	simm.s32 $0x1C;
	v22 =	vand.u32 $0x7B, v12;
	[tilespmem:s22+$0x70] =	vst v15;
	v12 =	vshll.u32 v13, $0x3;
	v13 =	vor.u32 s26, v0  }
0xa6: {  	v15 =	vor.u32 s29, v2;
	[tilespmem:s22+$0xF0] =	vst v11;
	v12 =	vand.u32 $0xC00, v12;
	v13 =	vand.u32 $0x73, v13  }
0xa7: {  	v11 =	vor.u32 s3, v2;
	[tilespmem:s22+$0xFFFFFE70] =	vst v10;
	v10 =	vmov s29;
	v12 =	vor.u32 v12, v13  }
0xa8: {  	s21 =	sshll.u32 s21, $0xB;
	[tilespmem:s22+$0x1F0] =	vst v16;
	v13 =	vor.u32 s24, v2;
	v11 =	vand.u32 $0x67, v11;
	v10 =	vshll.u32 v10, $0x3  }
0xa9: {  	s21 =	sand.u32 $0x1FFFF800, s21;
	[tilespmem:s22+$0xFFFFFEF0] =	vst v14;
	v16 =	vor.u32 v1, v12;
	v14 =	vand.u32 $0x7F, v15;
	v24 =	vand.u32 $0x6F, v13  }
0xaa: {  	s30 =	sadd.s32 s5, s21;
	v13 =	vmov s25;
	v15 =	vor.u32 v17, v11;
	v10 =	vand.u32 $0xC00, v10  }
0xab: {  	v17 =	vshll.u32 v18, $0x3;
	[hbm4b:s30+s0] =	stream.linear.scatter [tilespmem:s13], [sflag:$0x3], $0x4000, $0x38;
	v25 =	vshll.u32 v13, $0x3;
	v13 =	vor.u32 v10, v14;
	[tilespmem:$0x10000] =	vst v63  }
0xac: {  	v17 =	vand.u32 $0xC00, v17;
	_ =	swait.ge [sflag:s14], $0x4000;
	v10 =	vand.u32 $0xC00, v25;
	v11 =	vor.u32 v1, v13  }
0xad: {  	[sflag:s14] =	ssyncset.done $0x0;
	v14 =	vor.u32 v10, v22;
	v22 =	vor.u32 v1, v15;
	v10 =	vand.u32 $0x63, v20  }
0xae: {  	v18 =	vshll.u32 v23, $0x3;
	[sflag:s14] =	ssyncadd.s32 $0xFFFFC000;
	v25 =	vor.u32 v1, v14;
	v10 =	vor.u32 v17, v10  }
0xaf: {  	v18 =	vand.u32 $0xC00, v18;
	v20 =	vld.idx.msk [tilespmem:v16+s12+$0x0], $0xffff;
	v16 =	vor.u32 v21, v24;
	v21 =	vor.u32 v1, v10  }
0xb0: {  	v18 =	vor.u32 v18, v19;
	v17 =	vor.u32 v3, v12  }
0xb1: {  	s31 =	simm.s32 $0x14;
	v24 =	vor.u32 v1, v18;
	v11 =	vld.idx.msk [tilespmem:v11+s12+$0x0], $0xffff  }
0xb2: {  	v23 =	vmov s31;
	v19 =	vor.u32 v1, v16;
	v22 =	vld.idx.msk [tilespmem:v22+s12+$0x0], $0xffff  }
0xb3: {  	s21 =	simm.s32 $0xC200;
	v26 =	vor.u32 s31, v2;
	v23 =	vshll.u32 v23, $0x3;
	v27 =	vor.u32 v3, v13;
	v25 =	vld.idx.msk [tilespmem:v25+s12+$0x0], $0xffff  }
0xb4: {  	v23 =	vand.u32 $0xC00, v23;
	[tilespmem:s21+$0x0] =	vst v20;
	v20 =	vand.u32 $0x77, v26;
	v26 =	vor.u32 v3, v15;
	v21 =	vld.idx.msk [tilespmem:v21+s12+$0x0], $0xffff  }
0xb5: {  	v17 =	vld.idx.msk [tilespmem:v17+s12+$0x0], $0xffff;
	v20 =	vor.u32 v23, v20;
	v23 =	vor.u32 v3, v14  }
0xb6: {  	v24 =	vld.idx.msk [tilespmem:v24+s12+$0x0], $0xffff;
	v28 =	vor.u32 v1, v20;
	[tilespmem:s21+$0x180] =	vst v11  }
0xb7: {  	v29 =	vor.u32 v3, v10;
	v19 =	vld.idx.msk [tilespmem:v19+s12+$0x0], $0xffff;
	[tilespmem:s21+$0xFFFFFE80] =	vst v22  }
0xb8: {  	v11 =	vor.u32 v3, v16;
	v22 =	vld.idx.msk [tilespmem:v27+s12+$0x0], $0xffff;
	[tilespmem:s21+$0x100] =	vst v25  }
0xb9: {  	v27 =	vor.u32 v3, v18;
	v26 =	vld.idx.msk [tilespmem:v26+s12+$0x0], $0xffff;
	[tilespmem:s21+$0xFFFFFE00] =	vst v21  }
0xba: {  	[tilespmem:s21+$0x10] =	vst v17;
	v17 =	vld.idx.msk [tilespmem:v23+s12+$0x0], $0xffff;
	v23 =	vor.u32 v4, v13  }
0xbb: {  	v21 =	vor.u32 v4, v15;
	[tilespmem:s21+$0xFFFFFF00] =	vst v24;
	v25 =	vld.idx.msk [tilespmem:v28+s12+$0x0], $0xffff  }
0xbc: {  	[tilespmem:s21+$0xFFFFFF80] =	vst v19;
	v19 =	vor.u32 v4, v14;
	v28 =	vld.idx.msk [tilespmem:v29+s12+$0x0], $0xffff  }
0xbd: {  	v24 =	vor.u32 v3, v20;
	v11 =	vld.idx.msk [tilespmem:v11+s12+$0x0], $0xffff;
	[tilespmem:s21+$0x190] =	vst v22  }
0xbe: {  	v29 =	vor.u32 v4, v10;
	v27 =	vld.idx.msk [tilespmem:v27+s12+$0x0], $0xffff;
	[tilespmem:s21+$0xFFFFFE90] =	vst v26  }
0xbf: {  	v22 =	vor.u32 v4, v16;
	v23 =	vld.idx.msk [tilespmem:v23+s12+$0x0], $0xffff;
	[tilespmem:s21+$0x110] =	vst v17  }
0xc0: {  	v26 =	vor.u32 v4, v18;
	v21 =	vld.idx.msk [tilespmem:v21+s12+$0x0], $0xffff;
	[tilespmem:s21+$0x80] =	vst v25  }
0xc1: {  	v17 =	vor.u32 v4, v12;
	v19 =	vld.idx.msk [tilespmem:v19+s12+$0x0], $0xffff;
	[tilespmem:s21+$0xFFFFFE10] =	vst v28  }
0xc2: {  	v25 =	vor.u32 v5, v13;
	v24 =	vld.idx.msk [tilespmem:v24+s12+$0x0], $0xffff;
	[tilespmem:s21+$0xFFFFFF90] =	vst v11  }
0xc3: {  	v28 =	vld.idx.msk [tilespmem:v29+s12+$0x0], $0xffff;
	v29 =	vor.u32 v5, v15;
	[tilespmem:s21+$0xFFFFFF10] =	vst v27  }
0xc4: {  	v11 =	vld.idx.msk [tilespmem:v22+s12+$0x0], $0xffff;
	v22 =	vor.u32 v5, v14;
	[tilespmem:s21+$0x1A0] =	vst v23  }
0xc5: {  	v27 =	vor.u32 v4, v20;
	v26 =	vld.idx.msk [tilespmem:v26+s12+$0x0], $0xffff;
	[tilespmem:s21+$0xFFFFFEA0] =	vst v21  }
0xc6: {  	v21 =	vor.u32 v5, v16;
	v17 =	vld.idx.msk [tilespmem:v17+s12+$0x0], $0xffff;
	[tilespmem:s21+$0x120] =	vst v19  }
0xc7: {  	v23 =	vor.u32 v5, v10;
	v19 =	vld.idx.msk [tilespmem:v25+s12+$0x0], $0xffff;
	[tilespmem:s21+$0x90] =	vst v24  }
0xc8: {  	v25 =	vld.idx.msk [tilespmem:v29+s12+$0x0], $0xffff;
	v29 =	vor.u32 v5, v18;
	[tilespmem:s21+$0xFFFFFE20] =	vst v28  }
0xc9: {  	v24 =	vor.u32 v5, v12;
	v22 =	vld.idx.msk [tilespmem:v22+s12+$0x0], $0xffff;
	[tilespmem:s21+$0xFFFFFFA0] =	vst v11  }
0xca: {  	v28 =	vor.u32 v6, v15;
	v11 =	vld.idx.msk [tilespmem:v27+s12+$0x0], $0xffff;
	[tilespmem:s21+$0xFFFFFF20] =	vst v26  }
0xcb: {  	v26 =	vor.u32 v6, v14;
	v21 =	vld.idx.msk [tilespmem:v21+s12+$0x0], $0xffff;
	[tilespmem:s21+$0x20] =	vst v17  }
0xcc: {  	v23 =	vld.idx.msk [tilespmem:v23+s12+$0x0], $0xffff;
	v17 =	vor.u32 v5, v20;
	[tilespmem:s21+$0x1B0] =	vst v19  }
0xcd: {  	v19 =	vor.u32 v6, v10;
	v27 =	vld.idx.msk [tilespmem:v29+s12+$0x0], $0xffff;
	[tilespmem:s21+$0xFFFFFEB0] =	vst v25  }
0xce: {  	v29 =	vor.u32 v6, v16;
	v24 =	vld.idx.msk [tilespmem:v24+s12+$0x0], $0xffff;
	[tilespmem:s21+$0x130] =	vst v22  }
0xcf: {  	v25 =	vld.idx.msk [tilespmem:v28+s12+$0x0], $0xffff;
	v28 =	vor.u32 v6, v18;
	[tilespmem:s21+$0xA0] =	vst v11  }
0xd0: {  	v22 =	vor.u32 v6, v12;
	v11 =	vld.idx.msk [tilespmem:v26+s12+$0x0], $0xffff;
	[tilespmem:s21+$0xFFFFFFB0] =	vst v21  }
0xd1: {  	v17 =	vld.idx.msk [tilespmem:v17+s12+$0x0], $0xffff;
	v21 =	vor.u32 v6, v13;
	[tilespmem:s21+$0xFFFFFE30] =	vst v23  }
0xd2: {  	v26 =	vor.u32 v7, v14;
	v19 =	vld.idx.msk [tilespmem:v19+s12+$0x0], $0xffff  }
0xd3: {  	v23 =	vld.idx.msk [tilespmem:v29+s12+$0x0], $0xffff;
	[tilespmem:s21+$0xFFFFFF30] =	vst v27;
	v27 =	vor.u32 v6, v20  }
0xd4: {  	[tilespmem:s21+$0x30] =	vst v24;
	v24 =	vor.u32 v7, v10;
	v28 =	vld.idx.msk [tilespmem:v28+s12+$0x0], $0xffff  }
0xd5: {  	v29 =	vor.u32 v7, v16;
	[tilespmem:s21+$0xFFFFFEC0] =	vst v25;
	v22 =	vld.idx.msk [tilespmem:v22+s12+$0x0], $0xffff  }
0xd6: {  	v25 =	vor.u32 v7, v18;
	[tilespmem:s21+$0x140] =	vst v11;
	v30 =	vld.idx.msk [tilespmem:v21+s12+$0x0], $0xffff  }
0xd7: {  	v31 =	vor.u32 v7, v12;
	[tilespmem:s21+$0xB0] =	vst v17;
	v33 =	vld.idx.msk [tilespmem:v26+s12+$0x0], $0xffff  }
0xd8: {  	v32 =	vor.u32 v7, v15;
	v35 =	vor.u32 v7, v13;
	[tilespmem:s21+$0xFFFFFE40] =	vst v19;
	v34 =	vld.idx.msk [tilespmem:v27+s12+$0x0], $0xffff  }
0xd9: {  	v36 =	vor.u32 v8, v14;
	v39 =	vor.u32 v8, v16;
	[tilespmem:s21+$0xFFFFFFC0] =	vst v23;
	v37 =	vld.idx.msk [tilespmem:v24+s12+$0x0], $0xffff  }
0xda: {  	v38 =	vor.u32 v7, v20;
	v14 =	vor.u32 v9, v14;
	v29 =	vld.idx.msk [tilespmem:v29+s12+$0x0], $0xffff;
	[tilespmem:s21+$0xFFFFFF40] =	vst v28  }
0xdb: {  	v16 =	vor.u32 v9, v16;
	v11 =	vor.u32 v8, v20;
	[tilespmem:s21+$0x40] =	vst v22;
	v26 =	vld.idx.msk [tilespmem:v25+s12+$0x0], $0xffff  }
0xdc: {  	v17 =	vor.u32 v9, v15;
	v21 =	vor.u32 v9, v10;
	v27 =	vld.idx.msk [tilespmem:v31+s12+$0x0], $0xffff;
	[tilespmem:s21+$0x1C0] =	vst v30  }
0xdd: {  	v19 =	vor.u32 v9, v13;
	v23 =	vor.u32 v9, v18;
	[tilespmem:s21+$0x150] =	vst v33;
	v25 =	vld.idx.msk [tilespmem:v35+s12+$0x0], $0xffff  }
0xde: {  	v24 =	vor.u32 v8, v15;
	v30 =	vor.u32 v8, v18;
	v28 =	vld.idx.msk [tilespmem:v36+s12+$0x0], $0xffff;
	[tilespmem:s21+$0xC0] =	vst v34  }
0xdf: {  	v22 =	vor.u32 v9, v12;
	v31 =	vor.u32 v8, v12;
	[tilespmem:s21+$0xFFFFFFD0] =	vst v29;
	v29 =	vld.idx.msk [tilespmem:v38+s12+$0x0], $0xffff  }
0xe0: {  	s23 =	simm.s32 $0x20;
	s24 =	simm.s32 $0xC600;
	s22 =	simm.s32 $0x0;
	v12 =	vor.u32 v8, v13;
	v18 =	vor.u32 v9, v20;
	[tilespmem:s21+$0xFFFFFE50] =	vst v37;
	v13 =	vld.idx.msk [tilespmem:v39+s12+$0x0], $0xffff  }
.LBB2_5:
0xe1: {  	v15 =	vmov s23;
	v20 =	vor.u32 s23, v0;
	s0 =	sadd.s32 $0x4, s23;
	s3 =	sadd.s32 $0x8, s23;
	s26 =	sadd.s32 $0xC, s23;
	v10 =	vor.u32 v8, v10;
	v32 =	vld.idx.msk [tilespmem:v32+s12+$0x0], $0xffff  }
0xe2: {  	s28 =	sadd.s32 $0x10, s23;
	s25 =	sadd.s32 $0x14, s23;
	s29 =	sadd.s32 $0x18, s23;
	v33 =	vmov s0;
	v34 =	vor.u32 s3, v2;
	v35 =	vmov s26;
	[tilespmem:s21+$0xFFFFFF50] =	vst v26  }
0xe3: {  	s30 =	sadd.s32 $0x1C, s23;
	s22 =	sadd.s32 $0x8, s22;
	v26 =	vshll.u32 v33, $0x3;
	v33 =	vand.u32 $0x6B, v34;
	v34 =	vshll.u32 v35, $0x3;
	v30 =	vld.idx.msk [tilespmem:v30+s12+$0x0], $0xffff;
	[tilespmem:s21+$0x50] =	vst v27  }
0xe4: {  	p1 =	slt.u32 s22, $0x78;
	v26 =	vand.u32 $0xC00, v26;
	v27 =	vand.u32 $0xC00, v34;
	v34 =	vor.u32 s29, v2;
	v31 =	vld.idx.msk [tilespmem:v31+s12+$0x0], $0xffff;
	[tilespmem:s21+$0x160] =	vst v28  }
0xe5: {  	v35 =	vmov s28;
	v28 =	vor.u32 s0, v2;
	v34 =	vand.u32 $0x7B, v34;
	[tilespmem:s21+$0xD0] =	vst v29;
	v29 =	vld.idx.msk [tilespmem:v14+s12+$0x0], $0xffff  }
0xe6: {  	v36 =	vmov s30;
	v35 =	vshll.u32 v35, $0x3;
	v14 =	vmov s3;
	v11 =	vld.idx.msk [tilespmem:v11+s12+$0x0], $0xffff;
	[tilespmem:s21+$0x1D0] =	vst v25  }
0xe7: {  	v36 =	vshll.u32 v36, $0x3;
	v35 =	vand.u32 $0xC00, v35;
	v25 =	vor.u32 s28, v0;
	[tilespmem:s21+$0xFFFFFED0] =	vst v32;
	v32 =	vld.idx.msk [tilespmem:v12+s12+$0x0], $0xffff  }
0xe8: {  	v36 =	vand.u32 $0xC00, v36;
	v12 =	vand.u32 $0x73, v25;
	v25 =	vor.u32 s30, v2;
	v24 =	vld.idx.msk [tilespmem:v24+s12+$0x0], $0xffff  }
0xe9: {  	v37 =	vor.u32 s26, v2;
	v12 =	vor.u32 v35, v12;
	v25 =	vand.u32 $0x7F, v25;
	v10 =	vld.idx.msk [tilespmem:v10+s12+$0x0], $0xffff;
	[tilespmem:s21+$0xFFFFFFE0] =	vst v13  }
0xea: {  	v13 =	vand.u32 $0x6F, v37;
	v35 =	vor.u32 v1, v12;
	v37 =	vmov s29;
	[tilespmem:s21+$0xFFFFFF60] =	vst v30;
	v30 =	vld.idx.msk [tilespmem:v16+s12+$0x0], $0xffff  }
0xeb: {  	v16 =	vand.u32 $0x67, v28;
	v28 =	vshll.u32 v14, $0x3;
	v37 =	vshll.u32 v37, $0x3;
	v23 =	vld.idx.msk [tilespmem:v23+s12+$0x0], $0xffff;
	[tilespmem:s21+$0x60] =	vst v31  }
0xec: {  	v14 =	vor.u32 v26, v16;
	v16 =	vor.u32 v27, v13;
	v13 =	vor.u32 v36, v25;
	[tilespmem:s21+$0xE0] =	vst v11  }
0xed: {  	v25 =	vand.u32 $0xC00, v37;
	v11 =	vand.u32 $0xC00, v28;
	v26 =	vor.u32 v1, v13;
	v27 =	vld.idx.msk [tilespmem:v18+s12+$0x0], $0xffff;
	[tilespmem:s21+$0x170] =	vst v29  }
0xee: {  	v28 =	vshll.u32 v15, $0x3;
	v15 =	vor.u32 v25, v34;
	v18 =	vor.u32 v11, v33;
	v22 =	vld.idx.msk [tilespmem:v22+s12+$0x0], $0xffff;
	[tilespmem:s21+$0x1E0] =	vst v32  }
0xef: {  	v25 =	vor.u32 v1, v14;
	v11 =	vand.u32 $0x63, v20;
	v20 =	vand.u32 $0xC00, v28;
	v28 =	vld.idx.msk [tilespmem:v35+s12+$0x0], $0xffff;
	[tilespmem:s21+$0xFFFFFE60] =	vst v10  }
0xf0: {  	v29 =	vor.u32 v1, v15;
	v10 =	vor.u32 v20, v11;
	v11 =	vmov s25;
	v21 =	vld.idx.msk [tilespmem:v21+s12+$0x0], $0xffff;
	[tilespmem:s21+$0xFFFFFEE0] =	vst v24  }
0xf1: {  	v20 =	vor.u32 s25, v2;
	v24 =	vor.u32 v3, v12;
	v11 =	vshll.u32 v11, $0x3;
	[tilespmem:s21+$0xFFFFFFF0] =	vst v30;
	v19 =	vld.idx.msk [tilespmem:v19+s12+$0x0], $0xffff  }
0xf2: {  	v20 =	vand.u32 $0x77, v20;
	v30 =	vor.u32 v1, v10;
	v11 =	vand.u32 $0xC00, v11;
	v17 =	vld.idx.msk [tilespmem:v17+s12+$0x0], $0xffff;
	[tilespmem:s21+$0xFFFFFF70] =	vst v23  }
0xf3: {  	v23 =	vor.u32 v1, v16;
	v20 =	vor.u32 v11, v20;
	v26 =	vld.idx.msk [tilespmem:v26+s12+$0x0], $0xffff;
	[tilespmem:s21+$0xF0] =	vst v27  }
0xf4: {  	v27 =	vor.u32 v1, v18;
	v11 =	vor.u32 v8, v20;
	v25 =	vld.idx.msk [tilespmem:v25+s12+$0x0], $0xffff;
	[tilespmem:s21+$0x70] =	vst v22  }
0xf5: {  	[tilespmem:s24+$0x0] =	vst v28;
	v22 =	vld.idx.msk [tilespmem:v29+s12+$0x0], $0xffff;
	v28 =	vor.u32 v3, v13  }
0xf6: {  	v29 =	vor.u32 v3, v14;
	v24 =	vld.idx.msk [tilespmem:v24+s12+$0x0], $0xffff;
	[tilespmem:s21+$0xFFFFFE70] =	vst v21  }
0xf7: {  	v21 =	vld.idx.msk [tilespmem:v30+s12+$0x0], $0xffff;
	v30 =	vor.u32 v3, v15;
	[tilespmem:s21+$0x1F0] =	vst v19  }
0xf8: {  	v19 =	vld.idx.msk [tilespmem:v23+s12+$0x0], $0xffff;
	v23 =	vor.u32 v1, v20;
	[tilespmem:s21+$0xFFFFFEF0] =	vst v17;
	s21 =	smov.u32 s24  }
0xf9: {  	v17 =	vor.u32 v3, v10;
	v27 =	vld.idx.msk [tilespmem:v27+s12+$0x0], $0xffff;
	[tilespmem:s24+$0x180] =	vst v26  }
0xfa: {  	[tilespmem:s24+$0xFFFFFE80] =	vst v25;
	v25 =	vor.u32 v3, v16;
	v26 =	vld.idx.msk [tilespmem:v28+s12+$0x0], $0xffff  }
0xfb: {  	v28 =	vld.idx.msk [tilespmem:v29+s12+$0x0], $0xffff;
	v29 =	vor.u32 v3, v18;
	[tilespmem:s24+$0x100] =	vst v22  }
0xfc: {  	[tilespmem:s24+$0x10] =	vst v24;
	v22 =	vld.idx.msk [tilespmem:v30+s12+$0x0], $0xffff;
	v24 =	vor.u32 v4, v13  }
0xfd: {  	[tilespmem:s24+$0xFFFFFE00] =	vst v21;
	v21 =	vor.u32 v4, v14;
	v23 =	vld.idx.msk [tilespmem:v23+s12+$0x0], $0xffff  }
0xfe: {  	v17 =	vld.idx.msk [tilespmem:v17+s12+$0x0], $0xffff;
	[tilespmem:s24+$0xFFFFFF80] =	vst v19;
	v19 =	vor.u32 v4, v15  }
0xff: {  	[tilespmem:s24+$0xFFFFFF00] =	vst v27;
	v25 =	vld.idx.msk [tilespmem:v25+s12+$0x0], $0xffff;
	v27 =	vor.u32 v3, v20  }
0x100: {  	v30 =	vor.u32 v4, v10;
	v29 =	vld.idx.msk [tilespmem:v29+s12+$0x0], $0xffff;
	[tilespmem:s24+$0x190] =	vst v26  }
0x101: {  	v26 =	vor.u32 v4, v16;
	[tilespmem:s24+$0xFFFFFE90] =	vst v28;
	v24 =	vld.idx.msk [tilespmem:v24+s12+$0x0], $0xffff  }
0x102: {  	v28 =	vor.u32 v4, v18;
	v21 =	vld.idx.msk [tilespmem:v21+s12+$0x0], $0xffff;
	[tilespmem:s24+$0x110] =	vst v22  }
0x103: {  	v22 =	vor.u32 v4, v12;
	[tilespmem:s24+$0x80] =	vst v23;
	v19 =	vld.idx.msk [tilespmem:v19+s12+$0x0], $0xffff  }
0x104: {  	v23 =	vor.u32 v5, v13;
	[tilespmem:s24+$0xFFFFFE10] =	vst v17;
	v17 =	vld.idx.msk [tilespmem:v27+s12+$0x0], $0xffff  }
0x105: {  	v27 =	vld.idx.msk [tilespmem:v30+s12+$0x0], $0xffff;
	v30 =	vor.u32 v5, v14;
	[tilespmem:s24+$0xFFFFFF90] =	vst v25  }
0x106: {  	[tilespmem:s24+$0xFFFFFF10] =	vst v29;
	v25 =	vld.idx.msk [tilespmem:v26+s12+$0x0], $0xffff;
	v26 =	vor.u32 v5, v15  }
0x107: {  	v29 =	vor.u32 v4, v20;
	v28 =	vld.idx.msk [tilespmem:v28+s12+$0x0], $0xffff;
	[tilespmem:s24+$0x1A0] =	vst v24  }
0x108: {  	[tilespmem:s24+$0xFFFFFEA0] =	vst v21;
	v21 =	vor.u32 v5, v16;
	v22 =	vld.idx.msk [tilespmem:v22+s12+$0x0], $0xffff  }
0x109: {  	v24 =	vor.u32 v5, v10;
	[tilespmem:s24+$0x120] =	vst v19;
	v19 =	vld.idx.msk [tilespmem:v23+s12+$0x0], $0xffff  }
0x10a: {  	v23 =	vld.idx.msk [tilespmem:v30+s12+$0x0], $0xffff;
	v30 =	vor.u32 v5, v18;
	[tilespmem:s24+$0x90] =	vst v17  }
0x10b: {  	v17 =	vor.u32 v5, v12;
	[tilespmem:s24+$0xFFFFFE20] =	vst v27;
	v26 =	vld.idx.msk [tilespmem:v26+s12+$0x0], $0xffff  }
0x10c: {  	v27 =	vor.u32 v6, v14;
	[tilespmem:s24+$0xFFFFFFA0] =	vst v25;
	v25 =	vld.idx.msk [tilespmem:v29+s12+$0x0], $0xffff  }
0x10d: {  	[tilespmem:s24+$0xFFFFFF20] =	vst v28;
	v21 =	vld.idx.msk [tilespmem:v21+s12+$0x0], $0xffff;
	v28 =	vor.u32 v6, v15  }
0x10e: {  	v24 =	vld.idx.msk [tilespmem:v24+s12+$0x0], $0xffff;
	[tilespmem:s24+$0x20] =	vst v22;
	v22 =	vor.u32 v5, v20  }
0x10f: {  	v29 =	vld.idx.msk [tilespmem:v30+s12+$0x0], $0xffff;
	v30 =	vor.u32 v6, v16;
	[tilespmem:s24+$0x1B0] =	vst v19  }
0x110: {  	v19 =	vor.u32 v6, v10;
	[tilespmem:s24+$0xFFFFFEB0] =	vst v23;
	v17 =	vld.idx.msk [tilespmem:v17+s12+$0x0], $0xffff  }
0x111: {  	v23 =	vld.idx.msk [tilespmem:v27+s12+$0x0], $0xffff;
	v27 =	vor.u32 v6, v18;
	[tilespmem:s24+$0x130] =	vst v26  }
0x112: {  	v26 =	vor.u32 v6, v12;
	[tilespmem:s24+$0xA0] =	vst v25;
	v25 =	vld.idx.msk [tilespmem:v28+s12+$0x0], $0xffff  }
0x113: {  	[tilespmem:s24+$0xFFFFFFB0] =	vst v21;
	v21 =	vld.idx.msk [tilespmem:v22+s12+$0x0], $0xffff;
	v22 =	vor.u32 v6, v13  }
0x114: {  	v28 =	vor.u32 v7, v15;
	[tilespmem:s24+$0xFFFFFE30] =	vst v24;
	v24 =	vld.idx.msk [tilespmem:v30+s12+$0x0], $0xffff  }
0x115: {  	v19 =	vld.idx.msk [tilespmem:v19+s12+$0x0], $0xffff;
	[tilespmem:s24+$0xFFFFFF30] =	vst v29;
	v29 =	vor.u32 v6, v20  }
0x116: {  	v30 =	vor.u32 v7, v16;
	v27 =	vld.idx.msk [tilespmem:v27+s12+$0x0], $0xffff;
	[tilespmem:s24+$0x30] =	vst v17  }
0x117: {  	v31 =	vor.u32 v7, v10;
	[tilespmem:s24+$0xFFFFFEC0] =	vst v23;
	v23 =	vld.idx.msk [tilespmem:v26+s12+$0x0], $0xffff  }
0x118: {  	v26 =	vor.u32 v7, v18;
	[tilespmem:s24+$0x140] =	vst v25;
	v25 =	vld.idx.msk [tilespmem:v22+s12+$0x0], $0xffff  }
0x119: {  	v33 =	vor.u32 v7, v12;
	[tilespmem:s24+$0xB0] =	vst v21;
	v28 =	vld.idx.msk [tilespmem:v28+s12+$0x0], $0xffff  }
0x11a: {  	[tilespmem:s24+$0xFFFFFFC0] =	vst v24;
	v29 =	vld.idx.msk [tilespmem:v29+s12+$0x0], $0xffff;
	v24 =	vor.u32 v7, v13  }
0x11b: {  	v35 =	vor.u32 v8, v15;
	v17 =	vor.u32 v9, v14;
	[tilespmem:s24+$0xFFFFFE40] =	vst v19;
	v34 =	vld.idx.msk [tilespmem:v30+s12+$0x0], $0xffff  }
0x11c: {  	v37 =	vor.u32 v7, v20;
	v19 =	vor.u32 v9, v13;
	v36 =	vld.idx.msk [tilespmem:v31+s12+$0x0], $0xffff;
	[tilespmem:s24+$0xFFFFFF40] =	vst v27  }
0x11d: {  	v38 =	vor.u32 v8, v16;
	v22 =	vor.u32 v9, v12;
	v26 =	vld.idx.msk [tilespmem:v26+s12+$0x0], $0xffff;
	[tilespmem:s24+$0x40] =	vst v23  }
.Ltmp1:
0x11e: {  	v32 =	vor.u32 v7, v14;
	v21 =	vor.u32 v9, v10;
	v27 =	vld.idx.msk [tilespmem:v33+s12+$0x0], $0xffff;
	[tilespmem:s24+$0x1C0] =	vst v25;
	(pc) =	sbr.rel @p1 .LBB2_5-.Ltmp1, $4  }
0x11f: {  	v16 =	vor.u32 v9, v16;
	v23 =	vor.u32 v9, v18;
	[tilespmem:s24+$0x150] =	vst v28;
	v25 =	vld.idx.msk [tilespmem:v24+s12+$0x0], $0xffff  }
0x120: {  	v30 =	vor.u32 v8, v18;
	v24 =	vor.u32 v8, v14;
	[tilespmem:s24+$0xC0] =	vst v29;
	v28 =	vld.idx.msk [tilespmem:v35+s12+$0x0], $0xffff  }
0x121: {  	v31 =	vor.u32 v8, v12;
	v12 =	vor.u32 v8, v13;
	[tilespmem:s24+$0xFFFFFFD0] =	vst v34;
	v29 =	vld.idx.msk [tilespmem:v37+s12+$0x0], $0xffff  }
0x122: {  	s23 =	sadd.s32 $0x20, s23;
	v18 =	vor.u32 v9, v20;
	v14 =	vor.u32 v9, v15;
	s24 =	sadd.s32 $0x400, s24;
	[tilespmem:s21+$0xFFFFFE50] =	vst v36;
	v13 =	vld.idx.msk [tilespmem:v38+s12+$0x0], $0xffff  }
0x123: {  	_ =	sdelay $0x2  }
0x124: {  	[tilespmem:s21+$0xFFFFFF50] =	vst v26  }
0x125: {  	v15 =	vld.idx.msk [tilespmem:v32+s12+$0x0], $0xffff;
	[tilespmem:s21+$0x50] =	vst v27  }
0x126: {  	v10 =	vor.u32 v8, v10;
	v20 =	vld.idx.msk [tilespmem:v30+s12+$0x0], $0xffff;
	[tilespmem:s21+$0x1D0] =	vst v25  }
0x127: {  	v57 =	vld.idx.msk [tilespmem:v31+s12+$0x0], $0xffff;
	[tilespmem:s21+$0x160] =	vst v28  }
0x128: {  	v12 =	vld.idx.msk [tilespmem:v12+s12+$0x0], $0xffff;
	[tilespmem:s21+$0xD0] =	vst v29  }
0x129: {  	v14 =	vld.idx.msk [tilespmem:v14+s12+$0x0], $0xffff;
	[tilespmem:s21+$0xFFFFFFE0] =	vst v13  }
0x12a: {  	v11 =	vld.idx.msk [tilespmem:v11+s12+$0x0], $0xffff;
	[tilespmem:s21+$0xFFFFFED0] =	vst v15  }
0x12b: {  	v10 =	vld.idx.msk [tilespmem:v10+s12+$0x0], $0xffff;
	[tilespmem:s21+$0xFFFFFF60] =	vst v20  }
0x12c: {  	v59 =	vld.idx.msk [tilespmem:v16+s12+$0x0], $0xffff;
	[tilespmem:s21+$0x60] =	vst v57  }
0x12d: {  	v58 =	vld.idx.msk [tilespmem:v24+s12+$0x0], $0xffff;
	[tilespmem:s21+$0x1E0] =	vst v12  }
0x12e: {  	v61 =	vld.idx.msk [tilespmem:v22+s12+$0x0], $0xffff;
	[tilespmem:s21+$0x170] =	vst v14  }
0x12f: {  	v62 =	vld.idx.msk [tilespmem:v19+s12+$0x0], $0xffff;
	[tilespmem:s21+$0xE0] =	vst v11  }
0x130: {  	v11 =	vld.idx.msk [tilespmem:v23+s12+$0x0], $0xffff;
	[tilespmem:s21+$0xFFFFFE60] =	vst v10  }
0x131: {  	v60 =	vld.idx.msk [tilespmem:v18+s12+$0x0], $0xffff;
	[tilespmem:s21+$0xFFFFFFF0] =	vst v59  }
0x132: {  	v10 =	vld.idx.msk [tilespmem:v21+s12+$0x0], $0xffff;
	[tilespmem:s21+$0xFFFFFEE0] =	vst v58  }
0x133: {  	s19 =	sadd.s32 $0x1, s19;
	v63 =	vld.idx.msk [tilespmem:v17+s12+$0x0], $0xffff;
	[tilespmem:s21+$0x70] =	vst v61  }
0x134: {  	p1 =	sne.s32 s19, $0x1F;
	[tilespmem:s21+$0x1F0] =	vst v62  }
.Ltmp2:
0x135: {  	[tilespmem:s21+$0xFFFFFF70] =	vst v11;
	(pc) =	sbr.rel @p1 .LBB2_2-.Ltmp2, $4  }
0x136: {  	[tilespmem:s21+$0xF0] =	vst v60  }
0x137: {  	s0 =	sshll.u32 s20, $0xB;
	[tilespmem:s21+$0xFFFFFE70] =	vst v10  }
0x138: {  	s0 =	sadd.s32 s5, s0;
	[tilespmem:s21+$0xFFFFFEF0] =	vst v63  }
0x139: {  	[hbm4b:s0+s4] =	stream.linear.scatter [tilespmem:s15], [sflag:$0x4], $0x4000, $0x38;
	[tilespmem:$0x10000] =	vst v63  }
0x13a: {  	_ =	swait.ge [sflag:s16], $0x4000  }
0x13b: {  	[sflag:s16] =	ssyncset.done $0x0  }
0x13c: {  	[sflag:s16] =	ssyncadd.s32 $0xFFFFC000  }
0x13d: {  	_ =	swait.ge [sflag:s17], $0x4000  }
0x13e: {  	s0 =	simm.s32 @!p0 $0x0;
	[sflag:s17] =	ssyncset.done $0x0  }
0x13f: {  	s3 =	simm.s32 @!p0 $0x8000;
	s19 =	simm.s32 @!p0 $0x5;
	[sflag:s17] =	ssyncadd.s32 $0xFFFFC000  }
0x140: {  	[tilespmem:s3], [sflag:$0x5] =	stream.linear.gather @!p0 [hbm4b:s2+s0], $0x800, $0x38;
	[tilespmem:$0x10000] =	vst v63  }
0x141: {  	s18 =	sadd.s32 $0x1, s18;
	_ =	swait.ge @!p0 [sflag:s19], $0x800  }
0x142: {  	p1 =	sne.s32 s18, s9;
	[sflag:s19] =	ssyncset.done @!p0 $0x0  }
.Ltmp3:
0x143: {  	[sflag:s19] =	ssyncadd.s32 @!p0 $0xFFFFF800;
	(pc) =	sbr.rel @p1 .LBB2_1-.Ltmp3, $4  }
0x144: {  	[hbm4b:s8+s0] =	stream.linear.scatter @!p0 [tilespmem:s3], [sflag:$0x5], $0x800, $0x38;
	[tilespmem:$0x10000] =	vst v63  }
0x145: {  	_ =	swait.ge @!p0 [sflag:s19], $0x800  }
0x146: {  	[sflag:s19] =	ssyncset.done @!p0 $0x0  }
0x147: {  	[sflag:s19] =	ssyncadd.s32 @!p0 $0xFFFFF800  }
0x148: {  	_ =	sfence.sel $0x180000  }
0x149: {  	[bflag:$0x0] =	sbarrier.arrive $0xFFFF  }
0x14a: {  	_ =	strace $0x90000047  }
0x14b: {  	s0 =	stileid.u32;
	[bflag:$0x2] =	sbarrier.arrive $0xFFFF  }
0x14c: {  	p0 =	sne.s32 s0, $0x0;
	s0 =	rddreg [dreg:$0x3]  }
0x14d: {  	s0 =	sadd.s32 @!p0 $0x100000, s0  }
0x14e: {  	[sflag:s0] =	ssyncadd.tile.s32 @!p0 $0x1;
	_ =	shalt  }
.Lfunc_end2:
_tile_overlayer_lowered:
.L_overlay_start_2:
0x14f: {  	(tag) =	ssettag $0x2  }
0x150: {  	s0 =	rddreg [dreg:$0x0];
	s2 =	stileid.u32  }
0x151: {  	s1 =	rddreg [dreg:$0x1];
	p0 =	sne.s32 s2, $0x0  }
0x152: {  	s3 =	rddreg [dreg:$0x2];
	[bflag:$0x3] =	sbarrier.arrive $0xFFFF;
	s2 =	simm.s32 @!p0 $0x1C05  }
0x153: {  	[timem:s3], [sflag:s2] =	dma.local @!p0 [hbm:s0], s1  }
0x154: {  	s0 =	simm.s32 @!p0 $0x5  }
0x155: {  	_ =	swait.ge @!p0 [sflag:s0], s1  }
0x156: {  	s1 =	ssub.s32 @!p0 $0x0, s1;
	[sflag:s0] =	ssyncset.done @!p0 $0x0  }
0x157: {  	[sflag:s0] =	ssyncadd.s32 @!p0 s1  }
0x158: {  	[bflag:$0x3] =	sbarrier.arrive $0xFFFF  }
0x159: {  	_ =	shalt  }

// kernel: kernel.7.cloned.1.call-start
scs
__scs_entry_jumppad:
0x0: {  	(pc) =	sbr.rel $0x88, $3  }
0x1: {  	(tag) =	ssettag $0x0;
	lr =	simm.s32 $0x1  }
0x2: {  	[smem:$0x3F9F] =	sst lr;
	_ =	strace $0xD0000000  }
0x3: {  	_ = 	snop  }
0x4: {  	_ = 	snop  }
0x5: {  	_ = 	snop  }
0x6: {  	_ = 	snop  }
0x7: {  	_ = 	snop  }
__scs_overlays_trampoline_lowered:
0x8: {  	[smem:$0x3FAE] =	sst s0  }
0x9: {  	[smem:$0x3FAF] =	sst s1  }
0xa: {  	[smem:$0x3FB0] =	sst s2  }
0xb: {  	[smem:$0x3FB1] =	sst s3  }
0xc: {  	[smem:$0x3FB2] =	sst s4  }
0xd: {  	[smem:$0x3FB3] =	sst s5  }
0xe: {  	[smem:$0x3FB4] =	sst s6  }
0xf: {  	[smem:$0x3FB5] =	sst s7  }
0x10: {  	[smem:$0x3FB6] =	sst s8  }
0x11: {  	[smem:$0x3FB7] =	sst s9;
	s0 =	simm.s32 @!p0 $0x0  }
0x12: {  	s1 =	sld [smem:$0x3F9D];
	s0 =	simm.s32 @p0 $0x1  }
0x13: {  	[smem:$0x3FB8] =	sst s0;
	s0 =	simm.s32 @!p1 $0x0  }
0x14: {  	s2 =	sld [smem:$0x3F9C];
	s0 =	simm.s32 @p1 $0x1  }
0x15: {  	[smem:$0x3FB9] =	sst s0;
	s0 =	simm.s32 @!p2 $0x0  }
0x16: {  	s3 =	sld [smem:$0x3FDB];
	s0 =	simm.s32 @p2 $0x1  }
0x17: {  	s4 =	simm.s32 $0x1BF5;
	[smem:$0x3FBB] =	sst s0  }
0x18: {  	s0 =	sld [smem:$0x3F9E];
	_ =	swait.ge [sflag:s4], $0x0  }
0x19: {  	s7 =	sld [smem:$0x3F9F]  }
0x1a: {  	s8 =	sadd.s32 $0xFFFFE003, lr  }
0x1b: {  	s9 =	sadd.s32 $0xFFFFFEF7, lr;
	s5 =	simm.s32 $0xFFFFFFFF;
	p2 =	slt.u32 s8, $0xFFFFF086  }
0x1c: {  	p1 =	slt.u32 s9, $0xF7A;
	s5 =	simm.s32 @!p2 $0x0  }
0x1d: {  	s5 =	simm.s32 @p1 $0x1;
	p0 =	seq.s32 s7, s2  }
0x1e: {  	s7 =	smul.u32 @!p0 $0xF7A, s2;
	p2 =	seq.s32 @!p0 s5, $0x0  }
0x1f: {  	s9 =	smul.u32 $0xF7A, s1;
	s8 =	simm.s32 @!p0 $0x1BF5;
	p2 =	por !p2, p0  }
0x20: {  	[sflag:s8] =	ssyncset.s32 @!p0 $0xFFFFF086;
	s6 =	sadd.s32 @!p0 s3, s7;
	s7 =	simm.s32 @!p0 $0x108  }
0x21: {  	s3 =	sadd.s32 s3, s9;
	s6 =	sadd.s32 @!p0 $0x88, s6;
	s7 =	simm.s32 @p2 $0x1082  }
0x22: {  	[simem:s7], [sflag:s8] =	dma.local @!p0 [hbm:s6], $0xF7A  }
0x23: {  	s9 =	sor.u32 $0xD0000000, s2;
	s6 =	simm.s32 $0x108;
	_ =	swait.ge @!p0 [sflag:s8], $0x0  }
0x24: {  	s3 =	sadd.s32 $0x88, s3;
	s6 =	simm.s32 @!p1 $0x1082;
	[sflag:s4] =	ssyncset.s32 $0xFFFFF086  }
0x25: {  	[simem:s6], [sflag:s4] =	dma.local [hbm:s3], $0xF7A  }
0x26: {  	[smem:$0x3F9F] =	sst s1;
	(tag) =	ssettag s2;
	_ =	strace s9  }
0x27: {  	s1 =	sld [smem:$0x3FAF]  }
0x28: {  	s2 =	sld [smem:$0x3FB0]  }
0x29: {  	s4 =	sld [smem:$0x3FB2]  }
0x2a: {  	p0 =	seq.s32 s5, $0x0;
	s5 =	sld [smem:$0x3FB3]  }
0x2b: {  	s6 =	sld [smem:$0x3FB4]  }
0x2c: {  	s7 =	sld [smem:$0x3FB5]  }
0x2d: {  	s3 =	simm.s32 $0x108;
	s8 =	sld [smem:$0x3FB6]  }
0x2e: {  	s3 =	simm.s32 @!p0 $0x1082;
	s9 =	sld [smem:$0x3FB7]  }
0x2f: {  	lr =	sadd.s32 s0, s3;
	s0 =	sld [smem:$0x3FAE]  }
0x30: {  	s3 =	sld [smem:$0x3FB1]  }
0x31: {  	[smem:$0x3FBA] =	sst s10  }
0x32: {  	s10 =	sld [smem:$0x3FB8];
	_ =	sdelay $0x3  }
0x33: {  	p0 =	seq.s32 s10, $0x1;
	s10 =	sld [smem:$0x3FBA];
	_ =	sdelay $0x3  }
0x34: {  	[smem:$0x3FBA] =	sst s10  }
0x35: {  	s10 =	sld [smem:$0x3FB9];
	_ =	sdelay $0x3  }
0x36: {  	p1 =	seq.s32 s10, $0x1;
	s10 =	sld [smem:$0x3FBA];
	_ =	sdelay $0x3  }
0x37: {  	[smem:$0x3FBA] =	sst s10  }
0x38: {  	s10 =	sld [smem:$0x3FBB]  }
0x39: {  	_ = 	snop;
	(pc) =	sbr.ind lr, $3  }
0x3a: {  	_ = 	snop  }
0x3b: {  	_ = 	snop  }
0x3c: {  	p2 =	seq.s32 s10, $0x1;
	s10 =	sld [smem:$0x3FBA]  }
0x3d: {  	_ =	shalt  }
0x3e: {  	_ =	shalt  }
0x3f: {  	_ =	shalt  }
0x40: {  	_ =	shalt  }
0x41: {  	_ =	shalt  }
0x42: {  	_ =	shalt  }
0x43: {  	_ =	shalt  }
0x44: {  	_ =	shalt  }
0x45: {  	_ =	shalt  }
0x46: {  	_ =	shalt  }
0x47: {  	_ =	shalt  }
0x48: {  	_ =	shalt  }
0x49: {  	_ =	shalt  }
0x4a: {  	_ =	shalt  }
0x4b: {  	_ =	shalt  }
0x4c: {  	_ =	shalt  }
0x4d: {  	_ =	shalt  }
0x4e: {  	_ =	shalt  }
0x4f: {  	_ =	shalt  }
0x50: {  	_ =	shalt  }
0x51: {  	_ =	shalt  }
0x52: {  	_ =	shalt  }
0x53: {  	_ =	shalt  }
0x54: {  	_ =	shalt  }
0x55: {  	_ =	shalt  }
0x56: {  	_ =	shalt  }
0x57: {  	_ =	shalt  }
0x58: {  	_ =	shalt  }
0x59: {  	_ =	shalt  }
0x5a: {  	_ =	shalt  }
0x5b: {  	_ =	shalt  }
0x5c: {  	_ =	shalt  }
0x5d: {  	_ =	shalt  }
0x5e: {  	_ =	shalt  }
0x5f: {  	_ =	shalt  }
0x60: {  	_ =	shalt  }
0x61: {  	_ =	shalt  }
0x62: {  	_ =	shalt  }
0x63: {  	_ =	shalt  }
0x64: {  	_ =	shalt  }
0x65: {  	_ =	shalt  }
0x66: {  	_ =	shalt  }
0x67: {  	_ =	shalt  }
0x68: {  	_ =	shalt  }
0x69: {  	_ =	shalt  }
0x6a: {  	_ =	shalt  }
0x6b: {  	_ =	shalt  }
0x6c: {  	_ =	shalt  }
0x6d: {  	_ =	shalt  }
0x6e: {  	_ =	shalt  }
0x6f: {  	_ =	shalt  }
0x70: {  	_ =	shalt  }
0x71: {  	_ =	shalt  }
0x72: {  	_ =	shalt  }
0x73: {  	_ =	shalt  }
0x74: {  	_ =	shalt  }
0x75: {  	_ =	shalt  }
0x76: {  	_ =	shalt  }
0x77: {  	_ =	shalt  }
0x78: {  	_ =	shalt  }
0x79: {  	_ =	shalt  }
0x7a: {  	_ =	shalt  }
0x7b: {  	_ =	shalt  }
0x7c: {  	_ =	shalt  }
0x7d: {  	_ =	shalt  }
0x7e: {  	_ =	shalt  }
0x7f: {  	_ =	shalt  }
0x80: {  	_ =	shalt  }
0x81: {  	_ =	shalt  }
0x82: {  	_ =	shalt  }
0x83: {  	_ =	shalt  }
0x84: {  	_ =	shalt  }
0x85: {  	_ =	shalt  }
0x86: {  	_ =	shalt  }
0x87: {  	_ =	shalt  }
.Lfunc_end0:
.L_simem_size_0:
called_computation.1_lowered:
.L_overlay_start_0:
0x88: {  	s2 =	sld [smem:$0x3FD9]  }
0x89: {  	s3 =	sld [smem:$0x3FFE];
	_ =	sdelay $0x1  }
0x8a: {  	s1 =	srdreg.scid  }
0x8b: {  	s0 =	sand.u32 $0x1, s1  }
0x8c: {  	s17 =	sshll.u32 s0, $0xA;
	s2 =	sadd.s32 s3, s2  }
0x8d: {  	s2 =	sadd.s32 s2, s17  }
0x8e: {  	[smem:$0x3FC6] =	sst s2  }
0x8f: {  	_ = 	snop  }
0x90: {  	s2 =	sld [smem:$0x3FC9]  }
0x91: {  	s18 =	sld [smem:$0x3FD0];
	(tm) =	ssettm $0x1  }
0x92: {  	s4 =	sld [smem:$0x3FFB];
	_ =	sdelay $0x3  }
0x93: {  	_ =	strace s4  }
0x94: {  	s4 =	sld [smem:$0x3FFC];
	_ =	sdelay $0x3  }
0x95: {  	_ =	strace s4  }
0x96: {  	s4 =	sld [smem:$0x3FFD];
	_ =	sdelay $0x3  }
0x97: {  	_ =	strace s4  }
0x98: {  	_ =	strace $0x8FFFFFFF  }
0x99: {  	s19 =	sld [smem:$0x3FDB];
	_ =	sdelay $0x1  }
0x9a: {  	s5 =	simm.s32 $_scs_section_size  }
0x9b: {  	s6 =	simm.s32 $_size__tile_overlayer_lowered;
	s7 =	simm.s32 $_tile_overlayer_lowered  }
0x9c: {  	s22 =	simm.s32 $0x1BFF;
	s21 =	sshll.u32 s7, $0x1;
	s4 =	sadd.s32 s5, s19  }
0x9d: {  	s8 =	simm.s32 $0x0;
	s20 =	sshll.u32 s6, $0x1;
	s6 =	sadd.s32 s21, s4  }
0x9e: {  	[timem:s8], [sflag:s22] =	dma.local [hbm:s6], s20  }
0x9f: {  	_ =	swait.ge [sflag:s22], s20  }
0xa0: {  	s5 =	ssub.s32 $0x0, s20;
	[sflag:s22] =	ssyncset.done $0x0  }
0xa1: {  	[sflag:s22] =	ssyncadd.s32 s5;
	_ =	sdelay $0x1  }
0xa2: {  	s23 =	simm.s32 $0x1B8B  }
0xa3: {  	_ =	swait.ge [sflag:s23], $0x1  }
0xa4: {  	[sflag:s23] =	ssyncset.done $0x0  }
0xa5: {  	s25 =	simm.s32 $0x1B8E;
	s24 =	sld [smem:$0x3FFE];
	[sflag:s23] =	ssyncadd.s32 $0xFFFFFFFF  }
0xa6: {  	s26 =	simm.s32 $execute0_lowered;
	[smem:$0x3FD2] =	sst s25  }
0xa7: {  	s6 =	sshll.u32 s26, $0x1;
	_ =	strace $0x80000049;
	[dreg:$0x1] =	wrdreg $0xFFFFFFFF  }
0xa8: {  	s28 =	simm.s32 $_size_execute0_lowered;
	s4 =	sadd.s32 s4, s6;
	[dreg:$0x0] =	wrdreg $0x0  }
0xa9: {  	s6 =	sshll.u32 s28, $0x1;
	[dreg:$0x2] =	wrdreg s4  }
0xaa: {  	[dreg:$0x3] =	wrdreg s6  }
0xab: {  	[dreg:$0x4] =	wrdreg $0xC0  }
0xac: {  	_ =	task [dreg:s8], $0x5FFFF  }
0xad: {  	[dreg:$0x1] =	wrdreg $0xFFFFFFFF  }
0xae: {  	[dreg:$0x0] =	wrdreg $0x60  }
0xaf: {  	[dreg:$0x2] =	wrdreg s2  }
0xb0: {  	[dreg:$0x3] =	wrdreg s24  }
0xb1: {  	[dreg:$0x4] =	wrdreg s18  }
0xb2: {  	[dreg:$0x5] =	wrdreg $0x9  }
0xb3: {  	_ =	task.clear_ibuf [dreg:s8], $0x6FFFF;
	_ =	strace $0x90000049  }
0xb4: {  	s29 =	simm.s32 $0x9;
	_ =	strace $0x8000004B  }
0xb5: {  	_ =	swait.ge [sflag:s29], $0x1  }
0xb6: {  	[sflag:s29] =	ssyncadd.s32 $0xFFFFFFFF  }
0xb7: {  	_ =	strace $0x9000004B  }
0xb8: {  	_ =	sfence  }
0xb9: {  	s30 =	sld [smem:$0x0];
	_ =	sdelay $0x2  }
0xba: {  	s31 =	sshll.u32 s1, $0xD;
	s1 =	sshrl.u32 s1, $0x2  }
0xbb: {  	s3 =	sand.u32 $0x4000, s31;
	s1 =	sadd.s32 s1, s30  }
0xbc: {  	s0 =	sor.u32 s3, s0;
	s1 =	sshll.u32 s1, $0x11  }
0xbd: {  	s0 =	sor.u32 s1, s0  }
0xbe: {  	s0 =	sadd.s32 $0x8F2B, s0  }
0xbf: {  	[sflag:s0] =	ssyncadd.remote.s32 $0x1  }
0xc0: {  	_ =	sfence.sel $0xFFFF  }
0xc1: {  	[dreg:$0x0] =	wrdreg $0xFFFFFFFF;
	(pc) =	sbr.abs _section_cstart, $3  }
0xc2: {  	[dreg:$0x1] =	wrdreg $0xFFFFFFFF  }
0xc3: {  	_ =	task.clear_ibuf [dreg:s8], $0x2FFFF;
	_ =	strace $0x9FFFFFFF  }
0xc4: {  	(tm) =	ssettm $0x7FFFFFFF  }
0xc5: {  	_ =	shalt  }
tec
execute0_lowered:
.L_overlay_start_1:
0x0: {  	(tag) =	ssettag $0x1  }
0x1: {  	s0 =	rddreg [dreg:$0x0]  }
0x2: {  	s3 =	rddreg [dreg:$0x1]  }
0x3: {  	s1 =	rddreg [dreg:$0x2];
	s2 =	simm.s32 $0x0  }
0x4: {  	s4 =	srdreg.scid;
	s7 =	stileid.u32;
	s9 =	simm.s32 $0x80  }
0x5: {  	s10 =	simm.s32 $0x400;
	s11 =	simm.s32 $0x9;
	s12 =	simm.s32 $0x200  }
0x6: {  	s13 =	simm.s32 $0x280;
	s14 =	simm.s32 $0x4400;
	s15 =	simm.s32 $0x300  }
0x7: {  	s16 =	simm.s32 $0x8400;
	s17 =	simm.s32 $0x380;
	s18 =	simm.s32 $0xC400  }
0x8: {  	s19 =	simm.s32 $0x1;
	s20 =	simm.s32 $0x20000;
	s21 =	simm.s32 $0x10400  }
0x9: {  	s22 =	simm.s32 $0x2;
	s23 =	simm.s32 $0x11400;
	s24 =	simm.s32 $0x3  }
0xa: {  	s25 =	simm.s32 $0x12400;
	s26 =	simm.s32 $0x4;
	s4 =	sand.u32 $0x1, s4  }
0xb: {  	s28 =	simm.s32 $0x13400;
	[smem:$0x7FF] =	sst s2;
	s5 =	ssub.s32 $0x2, s4  }
0xc: {  	s7 =	sshll.u32 s7, $0xA;
	_ =	strace $0x8000004A;
	s6 =	sshrl.u32 s5, $0x1  }
0xd: {  	s8 =	sshll.u32 s4, $0x9;
	s4 =	sadd.s32 $0x800, s3;
	s30 =	ssub.s32 s5, s6  }
0xe: {  	v0 =	vlaneseq.u32;
	s3 =	simm.s32 $0x0;
	s5 =	sor.u32 s8, s7;
	s31 =	smax.u32 s30, $0x1  }
0xf: {  	v0 =	vmul.u32 $0x80, v0;
	s6 =	sadd.s32 s0, s5;
	s7 =	sadd.s32 s1, s5;
	[dreg:$0x4] =	wrdreg s31  }
.LBB2_1:
0x10: {  	s8 =	simm.s32 $0x0  }
.LBB2_2:
0x11: {  	p0 =	seq.s32 s8, $0x0  }
0x12: {  	s29 =	simm.s32 @!p0 $0x5  }
0x13: {  	_ =	swait.ge @!p0 [sflag:s29], $0x1000  }
0x14: {  	[sflag:s29] =	ssyncset.done @!p0 $0x0  }
0x15: {  	[sflag:s29] =	ssyncadd.s32 @!p0 $0xFFFFF000;
	s29 =	simm.s32 @!p0 $0x6  }
0x16: {  	_ =	swait.ge @!p0 [sflag:s29], $0x1000  }
0x17: {  	[sflag:s29] =	ssyncset.done @!p0 $0x0  }
0x18: {  	[sflag:s29] =	ssyncadd.s32 @!p0 $0xFFFFF000;
	s29 =	simm.s32 @!p0 $0x7  }
0x19: {  	_ =	swait.ge @!p0 [sflag:s29], $0x1000  }
0x1a: {  	s30 =	sshll.u32 s8, $0x4;
	[sflag:s29] =	ssyncset.done @!p0 $0x0  }
0x1b: {  	s31 =	sshll.u32 s8, $0xB;
	[sflag:s29] =	ssyncadd.s32 @!p0 $0xFFFFF000;
	s29 =	simm.s32 @!p0 $0x8  }
0x1c: {  	s30 =	sand.u32 $0x70, s30;
	s31 =	sand.u32 $0xC000, s31;
	_ =	swait.ge @!p0 [sflag:s29], $0x1000  }
0x1d: {  	s30 =	sor.u32 s30, s31;
	[sflag:s29] =	ssyncset.done @!p0 $0x0  }
0x1e: {  	[sflag:s29] =	ssyncadd.s32 @!p0 $0xFFFFF000;
	s29 =	sadd.s32 s30, s6  }
0x1f: {  	[tilespmem:s2], [sflag:$0x9] =	stream.strided.gather [hbm4b:s29+s9], $0x200, s10, s9, $0x38;
	[tilespmem:$0x14400] =	vst v63  }
0x20: {  	_ =	swait.ge [sflag:s11], $0x200  }
0x21: {  	[sflag:s11] =	ssyncset.done $0x0  }
0x22: {  	s29 =	simm.s32 $0x10;
	[sflag:s11] =	ssyncadd.s32 $0xFFFFFE00  }
0x23: {  	v1 =	vld [tilespmem:s29+$0xFFFFFFF0]  }
0x24: {  	v2 =	vld [tilespmem:s29+$0x0];
	_ =	sdelay $0x3  }
0x25: {  	s30 =	simm.s32 $0x30;
	s29 =	simm.s32 $0x210;
	v3 =	vshra.s32 v1, $0x2  }
0x26: {  	s31 =	simm.s32 $0x2;
	v1 =	vld [tilespmem:s30+$0xFFFFFFF0];
	v2 =	vshra.s32 v2, $0x2;
	[tilespmem:s29+$0xFFFFFFF0] =	vst v3  }
.LBB2_3:
0x27: {  	s31 =	sadd.s32 $0x2, s31  }
0x28: {  	v3 =	vld [tilespmem:s30+$0x0];
	[tilespmem:s29+$0x0] =	vst v2;
	s29 =	sadd.s32 $0x20, s29;
	p0 =	slt.u32 s31, $0x1E  }
.Ltmp0:
0x29: {  	(pc) =	sbr.rel @p0 .LBB2_3-.Ltmp0, $3  }
0x2a: {  	_ =	sdelay $0x1  }
0x2b: {  	s30 =	sadd.s32 $0x20, s30;
	v2 =	vshra.s32 v1, $0x2  }
0x2c: {  	v1 =	vld [tilespmem:s30+$0xFFFFFFF0];
	[tilespmem:s29+$0xFFFFFFF0] =	vst v2;
	v2 =	vshra.s32 v3, $0x2  }
0x2d: {  	v3 =	vld [tilespmem:s30+$0x0];
	_ =	sdelay $0x3  }
0x2e: {  	[tilespmem:s29+$0x0] =	vst v2;
	s29 =	sadd.s32 $0x20, s29;
	v1 =	vshra.s32 v1, $0x2  }
0x2f: {  	[tilespmem:s29+$0xFFFFFFF0] =	vst v1;
	v1 =	vshra.s32 v3, $0x2  }
0x30: {  	[tilespmem:s29+$0x0] =	vst v1  }
0x31: {  	[tilespmem:s10], [sflag:$0x1] =	stream.indirect.gather [hbm4b:s4+s9], $0x80, s12, s9, $0xb8;
	[tilespmem:$0x14400] =	vst v63  }
0x32: {  	_ = 	snop  }
0x33: {  	[tilespmem:s14], [sflag:$0x2] =	stream.indirect.gather [hbm4b:s4+s9], $0x80, s13, s9, $0xb8;
	[tilespmem:$0x14400] =	vst v63  }
0x34: {  	_ = 	snop  }
0x35: {  	[tilespmem:s16], [sflag:$0x3] =	stream.indirect.gather [hbm4b:s4+s9], $0x80, s15, s9, $0xb8;
	[tilespmem:$0x14400] =	vst v63  }
0x36: {  	_ = 	snop  }
0x37: {  	[tilespmem:s18], [sflag:$0x4] =	stream.indirect.gather [hbm4b:s4+s9], $0x80, s17, s9, $0xb8;
	[tilespmem:$0x14400] =	vst v63  }
0x38: {  	_ =	swait.ge [sflag:s19], $0x4000  }
0x39: {  	[sflag:s19] =	ssyncset.done $0x0  }
0x3a: {  	p0 =	por $0x1, $0x1;
	s29 =	simm.s32 $0x0;
	[sflag:s19] =	ssyncadd.s32 $0xFFFFC000  }
.LBB2_5:
0x3b: {  	v1 =	vld [tilespmem:s29+$0x0];
	s30 =	sor.u32 $0x10, s29  }
0x3c: {  	v2 =	vld [tilespmem:s30+$0x0]  }
0x3d: {  	s31 =	sor.u32 $0x20, s29  }
0x3e: {  	v3 =	vmov s29;
	s0 =	sor.u32 $0x30, s29;
	v4 =	vld [tilespmem:s31+$0x0]  }
0x3f: {  	v5 =	vmov s30;
	v6 =	vmov s31;
	v3 =	vshll.u32 v3, $0x7;
	v7 =	vld [tilespmem:s0+$0x0]  }
0x40: {  	v3 =	vor.u32 v0, v3;
	v5 =	vshll.u32 v5, $0x7;
	v1 =	vand.u32 $0x3, v1  }
0x41: {  	v1 =	vor.u32 v3, v1;
	v2 =	vand.u32 $0x3, v2;
	v3 =	vor.u32 v0, v5  }
0x42: {  	v36 =	vmov s0;
	v2 =	vor.u32 v3, v2;
	v3 =	vshll.u32 v6, $0x7  }
0x43: {  	v4 =	vand.u32 $0x3, v4;
	v5 =	vshll.u32 v36, $0x7;
	v3 =	vor.u32 v0, v3  }
0x44: {  	v37 =	vand.u32 $0x3, v7;
	v5 =	vor.u32 v0, v5;
	v3 =	vor.u32 v3, v4  }
0x45: {  	v4 =	vor.u32 v5, v37;
	_ =	sdelay $0x1  }
0x46: {  	v38 =	vld.idx.msk [tilespmem:v1+s10+$0x0], $0xffff  }
0x47: {  	v39 =	vor.u32 $0x4, v1;
	v40 =	vld.idx.msk [tilespmem:v2+s10+$0x0], $0xffff  }
0x48: {  	v8 =	vor.u32 $0x4, v2;
	v9 =	vld.idx.msk [tilespmem:v3+s10+$0x0], $0xffff  }
0x49: {  	v10 =	vor.u32 $0x4, v3;
	v11 =	vld.idx.msk [tilespmem:v4+s10+$0x0], $0xffff  }
0x4a: {  	v12 =	vor.u32 $0x4, v4  }
0x4b: {  	[tilespmem:s29+$0x10400] =	vst v38  }
0x4c: {  	v5 =	vld.idx.msk [tilespmem:v39+s10+$0x0], $0xffff;
	[tilespmem:s29+$0x10410] =	vst v40  }
0x4d: {  	v41 =	vor.u32 $0x8, v1;
	v7 =	vld.idx.msk [tilespmem:v8+s10+$0x0], $0xffff;
	[tilespmem:s29+$0x10420] =	vst v9  }
0x4e: {  	v42 =	vor.u32 $0x8, v2;
	[tilespmem:s29+$0x10430] =	vst v11;
	v9 =	vld.idx.msk [tilespmem:v10+s10+$0x0], $0xffff  }
0x4f: {  	v43 =	vor.u32 $0x8, v3;
	v11 =	vld.idx.msk [tilespmem:v12+s10+$0x0], $0xffff  }
0x50: {  	v44 =	vor.u32 $0x8, v4  }
0x51: {  	[tilespmem:s29+$0x10480] =	vst v5  }
0x52: {  	v5 =	vld.idx.msk [tilespmem:v41+s10+$0x0], $0xffff;
	[tilespmem:s29+$0x10490] =	vst v7  }
0x53: {  	v45 =	vor.u32 $0xC, v1;
	v7 =	vld.idx.msk [tilespmem:v42+s10+$0x0], $0xffff;
	[tilespmem:s29+$0x104A0] =	vst v9  }
0x54: {  	v46 =	vor.u32 $0xC, v2;
	[tilespmem:s29+$0x104B0] =	vst v11;
	v9 =	vld.idx.msk [tilespmem:v43+s10+$0x0], $0xffff  }
0x55: {  	v47 =	vor.u32 $0xC, v3;
	v11 =	vld.idx.msk [tilespmem:v44+s10+$0x0], $0xffff  }
0x56: {  	v48 =	vor.u32 $0xC, v4  }
0x57: {  	[tilespmem:s29+$0x10500] =	vst v5  }
0x58: {  	v5 =	vld.idx.msk [tilespmem:v45+s10+$0x0], $0xffff;
	[tilespmem:s29+$0x10510] =	vst v7  }
0x59: {  	v49 =	vor.u32 $0x10, v1;
	v7 =	vld.idx.msk [tilespmem:v46+s10+$0x0], $0xffff;
	[tilespmem:s29+$0x10520] =	vst v9  }
0x5a: {  	v50 =	vor.u32 $0x10, v2;
	[tilespmem:s29+$0x10530] =	vst v11;
	v9 =	vld.idx.msk [tilespmem:v47+s10+$0x0], $0xffff  }
0x5b: {  	v51 =	vor.u32 $0x10, v3;
	v11 =	vld.idx.msk [tilespmem:v48+s10+$0x0], $0xffff  }
0x5c: {  	v52 =	vor.u32 $0x10, v4  }
0x5d: {  	[tilespmem:s29+$0x10580] =	vst v5  }
0x5e: {  	v5 =	vld.idx.msk [tilespmem:v49+s10+$0x0], $0xffff;
	[tilespmem:s29+$0x10590] =	vst v7  }
0x5f: {  	v53 =	vor.u32 $0x14, v1;
	v7 =	vld.idx.msk [tilespmem:v50+s10+$0x0], $0xffff;
	[tilespmem:s29+$0x105A0] =	vst v9  }
0x60: {  	v54 =	vor.u32 $0x14, v2;
	[tilespmem:s29+$0x105B0] =	vst v11;
	v9 =	vld.idx.msk [tilespmem:v51+s10+$0x0], $0xffff  }
0x61: {  	v55 =	vor.u32 $0x14, v3;
	v11 =	vld.idx.msk [tilespmem:v52+s10+$0x0], $0xffff  }
0x62: {  	v56 =	vor.u32 $0x14, v4  }
0x63: {  	[tilespmem:s29+$0x10600] =	vst v5  }
0x64: {  	v5 =	vld.idx.msk [tilespmem:v53+s10+$0x0], $0xffff;
	[tilespmem:s29+$0x10610] =	vst v7  }
0x65: {  	v57 =	vor.u32 $0x18, v1;
	v7 =	vld.idx.msk [tilespmem:v54+s10+$0x0], $0xffff;
	[tilespmem:s29+$0x10620] =	vst v9  }
0x66: {  	v58 =	vor.u32 $0x18, v2;
	[tilespmem:s29+$0x10630] =	vst v11;
	v9 =	vld.idx.msk [tilespmem:v55+s10+$0x0], $0xffff  }
0x67: {  	v59 =	vor.u32 $0x18, v3;
	v11 =	vld.idx.msk [tilespmem:v56+s10+$0x0], $0xffff  }
0x68: {  	v60 =	vor.u32 $0x18, v4  }
0x69: {  	[tilespmem:s29+$0x10680] =	vst v5  }
0x6a: {  	v5 =	vld.idx.msk [tilespmem:v57+s10+$0x0], $0xffff;
	[tilespmem:s29+$0x10690] =	vst v7  }
0x6b: {  	v61 =	vor.u32 $0x1C, v1;
	v7 =	vld.idx.msk [tilespmem:v58+s10+$0x0], $0xffff;
	[tilespmem:s29+$0x106A0] =	vst v9  }
0x6c: {  	v62 =	vor.u32 $0x1C, v2;
	[tilespmem:s29+$0x106B0] =	vst v11;
	v9 =	vld.idx.msk [tilespmem:v59+s10+$0x0], $0xffff  }
0x6d: {  	v63 =	vor.u32 $0x1C, v3;
	v11 =	vld.idx.msk [tilespmem:v60+s10+$0x0], $0xffff  }
0x6e: {  	v16 =	vor.u32 $0x1C, v4  }
0x6f: {  	[tilespmem:s29+$0x10700] =	vst v5  }
0x70: {  	v5 =	vld.idx.msk [tilespmem:v61+s10+$0x0], $0xffff;
	[tilespmem:s29+$0x10710] =	vst v7  }
0x71: {  	v17 =	vor.u32 $0x20, v1;
	v7 =	vld.idx.msk [tilespmem:v62+s10+$0x0], $0xffff;
	[tilespmem:s29+$0x10720] =	vst v9  }
0x72: {  	v18 =	vor.u32 $0x20, v2;
	[tilespmem:s29+$0x10730] =	vst v11;
	v9 =	vld.idx.msk [tilespmem:v63+s10+$0x0], $0xffff  }
0x73: {  	v19 =	vor.u32 $0x20, v3;
	v11 =	vld.idx.msk [tilespmem:v16+s10+$0x0], $0xffff  }
0x74: {  	v20 =	vor.u32 $0x20, v4  }
0x75: {  	[tilespmem:s29+$0x10780] =	vst v5  }
0x76: {  	v5 =	vld.idx.msk [tilespmem:v17+s10+$0x0], $0xffff;
	[tilespmem:s29+$0x10790] =	vst v7  }
0x77: {  	v21 =	vor.u32 $0x24, v1;
	v7 =	vld.idx.msk [tilespmem:v18+s10+$0x0], $0xffff;
	[tilespmem:s29+$0x107A0] =	vst v9  }
0x78: {  	v22 =	vor.u32 $0x24, v2;
	[tilespmem:s29+$0x107B0] =	vst v11;
	v9 =	vld.idx.msk [tilespmem:v19+s10+$0x0], $0xffff  }
0x79: {  	v23 =	vor.u32 $0x24, v3;
	v11 =	vld.idx.msk [tilespmem:v20+s10+$0x0], $0xffff  }
0x7a: {  	v24 =	vor.u32 $0x24, v4  }
0x7b: {  	[tilespmem:s29+$0x10800] =	vst v5  }
0x7c: {  	v5 =	vld.idx.msk [tilespmem:v21+s10+$0x0], $0xffff;
	[tilespmem:s29+$0x10810] =	vst v7  }
0x7d: {  	v25 =	vor.u32 $0x28, v1;
	v7 =	vld.idx.msk [tilespmem:v22+s10+$0x0], $0xffff;
	[tilespmem:s29+$0x10820] =	vst v9  }
0x7e: {  	v26 =	vor.u32 $0x28, v2;
	[tilespmem:s29+$0x10830] =	vst v11;
	v9 =	vld.idx.msk [tilespmem:v23+s10+$0x0], $0xffff  }
0x7f: {  	v27 =	vor.u32 $0x28, v3;
	v11 =	vld.idx.msk [tilespmem:v24+s10+$0x0], $0xffff  }
0x80: {  	v28 =	vor.u32 $0x28, v4  }
0x81: {  	[tilespmem:s29+$0x10880] =	vst v5  }
0x82: {  	v5 =	vld.idx.msk [tilespmem:v25+s10+$0x0], $0xffff;
	[tilespmem:s29+$0x10890] =	vst v7  }
0x83: {  	v29 =	vor.u32 $0x2C, v1;
	v7 =	vld.idx.msk [tilespmem:v26+s10+$0x0], $0xffff;
	[tilespmem:s29+$0x108A0] =	vst v9  }
0x84: {  	v30 =	vor.u32 $0x2C, v2;
	[tilespmem:s29+$0x108B0] =	vst v11;
	v9 =	vld.idx.msk [tilespmem:v27+s10+$0x0], $0xffff  }
0x85: {  	v31 =	vor.u32 $0x2C, v3;
	v11 =	vld.idx.msk [tilespmem:v28+s10+$0x0], $0xffff  }
0x86: {  	v32 =	vor.u32 $0x2C, v4  }
0x87: {  	[tilespmem:s29+$0x10900] =	vst v5  }
0x88: {  	v5 =	vld.idx.msk [tilespmem:v29+s10+$0x0], $0xffff;
	[tilespmem:s29+$0x10910] =	vst v7  }
0x89: {  	v33 =	vor.u32 $0x30, v1;
	v7 =	vld.idx.msk [tilespmem:v30+s10+$0x0], $0xffff;
	[tilespmem:s29+$0x10920] =	vst v9  }
0x8a: {  	v34 =	vor.u32 $0x30, v2;
	[tilespmem:s29+$0x10930] =	vst v11;
	v9 =	vld.idx.msk [tilespmem:v31+s10+$0x0], $0xffff  }
0x8b: {  	v35 =	vor.u32 $0x30, v3;
	v11 =	vld.idx.msk [tilespmem:v32+s10+$0x0], $0xffff  }
0x8c: {  	v36 =	vor.u32 $0x30, v4  }
0x8d: {  	[tilespmem:s29+$0x10980] =	vst v5  }
0x8e: {  	v5 =	vld.idx.msk [tilespmem:v33+s10+$0x0], $0xffff;
	[tilespmem:s29+$0x10990] =	vst v7  }
0x8f: {  	v37 =	vor.u32 $0x34, v1;
	v7 =	vld.idx.msk [tilespmem:v34+s10+$0x0], $0xffff;
	[tilespmem:s29+$0x109A0] =	vst v9  }
0x90: {  	v38 =	vor.u32 $0x34, v2;
	[tilespmem:s29+$0x109B0] =	vst v11;
	v9 =	vld.idx.msk [tilespmem:v35+s10+$0x0], $0xffff  }
0x91: {  	v39 =	vor.u32 $0x34, v3;
	v11 =	vld.idx.msk [tilespmem:v36+s10+$0x0], $0xffff  }
0x92: {  	v40 =	vor.u32 $0x34, v4  }
0x93: {  	[tilespmem:s29+$0x10A00] =	vst v5  }
0x94: {  	v5 =	vld.idx.msk [tilespmem:v37+s10+$0x0], $0xffff;
	[tilespmem:s29+$0x10A10] =	vst v7  }
0x95: {  	v41 =	vor.u32 $0x38, v1;
	v7 =	vld.idx.msk [tilespmem:v38+s10+$0x0], $0xffff;
	[tilespmem:s29+$0x10A20] =	vst v9  }
0x96: {  	v42 =	vor.u32 $0x38, v2;
	[tilespmem:s29+$0x10A30] =	vst v11;
	v9 =	vld.idx.msk [tilespmem:v39+s10+$0x0], $0xffff  }
0x97: {  	v43 =	vor.u32 $0x38, v3;
	v11 =	vld.idx.msk [tilespmem:v40+s10+$0x0], $0xffff  }
0x98: {  	v44 =	vor.u32 $0x38, v4  }
0x99: {  	[tilespmem:s29+$0x10A80] =	vst v5  }
0x9a: {  	v5 =	vld.idx.msk [tilespmem:v41+s10+$0x0], $0xffff;
	[tilespmem:s29+$0x10A90] =	vst v7  }
0x9b: {  	v45 =	vor.u32 $0x3C, v1;
	v7 =	vld.idx.msk [tilespmem:v42+s10+$0x0], $0xffff;
	[tilespmem:s29+$0x10AA0] =	vst v9  }
0x9c: {  	v46 =	vor.u32 $0x3C, v2;
	[tilespmem:s29+$0x10AB0] =	vst v11;
	v9 =	vld.idx.msk [tilespmem:v43+s10+$0x0], $0xffff  }
0x9d: {  	v47 =	vor.u32 $0x3C, v3;
	v11 =	vld.idx.msk [tilespmem:v44+s10+$0x0], $0xffff  }
0x9e: {  	v48 =	vor.u32 $0x3C, v4  }
0x9f: {  	[tilespmem:s29+$0x10B00] =	vst v5  }
0xa0: {  	v5 =	vld.idx.msk [tilespmem:v45+s10+$0x0], $0xffff;
	[tilespmem:s29+$0x10B10] =	vst v7  }
0xa1: {  	v49 =	vor.u32 $0x40, v1;
	v7 =	vld.idx.msk [tilespmem:v46+s10+$0x0], $0xffff;
	[tilespmem:s29+$0x10B20] =	vst v9  }
0xa2: {  	v50 =	vor.u32 $0x40, v2;
	[tilespmem:s29+$0x10B30] =	vst v11;
	v9 =	vld.idx.msk [tilespmem:v47+s10+$0x0], $0xffff  }
0xa3: {  	v51 =	vor.u32 $0x40, v3;
	v11 =	vld.idx.msk [tilespmem:v48+s10+$0x0], $0xffff  }
0xa4: {  	v52 =	vor.u32 $0x40, v4  }
0xa5: {  	[tilespmem:s29+$0x10B80] =	vst v5  }
0xa6: {  	v5 =	vld.idx.msk [tilespmem:v49+s10+$0x0], $0xffff;
	[tilespmem:s29+$0x10B90] =	vst v7  }
0xa7: {  	v53 =	vor.u32 $0x44, v1;
	v7 =	vld.idx.msk [tilespmem:v50+s10+$0x0], $0xffff;
	[tilespmem:s29+$0x10BA0] =	vst v9  }
0xa8: {  	v54 =	vor.u32 $0x44, v2;
	[tilespmem:s29+$0x10BB0] =	vst v11;
	v9 =	vld.idx.msk [tilespmem:v51+s10+$0x0], $0xffff  }
0xa9: {  	v55 =	vor.u32 $0x44, v3;
	v11 =	vld.idx.msk [tilespmem:v52+s10+$0x0], $0xffff  }
0xaa: {  	v56 =	vor.u32 $0x44, v4  }
0xab: {  	[tilespmem:s29+$0x10C00] =	vst v5  }
0xac: {  	v5 =	vld.idx.msk [tilespmem:v53+s10+$0x0], $0xffff;
	[tilespmem:s29+$0x10C10] =	vst v7  }
0xad: {  	v57 =	vor.u32 $0x48, v1;
	v7 =	vld.idx.msk [tilespmem:v54+s10+$0x0], $0xffff;
	[tilespmem:s29+$0x10C20] =	vst v9  }
0xae: {  	v58 =	vor.u32 $0x48, v2;
	[tilespmem:s29+$0x10C30] =	vst v11;
	v9 =	vld.idx.msk [tilespmem:v55+s10+$0x0], $0xffff  }
0xaf: {  	v59 =	vor.u32 $0x48, v3;
	v11 =	vld.idx.msk [tilespmem:v56+s10+$0x0], $0xffff  }
0xb0: {  	v60 =	vor.u32 $0x48, v4  }
0xb1: {  	[tilespmem:s29+$0x10C80] =	vst v5  }
0xb2: {  	v5 =	vld.idx.msk [tilespmem:v57+s10+$0x0], $0xffff;
	[tilespmem:s29+$0x10C90] =	vst v7  }
0xb3: {  	v61 =	vor.u32 $0x4C, v1;
	v7 =	vld.idx.msk [tilespmem:v58+s10+$0x0], $0xffff;
	[tilespmem:s29+$0x10CA0] =	vst v9  }
0xb4: {  	v62 =	vor.u32 $0x4C, v2;
	[tilespmem:s29+$0x10CB0] =	vst v11;
	v9 =	vld.idx.msk [tilespmem:v59+s10+$0x0], $0xffff  }
0xb5: {  	v63 =	vor.u32 $0x4C, v3;
	v11 =	vld.idx.msk [tilespmem:v60+s10+$0x0], $0xffff  }
0xb6: {  	v16 =	vor.u32 $0x4C, v4  }
0xb7: {  	[tilespmem:s29+$0x10D00] =	vst v5  }
0xb8: {  	v5 =	vld.idx.msk [tilespmem:v61+s10+$0x0], $0xffff;
	[tilespmem:s29+$0x10D10] =	vst v7  }
0xb9: {  	v17 =	vor.u32 $0x50, v1;
	v7 =	vld.idx.msk [tilespmem:v62+s10+$0x0], $0xffff;
	[tilespmem:s29+$0x10D20] =	vst v9  }
0xba: {  	v18 =	vor.u32 $0x50, v2;
	[tilespmem:s29+$0x10D30] =	vst v11;
	v9 =	vld.idx.msk [tilespmem:v63+s10+$0x0], $0xffff  }
0xbb: {  	v19 =	vor.u32 $0x50, v3;
	v11 =	vld.idx.msk [tilespmem:v16+s10+$0x0], $0xffff  }
0xbc: {  	v20 =	vor.u32 $0x50, v4  }
0xbd: {  	[tilespmem:s29+$0x10D80] =	vst v5  }
0xbe: {  	v5 =	vld.idx.msk [tilespmem:v17+s10+$0x0], $0xffff;
	[tilespmem:s29+$0x10D90] =	vst v7  }
0xbf: {  	v21 =	vor.u32 $0x54, v1;
	v7 =	vld.idx.msk [tilespmem:v18+s10+$0x0], $0xffff;
	[tilespmem:s29+$0x10DA0] =	vst v9  }
0xc0: {  	v22 =	vor.u32 $0x54, v2;
	[tilespmem:s29+$0x10DB0] =	vst v11;
	v9 =	vld.idx.msk [tilespmem:v19+s10+$0x0], $0xffff  }
0xc1: {  	v23 =	vor.u32 $0x54, v3;
	v11 =	vld.idx.msk [tilespmem:v20+s10+$0x0], $0xffff  }
0xc2: {  	v24 =	vor.u32 $0x54, v4  }
0xc3: {  	[tilespmem:s29+$0x10E00] =	vst v5  }
0xc4: {  	v5 =	vld.idx.msk [tilespmem:v21+s10+$0x0], $0xffff;
	[tilespmem:s29+$0x10E10] =	vst v7  }
0xc5: {  	v25 =	vor.u32 $0x58, v1;
	v7 =	vld.idx.msk [tilespmem:v22+s10+$0x0], $0xffff;
	[tilespmem:s29+$0x10E20] =	vst v9  }
0xc6: {  	v26 =	vor.u32 $0x58, v2;
	[tilespmem:s29+$0x10E30] =	vst v11;
	v9 =	vld.idx.msk [tilespmem:v23+s10+$0x0], $0xffff  }
0xc7: {  	v27 =	vor.u32 $0x58, v3;
	v11 =	vld.idx.msk [tilespmem:v24+s10+$0x0], $0xffff  }
0xc8: {  	v28 =	vor.u32 $0x58, v4  }
0xc9: {  	[tilespmem:s29+$0x10E80] =	vst v5  }
0xca: {  	v5 =	vld.idx.msk [tilespmem:v25+s10+$0x0], $0xffff;
	[tilespmem:s29+$0x10E90] =	vst v7  }
0xcb: {  	v29 =	vor.u32 $0x5C, v1;
	v7 =	vld.idx.msk [tilespmem:v26+s10+$0x0], $0xffff;
	[tilespmem:s29+$0x10EA0] =	vst v9  }
0xcc: {  	v30 =	vor.u32 $0x5C, v2;
	[tilespmem:s29+$0x10EB0] =	vst v11;
	v9 =	vld.idx.msk [tilespmem:v27+s10+$0x0], $0xffff  }
0xcd: {  	v31 =	vor.u32 $0x5C, v3;
	v11 =	vld.idx.msk [tilespmem:v28+s10+$0x0], $0xffff  }
0xce: {  	v32 =	vor.u32 $0x5C, v4  }
0xcf: {  	[tilespmem:s29+$0x10F00] =	vst v5  }
0xd0: {  	v5 =	vld.idx.msk [tilespmem:v29+s10+$0x0], $0xffff;
	[tilespmem:s29+$0x10F10] =	vst v7  }
0xd1: {  	v33 =	vor.u32 $0x60, v1;
	v7 =	vld.idx.msk [tilespmem:v30+s10+$0x0], $0xffff;
	[tilespmem:s29+$0x10F20] =	vst v9  }
0xd2: {  	v34 =	vor.u32 $0x60, v2;
	[tilespmem:s29+$0x10F30] =	vst v11;
	v9 =	vld.idx.msk [tilespmem:v31+s10+$0x0], $0xffff  }
0xd3: {  	v35 =	vor.u32 $0x60, v3;
	v11 =	vld.idx.msk [tilespmem:v32+s10+$0x0], $0xffff  }
0xd4: {  	v36 =	vor.u32 $0x60, v4  }
0xd5: {  	[tilespmem:s29+$0x10F80] =	vst v5  }
0xd6: {  	v5 =	vld.idx.msk [tilespmem:v33+s10+$0x0], $0xffff;
	[tilespmem:s29+$0x10F90] =	vst v7  }
0xd7: {  	v37 =	vor.u32 $0x64, v1;
	v7 =	vld.idx.msk [tilespmem:v34+s10+$0x0], $0xffff;
	[tilespmem:s29+$0x10FA0] =	vst v9  }
0xd8: {  	v38 =	vor.u32 $0x64, v2;
	[tilespmem:s29+$0x10FB0] =	vst v11;
	v9 =	vld.idx.msk [tilespmem:v35+s10+$0x0], $0xffff  }
0xd9: {  	v39 =	vor.u32 $0x64, v3;
	v11 =	vld.idx.msk [tilespmem:v36+s10+$0x0], $0xffff  }
0xda: {  	v40 =	vor.u32 $0x64, v4  }
0xdb: {  	[tilespmem:s29+$0x11000] =	vst v5  }
0xdc: {  	v5 =	vld.idx.msk [tilespmem:v37+s10+$0x0], $0xffff;
	[tilespmem:s29+$0x11010] =	vst v7  }
0xdd: {  	v41 =	vor.u32 $0x68, v1;
	v7 =	vld.idx.msk [tilespmem:v38+s10+$0x0], $0xffff;
	[tilespmem:s29+$0x11020] =	vst v9  }
0xde: {  	v42 =	vor.u32 $0x68, v2;
	[tilespmem:s29+$0x11030] =	vst v11;
	v9 =	vld.idx.msk [tilespmem:v39+s10+$0x0], $0xffff  }
0xdf: {  	v43 =	vor.u32 $0x68, v3;
	v11 =	vld.idx.msk [tilespmem:v40+s10+$0x0], $0xffff  }
0xe0: {  	v44 =	vor.u32 $0x68, v4  }
0xe1: {  	[tilespmem:s29+$0x11080] =	vst v5  }
0xe2: {  	v5 =	vld.idx.msk [tilespmem:v41+s10+$0x0], $0xffff;
	[tilespmem:s29+$0x11090] =	vst v7  }
0xe3: {  	v45 =	vor.u32 $0x6C, v1;
	v7 =	vld.idx.msk [tilespmem:v42+s10+$0x0], $0xffff;
	[tilespmem:s29+$0x110A0] =	vst v9  }
0xe4: {  	v46 =	vor.u32 $0x6C, v2;
	[tilespmem:s29+$0x110B0] =	vst v11;
	v9 =	vld.idx.msk [tilespmem:v43+s10+$0x0], $0xffff  }
0xe5: {  	v47 =	vor.u32 $0x6C, v3;
	v11 =	vld.idx.msk [tilespmem:v44+s10+$0x0], $0xffff  }
0xe6: {  	v48 =	vor.u32 $0x6C, v4  }
0xe7: {  	[tilespmem:s29+$0x11100] =	vst v5  }
0xe8: {  	v5 =	vld.idx.msk [tilespmem:v45+s10+$0x0], $0xffff;
	[tilespmem:s29+$0x11110] =	vst v7  }
0xe9: {  	v49 =	vor.u32 $0x70, v1;
	v7 =	vld.idx.msk [tilespmem:v46+s10+$0x0], $0xffff;
	[tilespmem:s29+$0x11120] =	vst v9  }
0xea: {  	v50 =	vor.u32 $0x70, v2;
	[tilespmem:s29+$0x11130] =	vst v11;
	v9 =	vld.idx.msk [tilespmem:v47+s10+$0x0], $0xffff  }
0xeb: {  	v51 =	vor.u32 $0x70, v3;
	v11 =	vld.idx.msk [tilespmem:v48+s10+$0x0], $0xffff  }
0xec: {  	v52 =	vor.u32 $0x70, v4  }
0xed: {  	[tilespmem:s29+$0x11180] =	vst v5  }
0xee: {  	v5 =	vld.idx.msk [tilespmem:v49+s10+$0x0], $0xffff;
	[tilespmem:s29+$0x11190] =	vst v7  }
0xef: {  	v53 =	vor.u32 $0x74, v1;
	v7 =	vld.idx.msk [tilespmem:v50+s10+$0x0], $0xffff;
	[tilespmem:s29+$0x111A0] =	vst v9  }
0xf0: {  	v54 =	vor.u32 $0x74, v2;
	[tilespmem:s29+$0x111B0] =	vst v11;
	v9 =	vld.idx.msk [tilespmem:v51+s10+$0x0], $0xffff  }
0xf1: {  	v55 =	vor.u32 $0x74, v3;
	v11 =	vld.idx.msk [tilespmem:v52+s10+$0x0], $0xffff  }
0xf2: {  	v56 =	vor.u32 $0x74, v4  }
0xf3: {  	[tilespmem:s29+$0x11200] =	vst v5  }
0xf4: {  	v5 =	vld.idx.msk [tilespmem:v53+s10+$0x0], $0xffff;
	[tilespmem:s29+$0x11210] =	vst v7  }
0xf5: {  	v57 =	vor.u32 $0x78, v1;
	v7 =	vld.idx.msk [tilespmem:v54+s10+$0x0], $0xffff;
	[tilespmem:s29+$0x11220] =	vst v9  }
0xf6: {  	v58 =	vor.u32 $0x78, v2;
	[tilespmem:s29+$0x11230] =	vst v11;
	v9 =	vld.idx.msk [tilespmem:v55+s10+$0x0], $0xffff  }
0xf7: {  	v59 =	vor.u32 $0x78, v3;
	v11 =	vld.idx.msk [tilespmem:v56+s10+$0x0], $0xffff  }
0xf8: {  	v60 =	vor.u32 $0x78, v4  }
0xf9: {  	[tilespmem:s29+$0x11280] =	vst v5  }
0xfa: {  	[tilespmem:s29+$0x11290] =	vst v7;
	v5 =	vld.idx.msk [tilespmem:v57+s10+$0x0], $0xffff  }
0xfb: {  	v1 =	vor.u32 $0x7C, v1;
	v61 =	vld.idx.msk [tilespmem:v58+s10+$0x0], $0xffff;
	[tilespmem:s29+$0x112A0] =	vst v9  }
0xfc: {  	v2 =	vor.u32 $0x7C, v2;
	[tilespmem:s29+$0x112B0] =	vst v11;
	v62 =	vld.idx.msk [tilespmem:v59+s10+$0x0], $0xffff  }
0xfd: {  	v3 =	vor.u32 $0x7C, v3;
	v63 =	vld.idx.msk [tilespmem:v60+s10+$0x0], $0xffff  }
0xfe: {  	v4 =	vor.u32 $0x7C, v4  }
0xff: {  	[tilespmem:s29+$0x11300] =	vst v5  }
0x100: {  	[tilespmem:s29+$0x11310] =	vst v61;
	v1 =	vld.idx.msk [tilespmem:v1+s10+$0x0], $0xffff  }
0x101: {  	v2 =	vld.idx.msk [tilespmem:v2+s10+$0x0], $0xffff;
	[tilespmem:s29+$0x11320] =	vst v62  }
0x102: {  	[tilespmem:s29+$0x11330] =	vst v63;
	v3 =	vld.idx.msk [tilespmem:v3+s10+$0x0], $0xffff  }
0x103: {  	p1 =	por p0, p0;
	v4 =	vld.idx.msk [tilespmem:v4+s10+$0x0], $0xffff  }
.Ltmp1:
0x104: {  	_ = 	snop;
	(pc) =	sbr.rel @p1 .LBB2_5-.Ltmp1, $4  }
0x105: {  	[tilespmem:s29+$0x11380] =	vst v1  }
0x106: {  	[tilespmem:s29+$0x11390] =	vst v2  }
0x107: {  	[tilespmem:s29+$0x113A0] =	vst v3  }
0x108: {  	p0 =	por $0x0, $0x0;
	[tilespmem:s29+$0x113B0] =	vst v4;
	s29 =	simm.s32 $0x40  }
0x109: {  	s29 =	sshll.u32 s8, $0x10  }
0x10a: {  	s0 =	sadd.s32 s29, s7  }
0x10b: {  	[hbm4b:s0+s10] =	stream.strided.scatter [tilespmem:s21], [sflag:$0x5], $0x1000, s20, s10, $0x38;
	[tilespmem:$0x14400] =	vst v63  }
0x10c: {  	_ =	swait.ge [sflag:s22], $0x4000  }
0x10d: {  	[sflag:s22] =	ssyncset.done $0x0  }
0x10e: {  	s30 =	simm.s32 $0x0;
	p0 =	por $0x1, $0x1;
	[sflag:s22] =	ssyncadd.s32 $0xFFFFC000  }
.LBB2_7:
0x10f: {  	v1 =	vld [tilespmem:s30+$0x80];
	_ =	sdelay $0x1  }
0x110: {  	v2 =	vld [tilespmem:s30+$0x90]  }
0x111: {  	v3 =	vmov s30  }
0x112: {  	s0 =	sor.u32 $0x10, s30;
	v4 =	vld [tilespmem:s30+$0xA0];
	v3 =	vshll.u32 v3, $0x7  }
0x113: {  	v6 =	vld [tilespmem:s30+$0xB0];
	v5 =	vmov s0;
	v3 =	vor.u32 v0, v3;
	v1 =	vand.u32 $0x3, v1  }
0x114: {  	s31 =	sor.u32 $0x20, s30;
	v1 =	vor.u32 v3, v1;
	v3 =	vshll.u32 v5, $0x7  }
0x115: {  	v36 =	vmov s31;
	s31 =	sor.u32 $0x30, s30;
	v2 =	vand.u32 $0x3, v2;
	v3 =	vor.u32 v0, v3  }
0x116: {  	v37 =	vmov s31;
	v2 =	vor.u32 v3, v2;
	v3 =	vshll.u32 v36, $0x7  }
0x117: {  	v4 =	vand.u32 $0x3, v4;
	v5 =	vshll.u32 v37, $0x7;
	v3 =	vor.u32 v0, v3  }
0x118: {  	v38 =	vand.u32 $0x3, v6;
	v5 =	vor.u32 v0, v5;
	v3 =	vor.u32 v3, v4  }
0x119: {  	v4 =	vor.u32 v5, v38;
	_ =	sdelay $0x1  }
0x11a: {  	v39 =	vld.idx.msk [tilespmem:v1+s14+$0x0], $0xffff  }
0x11b: {  	v40 =	vor.u32 $0x4, v1;
	v7 =	vld.idx.msk [tilespmem:v2+s14+$0x0], $0xffff  }
0x11c: {  	v8 =	vor.u32 $0x4, v2;
	v9 =	vld.idx.msk [tilespmem:v3+s14+$0x0], $0xffff  }
0x11d: {  	v10 =	vor.u32 $0x4, v3;
	v11 =	vld.idx.msk [tilespmem:v4+s14+$0x0], $0xffff  }
0x11e: {  	v12 =	vor.u32 $0x4, v4  }
0x11f: {  	[tilespmem:s30+$0x11400] =	vst v39  }
0x120: {  	v5 =	vld.idx.msk [tilespmem:v40+s14+$0x0], $0xffff;
	[tilespmem:s30+$0x11410] =	vst v7  }
0x121: {  	v41 =	vor.u32 $0x8, v1;
	v7 =	vld.idx.msk [tilespmem:v8+s14+$0x0], $0xffff;
	[tilespmem:s30+$0x11420] =	vst v9  }
0x122: {  	v42 =	vor.u32 $0x8, v2;
	[tilespmem:s30+$0x11430] =	vst v11;
	v9 =	vld.idx.msk [tilespmem:v10+s14+$0x0], $0xffff  }
0x123: {  	v43 =	vor.u32 $0x8, v3;
	v11 =	vld.idx.msk [tilespmem:v12+s14+$0x0], $0xffff  }
0x124: {  	v44 =	vor.u32 $0x8, v4  }
0x125: {  	[tilespmem:s30+$0x11480] =	vst v5  }
0x126: {  	v5 =	vld.idx.msk [tilespmem:v41+s14+$0x0], $0xffff;
	[tilespmem:s30+$0x11490] =	vst v7  }
0x127: {  	v45 =	vor.u32 $0xC, v1;
	v7 =	vld.idx.msk [tilespmem:v42+s14+$0x0], $0xffff;
	[tilespmem:s30+$0x114A0] =	vst v9  }
0x128: {  	v46 =	vor.u32 $0xC, v2;
	[tilespmem:s30+$0x114B0] =	vst v11;
	v9 =	vld.idx.msk [tilespmem:v43+s14+$0x0], $0xffff  }
0x129: {  	v47 =	vor.u32 $0xC, v3;
	v11 =	vld.idx.msk [tilespmem:v44+s14+$0x0], $0xffff  }
0x12a: {  	v48 =	vor.u32 $0xC, v4  }
0x12b: {  	[tilespmem:s30+$0x11500] =	vst v5  }
0x12c: {  	v5 =	vld.idx.msk [tilespmem:v45+s14+$0x0], $0xffff;
	[tilespmem:s30+$0x11510] =	vst v7  }
0x12d: {  	v49 =	vor.u32 $0x10, v1;
	v7 =	vld.idx.msk [tilespmem:v46+s14+$0x0], $0xffff;
	[tilespmem:s30+$0x11520] =	vst v9  }
0x12e: {  	v50 =	vor.u32 $0x10, v2;
	[tilespmem:s30+$0x11530] =	vst v11;
	v9 =	vld.idx.msk [tilespmem:v47+s14+$0x0], $0xffff  }
0x12f: {  	v51 =	vor.u32 $0x10, v3;
	v11 =	vld.idx.msk [tilespmem:v48+s14+$0x0], $0xffff  }
0x130: {  	v52 =	vor.u32 $0x10, v4  }
0x131: {  	[tilespmem:s30+$0x11580] =	vst v5  }
0x132: {  	v5 =	vld.idx.msk [tilespmem:v49+s14+$0x0], $0xffff;
	[tilespmem:s30+$0x11590] =	vst v7  }
0x133: {  	v53 =	vor.u32 $0x14, v1;
	v7 =	vld.idx.msk [tilespmem:v50+s14+$0x0], $0xffff;
	[tilespmem:s30+$0x115A0] =	vst v9  }
0x134: {  	v54 =	vor.u32 $0x14, v2;
	[tilespmem:s30+$0x115B0] =	vst v11;
	v9 =	vld.idx.msk [tilespmem:v51+s14+$0x0], $0xffff  }
0x135: {  	v55 =	vor.u32 $0x14, v3;
	v11 =	vld.idx.msk [tilespmem:v52+s14+$0x0], $0xffff  }
0x136: {  	v56 =	vor.u32 $0x14, v4  }
0x137: {  	[tilespmem:s30+$0x11600] =	vst v5  }
0x138: {  	v5 =	vld.idx.msk [tilespmem:v53+s14+$0x0], $0xffff;
	[tilespmem:s30+$0x11610] =	vst v7  }
0x139: {  	v57 =	vor.u32 $0x18, v1;
	v7 =	vld.idx.msk [tilespmem:v54+s14+$0x0], $0xffff;
	[tilespmem:s30+$0x11620] =	vst v9  }
0x13a: {  	v58 =	vor.u32 $0x18, v2;
	[tilespmem:s30+$0x11630] =	vst v11;
	v9 =	vld.idx.msk [tilespmem:v55+s14+$0x0], $0xffff  }
0x13b: {  	v59 =	vor.u32 $0x18, v3;
	v11 =	vld.idx.msk [tilespmem:v56+s14+$0x0], $0xffff  }
0x13c: {  	v60 =	vor.u32 $0x18, v4  }
0x13d: {  	[tilespmem:s30+$0x11680] =	vst v5  }
0x13e: {  	v5 =	vld.idx.msk [tilespmem:v57+s14+$0x0], $0xffff;
	[tilespmem:s30+$0x11690] =	vst v7  }
0x13f: {  	v61 =	vor.u32 $0x1C, v1;
	v7 =	vld.idx.msk [tilespmem:v58+s14+$0x0], $0xffff;
	[tilespmem:s30+$0x116A0] =	vst v9  }
0x140: {  	v62 =	vor.u32 $0x1C, v2;
	[tilespmem:s30+$0x116B0] =	vst v11;
	v9 =	vld.idx.msk [tilespmem:v59+s14+$0x0], $0xffff  }
0x141: {  	v63 =	vor.u32 $0x1C, v3;
	v11 =	vld.idx.msk [tilespmem:v60+s14+$0x0], $0xffff  }
0x142: {  	v16 =	vor.u32 $0x1C, v4  }
0x143: {  	[tilespmem:s30+$0x11700] =	vst v5  }
0x144: {  	v5 =	vld.idx.msk [tilespmem:v61+s14+$0x0], $0xffff;
	[tilespmem:s30+$0x11710] =	vst v7  }
0x145: {  	v17 =	vor.u32 $0x20, v1;
	v7 =	vld.idx.msk [tilespmem:v62+s14+$0x0], $0xffff;
	[tilespmem:s30+$0x11720] =	vst v9  }
0x146: {  	v18 =	vor.u32 $0x20, v2;
	[tilespmem:s30+$0x11730] =	vst v11;
	v9 =	vld.idx.msk [tilespmem:v63+s14+$0x0], $0xffff  }
0x147: {  	v19 =	vor.u32 $0x20, v3;
	v11 =	vld.idx.msk [tilespmem:v16+s14+$0x0], $0xffff  }
0x148: {  	v20 =	vor.u32 $0x20, v4  }
0x149: {  	[tilespmem:s30+$0x11780] =	vst v5  }
0x14a: {  	v5 =	vld.idx.msk [tilespmem:v17+s14+$0x0], $0xffff;
	[tilespmem:s30+$0x11790] =	vst v7  }
0x14b: {  	v21 =	vor.u32 $0x24, v1;
	v7 =	vld.idx.msk [tilespmem:v18+s14+$0x0], $0xffff;
	[tilespmem:s30+$0x117A0] =	vst v9  }
0x14c: {  	v22 =	vor.u32 $0x24, v2;
	[tilespmem:s30+$0x117B0] =	vst v11;
	v9 =	vld.idx.msk [tilespmem:v19+s14+$0x0], $0xffff  }
0x14d: {  	v23 =	vor.u32 $0x24, v3;
	v11 =	vld.idx.msk [tilespmem:v20+s14+$0x0], $0xffff  }
0x14e: {  	v24 =	vor.u32 $0x24, v4  }
0x14f: {  	[tilespmem:s30+$0x11800] =	vst v5  }
0x150: {  	v5 =	vld.idx.msk [tilespmem:v21+s14+$0x0], $0xffff;
	[tilespmem:s30+$0x11810] =	vst v7  }
0x151: {  	v25 =	vor.u32 $0x28, v1;
	v7 =	vld.idx.msk [tilespmem:v22+s14+$0x0], $0xffff;
	[tilespmem:s30+$0x11820] =	vst v9  }
0x152: {  	v26 =	vor.u32 $0x28, v2;
	[tilespmem:s30+$0x11830] =	vst v11;
	v9 =	vld.idx.msk [tilespmem:v23+s14+$0x0], $0xffff  }
0x153: {  	v27 =	vor.u32 $0x28, v3;
	v11 =	vld.idx.msk [tilespmem:v24+s14+$0x0], $0xffff  }
0x154: {  	v28 =	vor.u32 $0x28, v4  }
0x155: {  	[tilespmem:s30+$0x11880] =	vst v5  }
0x156: {  	v5 =	vld.idx.msk [tilespmem:v25+s14+$0x0], $0xffff;
	[tilespmem:s30+$0x11890] =	vst v7  }
0x157: {  	v29 =	vor.u32 $0x2C, v1;
	v7 =	vld.idx.msk [tilespmem:v26+s14+$0x0], $0xffff;
	[tilespmem:s30+$0x118A0] =	vst v9  }
0x158: {  	v30 =	vor.u32 $0x2C, v2;
	[tilespmem:s30+$0x118B0] =	vst v11;
	v9 =	vld.idx.msk [tilespmem:v27+s14+$0x0], $0xffff  }
0x159: {  	v31 =	vor.u32 $0x2C, v3;
	v11 =	vld.idx.msk [tilespmem:v28+s14+$0x0], $0xffff  }
0x15a: {  	v32 =	vor.u32 $0x2C, v4  }
0x15b: {  	[tilespmem:s30+$0x11900] =	vst v5  }
0x15c: {  	v5 =	vld.idx.msk [tilespmem:v29+s14+$0x0], $0xffff;
	[tilespmem:s30+$0x11910] =	vst v7  }
0x15d: {  	v33 =	vor.u32 $0x30, v1;
	v7 =	vld.idx.msk [tilespmem:v30+s14+$0x0], $0xffff;
	[tilespmem:s30+$0x11920] =	vst v9  }
0x15e: {  	v34 =	vor.u32 $0x30, v2;
	[tilespmem:s30+$0x11930] =	vst v11;
	v9 =	vld.idx.msk [tilespmem:v31+s14+$0x0], $0xffff  }
0x15f: {  	v35 =	vor.u32 $0x30, v3;
	v11 =	vld.idx.msk [tilespmem:v32+s14+$0x0], $0xffff  }
0x160: {  	v36 =	vor.u32 $0x30, v4  }
0x161: {  	[tilespmem:s30+$0x11980] =	vst v5  }
0x162: {  	v5 =	vld.idx.msk [tilespmem:v33+s14+$0x0], $0xffff;
	[tilespmem:s30+$0x11990] =	vst v7  }
0x163: {  	v37 =	vor.u32 $0x34, v1;
	v7 =	vld.idx.msk [tilespmem:v34+s14+$0x0], $0xffff;
	[tilespmem:s30+$0x119A0] =	vst v9  }
0x164: {  	v38 =	vor.u32 $0x34, v2;
	[tilespmem:s30+$0x119B0] =	vst v11;
	v9 =	vld.idx.msk [tilespmem:v35+s14+$0x0], $0xffff  }
0x165: {  	v39 =	vor.u32 $0x34, v3;
	v11 =	vld.idx.msk [tilespmem:v36+s14+$0x0], $0xffff  }
0x166: {  	v40 =	vor.u32 $0x34, v4  }
0x167: {  	[tilespmem:s30+$0x11A00] =	vst v5  }
0x168: {  	v5 =	vld.idx.msk [tilespmem:v37+s14+$0x0], $0xffff;
	[tilespmem:s30+$0x11A10] =	vst v7  }
0x169: {  	v41 =	vor.u32 $0x38, v1;
	v7 =	vld.idx.msk [tilespmem:v38+s14+$0x0], $0xffff;
	[tilespmem:s30+$0x11A20] =	vst v9  }
0x16a: {  	v42 =	vor.u32 $0x38, v2;
	[tilespmem:s30+$0x11A30] =	vst v11;
	v9 =	vld.idx.msk [tilespmem:v39+s14+$0x0], $0xffff  }
0x16b: {  	v43 =	vor.u32 $0x38, v3;
	v11 =	vld.idx.msk [tilespmem:v40+s14+$0x0], $0xffff  }
0x16c: {  	v44 =	vor.u32 $0x38, v4  }
0x16d: {  	[tilespmem:s30+$0x11A80] =	vst v5  }
0x16e: {  	v5 =	vld.idx.msk [tilespmem:v41+s14+$0x0], $0xffff;
	[tilespmem:s30+$0x11A90] =	vst v7  }
0x16f: {  	v45 =	vor.u32 $0x3C, v1;
	v7 =	vld.idx.msk [tilespmem:v42+s14+$0x0], $0xffff;
	[tilespmem:s30+$0x11AA0] =	vst v9  }
0x170: {  	v46 =	vor.u32 $0x3C, v2;
	[tilespmem:s30+$0x11AB0] =	vst v11;
	v9 =	vld.idx.msk [tilespmem:v43+s14+$0x0], $0xffff  }
0x171: {  	v47 =	vor.u32 $0x3C, v3;
	v11 =	vld.idx.msk [tilespmem:v44+s14+$0x0], $0xffff  }
0x172: {  	v48 =	vor.u32 $0x3C, v4  }
0x173: {  	[tilespmem:s30+$0x11B00] =	vst v5  }
0x174: {  	v5 =	vld.idx.msk [tilespmem:v45+s14+$0x0], $0xffff;
	[tilespmem:s30+$0x11B10] =	vst v7  }
0x175: {  	v49 =	vor.u32 $0x40, v1;
	v7 =	vld.idx.msk [tilespmem:v46+s14+$0x0], $0xffff;
	[tilespmem:s30+$0x11B20] =	vst v9  }
0x176: {  	v50 =	vor.u32 $0x40, v2;
	[tilespmem:s30+$0x11B30] =	vst v11;
	v9 =	vld.idx.msk [tilespmem:v47+s14+$0x0], $0xffff  }
0x177: {  	v51 =	vor.u32 $0x40, v3;
	v11 =	vld.idx.msk [tilespmem:v48+s14+$0x0], $0xffff  }
0x178: {  	v52 =	vor.u32 $0x40, v4  }
0x179: {  	[tilespmem:s30+$0x11B80] =	vst v5  }
0x17a: {  	v5 =	vld.idx.msk [tilespmem:v49+s14+$0x0], $0xffff;
	[tilespmem:s30+$0x11B90] =	vst v7  }
0x17b: {  	v53 =	vor.u32 $0x44, v1;
	v7 =	vld.idx.msk [tilespmem:v50+s14+$0x0], $0xffff;
	[tilespmem:s30+$0x11BA0] =	vst v9  }
0x17c: {  	v54 =	vor.u32 $0x44, v2;
	[tilespmem:s30+$0x11BB0] =	vst v11;
	v9 =	vld.idx.msk [tilespmem:v51+s14+$0x0], $0xffff  }
0x17d: {  	v55 =	vor.u32 $0x44, v3;
	v11 =	vld.idx.msk [tilespmem:v52+s14+$0x0], $0xffff  }
0x17e: {  	v56 =	vor.u32 $0x44, v4  }
0x17f: {  	[tilespmem:s30+$0x11C00] =	vst v5  }
0x180: {  	v5 =	vld.idx.msk [tilespmem:v53+s14+$0x0], $0xffff;
	[tilespmem:s30+$0x11C10] =	vst v7  }
0x181: {  	v57 =	vor.u32 $0x48, v1;
	v7 =	vld.idx.msk [tilespmem:v54+s14+$0x0], $0xffff;
	[tilespmem:s30+$0x11C20] =	vst v9  }
0x182: {  	v58 =	vor.u32 $0x48, v2;
	[tilespmem:s30+$0x11C30] =	vst v11;
	v9 =	vld.idx.msk [tilespmem:v55+s14+$0x0], $0xffff  }
0x183: {  	v59 =	vor.u32 $0x48, v3;
	v11 =	vld.idx.msk [tilespmem:v56+s14+$0x0], $0xffff  }
0x184: {  	v60 =	vor.u32 $0x48, v4  }
0x185: {  	[tilespmem:s30+$0x11C80] =	vst v5  }
0x186: {  	v5 =	vld.idx.msk [tilespmem:v57+s14+$0x0], $0xffff;
	[tilespmem:s30+$0x11C90] =	vst v7  }
0x187: {  	v61 =	vor.u32 $0x4C, v1;
	v7 =	vld.idx.msk [tilespmem:v58+s14+$0x0], $0xffff;
	[tilespmem:s30+$0x11CA0] =	vst v9  }
0x188: {  	v62 =	vor.u32 $0x4C, v2;
	[tilespmem:s30+$0x11CB0] =	vst v11;
	v9 =	vld.idx.msk [tilespmem:v59+s14+$0x0], $0xffff  }
0x189: {  	v63 =	vor.u32 $0x4C, v3;
	v11 =	vld.idx.msk [tilespmem:v60+s14+$0x0], $0xffff  }
0x18a: {  	v16 =	vor.u32 $0x4C, v4  }
0x18b: {  	[tilespmem:s30+$0x11D00] =	vst v5  }
0x18c: {  	v5 =	vld.idx.msk [tilespmem:v61+s14+$0x0], $0xffff;
	[tilespmem:s30+$0x11D10] =	vst v7  }
0x18d: {  	v17 =	vor.u32 $0x50, v1;
	v7 =	vld.idx.msk [tilespmem:v62+s14+$0x0], $0xffff;
	[tilespmem:s30+$0x11D20] =	vst v9  }
0x18e: {  	v18 =	vor.u32 $0x50, v2;
	[tilespmem:s30+$0x11D30] =	vst v11;
	v9 =	vld.idx.msk [tilespmem:v63+s14+$0x0], $0xffff  }
0x18f: {  	v19 =	vor.u32 $0x50, v3;
	v11 =	vld.idx.msk [tilespmem:v16+s14+$0x0], $0xffff  }
0x190: {  	v20 =	vor.u32 $0x50, v4  }
0x191: {  	[tilespmem:s30+$0x11D80] =	vst v5  }
0x192: {  	v5 =	vld.idx.msk [tilespmem:v17+s14+$0x0], $0xffff;
	[tilespmem:s30+$0x11D90] =	vst v7  }
0x193: {  	v21 =	vor.u32 $0x54, v1;
	v7 =	vld.idx.msk [tilespmem:v18+s14+$0x0], $0xffff;
	[tilespmem:s30+$0x11DA0] =	vst v9  }
0x194: {  	v22 =	vor.u32 $0x54, v2;
	[tilespmem:s30+$0x11DB0] =	vst v11;
	v9 =	vld.idx.msk [tilespmem:v19+s14+$0x0], $0xffff  }
0x195: {  	v23 =	vor.u32 $0x54, v3;
	v11 =	vld.idx.msk [tilespmem:v20+s14+$0x0], $0xffff  }
0x196: {  	v24 =	vor.u32 $0x54, v4  }
0x197: {  	[tilespmem:s30+$0x11E00] =	vst v5  }
0x198: {  	v5 =	vld.idx.msk [tilespmem:v21+s14+$0x0], $0xffff;
	[tilespmem:s30+$0x11E10] =	vst v7  }
0x199: {  	v25 =	vor.u32 $0x58, v1;
	v7 =	vld.idx.msk [tilespmem:v22+s14+$0x0], $0xffff;
	[tilespmem:s30+$0x11E20] =	vst v9  }
0x19a: {  	v26 =	vor.u32 $0x58, v2;
	[tilespmem:s30+$0x11E30] =	vst v11;
	v9 =	vld.idx.msk [tilespmem:v23+s14+$0x0], $0xffff  }
0x19b: {  	v27 =	vor.u32 $0x58, v3;
	v11 =	vld.idx.msk [tilespmem:v24+s14+$0x0], $0xffff  }
0x19c: {  	v28 =	vor.u32 $0x58, v4  }
0x19d: {  	[tilespmem:s30+$0x11E80] =	vst v5  }
0x19e: {  	v5 =	vld.idx.msk [tilespmem:v25+s14+$0x0], $0xffff;
	[tilespmem:s30+$0x11E90] =	vst v7  }
0x19f: {  	v29 =	vor.u32 $0x5C, v1;
	v7 =	vld.idx.msk [tilespmem:v26+s14+$0x0], $0xffff;
	[tilespmem:s30+$0x11EA0] =	vst v9  }
0x1a0: {  	v30 =	vor.u32 $0x5C, v2;
	[tilespmem:s30+$0x11EB0] =	vst v11;
	v9 =	vld.idx.msk [tilespmem:v27+s14+$0x0], $0xffff  }
0x1a1: {  	v31 =	vor.u32 $0x5C, v3;
	v11 =	vld.idx.msk [tilespmem:v28+s14+$0x0], $0xffff  }
0x1a2: {  	v32 =	vor.u32 $0x5C, v4  }
0x1a3: {  	[tilespmem:s30+$0x11F00] =	vst v5  }
0x1a4: {  	v5 =	vld.idx.msk [tilespmem:v29+s14+$0x0], $0xffff;
	[tilespmem:s30+$0x11F10] =	vst v7  }
0x1a5: {  	v33 =	vor.u32 $0x60, v1;
	v7 =	vld.idx.msk [tilespmem:v30+s14+$0x0], $0xffff;
	[tilespmem:s30+$0x11F20] =	vst v9  }
0x1a6: {  	v34 =	vor.u32 $0x60, v2;
	[tilespmem:s30+$0x11F30] =	vst v11;
	v9 =	vld.idx.msk [tilespmem:v31+s14+$0x0], $0xffff  }
0x1a7: {  	v35 =	vor.u32 $0x60, v3;
	v11 =	vld.idx.msk [tilespmem:v32+s14+$0x0], $0xffff  }
0x1a8: {  	v36 =	vor.u32 $0x60, v4  }
0x1a9: {  	[tilespmem:s30+$0x11F80] =	vst v5  }
0x1aa: {  	v5 =	vld.idx.msk [tilespmem:v33+s14+$0x0], $0xffff;
	[tilespmem:s30+$0x11F90] =	vst v7  }
0x1ab: {  	v37 =	vor.u32 $0x64, v1;
	v7 =	vld.idx.msk [tilespmem:v34+s14+$0x0], $0xffff;
	[tilespmem:s30+$0x11FA0] =	vst v9  }
0x1ac: {  	v38 =	vor.u32 $0x64, v2;
	[tilespmem:s30+$0x11FB0] =	vst v11;
	v9 =	vld.idx.msk [tilespmem:v35+s14+$0x0], $0xffff  }
0x1ad: {  	v39 =	vor.u32 $0x64, v3;
	v11 =	vld.idx.msk [tilespmem:v36+s14+$0x0], $0xffff  }
0x1ae: {  	v40 =	vor.u32 $0x64, v4  }
0x1af: {  	[tilespmem:s30+$0x12000] =	vst v5  }
0x1b0: {  	v5 =	vld.idx.msk [tilespmem:v37+s14+$0x0], $0xffff;
	[tilespmem:s30+$0x12010] =	vst v7  }
0x1b1: {  	v41 =	vor.u32 $0x68, v1;
	v7 =	vld.idx.msk [tilespmem:v38+s14+$0x0], $0xffff;
	[tilespmem:s30+$0x12020] =	vst v9  }
0x1b2: {  	v42 =	vor.u32 $0x68, v2;
	[tilespmem:s30+$0x12030] =	vst v11;
	v9 =	vld.idx.msk [tilespmem:v39+s14+$0x0], $0xffff  }
0x1b3: {  	v43 =	vor.u32 $0x68, v3;
	v11 =	vld.idx.msk [tilespmem:v40+s14+$0x0], $0xffff  }
0x1b4: {  	v44 =	vor.u32 $0x68, v4  }
0x1b5: {  	[tilespmem:s30+$0x12080] =	vst v5  }
0x1b6: {  	v5 =	vld.idx.msk [tilespmem:v41+s14+$0x0], $0xffff;
	[tilespmem:s30+$0x12090] =	vst v7  }
0x1b7: {  	v45 =	vor.u32 $0x6C, v1;
	v7 =	vld.idx.msk [tilespmem:v42+s14+$0x0], $0xffff;
	[tilespmem:s30+$0x120A0] =	vst v9  }
0x1b8: {  	v46 =	vor.u32 $0x6C, v2;
	[tilespmem:s30+$0x120B0] =	vst v11;
	v9 =	vld.idx.msk [tilespmem:v43+s14+$0x0], $0xffff  }
0x1b9: {  	v47 =	vor.u32 $0x6C, v3;
	v11 =	vld.idx.msk [tilespmem:v44+s14+$0x0], $0xffff  }
0x1ba: {  	v48 =	vor.u32 $0x6C, v4  }
0x1bb: {  	[tilespmem:s30+$0x12100] =	vst v5  }
0x1bc: {  	v5 =	vld.idx.msk [tilespmem:v45+s14+$0x0], $0xffff;
	[tilespmem:s30+$0x12110] =	vst v7  }
0x1bd: {  	v49 =	vor.u32 $0x70, v1;
	v7 =	vld.idx.msk [tilespmem:v46+s14+$0x0], $0xffff;
	[tilespmem:s30+$0x12120] =	vst v9  }
0x1be: {  	v50 =	vor.u32 $0x70, v2;
	[tilespmem:s30+$0x12130] =	vst v11;
	v9 =	vld.idx.msk [tilespmem:v47+s14+$0x0], $0xffff  }
0x1bf: {  	v51 =	vor.u32 $0x70, v3;
	v11 =	vld.idx.msk [tilespmem:v48+s14+$0x0], $0xffff  }
0x1c0: {  	v52 =	vor.u32 $0x70, v4  }
0x1c1: {  	[tilespmem:s30+$0x12180] =	vst v5  }
0x1c2: {  	v5 =	vld.idx.msk [tilespmem:v49+s14+$0x0], $0xffff;
	[tilespmem:s30+$0x12190] =	vst v7  }
0x1c3: {  	v53 =	vor.u32 $0x74, v1;
	v7 =	vld.idx.msk [tilespmem:v50+s14+$0x0], $0xffff;
	[tilespmem:s30+$0x121A0] =	vst v9  }
0x1c4: {  	v54 =	vor.u32 $0x74, v2;
	[tilespmem:s30+$0x121B0] =	vst v11;
	v9 =	vld.idx.msk [tilespmem:v51+s14+$0x0], $0xffff  }
0x1c5: {  	v55 =	vor.u32 $0x74, v3;
	v11 =	vld.idx.msk [tilespmem:v52+s14+$0x0], $0xffff  }
0x1c6: {  	v56 =	vor.u32 $0x74, v4  }
0x1c7: {  	[tilespmem:s30+$0x12200] =	vst v5  }
0x1c8: {  	v5 =	vld.idx.msk [tilespmem:v53+s14+$0x0], $0xffff;
	[tilespmem:s30+$0x12210] =	vst v7  }
0x1c9: {  	v57 =	vor.u32 $0x78, v1;
	v7 =	vld.idx.msk [tilespmem:v54+s14+$0x0], $0xffff;
	[tilespmem:s30+$0x12220] =	vst v9  }
0x1ca: {  	v58 =	vor.u32 $0x78, v2;
	[tilespmem:s30+$0x12230] =	vst v11;
	v9 =	vld.idx.msk [tilespmem:v55+s14+$0x0], $0xffff  }
0x1cb: {  	v59 =	vor.u32 $0x78, v3;
	v11 =	vld.idx.msk [tilespmem:v56+s14+$0x0], $0xffff  }
0x1cc: {  	v60 =	vor.u32 $0x78, v4  }
0x1cd: {  	[tilespmem:s30+$0x12280] =	vst v5  }
0x1ce: {  	v5 =	vld.idx.msk [tilespmem:v57+s14+$0x0], $0xffff;
	[tilespmem:s30+$0x12290] =	vst v7  }
0x1cf: {  	v1 =	vor.u32 $0x7C, v1;
	v61 =	vld.idx.msk [tilespmem:v58+s14+$0x0], $0xffff;
	[tilespmem:s30+$0x122A0] =	vst v9  }
0x1d0: {  	v2 =	vor.u32 $0x7C, v2;
	[tilespmem:s30+$0x122B0] =	vst v11;
	v62 =	vld.idx.msk [tilespmem:v59+s14+$0x0], $0xffff  }
0x1d1: {  	v3 =	vor.u32 $0x7C, v3;
	v63 =	vld.idx.msk [tilespmem:v60+s14+$0x0], $0xffff  }
0x1d2: {  	v4 =	vor.u32 $0x7C, v4  }
0x1d3: {  	[tilespmem:s30+$0x12300] =	vst v5  }
0x1d4: {  	v1 =	vld.idx.msk [tilespmem:v1+s14+$0x0], $0xffff;
	[tilespmem:s30+$0x12310] =	vst v61  }
0x1d5: {  	v2 =	vld.idx.msk [tilespmem:v2+s14+$0x0], $0xffff;
	[tilespmem:s30+$0x12320] =	vst v62  }
0x1d6: {  	[tilespmem:s30+$0x12330] =	vst v63;
	v3 =	vld.idx.msk [tilespmem:v3+s14+$0x0], $0xffff  }
0x1d7: {  	p1 =	por p0, p0;
	v4 =	vld.idx.msk [tilespmem:v4+s14+$0x0], $0xffff  }
.Ltmp2:
0x1d8: {  	_ = 	snop;
	(pc) =	sbr.rel @p1 .LBB2_7-.Ltmp2, $4  }
0x1d9: {  	[tilespmem:s30+$0x12380] =	vst v1  }
0x1da: {  	[tilespmem:s30+$0x12390] =	vst v2  }
0x1db: {  	[tilespmem:s30+$0x123A0] =	vst v3  }
0x1dc: {  	p0 =	por $0x0, $0x0;
	[tilespmem:s30+$0x123B0] =	vst v4;
	s30 =	simm.s32 $0x40  }
0x1dd: {  	s0 =	sor.u32 s5, s29  }
0x1de: {  	s29 =	sadd.s32 s0, s1  }
0x1df: {  	s0 =	sadd.s32 $0x80, s29  }
0x1e0: {  	[hbm4b:s0+s10] =	stream.strided.scatter [tilespmem:s23], [sflag:$0x6], $0x1000, s20, s10, $0x38;
	[tilespmem:$0x14400] =	vst v63  }
0x1e1: {  	_ =	swait.ge [sflag:s24], $0x4000  }
0x1e2: {  	[sflag:s24] =	ssyncset.done $0x0  }
0x1e3: {  	s30 =	simm.s32 $0x0;
	p0 =	por $0x1, $0x1;
	[sflag:s24] =	ssyncadd.s32 $0xFFFFC000  }
.LBB2_9:
0x1e4: {  	v1 =	vld [tilespmem:s30+$0x100];
	_ =	sdelay $0x1  }
0x1e5: {  	v2 =	vld [tilespmem:s30+$0x110]  }
0x1e6: {  	v3 =	vmov s30  }
0x1e7: {  	s0 =	sor.u32 $0x10, s30;
	v4 =	vld [tilespmem:s30+$0x120];
	v3 =	vshll.u32 v3, $0x7  }
0x1e8: {  	v6 =	vld [tilespmem:s30+$0x130];
	v5 =	vmov s0;
	v3 =	vor.u32 v0, v3;
	v1 =	vand.u32 $0x3, v1  }
0x1e9: {  	s31 =	sor.u32 $0x20, s30;
	v1 =	vor.u32 v3, v1;
	v3 =	vshll.u32 v5, $0x7  }
0x1ea: {  	v36 =	vmov s31;
	s31 =	sor.u32 $0x30, s30;
	v2 =	vand.u32 $0x3, v2;
	v3 =	vor.u32 v0, v3  }
0x1eb: {  	v37 =	vmov s31;
	v2 =	vor.u32 v3, v2;
	v3 =	vshll.u32 v36, $0x7  }
0x1ec: {  	v4 =	vand.u32 $0x3, v4;
	v5 =	vshll.u32 v37, $0x7;
	v3 =	vor.u32 v0, v3  }
0x1ed: {  	v38 =	vand.u32 $0x3, v6;
	v5 =	vor.u32 v0, v5;
	v3 =	vor.u32 v3, v4  }
0x1ee: {  	v4 =	vor.u32 v5, v38;
	_ =	sdelay $0x1  }
0x1ef: {  	v39 =	vld.idx.msk [tilespmem:v1+s16+$0x0], $0xffff  }
0x1f0: {  	v40 =	vor.u32 $0x4, v1;
	v7 =	vld.idx.msk [tilespmem:v2+s16+$0x0], $0xffff  }
0x1f1: {  	v8 =	vor.u32 $0x4, v2;
	v9 =	vld.idx.msk [tilespmem:v3+s16+$0x0], $0xffff  }
0x1f2: {  	v10 =	vor.u32 $0x4, v3;
	v11 =	vld.idx.msk [tilespmem:v4+s16+$0x0], $0xffff  }
0x1f3: {  	v12 =	vor.u32 $0x4, v4  }
0x1f4: {  	[tilespmem:s30+$0x12400] =	vst v39  }
0x1f5: {  	v5 =	vld.idx.msk [tilespmem:v40+s16+$0x0], $0xffff;
	[tilespmem:s30+$0x12410] =	vst v7  }
0x1f6: {  	v41 =	vor.u32 $0x8, v1;
	v7 =	vld.idx.msk [tilespmem:v8+s16+$0x0], $0xffff;
	[tilespmem:s30+$0x12420] =	vst v9  }
0x1f7: {  	v42 =	vor.u32 $0x8, v2;
	[tilespmem:s30+$0x12430] =	vst v11;
	v9 =	vld.idx.msk [tilespmem:v10+s16+$0x0], $0xffff  }
0x1f8: {  	v43 =	vor.u32 $0x8, v3;
	v11 =	vld.idx.msk [tilespmem:v12+s16+$0x0], $0xffff  }
0x1f9: {  	v44 =	vor.u32 $0x8, v4  }
0x1fa: {  	[tilespmem:s30+$0x12480] =	vst v5  }
0x1fb: {  	v5 =	vld.idx.msk [tilespmem:v41+s16+$0x0], $0xffff;
	[tilespmem:s30+$0x12490] =	vst v7  }
0x1fc: {  	v45 =	vor.u32 $0xC, v1;
	v7 =	vld.idx.msk [tilespmem:v42+s16+$0x0], $0xffff;
	[tilespmem:s30+$0x124A0] =	vst v9  }
0x1fd: {  	v46 =	vor.u32 $0xC, v2;
	[tilespmem:s30+$0x124B0] =	vst v11;
	v9 =	vld.idx.msk [tilespmem:v43+s16+$0x0], $0xffff  }
0x1fe: {  	v47 =	vor.u32 $0xC, v3;
	v11 =	vld.idx.msk [tilespmem:v44+s16+$0x0], $0xffff  }
0x1ff: {  	v48 =	vor.u32 $0xC, v4  }
0x200: {  	[tilespmem:s30+$0x12500] =	vst v5  }
0x201: {  	v5 =	vld.idx.msk [tilespmem:v45+s16+$0x0], $0xffff;
	[tilespmem:s30+$0x12510] =	vst v7  }
0x202: {  	v49 =	vor.u32 $0x10, v1;
	v7 =	vld.idx.msk [tilespmem:v46+s16+$0x0], $0xffff;
	[tilespmem:s30+$0x12520] =	vst v9  }
0x203: {  	v50 =	vor.u32 $0x10, v2;
	[tilespmem:s30+$0x12530] =	vst v11;
	v9 =	vld.idx.msk [tilespmem:v47+s16+$0x0], $0xffff  }
0x204: {  	v51 =	vor.u32 $0x10, v3;
	v11 =	vld.idx.msk [tilespmem:v48+s16+$0x0], $0xffff  }
0x205: {  	v52 =	vor.u32 $0x10, v4  }
0x206: {  	[tilespmem:s30+$0x12580] =	vst v5  }
0x207: {  	v5 =	vld.idx.msk [tilespmem:v49+s16+$0x0], $0xffff;
	[tilespmem:s30+$0x12590] =	vst v7  }
0x208: {  	v53 =	vor.u32 $0x14, v1;
	v7 =	vld.idx.msk [tilespmem:v50+s16+$0x0], $0xffff;
	[tilespmem:s30+$0x125A0] =	vst v9  }
0x209: {  	v54 =	vor.u32 $0x14, v2;
	[tilespmem:s30+$0x125B0] =	vst v11;
	v9 =	vld.idx.msk [tilespmem:v51+s16+$0x0], $0xffff  }
0x20a: {  	v55 =	vor.u32 $0x14, v3;
	v11 =	vld.idx.msk [tilespmem:v52+s16+$0x0], $0xffff  }
0x20b: {  	v56 =	vor.u32 $0x14, v4  }
0x20c: {  	[tilespmem:s30+$0x12600] =	vst v5  }
0x20d: {  	v5 =	vld.idx.msk [tilespmem:v53+s16+$0x0], $0xffff;
	[tilespmem:s30+$0x12610] =	vst v7  }
0x20e: {  	v57 =	vor.u32 $0x18, v1;
	v7 =	vld.idx.msk [tilespmem:v54+s16+$0x0], $0xffff;
	[tilespmem:s30+$0x12620] =	vst v9  }
0x20f: {  	v58 =	vor.u32 $0x18, v2;
	[tilespmem:s30+$0x12630] =	vst v11;
	v9 =	vld.idx.msk [tilespmem:v55+s16+$0x0], $0xffff  }
0x210: {  	v59 =	vor.u32 $0x18, v3;
	v11 =	vld.idx.msk [tilespmem:v56+s16+$0x0], $0xffff  }
0x211: {  	v60 =	vor.u32 $0x18, v4  }
0x212: {  	[tilespmem:s30+$0x12680] =	vst v5  }
0x213: {  	v5 =	vld.idx.msk [tilespmem:v57+s16+$0x0], $0xffff;
	[tilespmem:s30+$0x12690] =	vst v7  }
0x214: {  	v61 =	vor.u32 $0x1C, v1;
	v7 =	vld.idx.msk [tilespmem:v58+s16+$0x0], $0xffff;
	[tilespmem:s30+$0x126A0] =	vst v9  }
0x215: {  	v62 =	vor.u32 $0x1C, v2;
	[tilespmem:s30+$0x126B0] =	vst v11;
	v9 =	vld.idx.msk [tilespmem:v59+s16+$0x0], $0xffff  }
0x216: {  	v63 =	vor.u32 $0x1C, v3;
	v11 =	vld.idx.msk [tilespmem:v60+s16+$0x0], $0xffff  }
0x217: {  	v16 =	vor.u32 $0x1C, v4  }
0x218: {  	[tilespmem:s30+$0x12700] =	vst v5  }
0x219: {  	v5 =	vld.idx.msk [tilespmem:v61+s16+$0x0], $0xffff;
	[tilespmem:s30+$0x12710] =	vst v7  }
0x21a: {  	v17 =	vor.u32 $0x20, v1;
	v7 =	vld.idx.msk [tilespmem:v62+s16+$0x0], $0xffff;
	[tilespmem:s30+$0x12720] =	vst v9  }
0x21b: {  	v18 =	vor.u32 $0x20, v2;
	[tilespmem:s30+$0x12730] =	vst v11;
	v9 =	vld.idx.msk [tilespmem:v63+s16+$0x0], $0xffff  }
0x21c: {  	v19 =	vor.u32 $0x20, v3;
	v11 =	vld.idx.msk [tilespmem:v16+s16+$0x0], $0xffff  }
0x21d: {  	v20 =	vor.u32 $0x20, v4  }
0x21e: {  	[tilespmem:s30+$0x12780] =	vst v5  }
0x21f: {  	v5 =	vld.idx.msk [tilespmem:v17+s16+$0x0], $0xffff;
	[tilespmem:s30+$0x12790] =	vst v7  }
0x220: {  	v21 =	vor.u32 $0x24, v1;
	v7 =	vld.idx.msk [tilespmem:v18+s16+$0x0], $0xffff;
	[tilespmem:s30+$0x127A0] =	vst v9  }
0x221: {  	v22 =	vor.u32 $0x24, v2;
	[tilespmem:s30+$0x127B0] =	vst v11;
	v9 =	vld.idx.msk [tilespmem:v19+s16+$0x0], $0xffff  }
0x222: {  	v23 =	vor.u32 $0x24, v3;
	v11 =	vld.idx.msk [tilespmem:v20+s16+$0x0], $0xffff  }
0x223: {  	v24 =	vor.u32 $0x24, v4  }
0x224: {  	[tilespmem:s30+$0x12800] =	vst v5  }
0x225: {  	v5 =	vld.idx.msk [tilespmem:v21+s16+$0x0], $0xffff;
	[tilespmem:s30+$0x12810] =	vst v7  }
0x226: {  	v25 =	vor.u32 $0x28, v1;
	v7 =	vld.idx.msk [tilespmem:v22+s16+$0x0], $0xffff;
	[tilespmem:s30+$0x12820] =	vst v9  }
0x227: {  	v26 =	vor.u32 $0x28, v2;
	[tilespmem:s30+$0x12830] =	vst v11;
	v9 =	vld.idx.msk [tilespmem:v23+s16+$0x0], $0xffff  }
0x228: {  	v27 =	vor.u32 $0x28, v3;
	v11 =	vld.idx.msk [tilespmem:v24+s16+$0x0], $0xffff  }
0x229: {  	v28 =	vor.u32 $0x28, v4  }
0x22a: {  	[tilespmem:s30+$0x12880] =	vst v5  }
0x22b: {  	v5 =	vld.idx.msk [tilespmem:v25+s16+$0x0], $0xffff;
	[tilespmem:s30+$0x12890] =	vst v7  }
0x22c: {  	v29 =	vor.u32 $0x2C, v1;
	v7 =	vld.idx.msk [tilespmem:v26+s16+$0x0], $0xffff;
	[tilespmem:s30+$0x128A0] =	vst v9  }
0x22d: {  	v30 =	vor.u32 $0x2C, v2;
	[tilespmem:s30+$0x128B0] =	vst v11;
	v9 =	vld.idx.msk [tilespmem:v27+s16+$0x0], $0xffff  }
0x22e: {  	v31 =	vor.u32 $0x2C, v3;
	v11 =	vld.idx.msk [tilespmem:v28+s16+$0x0], $0xffff  }
0x22f: {  	v32 =	vor.u32 $0x2C, v4  }
0x230: {  	[tilespmem:s30+$0x12900] =	vst v5  }
0x231: {  	v5 =	vld.idx.msk [tilespmem:v29+s16+$0x0], $0xffff;
	[tilespmem:s30+$0x12910] =	vst v7  }
0x232: {  	v33 =	vor.u32 $0x30, v1;
	v7 =	vld.idx.msk [tilespmem:v30+s16+$0x0], $0xffff;
	[tilespmem:s30+$0x12920] =	vst v9  }
0x233: {  	v34 =	vor.u32 $0x30, v2;
	[tilespmem:s30+$0x12930] =	vst v11;
	v9 =	vld.idx.msk [tilespmem:v31+s16+$0x0], $0xffff  }
0x234: {  	v35 =	vor.u32 $0x30, v3;
	v11 =	vld.idx.msk [tilespmem:v32+s16+$0x0], $0xffff  }
0x235: {  	v36 =	vor.u32 $0x30, v4  }
0x236: {  	[tilespmem:s30+$0x12980] =	vst v5  }
0x237: {  	v5 =	vld.idx.msk [tilespmem:v33+s16+$0x0], $0xffff;
	[tilespmem:s30+$0x12990] =	vst v7  }
0x238: {  	v37 =	vor.u32 $0x34, v1;
	v7 =	vld.idx.msk [tilespmem:v34+s16+$0x0], $0xffff;
	[tilespmem:s30+$0x129A0] =	vst v9  }
0x239: {  	v38 =	vor.u32 $0x34, v2;
	[tilespmem:s30+$0x129B0] =	vst v11;
	v9 =	vld.idx.msk [tilespmem:v35+s16+$0x0], $0xffff  }
0x23a: {  	v39 =	vor.u32 $0x34, v3;
	v11 =	vld.idx.msk [tilespmem:v36+s16+$0x0], $0xffff  }
0x23b: {  	v40 =	vor.u32 $0x34, v4  }
0x23c: {  	[tilespmem:s30+$0x12A00] =	vst v5  }
0x23d: {  	v5 =	vld.idx.msk [tilespmem:v37+s16+$0x0], $0xffff;
	[tilespmem:s30+$0x12A10] =	vst v7  }
0x23e: {  	v41 =	vor.u32 $0x38, v1;
	v7 =	vld.idx.msk [tilespmem:v38+s16+$0x0], $0xffff;
	[tilespmem:s30+$0x12A20] =	vst v9  }
0x23f: {  	v42 =	vor.u32 $0x38, v2;
	[tilespmem:s30+$0x12A30] =	vst v11;
	v9 =	vld.idx.msk [tilespmem:v39+s16+$0x0], $0xffff  }
0x240: {  	v43 =	vor.u32 $0x38, v3;
	v11 =	vld.idx.msk [tilespmem:v40+s16+$0x0], $0xffff  }
0x241: {  	v44 =	vor.u32 $0x38, v4  }
0x242: {  	[tilespmem:s30+$0x12A80] =	vst v5  }
0x243: {  	v5 =	vld.idx.msk [tilespmem:v41+s16+$0x0], $0xffff;
	[tilespmem:s30+$0x12A90] =	vst v7  }
0x244: {  	v45 =	vor.u32 $0x3C, v1;
	v7 =	vld.idx.msk [tilespmem:v42+s16+$0x0], $0xffff;
	[tilespmem:s30+$0x12AA0] =	vst v9  }
0x245: {  	v46 =	vor.u32 $0x3C, v2;
	[tilespmem:s30+$0x12AB0] =	vst v11;
	v9 =	vld.idx.msk [tilespmem:v43+s16+$0x0], $0xffff  }
0x246: {  	v47 =	vor.u32 $0x3C, v3;
	v11 =	vld.idx.msk [tilespmem:v44+s16+$0x0], $0xffff  }
0x247: {  	v48 =	vor.u32 $0x3C, v4  }
0x248: {  	[tilespmem:s30+$0x12B00] =	vst v5  }
0x249: {  	v5 =	vld.idx.msk [tilespmem:v45+s16+$0x0], $0xffff;
	[tilespmem:s30+$0x12B10] =	vst v7  }
0x24a: {  	v49 =	vor.u32 $0x40, v1;
	v7 =	vld.idx.msk [tilespmem:v46+s16+$0x0], $0xffff;
	[tilespmem:s30+$0x12B20] =	vst v9  }
0x24b: {  	v50 =	vor.u32 $0x40, v2;
	[tilespmem:s30+$0x12B30] =	vst v11;
	v9 =	vld.idx.msk [tilespmem:v47+s16+$0x0], $0xffff  }
0x24c: {  	v51 =	vor.u32 $0x40, v3;
	v11 =	vld.idx.msk [tilespmem:v48+s16+$0x0], $0xffff  }
0x24d: {  	v52 =	vor.u32 $0x40, v4  }
0x24e: {  	[tilespmem:s30+$0x12B80] =	vst v5  }
0x24f: {  	v5 =	vld.idx.msk [tilespmem:v49+s16+$0x0], $0xffff;
	[tilespmem:s30+$0x12B90] =	vst v7  }
0x250: {  	v53 =	vor.u32 $0x44, v1;
	v7 =	vld.idx.msk [tilespmem:v50+s16+$0x0], $0xffff;
	[tilespmem:s30+$0x12BA0] =	vst v9  }
0x251: {  	v54 =	vor.u32 $0x44, v2;
	[tilespmem:s30+$0x12BB0] =	vst v11;
	v9 =	vld.idx.msk [tilespmem:v51+s16+$0x0], $0xffff  }
0x252: {  	v55 =	vor.u32 $0x44, v3;
	v11 =	vld.idx.msk [tilespmem:v52+s16+$0x0], $0xffff  }
0x253: {  	v56 =	vor.u32 $0x44, v4  }
0x254: {  	[tilespmem:s30+$0x12C00] =	vst v5  }
0x255: {  	v5 =	vld.idx.msk [tilespmem:v53+s16+$0x0], $0xffff;
	[tilespmem:s30+$0x12C10] =	vst v7  }
0x256: {  	v57 =	vor.u32 $0x48, v1;
	v7 =	vld.idx.msk [tilespmem:v54+s16+$0x0], $0xffff;
	[tilespmem:s30+$0x12C20] =	vst v9  }
0x257: {  	v58 =	vor.u32 $0x48, v2;
	[tilespmem:s30+$0x12C30] =	vst v11;
	v9 =	vld.idx.msk [tilespmem:v55+s16+$0x0], $0xffff  }
0x258: {  	v59 =	vor.u32 $0x48, v3;
	v11 =	vld.idx.msk [tilespmem:v56+s16+$0x0], $0xffff  }
0x259: {  	v60 =	vor.u32 $0x48, v4  }
0x25a: {  	[tilespmem:s30+$0x12C80] =	vst v5  }
0x25b: {  	v5 =	vld.idx.msk [tilespmem:v57+s16+$0x0], $0xffff;
	[tilespmem:s30+$0x12C90] =	vst v7  }
0x25c: {  	v61 =	vor.u32 $0x4C, v1;
	v7 =	vld.idx.msk [tilespmem:v58+s16+$0x0], $0xffff;
	[tilespmem:s30+$0x12CA0] =	vst v9  }
0x25d: {  	v62 =	vor.u32 $0x4C, v2;
	[tilespmem:s30+$0x12CB0] =	vst v11;
	v9 =	vld.idx.msk [tilespmem:v59+s16+$0x0], $0xffff  }
0x25e: {  	v63 =	vor.u32 $0x4C, v3;
	v11 =	vld.idx.msk [tilespmem:v60+s16+$0x0], $0xffff  }
0x25f: {  	v16 =	vor.u32 $0x4C, v4  }
0x260: {  	[tilespmem:s30+$0x12D00] =	vst v5  }
0x261: {  	v5 =	vld.idx.msk [tilespmem:v61+s16+$0x0], $0xffff;
	[tilespmem:s30+$0x12D10] =	vst v7  }
0x262: {  	v17 =	vor.u32 $0x50, v1;
	v7 =	vld.idx.msk [tilespmem:v62+s16+$0x0], $0xffff;
	[tilespmem:s30+$0x12D20] =	vst v9  }
0x263: {  	v18 =	vor.u32 $0x50, v2;
	[tilespmem:s30+$0x12D30] =	vst v11;
	v9 =	vld.idx.msk [tilespmem:v63+s16+$0x0], $0xffff  }
0x264: {  	v19 =	vor.u32 $0x50, v3;
	v11 =	vld.idx.msk [tilespmem:v16+s16+$0x0], $0xffff  }
0x265: {  	v20 =	vor.u32 $0x50, v4  }
0x266: {  	[tilespmem:s30+$0x12D80] =	vst v5  }
0x267: {  	v5 =	vld.idx.msk [tilespmem:v17+s16+$0x0], $0xffff;
	[tilespmem:s30+$0x12D90] =	vst v7  }
0x268: {  	v21 =	vor.u32 $0x54, v1;
	v7 =	vld.idx.msk [tilespmem:v18+s16+$0x0], $0xffff;
	[tilespmem:s30+$0x12DA0] =	vst v9  }
0x269: {  	v22 =	vor.u32 $0x54, v2;
	[tilespmem:s30+$0x12DB0] =	vst v11;
	v9 =	vld.idx.msk [tilespmem:v19+s16+$0x0], $0xffff  }
0x26a: {  	v23 =	vor.u32 $0x54, v3;
	v11 =	vld.idx.msk [tilespmem:v20+s16+$0x0], $0xffff  }
0x26b: {  	v24 =	vor.u32 $0x54, v4  }
0x26c: {  	[tilespmem:s30+$0x12E00] =	vst v5  }
0x26d: {  	v5 =	vld.idx.msk [tilespmem:v21+s16+$0x0], $0xffff;
	[tilespmem:s30+$0x12E10] =	vst v7  }
0x26e: {  	v25 =	vor.u32 $0x58, v1;
	v7 =	vld.idx.msk [tilespmem:v22+s16+$0x0], $0xffff;
	[tilespmem:s30+$0x12E20] =	vst v9  }
0x26f: {  	v26 =	vor.u32 $0x58, v2;
	[tilespmem:s30+$0x12E30] =	vst v11;
	v9 =	vld.idx.msk [tilespmem:v23+s16+$0x0], $0xffff  }
0x270: {  	v27 =	vor.u32 $0x58, v3;
	v11 =	vld.idx.msk [tilespmem:v24+s16+$0x0], $0xffff  }
0x271: {  	v28 =	vor.u32 $0x58, v4  }
0x272: {  	[tilespmem:s30+$0x12E80] =	vst v5  }
0x273: {  	v5 =	vld.idx.msk [tilespmem:v25+s16+$0x0], $0xffff;
	[tilespmem:s30+$0x12E90] =	vst v7  }
0x274: {  	v29 =	vor.u32 $0x5C, v1;
	v7 =	vld.idx.msk [tilespmem:v26+s16+$0x0], $0xffff;
	[tilespmem:s30+$0x12EA0] =	vst v9  }
0x275: {  	v30 =	vor.u32 $0x5C, v2;
	[tilespmem:s30+$0x12EB0] =	vst v11;
	v9 =	vld.idx.msk [tilespmem:v27+s16+$0x0], $0xffff  }
0x276: {  	v31 =	vor.u32 $0x5C, v3;
	v11 =	vld.idx.msk [tilespmem:v28+s16+$0x0], $0xffff  }
0x277: {  	v32 =	vor.u32 $0x5C, v4  }
0x278: {  	[tilespmem:s30+$0x12F00] =	vst v5  }
0x279: {  	v5 =	vld.idx.msk [tilespmem:v29+s16+$0x0], $0xffff;
	[tilespmem:s30+$0x12F10] =	vst v7  }
0x27a: {  	v33 =	vor.u32 $0x60, v1;
	v7 =	vld.idx.msk [tilespmem:v30+s16+$0x0], $0xffff;
	[tilespmem:s30+$0x12F20] =	vst v9  }
0x27b: {  	v34 =	vor.u32 $0x60, v2;
	[tilespmem:s30+$0x12F30] =	vst v11;
	v9 =	vld.idx.msk [tilespmem:v31+s16+$0x0], $0xffff  }
0x27c: {  	v35 =	vor.u32 $0x60, v3;
	v11 =	vld.idx.msk [tilespmem:v32+s16+$0x0], $0xffff  }
0x27d: {  	v36 =	vor.u32 $0x60, v4  }
0x27e: {  	[tilespmem:s30+$0x12F80] =	vst v5  }
0x27f: {  	v5 =	vld.idx.msk [tilespmem:v33+s16+$0x0], $0xffff;
	[tilespmem:s30+$0x12F90] =	vst v7  }
0x280: {  	v37 =	vor.u32 $0x64, v1;
	v7 =	vld.idx.msk [tilespmem:v34+s16+$0x0], $0xffff;
	[tilespmem:s30+$0x12FA0] =	vst v9  }
0x281: {  	v38 =	vor.u32 $0x64, v2;
	[tilespmem:s30+$0x12FB0] =	vst v11;
	v9 =	vld.idx.msk [tilespmem:v35+s16+$0x0], $0xffff  }
0x282: {  	v39 =	vor.u32 $0x64, v3;
	v11 =	vld.idx.msk [tilespmem:v36+s16+$0x0], $0xffff  }
0x283: {  	v40 =	vor.u32 $0x64, v4  }
0x284: {  	[tilespmem:s30+$0x13000] =	vst v5  }
0x285: {  	v5 =	vld.idx.msk [tilespmem:v37+s16+$0x0], $0xffff;
	[tilespmem:s30+$0x13010] =	vst v7  }
0x286: {  	v41 =	vor.u32 $0x68, v1;
	v7 =	vld.idx.msk [tilespmem:v38+s16+$0x0], $0xffff;
	[tilespmem:s30+$0x13020] =	vst v9  }
0x287: {  	v42 =	vor.u32 $0x68, v2;
	[tilespmem:s30+$0x13030] =	vst v11;
	v9 =	vld.idx.msk [tilespmem:v39+s16+$0x0], $0xffff  }
0x288: {  	v43 =	vor.u32 $0x68, v3;
	v11 =	vld.idx.msk [tilespmem:v40+s16+$0x0], $0xffff  }
0x289: {  	v44 =	vor.u32 $0x68, v4  }
0x28a: {  	[tilespmem:s30+$0x13080] =	vst v5  }
0x28b: {  	v5 =	vld.idx.msk [tilespmem:v41+s16+$0x0], $0xffff;
	[tilespmem:s30+$0x13090] =	vst v7  }
0x28c: {  	v45 =	vor.u32 $0x6C, v1;
	v7 =	vld.idx.msk [tilespmem:v42+s16+$0x0], $0xffff;
	[tilespmem:s30+$0x130A0] =	vst v9  }
0x28d: {  	v46 =	vor.u32 $0x6C, v2;
	[tilespmem:s30+$0x130B0] =	vst v11;
	v9 =	vld.idx.msk [tilespmem:v43+s16+$0x0], $0xffff  }
0x28e: {  	v47 =	vor.u32 $0x6C, v3;
	v11 =	vld.idx.msk [tilespmem:v44+s16+$0x0], $0xffff  }
0x28f: {  	v48 =	vor.u32 $0x6C, v4  }
0x290: {  	[tilespmem:s30+$0x13100] =	vst v5  }
0x291: {  	v5 =	vld.idx.msk [tilespmem:v45+s16+$0x0], $0xffff;
	[tilespmem:s30+$0x13110] =	vst v7  }
0x292: {  	v49 =	vor.u32 $0x70, v1;
	v7 =	vld.idx.msk [tilespmem:v46+s16+$0x0], $0xffff;
	[tilespmem:s30+$0x13120] =	vst v9  }
0x293: {  	v50 =	vor.u32 $0x70, v2;
	[tilespmem:s30+$0x13130] =	vst v11;
	v9 =	vld.idx.msk [tilespmem:v47+s16+$0x0], $0xffff  }
0x294: {  	v51 =	vor.u32 $0x70, v3;
	v11 =	vld.idx.msk [tilespmem:v48+s16+$0x0], $0xffff  }
0x295: {  	v52 =	vor.u32 $0x70, v4  }
0x296: {  	[tilespmem:s30+$0x13180] =	vst v5  }
0x297: {  	v5 =	vld.idx.msk [tilespmem:v49+s16+$0x0], $0xffff;
	[tilespmem:s30+$0x13190] =	vst v7  }
0x298: {  	v53 =	vor.u32 $0x74, v1;
	v7 =	vld.idx.msk [tilespmem:v50+s16+$0x0], $0xffff;
	[tilespmem:s30+$0x131A0] =	vst v9  }
0x299: {  	v54 =	vor.u32 $0x74, v2;
	[tilespmem:s30+$0x131B0] =	vst v11;
	v9 =	vld.idx.msk [tilespmem:v51+s16+$0x0], $0xffff  }
0x29a: {  	v55 =	vor.u32 $0x74, v3;
	v11 =	vld.idx.msk [tilespmem:v52+s16+$0x0], $0xffff  }
0x29b: {  	v56 =	vor.u32 $0x74, v4  }
0x29c: {  	[tilespmem:s30+$0x13200] =	vst v5  }
0x29d: {  	v5 =	vld.idx.msk [tilespmem:v53+s16+$0x0], $0xffff;
	[tilespmem:s30+$0x13210] =	vst v7  }
0x29e: {  	v57 =	vor.u32 $0x78, v1;
	v7 =	vld.idx.msk [tilespmem:v54+s16+$0x0], $0xffff;
	[tilespmem:s30+$0x13220] =	vst v9  }
0x29f: {  	v58 =	vor.u32 $0x78, v2;
	[tilespmem:s30+$0x13230] =	vst v11;
	v9 =	vld.idx.msk [tilespmem:v55+s16+$0x0], $0xffff  }
0x2a0: {  	v59 =	vor.u32 $0x78, v3;
	v11 =	vld.idx.msk [tilespmem:v56+s16+$0x0], $0xffff  }
0x2a1: {  	v60 =	vor.u32 $0x78, v4  }
0x2a2: {  	[tilespmem:s30+$0x13280] =	vst v5  }
0x2a3: {  	v5 =	vld.idx.msk [tilespmem:v57+s16+$0x0], $0xffff;
	[tilespmem:s30+$0x13290] =	vst v7  }
0x2a4: {  	v1 =	vor.u32 $0x7C, v1;
	v61 =	vld.idx.msk [tilespmem:v58+s16+$0x0], $0xffff;
	[tilespmem:s30+$0x132A0] =	vst v9  }
0x2a5: {  	v2 =	vor.u32 $0x7C, v2;
	[tilespmem:s30+$0x132B0] =	vst v11;
	v62 =	vld.idx.msk [tilespmem:v59+s16+$0x0], $0xffff  }
0x2a6: {  	v3 =	vor.u32 $0x7C, v3;
	v63 =	vld.idx.msk [tilespmem:v60+s16+$0x0], $0xffff  }
0x2a7: {  	v4 =	vor.u32 $0x7C, v4  }
0x2a8: {  	[tilespmem:s30+$0x13300] =	vst v5  }
0x2a9: {  	v1 =	vld.idx.msk [tilespmem:v1+s16+$0x0], $0xffff;
	[tilespmem:s30+$0x13310] =	vst v61  }
0x2aa: {  	v2 =	vld.idx.msk [tilespmem:v2+s16+$0x0], $0xffff;
	[tilespmem:s30+$0x13320] =	vst v62  }
0x2ab: {  	[tilespmem:s30+$0x13330] =	vst v63;
	v3 =	vld.idx.msk [tilespmem:v3+s16+$0x0], $0xffff  }
0x2ac: {  	p1 =	por p0, p0;
	v4 =	vld.idx.msk [tilespmem:v4+s16+$0x0], $0xffff  }
.Ltmp3:
0x2ad: {  	_ = 	snop;
	(pc) =	sbr.rel @p1 .LBB2_9-.Ltmp3, $4  }
0x2ae: {  	[tilespmem:s30+$0x13380] =	vst v1  }
0x2af: {  	[tilespmem:s30+$0x13390] =	vst v2  }
0x2b0: {  	[tilespmem:s30+$0x133A0] =	vst v3  }
0x2b1: {  	p0 =	por $0x0, $0x0;
	[tilespmem:s30+$0x133B0] =	vst v4;
	s30 =	simm.s32 $0x40  }
0x2b2: {  	s0 =	sadd.s32 $0x100, s29  }
0x2b3: {  	[hbm4b:s0+s10] =	stream.strided.scatter [tilespmem:s25], [sflag:$0x7], $0x1000, s20, s10, $0x38;
	[tilespmem:$0x14400] =	vst v63  }
0x2b4: {  	_ =	swait.ge [sflag:s26], $0x4000  }
0x2b5: {  	[sflag:s26] =	ssyncset.done $0x0  }
0x2b6: {  	s30 =	simm.s32 $0x0;
	p0 =	por $0x1, $0x1;
	[sflag:s26] =	ssyncadd.s32 $0xFFFFC000  }
.LBB2_11:
0x2b7: {  	v1 =	vld [tilespmem:s30+$0x180];
	_ =	sdelay $0x1  }
0x2b8: {  	v2 =	vld [tilespmem:s30+$0x190]  }
0x2b9: {  	v3 =	vmov s30  }
0x2ba: {  	s0 =	sor.u32 $0x10, s30;
	v4 =	vld [tilespmem:s30+$0x1A0];
	v3 =	vshll.u32 v3, $0x7  }
0x2bb: {  	v6 =	vld [tilespmem:s30+$0x1B0];
	v5 =	vmov s0;
	v3 =	vor.u32 v0, v3;
	v1 =	vand.u32 $0x3, v1  }
0x2bc: {  	s31 =	sor.u32 $0x20, s30;
	v1 =	vor.u32 v3, v1;
	v3 =	vshll.u32 v5, $0x7  }
0x2bd: {  	v36 =	vmov s31;
	s31 =	sor.u32 $0x30, s30;
	v2 =	vand.u32 $0x3, v2;
	v3 =	vor.u32 v0, v3  }
0x2be: {  	v37 =	vmov s31;
	v2 =	vor.u32 v3, v2;
	v3 =	vshll.u32 v36, $0x7  }
0x2bf: {  	v4 =	vand.u32 $0x3, v4;
	v5 =	vshll.u32 v37, $0x7;
	v3 =	vor.u32 v0, v3  }
0x2c0: {  	v38 =	vand.u32 $0x3, v6;
	v5 =	vor.u32 v0, v5;
	v3 =	vor.u32 v3, v4  }
0x2c1: {  	v4 =	vor.u32 v5, v38;
	_ =	sdelay $0x1  }
0x2c2: {  	v39 =	vld.idx.msk [tilespmem:v1+s18+$0x0], $0xffff  }
0x2c3: {  	v40 =	vor.u32 $0x4, v1;
	v7 =	vld.idx.msk [tilespmem:v2+s18+$0x0], $0xffff  }
0x2c4: {  	v8 =	vor.u32 $0x4, v2;
	v9 =	vld.idx.msk [tilespmem:v3+s18+$0x0], $0xffff  }
0x2c5: {  	v10 =	vor.u32 $0x4, v3;
	v11 =	vld.idx.msk [tilespmem:v4+s18+$0x0], $0xffff  }
0x2c6: {  	v12 =	vor.u32 $0x4, v4  }
0x2c7: {  	[tilespmem:s30+$0x13400] =	vst v39  }
0x2c8: {  	v5 =	vld.idx.msk [tilespmem:v40+s18+$0x0], $0xffff;
	[tilespmem:s30+$0x13410] =	vst v7  }
0x2c9: {  	v41 =	vor.u32 $0x8, v1;
	v7 =	vld.idx.msk [tilespmem:v8+s18+$0x0], $0xffff;
	[tilespmem:s30+$0x13420] =	vst v9  }
0x2ca: {  	v42 =	vor.u32 $0x8, v2;
	[tilespmem:s30+$0x13430] =	vst v11;
	v9 =	vld.idx.msk [tilespmem:v10+s18+$0x0], $0xffff  }
0x2cb: {  	v43 =	vor.u32 $0x8, v3;
	v11 =	vld.idx.msk [tilespmem:v12+s18+$0x0], $0xffff  }
0x2cc: {  	v44 =	vor.u32 $0x8, v4  }
0x2cd: {  	[tilespmem:s30+$0x13480] =	vst v5  }
0x2ce: {  	v5 =	vld.idx.msk [tilespmem:v41+s18+$0x0], $0xffff;
	[tilespmem:s30+$0x13490] =	vst v7  }
0x2cf: {  	v45 =	vor.u32 $0xC, v1;
	v7 =	vld.idx.msk [tilespmem:v42+s18+$0x0], $0xffff;
	[tilespmem:s30+$0x134A0] =	vst v9  }
0x2d0: {  	v46 =	vor.u32 $0xC, v2;
	[tilespmem:s30+$0x134B0] =	vst v11;
	v9 =	vld.idx.msk [tilespmem:v43+s18+$0x0], $0xffff  }
0x2d1: {  	v47 =	vor.u32 $0xC, v3;
	v11 =	vld.idx.msk [tilespmem:v44+s18+$0x0], $0xffff  }
0x2d2: {  	v48 =	vor.u32 $0xC, v4  }
0x2d3: {  	[tilespmem:s30+$0x13500] =	vst v5  }
0x2d4: {  	v5 =	vld.idx.msk [tilespmem:v45+s18+$0x0], $0xffff;
	[tilespmem:s30+$0x13510] =	vst v7  }
0x2d5: {  	v49 =	vor.u32 $0x10, v1;
	v7 =	vld.idx.msk [tilespmem:v46+s18+$0x0], $0xffff;
	[tilespmem:s30+$0x13520] =	vst v9  }
0x2d6: {  	v50 =	vor.u32 $0x10, v2;
	[tilespmem:s30+$0x13530] =	vst v11;
	v9 =	vld.idx.msk [tilespmem:v47+s18+$0x0], $0xffff  }
0x2d7: {  	v51 =	vor.u32 $0x10, v3;
	v11 =	vld.idx.msk [tilespmem:v48+s18+$0x0], $0xffff  }
0x2d8: {  	v52 =	vor.u32 $0x10, v4  }
0x2d9: {  	[tilespmem:s30+$0x13580] =	vst v5  }
0x2da: {  	v5 =	vld.idx.msk [tilespmem:v49+s18+$0x0], $0xffff;
	[tilespmem:s30+$0x13590] =	vst v7  }
0x2db: {  	v53 =	vor.u32 $0x14, v1;
	v7 =	vld.idx.msk [tilespmem:v50+s18+$0x0], $0xffff;
	[tilespmem:s30+$0x135A0] =	vst v9  }
0x2dc: {  	v54 =	vor.u32 $0x14, v2;
	[tilespmem:s30+$0x135B0] =	vst v11;
	v9 =	vld.idx.msk [tilespmem:v51+s18+$0x0], $0xffff  }
0x2dd: {  	v55 =	vor.u32 $0x14, v3;
	v11 =	vld.idx.msk [tilespmem:v52+s18+$0x0], $0xffff  }
0x2de: {  	v56 =	vor.u32 $0x14, v4  }
0x2df: {  	[tilespmem:s30+$0x13600] =	vst v5  }
0x2e0: {  	v5 =	vld.idx.msk [tilespmem:v53+s18+$0x0], $0xffff;
	[tilespmem:s30+$0x13610] =	vst v7  }
0x2e1: {  	v57 =	vor.u32 $0x18, v1;
	v7 =	vld.idx.msk [tilespmem:v54+s18+$0x0], $0xffff;
	[tilespmem:s30+$0x13620] =	vst v9  }
0x2e2: {  	v58 =	vor.u32 $0x18, v2;
	[tilespmem:s30+$0x13630] =	vst v11;
	v9 =	vld.idx.msk [tilespmem:v55+s18+$0x0], $0xffff  }
0x2e3: {  	v59 =	vor.u32 $0x18, v3;
	v11 =	vld.idx.msk [tilespmem:v56+s18+$0x0], $0xffff  }
0x2e4: {  	v60 =	vor.u32 $0x18, v4  }
0x2e5: {  	[tilespmem:s30+$0x13680] =	vst v5  }
0x2e6: {  	v5 =	vld.idx.msk [tilespmem:v57+s18+$0x0], $0xffff;
	[tilespmem:s30+$0x13690] =	vst v7  }
0x2e7: {  	v61 =	vor.u32 $0x1C, v1;
	v7 =	vld.idx.msk [tilespmem:v58+s18+$0x0], $0xffff;
	[tilespmem:s30+$0x136A0] =	vst v9  }
0x2e8: {  	v62 =	vor.u32 $0x1C, v2;
	[tilespmem:s30+$0x136B0] =	vst v11;
	v9 =	vld.idx.msk [tilespmem:v59+s18+$0x0], $0xffff  }
0x2e9: {  	v63 =	vor.u32 $0x1C, v3;
	v11 =	vld.idx.msk [tilespmem:v60+s18+$0x0], $0xffff  }
0x2ea: {  	v16 =	vor.u32 $0x1C, v4  }
0x2eb: {  	[tilespmem:s30+$0x13700] =	vst v5  }
0x2ec: {  	v5 =	vld.idx.msk [tilespmem:v61+s18+$0x0], $0xffff;
	[tilespmem:s30+$0x13710] =	vst v7  }
0x2ed: {  	v17 =	vor.u32 $0x20, v1;
	v7 =	vld.idx.msk [tilespmem:v62+s18+$0x0], $0xffff;
	[tilespmem:s30+$0x13720] =	vst v9  }
0x2ee: {  	v18 =	vor.u32 $0x20, v2;
	[tilespmem:s30+$0x13730] =	vst v11;
	v9 =	vld.idx.msk [tilespmem:v63+s18+$0x0], $0xffff  }
0x2ef: {  	v19 =	vor.u32 $0x20, v3;
	v11 =	vld.idx.msk [tilespmem:v16+s18+$0x0], $0xffff  }
0x2f0: {  	v20 =	vor.u32 $0x20, v4  }
0x2f1: {  	[tilespmem:s30+$0x13780] =	vst v5  }
0x2f2: {  	v5 =	vld.idx.msk [tilespmem:v17+s18+$0x0], $0xffff;
	[tilespmem:s30+$0x13790] =	vst v7  }
0x2f3: {  	v21 =	vor.u32 $0x24, v1;
	v7 =	vld.idx.msk [tilespmem:v18+s18+$0x0], $0xffff;
	[tilespmem:s30+$0x137A0] =	vst v9  }
0x2f4: {  	v22 =	vor.u32 $0x24, v2;
	[tilespmem:s30+$0x137B0] =	vst v11;
	v9 =	vld.idx.msk [tilespmem:v19+s18+$0x0], $0xffff  }
0x2f5: {  	v23 =	vor.u32 $0x24, v3;
	v11 =	vld.idx.msk [tilespmem:v20+s18+$0x0], $0xffff  }
0x2f6: {  	v24 =	vor.u32 $0x24, v4  }
0x2f7: {  	[tilespmem:s30+$0x13800] =	vst v5  }
0x2f8: {  	v5 =	vld.idx.msk [tilespmem:v21+s18+$0x0], $0xffff;
	[tilespmem:s30+$0x13810] =	vst v7  }
0x2f9: {  	v25 =	vor.u32 $0x28, v1;
	v7 =	vld.idx.msk [tilespmem:v22+s18+$0x0], $0xffff;
	[tilespmem:s30+$0x13820] =	vst v9  }
0x2fa: {  	v26 =	vor.u32 $0x28, v2;
	[tilespmem:s30+$0x13830] =	vst v11;
	v9 =	vld.idx.msk [tilespmem:v23+s18+$0x0], $0xffff  }
0x2fb: {  	v27 =	vor.u32 $0x28, v3;
	v11 =	vld.idx.msk [tilespmem:v24+s18+$0x0], $0xffff  }
0x2fc: {  	v28 =	vor.u32 $0x28, v4  }
0x2fd: {  	[tilespmem:s30+$0x13880] =	vst v5  }
0x2fe: {  	v5 =	vld.idx.msk [tilespmem:v25+s18+$0x0], $0xffff;
	[tilespmem:s30+$0x13890] =	vst v7  }
0x2ff: {  	v29 =	vor.u32 $0x2C, v1;
	v7 =	vld.idx.msk [tilespmem:v26+s18+$0x0], $0xffff;
	[tilespmem:s30+$0x138A0] =	vst v9  }
0x300: {  	v30 =	vor.u32 $0x2C, v2;
	[tilespmem:s30+$0x138B0] =	vst v11;
	v9 =	vld.idx.msk [tilespmem:v27+s18+$0x0], $0xffff  }
0x301: {  	v31 =	vor.u32 $0x2C, v3;
	v11 =	vld.idx.msk [tilespmem:v28+s18+$0x0], $0xffff  }
0x302: {  	v32 =	vor.u32 $0x2C, v4  }
0x303: {  	[tilespmem:s30+$0x13900] =	vst v5  }
0x304: {  	v5 =	vld.idx.msk [tilespmem:v29+s18+$0x0], $0xffff;
	[tilespmem:s30+$0x13910] =	vst v7  }
0x305: {  	v33 =	vor.u32 $0x30, v1;
	v7 =	vld.idx.msk [tilespmem:v30+s18+$0x0], $0xffff;
	[tilespmem:s30+$0x13920] =	vst v9  }
0x306: {  	v34 =	vor.u32 $0x30, v2;
	[tilespmem:s30+$0x13930] =	vst v11;
	v9 =	vld.idx.msk [tilespmem:v31+s18+$0x0], $0xffff  }
0x307: {  	v35 =	vor.u32 $0x30, v3;
	v11 =	vld.idx.msk [tilespmem:v32+s18+$0x0], $0xffff  }
0x308: {  	v36 =	vor.u32 $0x30, v4  }
0x309: {  	[tilespmem:s30+$0x13980] =	vst v5  }
0x30a: {  	v5 =	vld.idx.msk [tilespmem:v33+s18+$0x0], $0xffff;
	[tilespmem:s30+$0x13990] =	vst v7  }
0x30b: {  	v37 =	vor.u32 $0x34, v1;
	v7 =	vld.idx.msk [tilespmem:v34+s18+$0x0], $0xffff;
	[tilespmem:s30+$0x139A0] =	vst v9  }
0x30c: {  	v38 =	vor.u32 $0x34, v2;
	[tilespmem:s30+$0x139B0] =	vst v11;
	v9 =	vld.idx.msk [tilespmem:v35+s18+$0x0], $0xffff  }
0x30d: {  	v39 =	vor.u32 $0x34, v3;
	v11 =	vld.idx.msk [tilespmem:v36+s18+$0x0], $0xffff  }
0x30e: {  	v40 =	vor.u32 $0x34, v4  }
0x30f: {  	[tilespmem:s30+$0x13A00] =	vst v5  }
0x310: {  	v5 =	vld.idx.msk [tilespmem:v37+s18+$0x0], $0xffff;
	[tilespmem:s30+$0x13A10] =	vst v7  }
0x311: {  	v41 =	vor.u32 $0x38, v1;
	v7 =	vld.idx.msk [tilespmem:v38+s18+$0x0], $0xffff;
	[tilespmem:s30+$0x13A20] =	vst v9  }
0x312: {  	v42 =	vor.u32 $0x38, v2;
	[tilespmem:s30+$0x13A30] =	vst v11;
	v9 =	vld.idx.msk [tilespmem:v39+s18+$0x0], $0xffff  }
0x313: {  	v43 =	vor.u32 $0x38, v3;
	v11 =	vld.idx.msk [tilespmem:v40+s18+$0x0], $0xffff  }
0x314: {  	v44 =	vor.u32 $0x38, v4  }
0x315: {  	[tilespmem:s30+$0x13A80] =	vst v5  }
0x316: {  	v5 =	vld.idx.msk [tilespmem:v41+s18+$0x0], $0xffff;
	[tilespmem:s30+$0x13A90] =	vst v7  }
0x317: {  	v45 =	vor.u32 $0x3C, v1;
	v7 =	vld.idx.msk [tilespmem:v42+s18+$0x0], $0xffff;
	[tilespmem:s30+$0x13AA0] =	vst v9  }
0x318: {  	v46 =	vor.u32 $0x3C, v2;
	[tilespmem:s30+$0x13AB0] =	vst v11;
	v9 =	vld.idx.msk [tilespmem:v43+s18+$0x0], $0xffff  }
0x319: {  	v47 =	vor.u32 $0x3C, v3;
	v11 =	vld.idx.msk [tilespmem:v44+s18+$0x0], $0xffff  }
0x31a: {  	v48 =	vor.u32 $0x3C, v4  }
0x31b: {  	[tilespmem:s30+$0x13B00] =	vst v5  }
0x31c: {  	v5 =	vld.idx.msk [tilespmem:v45+s18+$0x0], $0xffff;
	[tilespmem:s30+$0x13B10] =	vst v7  }
0x31d: {  	v49 =	vor.u32 $0x40, v1;
	v7 =	vld.idx.msk [tilespmem:v46+s18+$0x0], $0xffff;
	[tilespmem:s30+$0x13B20] =	vst v9  }
0x31e: {  	v50 =	vor.u32 $0x40, v2;
	[tilespmem:s30+$0x13B30] =	vst v11;
	v9 =	vld.idx.msk [tilespmem:v47+s18+$0x0], $0xffff  }
0x31f: {  	v51 =	vor.u32 $0x40, v3;
	v11 =	vld.idx.msk [tilespmem:v48+s18+$0x0], $0xffff  }
0x320: {  	v52 =	vor.u32 $0x40, v4  }
0x321: {  	[tilespmem:s30+$0x13B80] =	vst v5  }
0x322: {  	v5 =	vld.idx.msk [tilespmem:v49+s18+$0x0], $0xffff;
	[tilespmem:s30+$0x13B90] =	vst v7  }
0x323: {  	v53 =	vor.u32 $0x44, v1;
	v7 =	vld.idx.msk [tilespmem:v50+s18+$0x0], $0xffff;
	[tilespmem:s30+$0x13BA0] =	vst v9  }
0x324: {  	v54 =	vor.u32 $0x44, v2;
	[tilespmem:s30+$0x13BB0] =	vst v11;
	v9 =	vld.idx.msk [tilespmem:v51+s18+$0x0], $0xffff  }
0x325: {  	v55 =	vor.u32 $0x44, v3;
	v11 =	vld.idx.msk [tilespmem:v52+s18+$0x0], $0xffff  }
0x326: {  	v56 =	vor.u32 $0x44, v4  }
0x327: {  	[tilespmem:s30+$0x13C00] =	vst v5  }
0x328: {  	v5 =	vld.idx.msk [tilespmem:v53+s18+$0x0], $0xffff;
	[tilespmem:s30+$0x13C10] =	vst v7  }
0x329: {  	v57 =	vor.u32 $0x48, v1;
	v7 =	vld.idx.msk [tilespmem:v54+s18+$0x0], $0xffff;
	[tilespmem:s30+$0x13C20] =	vst v9  }
0x32a: {  	v58 =	vor.u32 $0x48, v2;
	[tilespmem:s30+$0x13C30] =	vst v11;
	v9 =	vld.idx.msk [tilespmem:v55+s18+$0x0], $0xffff  }
0x32b: {  	v59 =	vor.u32 $0x48, v3;
	v11 =	vld.idx.msk [tilespmem:v56+s18+$0x0], $0xffff  }
0x32c: {  	v60 =	vor.u32 $0x48, v4  }
0x32d: {  	[tilespmem:s30+$0x13C80] =	vst v5  }
0x32e: {  	v5 =	vld.idx.msk [tilespmem:v57+s18+$0x0], $0xffff;
	[tilespmem:s30+$0x13C90] =	vst v7  }
0x32f: {  	v61 =	vor.u32 $0x4C, v1;
	v7 =	vld.idx.msk [tilespmem:v58+s18+$0x0], $0xffff;
	[tilespmem:s30+$0x13CA0] =	vst v9  }
0x330: {  	v62 =	vor.u32 $0x4C, v2;
	[tilespmem:s30+$0x13CB0] =	vst v11;
	v9 =	vld.idx.msk [tilespmem:v59+s18+$0x0], $0xffff  }
0x331: {  	v63 =	vor.u32 $0x4C, v3;
	v11 =	vld.idx.msk [tilespmem:v60+s18+$0x0], $0xffff  }
0x332: {  	v16 =	vor.u32 $0x4C, v4  }
0x333: {  	[tilespmem:s30+$0x13D00] =	vst v5  }
0x334: {  	v5 =	vld.idx.msk [tilespmem:v61+s18+$0x0], $0xffff;
	[tilespmem:s30+$0x13D10] =	vst v7  }
0x335: {  	v17 =	vor.u32 $0x50, v1;
	v7 =	vld.idx.msk [tilespmem:v62+s18+$0x0], $0xffff;
	[tilespmem:s30+$0x13D20] =	vst v9  }
0x336: {  	v18 =	vor.u32 $0x50, v2;
	[tilespmem:s30+$0x13D30] =	vst v11;
	v9 =	vld.idx.msk [tilespmem:v63+s18+$0x0], $0xffff  }
0x337: {  	v19 =	vor.u32 $0x50, v3;
	v11 =	vld.idx.msk [tilespmem:v16+s18+$0x0], $0xffff  }
0x338: {  	v20 =	vor.u32 $0x50, v4  }
0x339: {  	[tilespmem:s30+$0x13D80] =	vst v5  }
0x33a: {  	v5 =	vld.idx.msk [tilespmem:v17+s18+$0x0], $0xffff;
	[tilespmem:s30+$0x13D90] =	vst v7  }
0x33b: {  	v21 =	vor.u32 $0x54, v1;
	v7 =	vld.idx.msk [tilespmem:v18+s18+$0x0], $0xffff;
	[tilespmem:s30+$0x13DA0] =	vst v9  }
0x33c: {  	v22 =	vor.u32 $0x54, v2;
	[tilespmem:s30+$0x13DB0] =	vst v11;
	v9 =	vld.idx.msk [tilespmem:v19+s18+$0x0], $0xffff  }
0x33d: {  	v23 =	vor.u32 $0x54, v3;
	v11 =	vld.idx.msk [tilespmem:v20+s18+$0x0], $0xffff  }
0x33e: {  	v24 =	vor.u32 $0x54, v4  }
0x33f: {  	[tilespmem:s30+$0x13E00] =	vst v5  }
0x340: {  	v5 =	vld.idx.msk [tilespmem:v21+s18+$0x0], $0xffff;
	[tilespmem:s30+$0x13E10] =	vst v7  }
0x341: {  	v25 =	vor.u32 $0x58, v1;
	v7 =	vld.idx.msk [tilespmem:v22+s18+$0x0], $0xffff;
	[tilespmem:s30+$0x13E20] =	vst v9  }
0x342: {  	v26 =	vor.u32 $0x58, v2;
	[tilespmem:s30+$0x13E30] =	vst v11;
	v9 =	vld.idx.msk [tilespmem:v23+s18+$0x0], $0xffff  }
0x343: {  	v27 =	vor.u32 $0x58, v3;
	v11 =	vld.idx.msk [tilespmem:v24+s18+$0x0], $0xffff  }
0x344: {  	v28 =	vor.u32 $0x58, v4  }
0x345: {  	[tilespmem:s30+$0x13E80] =	vst v5  }
0x346: {  	v5 =	vld.idx.msk [tilespmem:v25+s18+$0x0], $0xffff;
	[tilespmem:s30+$0x13E90] =	vst v7  }
0x347: {  	v29 =	vor.u32 $0x5C, v1;
	v7 =	vld.idx.msk [tilespmem:v26+s18+$0x0], $0xffff;
	[tilespmem:s30+$0x13EA0] =	vst v9  }
0x348: {  	v30 =	vor.u32 $0x5C, v2;
	[tilespmem:s30+$0x13EB0] =	vst v11;
	v9 =	vld.idx.msk [tilespmem:v27+s18+$0x0], $0xffff  }
0x349: {  	v31 =	vor.u32 $0x5C, v3;
	v11 =	vld.idx.msk [tilespmem:v28+s18+$0x0], $0xffff  }
0x34a: {  	v32 =	vor.u32 $0x5C, v4  }
0x34b: {  	[tilespmem:s30+$0x13F00] =	vst v5  }
0x34c: {  	v5 =	vld.idx.msk [tilespmem:v29+s18+$0x0], $0xffff;
	[tilespmem:s30+$0x13F10] =	vst v7  }
0x34d: {  	v33 =	vor.u32 $0x60, v1;
	v7 =	vld.idx.msk [tilespmem:v30+s18+$0x0], $0xffff;
	[tilespmem:s30+$0x13F20] =	vst v9  }
0x34e: {  	v34 =	vor.u32 $0x60, v2;
	[tilespmem:s30+$0x13F30] =	vst v11;
	v9 =	vld.idx.msk [tilespmem:v31+s18+$0x0], $0xffff  }
0x34f: {  	v35 =	vor.u32 $0x60, v3;
	v11 =	vld.idx.msk [tilespmem:v32+s18+$0x0], $0xffff  }
0x350: {  	v36 =	vor.u32 $0x60, v4  }
0x351: {  	[tilespmem:s30+$0x13F80] =	vst v5  }
0x352: {  	v5 =	vld.idx.msk [tilespmem:v33+s18+$0x0], $0xffff;
	[tilespmem:s30+$0x13F90] =	vst v7  }
0x353: {  	v37 =	vor.u32 $0x64, v1;
	v7 =	vld.idx.msk [tilespmem:v34+s18+$0x0], $0xffff;
	[tilespmem:s30+$0x13FA0] =	vst v9  }
0x354: {  	v38 =	vor.u32 $0x64, v2;
	[tilespmem:s30+$0x13FB0] =	vst v11;
	v9 =	vld.idx.msk [tilespmem:v35+s18+$0x0], $0xffff  }
0x355: {  	v39 =	vor.u32 $0x64, v3;
	v11 =	vld.idx.msk [tilespmem:v36+s18+$0x0], $0xffff  }
0x356: {  	v40 =	vor.u32 $0x64, v4  }
0x357: {  	[tilespmem:s30+$0x14000] =	vst v5  }
0x358: {  	v5 =	vld.idx.msk [tilespmem:v37+s18+$0x0], $0xffff;
	[tilespmem:s30+$0x14010] =	vst v7  }
0x359: {  	v41 =	vor.u32 $0x68, v1;
	v7 =	vld.idx.msk [tilespmem:v38+s18+$0x0], $0xffff;
	[tilespmem:s30+$0x14020] =	vst v9  }
0x35a: {  	v42 =	vor.u32 $0x68, v2;
	[tilespmem:s30+$0x14030] =	vst v11;
	v9 =	vld.idx.msk [tilespmem:v39+s18+$0x0], $0xffff  }
0x35b: {  	v43 =	vor.u32 $0x68, v3;
	v11 =	vld.idx.msk [tilespmem:v40+s18+$0x0], $0xffff  }
0x35c: {  	v44 =	vor.u32 $0x68, v4  }
0x35d: {  	[tilespmem:s30+$0x14080] =	vst v5  }
0x35e: {  	v5 =	vld.idx.msk [tilespmem:v41+s18+$0x0], $0xffff;
	[tilespmem:s30+$0x14090] =	vst v7  }
0x35f: {  	v45 =	vor.u32 $0x6C, v1;
	v7 =	vld.idx.msk [tilespmem:v42+s18+$0x0], $0xffff;
	[tilespmem:s30+$0x140A0] =	vst v9  }
0x360: {  	v46 =	vor.u32 $0x6C, v2;
	[tilespmem:s30+$0x140B0] =	vst v11;
	v9 =	vld.idx.msk [tilespmem:v43+s18+$0x0], $0xffff  }
0x361: {  	v47 =	vor.u32 $0x6C, v3;
	v11 =	vld.idx.msk [tilespmem:v44+s18+$0x0], $0xffff  }
0x362: {  	v48 =	vor.u32 $0x6C, v4  }
0x363: {  	[tilespmem:s30+$0x14100] =	vst v5  }
0x364: {  	v5 =	vld.idx.msk [tilespmem:v45+s18+$0x0], $0xffff;
	[tilespmem:s30+$0x14110] =	vst v7  }
0x365: {  	v49 =	vor.u32 $0x70, v1;
	v7 =	vld.idx.msk [tilespmem:v46+s18+$0x0], $0xffff;
	[tilespmem:s30+$0x14120] =	vst v9  }
0x366: {  	v50 =	vor.u32 $0x70, v2;
	[tilespmem:s30+$0x14130] =	vst v11;
	v9 =	vld.idx.msk [tilespmem:v47+s18+$0x0], $0xffff  }
0x367: {  	v51 =	vor.u32 $0x70, v3;
	v11 =	vld.idx.msk [tilespmem:v48+s18+$0x0], $0xffff  }
0x368: {  	v52 =	vor.u32 $0x70, v4  }
0x369: {  	[tilespmem:s30+$0x14180] =	vst v5  }
0x36a: {  	v5 =	vld.idx.msk [tilespmem:v49+s18+$0x0], $0xffff;
	[tilespmem:s30+$0x14190] =	vst v7  }
0x36b: {  	v53 =	vor.u32 $0x74, v1;
	v7 =	vld.idx.msk [tilespmem:v50+s18+$0x0], $0xffff;
	[tilespmem:s30+$0x141A0] =	vst v9  }
0x36c: {  	v54 =	vor.u32 $0x74, v2;
	[tilespmem:s30+$0x141B0] =	vst v11;
	v9 =	vld.idx.msk [tilespmem:v51+s18+$0x0], $0xffff  }
0x36d: {  	v55 =	vor.u32 $0x74, v3;
	v11 =	vld.idx.msk [tilespmem:v52+s18+$0x0], $0xffff  }
0x36e: {  	v56 =	vor.u32 $0x74, v4  }
0x36f: {  	[tilespmem:s30+$0x14200] =	vst v5  }
0x370: {  	v5 =	vld.idx.msk [tilespmem:v53+s18+$0x0], $0xffff;
	[tilespmem:s30+$0x14210] =	vst v7  }
0x371: {  	v57 =	vor.u32 $0x78, v1;
	v7 =	vld.idx.msk [tilespmem:v54+s18+$0x0], $0xffff;
	[tilespmem:s30+$0x14220] =	vst v9  }
0x372: {  	v58 =	vor.u32 $0x78, v2;
	[tilespmem:s30+$0x14230] =	vst v11;
	v9 =	vld.idx.msk [tilespmem:v55+s18+$0x0], $0xffff  }
0x373: {  	v59 =	vor.u32 $0x78, v3;
	v11 =	vld.idx.msk [tilespmem:v56+s18+$0x0], $0xffff  }
0x374: {  	v60 =	vor.u32 $0x78, v4  }
0x375: {  	[tilespmem:s30+$0x14280] =	vst v5  }
0x376: {  	v5 =	vld.idx.msk [tilespmem:v57+s18+$0x0], $0xffff;
	[tilespmem:s30+$0x14290] =	vst v7  }
0x377: {  	v1 =	vor.u32 $0x7C, v1;
	v61 =	vld.idx.msk [tilespmem:v58+s18+$0x0], $0xffff;
	[tilespmem:s30+$0x142A0] =	vst v9  }
0x378: {  	v2 =	vor.u32 $0x7C, v2;
	[tilespmem:s30+$0x142B0] =	vst v11;
	v62 =	vld.idx.msk [tilespmem:v59+s18+$0x0], $0xffff  }
0x379: {  	v3 =	vor.u32 $0x7C, v3;
	v63 =	vld.idx.msk [tilespmem:v60+s18+$0x0], $0xffff  }
0x37a: {  	v4 =	vor.u32 $0x7C, v4  }
0x37b: {  	[tilespmem:s30+$0x14300] =	vst v5  }
0x37c: {  	v1 =	vld.idx.msk [tilespmem:v1+s18+$0x0], $0xffff;
	[tilespmem:s30+$0x14310] =	vst v61  }
0x37d: {  	v2 =	vld.idx.msk [tilespmem:v2+s18+$0x0], $0xffff;
	[tilespmem:s30+$0x14320] =	vst v62  }
0x37e: {  	[tilespmem:s30+$0x14330] =	vst v63;
	v3 =	vld.idx.msk [tilespmem:v3+s18+$0x0], $0xffff  }
0x37f: {  	p1 =	por p0, p0;
	v4 =	vld.idx.msk [tilespmem:v4+s18+$0x0], $0xffff  }
.Ltmp4:
0x380: {  	_ = 	snop;
	(pc) =	sbr.rel @p1 .LBB2_11-.Ltmp4, $4  }
0x381: {  	[tilespmem:s30+$0x14380] =	vst v1  }
0x382: {  	[tilespmem:s30+$0x14390] =	vst v2  }
0x383: {  	[tilespmem:s30+$0x143A0] =	vst v3  }
0x384: {  	p0 =	por $0x0, $0x0;
	[tilespmem:s30+$0x143B0] =	vst v4;
	s30 =	simm.s32 $0x40  }
0x385: {  	s8 =	sadd.s32 $0x1, s8  }
0x386: {  	p0 =	sne.s32 s8, $0x1A  }
.Ltmp5:
0x387: {  	_ = 	snop;
	(pc) =	sbr.rel @p0 .LBB2_2-.Ltmp5, $3  }
0x388: {  	_ =	sdelay $0x1  }
0x389: {  	s0 =	sadd.s32 $0x180, s29  }
0x38a: {  	[hbm4b:s0+s10] =	stream.strided.scatter [tilespmem:s28], [sflag:$0x8], $0x1000, s20, s10, $0x38;
	[tilespmem:$0x14400] =	vst v63  }
0x38b: {  	s0 =	simm.s32 $0x5  }
0x38c: {  	_ =	swait.ge [sflag:s0], $0x1000  }
0x38d: {  	[sflag:s0] =	ssyncset.done $0x0  }
0x38e: {  	s29 =	simm.s32 $0x6;
	[sflag:s0] =	ssyncadd.s32 $0xFFFFF000  }
0x38f: {  	_ =	swait.ge [sflag:s29], $0x1000  }
0x390: {  	[sflag:s29] =	ssyncset.done $0x0  }
0x391: {  	s30 =	simm.s32 $0x7;
	[sflag:s29] =	ssyncadd.s32 $0xFFFFF000  }
0x392: {  	_ =	swait.ge [sflag:s30], $0x1000  }
0x393: {  	[sflag:s30] =	ssyncset.done $0x0  }
0x394: {  	s8 =	simm.s32 $0x8;
	[sflag:s30] =	ssyncadd.s32 $0xFFFFF000  }
0x395: {  	_ =	swait.ge [sflag:s8], $0x1000  }
0x396: {  	s3 =	sadd.s32 $0x1, s3;
	s31 =	rddreg [dreg:$0x4]  }
0x397: {  	p0 =	sne.s32 s3, s31  }
.Ltmp6:
0x398: {  	_ = 	snop;
	(pc) =	sbr.rel @p0 .LBB2_1-.Ltmp6, $3  }
0x399: {  	_ =	sdelay $0x1  }
0x39a: {  	[sflag:s8] =	ssyncset.done $0x0  }
0x39b: {  	[sflag:s8] =	ssyncadd.s32 $0xFFFFF000  }
0x39c: {  	_ =	sfence.sel $0x180000  }
0x39d: {  	[bflag:$0x0] =	sbarrier.arrive $0xFFFF  }
0x39e: {  	_ =	strace $0x9000004A  }
0x39f: {  	s0 =	stileid.u32;
	[bflag:$0x2] =	sbarrier.arrive $0xFFFF  }
0x3a0: {  	p0 =	sne.s32 s0, $0x0;
	s0 =	rddreg [dreg:$0x3]  }
0x3a1: {  	s0 =	sadd.s32 @!p0 $0x100000, s0  }
0x3a2: {  	[sflag:s0] =	ssyncadd.tile.s32 @!p0 $0x1;
	_ =	shalt  }
.Lfunc_end2:
_tile_overlayer_lowered:
.L_overlay_start_2:
0x3a3: {  	(tag) =	ssettag $0x2  }
0x3a4: {  	s0 =	rddreg [dreg:$0x0];
	s2 =	stileid.u32  }
0x3a5: {  	s1 =	rddreg [dreg:$0x1];
	p0 =	sne.s32 s2, $0x0  }
0x3a6: {  	s3 =	rddreg [dreg:$0x2];
	[bflag:$0x3] =	sbarrier.arrive $0xFFFF;
	s2 =	simm.s32 @!p0 $0x1C09  }
0x3a7: {  	[timem:s3], [sflag:s2] =	dma.local @!p0 [hbm:s0], s1  }
0x3a8: {  	s0 =	simm.s32 @!p0 $0x9  }
0x3a9: {  	_ =	swait.ge @!p0 [sflag:s0], s1  }
0x3aa: {  	s1 =	ssub.s32 @!p0 $0x0, s1;
	[sflag:s0] =	ssyncset.done @!p0 $0x0  }
0x3ab: {  	[sflag:s0] =	ssyncadd.s32 @!p0 s1  }
0x3ac: {  	[bflag:$0x3] =	sbarrier.arrive $0xFFFF  }
0x3ad: {  	_ =	shalt  }

</sc_bundles>
